<compile_context>
chip_gen: v7x
topology: tpu7x:2x2x1
jax: 0.10.2.dev20260603
libtpu: 0.0.44.dev20260713+nightly
codegen_flags: <defaults>
</compile_context>

<pallas_src>
import functools

import numpy as np
import jax
import jax.numpy as jnp
from jax import lax
from jax.experimental import pallas as pl
from jax.experimental.pallas import tpu as pltpu
from jax.experimental.pallas import tpu_sc as plsc

_N = 8388608
_NBINS = 15
_WORKERS = 32
_PER_W = _N // _WORKERS
_CH = 16384
_NCH = _PER_W // _CH
_NBUF = 2
_UNROLL = 4
_STEPS = _CH // (16 * _UNROLL)
_HSTRIDE = 512
_HWORDS = 16 * _HSTRIDE

_BOUNDS = np.linspace(0.0, 1.0, _NBINS + 1).astype(np.float32)
_UPPER = np.concatenate([_BOUNDS[1:], [np.float32(2.0)]]).astype(np.float32)
_SCALE = np.float32(15.0) * (np.float32(1.0) - np.float32(2.0**-20))
_PACK = np.float32(2.0**20)


def _sc_body(y_hbm, t_hbm, b_hbm, out_hbm, ybufs, tbufs, bvm, hist, hsmall, sems):
    c = lax.axis_index("c")
    s = lax.axis_index("s")
    wid = s * 2 + c
    base = wid * _PER_W

    pltpu.sync_copy(b_hbm, bvm)

    zero = jnp.zeros((16,), jnp.float32)
    for blk in range(_HWORDS // 16):
        hist[pl.ds(blk * 16, 16)] = zero

    lanes = lax.iota(jnp.int32, 16)
    ones = jnp.ones((16,), jnp.float32)
    bv = bvm[...]

    def start(ci, b):
        off = base + ci * _CH
        pltpu.async_copy(y_hbm.at[pl.ds(off, _CH)], ybufs[b], sems[2 * b])
        pltpu.async_copy(t_hbm.at[pl.ds(off, _CH)], tbufs[b], sems[2 * b + 1])

    def wait(b):
        pltpu.make_async_copy(y_hbm.at[pl.ds(0, _CH)], ybufs[b], sems[2 * b]).wait()
        pltpu.make_async_copy(t_hbm.at[pl.ds(0, _CH)], tbufs[b], sems[2 * b + 1]).wait()

    def compute(ybuf, tbuf):
        @plsc.parallel_loop(0, _STEPS, 1, unroll=2)
        def body(i):
            for u in range(_UNROLL):
                off = i * (16 * _UNROLL) + u * 16
                y = ybuf[pl.ds(off, 16)]
                t = tbuf[pl.ds(off, 16)]
                h = (y * _SCALE).astype(jnp.int32)
                bh = jnp.take_along_axis(bv, h, axis=0, mode="promise_in_bounds")
                eq = y == bh
                cb = u * 64
                rh = (h << 9) | lanes
                ridx = rh + jnp.where(y >= bh, 512, 0)
                plsc.addupdate_scatter(hist, [ridx + cb], ones)
                plsc.addupdate_scatter(hist, [ridx + (cb + 16)], y)
                plsc.addupdate_scatter(hist, [ridx + (cb + 32)], t)
                plsc.addupdate_scatter(hist, [rh + (cb + 48)], t + _PACK, mask=eq)

    for b in range(_NBUF):
        start(b, b)

    def outer(jj, carry):
        ci = jj * _NBUF
        for b in range(_NBUF):
            wait(b)
            compute(ybufs[b], tbufs[b])

            @pl.when(ci + b + _NBUF < _NCH)
            def _(b=b, ci=ci):
                start(ci + b + _NBUF, b)

        return carry

    lax.fori_loop(0, _NCH // _NBUF, outer, jnp.int32(0))

    for r in range(16):
        base = r * _HSTRIDE
        for f in range(4):
            v = hist[pl.ds(base + f * 16, 16)]
            for u in range(1, _UNROLL):
                v = v + hist[pl.ds(base + u * 64 + f * 16, 16)]
            hsmall[r, pl.ds(f * 16, 16)] = v

    pltpu.sync_copy(hsmall, out_hbm.at[wid])


def _epi_body(p_ref, u_ref, o_ref):
    sums = jnp.sum(p_ref[...], axis=0)
    cnt = jnp.sum(sums[:, 0:16], axis=1, keepdims=True)
    conf = jnp.sum(sums[:, 16:32], axis=1, keepdims=True)
    acc = jnp.sum(sums[:, 32:48], axis=1, keepdims=True)
    epack = jnp.sum(sums[:, 48:64], axis=1, keepdims=True)
    upper = u_ref[...]
    ecnt = jnp.trunc(epack * (1.0 / _PACK))
    eacc = epack - ecnt * _PACK
    cnt = cnt + ecnt
    conf = conf + ecnt * upper
    acc = acc + eacc
    n = jnp.float32(_N)
    safe = jnp.where(cnt > 0.0, cnt, 1.0)
    contrib = jnp.abs(conf / safe - acc / safe) * (cnt / n)
    binid = lax.broadcasted_iota(jnp.int32, (16, 1), 0)
    valid = (cnt > 40.0) & (binid < _NBINS)
    r = jnp.sum(jnp.where(valid, contrib, 0.0))
    o_ref[...] = jnp.reshape(r, (1, 1))


@jax.jit
def _rbece(y_pred, y_true):
    upper = jnp.asarray(_UPPER)
    mesh = plsc.VectorSubcoreMesh(core_axis_name="c", subcore_axis_name="s")
    partials = pl.kernel(
        _sc_body,
        mesh=mesh,
        out_type=jax.ShapeDtypeStruct((_WORKERS, 16, 64), jnp.float32),
        scratch_types=[
            [pltpu.VMEM((_CH,), jnp.float32) for _ in range(_NBUF)],
            [pltpu.VMEM((_CH,), jnp.float32) for _ in range(_NBUF)],
            pltpu.VMEM((16,), jnp.float32),
            pltpu.VMEM((_HWORDS,), jnp.float32),
            pltpu.VMEM((16, 64), jnp.float32),
            [pltpu.SemaphoreType.DMA] * (2 * _NBUF),
        ],
        compiler_params=pltpu.CompilerParams(needs_layout_passes=False),
    )(y_pred, y_true, upper)
    out = pl.pallas_call(
        _epi_body,
        out_shape=jax.ShapeDtypeStruct((1, 1), jnp.float32),
    )(partials, upper.reshape(16, 1))
    return out[0, 0]


def kernel(y_pred, y_true):
    return _rbece(y_pred, y_true)

# --- scband reference (transcript-rebuilt; emitter-appended) ---
"""Pipeline reference for scband-rbece-62448824484137 (READ-ONLY COPY).

The authoritative reference and input builder live on the scoring server;
editing this copy changes nothing except your own understanding.
"""

import jax, jax.numpy as jnp
import numpy as np

N = 8388608
N_BINS = 15


def setup_inputs(seed: int = 0) -> dict:
    key = jax.random.key(seed)
    k1, k2 = jax.random.split(key)
    y_pred = jax.random.uniform(k1, (N,), dtype=jnp.float32)
    y_true = jax.random.uniform(k2, (N,), dtype=jnp.float32)
    return {"y_pred": y_pred, "y_true": y_true}


def reference(y_pred, y_true):
    bin_boundaries = np.linspace(0, 1, N_BINS + 1)
    bin_lowers = bin_boundaries[:-1]
    bin_uppers = bin_boundaries[1:]
    n = jnp.float32(y_pred.shape[0])
    rbece = jnp.float32(0.0)
    for bin_lower, bin_upper in zip(bin_lowers, bin_uppers):
        in_bin = ((y_pred >= bin_lower) & (y_pred <= bin_upper)).astype(jnp.float32)
        count = in_bin.sum()
        prop_in_bin = count / n
        safe_count = jnp.where(count > 0, count, jnp.float32(1.0))
        accuracy_in_bin = (in_bin * y_true).sum() / safe_count
        avg_confidence_in_bin = (in_bin * y_pred).sum() / safe_count
        contrib = jnp.abs(avg_confidence_in_bin - accuracy_in_bin) * prop_in_bin
        rbece = rbece + jnp.where(count > 40, contrib, jnp.float32(0.0))
    return rbece

if __name__ == "__main__":
    import jax
    _d = setup_inputs()
    print(jax.jit(kernel)(*tuple(_d.values())))

</pallas_src>

<mosaic_0001>
#map = affine_map<(d0, d1) -> (0)>
#map1 = affine_map<(d0, d1) -> (0, 0, 0)>
module attributes {stable_mosaic.version = 14 : i64} {
  func.func @_sc_body(%arg0: i32, %arg1: i32, %arg2: memref<8388608xf32, #tpu.memory_space<hbm>>, %arg3: memref<8388608xf32, #tpu.memory_space<hbm>>, %arg4: memref<16xf32, #tpu.memory_space<hbm>>, %arg5: memref<32x16x64xf32, #tpu.memory_space<hbm>>, %arg6: memref<16384xf32, #tpu.memory_space<vmem>>, %arg7: memref<16384xf32, #tpu.memory_space<vmem>>, %arg8: memref<16384xf32, #tpu.memory_space<vmem>>, %arg9: memref<16384xf32, #tpu.memory_space<vmem>>, %arg10: memref<16xf32, #tpu.memory_space<vmem>>, %arg11: memref<8192xf32, #tpu.memory_space<vmem>>, %arg12: memref<16x64xf32, #tpu.memory_space<vmem>>, %arg13: memref<!tpu.dma_semaphore, #tpu.memory_space<semaphore_mem>>, %arg14: memref<!tpu.dma_semaphore, #tpu.memory_space<semaphore_mem>>, %arg15: memref<!tpu.dma_semaphore, #tpu.memory_space<semaphore_mem>>, %arg16: memref<!tpu.dma_semaphore, #tpu.memory_space<semaphore_mem>>) attributes {dimension_semantics = [#tpu.dimension_semantics<core_parallel>, #tpu.dimension_semantics<subcore_parallel>], iteration_bounds = array<i64: 2, 16>, scalar_prefetch = 0 : i64, scratch_operands = 11 : i64, tpu.core_type = #tpu.core_type<sc_vector_subcore>, window_params = [{transform_indices = #map}, {transform_indices = #map}, {transform_indices = #map}, {transform_indices = #map1}]} {
    %mul3A = arith.constant 2 : i32
    %mul3A_0 = arith.muli %arg1, %mul3A : i32
    %add3A = arith.addi %mul3A_0, %arg0 : i32
    %mul3A_1 = arith.constant 262144 : i32
    %mul3A_2 = arith.muli %add3A, %mul3A_1 : i32
    "tpu.region"() ({
      %run_scoped3A = tpu.sem_alloc : memref<!tpu.dma_semaphore, #tpu.memory_space<semaphore_mem>>
      tpu.enqueue_dma source(%arg4 : memref<16xf32, #tpu.memory_space<hbm>>) target(%arg10 : memref<16xf32, #tpu.memory_space<vmem>>) target_semaphore(%run_scoped3A : memref<!tpu.dma_semaphore, #tpu.memory_space<semaphore_mem>>)
      tpu.wait_dma2 semaphore(%run_scoped3A : memref<!tpu.dma_semaphore, #tpu.memory_space<semaphore_mem>>) src(%arg4 : memref<16xf32, #tpu.memory_space<hbm>>) dst(%arg10 : memref<16xf32, #tpu.memory_space<vmem>>)
      tpu.yield
    }) : () -> ()
    %broadcast_in_dim3A = arith.constant 0.000000e+00 : f32
    %broadcast_in_dim3A_3 = vector.broadcast %broadcast_in_dim3A : f32 to vector<16xf32>
    %swap3A = arith.constant 0 : index
    %swap3A_4 = tpu.vector_load %arg11[%swap3A] {strides = array<i32>} : memref<8192xf32, #tpu.memory_space<vmem>>, vector<16xf32>,
    tpu.vector_store %arg11[%swap3A], %broadcast_in_dim3A_3 {strides = array<i32>} : memref<8192xf32, #tpu.memory_space<vmem>>, vector<16xf32>,
    %swap3A_5 = arith.constant 16 : index
    %swap3A_6 = tpu.vector_load %arg11[%swap3A_5] {strides = array<i32>} : memref<8192xf32, #tpu.memory_space<vmem>>, vector<16xf32>,
    tpu.vector_store %arg11[%swap3A_5], %broadcast_in_dim3A_3 {strides = array<i32>} : memref<8192xf32, #tpu.memory_space<vmem>>, vector<16xf32>,
    %swap3A_7 = arith.constant 32 : index
    %swap3A_8 = tpu.vector_load %arg11[%swap3A_7] {strides = array<i32>} : memref<8192xf32, #tpu.memory_space<vmem>>, vector<16xf32>,
    tpu.vector_store %arg11[%swap3A_7], %broadcast_in_dim3A_3 {strides = array<i32>} : memref<8192xf32, #tpu.memory_space<vmem>>, vector<16xf32>,
    %swap3A_9 = arith.constant 48 : index
    %swap3A_10 = tpu.vector_load %arg11[%swap3A_9] {strides = array<i32>} : memref<8192xf32, #tpu.memory_space<vmem>>, vector<16xf32>,
    tpu.vector_store %arg11[%swap3A_9], %broadcast_in_dim3A_3 {strides = array<i32>} : memref<8192xf32, #tpu.memory_space<vmem>>, vector<16xf32>,
    %swap3A_11 = arith.constant 64 : index
    %swap3A_12 = tpu.vector_load %arg11[%swap3A_11] {strides = array<i32>} : memref<8192xf32, #tpu.memory_space<vmem>>, vector<16xf32>,
    tpu.vector_store %arg11[%swap3A_11], %broadcast_in_dim3A_3 {strides = array<i32>} : memref<8192xf32, #tpu.memory_space<vmem>>, vector<16xf32>,
    %swap3A_13 = arith.constant 80 : index
    %swap3A_14 = tpu.vector_load %arg11[%swap3A_13] {strides = array<i32>} : memref<8192xf32, #tpu.memory_space<vmem>>, vector<16xf32>,
    tpu.vector_store %arg11[%swap3A_13], %broadcast_in_dim3A_3 {strides = array<i32>} : memref<8192xf32, #tpu.memory_space<vmem>>, vector<16xf32>,
    %swap3A_15 = arith.constant 96 : index
    %swap3A_16 = tpu.vector_load %arg11[%swap3A_15] {strides = array<i32>} : memref<8192xf32, #tpu.memory_space<vmem>>, vector<16xf32>,
    tpu.vector_store %arg11[%swap3A_15], %broadcast_in_dim3A_3 {strides = array<i32>} : memref<8192xf32, #tpu.memory_space<vmem>>, vector<16xf32>,
    %swap3A_17 = arith.constant 112 : index
    %swap3A_18 = tpu.vector_load %arg11[%swap3A_17] {strides = array<i32>} : memref<8192xf32, #tpu.memory_space<vmem>>, vector<16xf32>,
    tpu.vector_store %arg11[%swap3A_17], %broadcast_in_dim3A_3 {strides = array<i32>} : memref<8192xf32, #tpu.memory_space<vmem>>, vector<16xf32>,
    %swap3A_19 = arith.constant 128 : index
    %swap3A_20 = tpu.vector_load %arg11[%swap3A_19] {strides = array<i32>} : memref<8192xf32, #tpu.memory_space<vmem>>, vector<16xf32>,
    tpu.vector_store %arg11[%swap3A_19], %broadcast_in_dim3A_3 {strides = array<i32>} : memref<8192xf32, #tpu.memory_space<vmem>>, vector<16xf32>,
    %swap3A_21 = arith.constant 144 : index
    %swap3A_22 = tpu.vector_load %arg11[%swap3A_21] {strides = array<i32>} : memref<8192xf32, #tpu.memory_space<vmem>>, vector<16xf32>,
    tpu.vector_store %arg11[%swap3A_21], %broadcast_in_dim3A_3 {strides = array<i32>} : memref<8192xf32, #tpu.memory_space<vmem>>, vector<16xf32>,
    %swap3A_23 = arith.constant 160 : index
    %swap3A_24 = tpu.vector_load %arg11[%swap3A_23] {strides = array<i32>} : memref<8192xf32, #tpu.memory_space<vmem>>, vector<16xf32>,
    tpu.vector_store %arg11[%swap3A_23], %broadcast_in_dim3A_3 {strides = array<i32>} : memref<8192xf32, #tpu.memory_space<vmem>>, vector<16xf32>,
    %swap3A_25 = arith.constant 176 : index
    %swap3A_26 = tpu.vector_load %arg11[%swap3A_25] {strides = array<i32>} : memref<8192xf32, #tpu.memory_space<vmem>>, vector<16xf32>,
    tpu.vector_store %arg11[%swap3A_25], %broadcast_in_dim3A_3 {strides = array<i32>} : memref<8192xf32, #tpu.memory_space<vmem>>, vector<16xf32>,
    %swap3A_27 = arith.constant 192 : index
    %swap3A_28 = tpu.vector_load %arg11[%swap3A_27] {strides = array<i32>} : memref<8192xf32, #tpu.memory_space<vmem>>, vector<16xf32>,
    tpu.vector_store %arg11[%swap3A_27], %broadcast_in_dim3A_3 {strides = array<i32>} : memref<8192xf32, #tpu.memory_space<vmem>>, vector<16xf32>,
    %swap3A_29 = arith.constant 208 : index
    %swap3A_30 = tpu.vector_load %arg11[%swap3A_29] {strides = array<i32>} : memref<8192xf32, #tpu.memory_space<vmem>>, vector<16xf32>,
    tpu.vector_store %arg11[%swap3A_29], %broadcast_in_dim3A_3 {strides = array<i32>} : memref<8192xf32, #tpu.memory_space<vmem>>, vector<16xf32>,
    %swap3A_31 = arith.constant 224 : index
    %swap3A_32 = tpu.vector_load %arg11[%swap3A_31] {strides = array<i32>} : memref<8192xf32, #tpu.memory_space<vmem>>, vector<16xf32>,
    tpu.vector_store %arg11[%swap3A_31], %broadcast_in_dim3A_3 {strides = array<i32>} : memref<8192xf32, #tpu.memory_space<vmem>>, vector<16xf32>,
    %swap3A_33 = arith.constant 240 : index
    %swap3A_34 = tpu.vector_load %arg11[%swap3A_33] {strides = array<i32>} : memref<8192xf32, #tpu.memory_space<vmem>>, vector<16xf32>,
    tpu.vector_store %arg11[%swap3A_33], %broadcast_in_dim3A_3 {strides = array<i32>} : memref<8192xf32, #tpu.memory_space<vmem>>, vector<16xf32>,
    %swap3A_35 = arith.constant 256 : index
    %swap3A_36 = tpu.vector_load %arg11[%swap3A_35] {strides = array<i32>} : memref<8192xf32, #tpu.memory_space<vmem>>, vector<16xf32>,
    tpu.vector_store %arg11[%swap3A_35], %broadcast_in_dim3A_3 {strides = array<i32>} : memref<8192xf32, #tpu.memory_space<vmem>>, vector<16xf32>,
    %swap3A_37 = arith.constant 272 : index
    %swap3A_38 = tpu.vector_load %arg11[%swap3A_37] {strides = array<i32>} : memref<8192xf32, #tpu.memory_space<vmem>>, vector<16xf32>,
    tpu.vector_store %arg11[%swap3A_37], %broadcast_in_dim3A_3 {strides = array<i32>} : memref<8192xf32, #tpu.memory_space<vmem>>, vector<16xf32>,
    %swap3A_39 = arith.constant 288 : index
    %swap3A_40 = tpu.vector_load %arg11[%swap3A_39] {strides = array<i32>} : memref<8192xf32, #tpu.memory_space<vmem>>, vector<16xf32>,
    tpu.vector_store %arg11[%swap3A_39], %broadcast_in_dim3A_3 {strides = array<i32>} : memref<8192xf32, #tpu.memory_space<vmem>>, vector<16xf32>,
    %swap3A_41 = arith.constant 304 : index
    %swap3A_42 = tpu.vector_load %arg11[%swap3A_41] {strides = array<i32>} : memref<8192xf32, #tpu.memory_space<vmem>>, vector<16xf32>,
    tpu.vector_store %arg11[%swap3A_41], %broadcast_in_dim3A_3 {strides = array<i32>} : memref<8192xf32, #tpu.memory_space<vmem>>, vector<16xf32>,
    %swap3A_43 = arith.constant 320 : index
    %swap3A_44 = tpu.vector_load %arg11[%swap3A_43] {strides = array<i32>} : memref<8192xf32, #tpu.memory_space<vmem>>, vector<16xf32>,
    tpu.vector_store %arg11[%swap3A_43], %broadcast_in_dim3A_3 {strides = array<i32>} : memref<8192xf32, #tpu.memory_space<vmem>>, vector<16xf32>,
    %swap3A_45 = arith.constant 336 : index
    %swap3A_46 = tpu.vector_load %arg11[%swap3A_45] {strides = array<i32>} : memref<8192xf32, #tpu.memory_space<vmem>>, vector<16xf32>,
    tpu.vector_store %arg11[%swap3A_45], %broadcast_in_dim3A_3 {strides = array<i32>} : memref<8192xf32, #tpu.memory_space<vmem>>, vector<16xf32>,
    %swap3A_47 = arith.constant 352 : index
    %swap3A_48 = tpu.vector_load %arg11[%swap3A_47] {strides = array<i32>} : memref<8192xf32, #tpu.memory_space<vmem>>, vector<16xf32>,
    tpu.vector_store %arg11[%swap3A_47], %broadcast_in_dim3A_3 {strides = array<i32>} : memref<8192xf32, #tpu.memory_space<vmem>>, vector<16xf32>,
    %swap3A_49 = arith.constant 368 : index
    %swap3A_50 = tpu.vector_load %arg11[%swap3A_49] {strides = array<i32>} : memref<8192xf32, #tpu.memory_space<vmem>>, vector<16xf32>,
    tpu.vector_store %arg11[%swap3A_49], %broadcast_in_dim3A_3 {strides = array<i32>} : memref<8192xf32, #tpu.memory_space<vmem>>, vector<16xf32>,
    %swap3A_51 = arith.constant 384 : index
    %swap3A_52 = tpu.vector_load %arg11[%swap3A_51] {strides = array<i32>} : memref<8192xf32, #tpu.memory_space<vmem>>, vector<16xf32>,
    tpu.vector_store %arg11[%swap3A_51], %broadcast_in_dim3A_3 {strides = array<i32>} : memref<8192xf32, #tpu.memory_space<vmem>>, vector<16xf32>,
    %swap3A_53 = arith.constant 400 : index
    %swap3A_54 = tpu.vector_load %arg11[%swap3A_53] {strides = array<i32>} : memref<8192xf32, #tpu.memory_space<vmem>>, vector<16xf32>,
    tpu.vector_store %arg11[%swap3A_53], %broadcast_in_dim3A_3 {strides = array<i32>} : memref<8192xf32, #tpu.memory_space<vmem>>, vector<16xf32>,
    %swap3A_55 = arith.constant 416 : index
    %swap3A_56 = tpu.vector_load %arg11[%swap3A_55] {strides = array<i32>} : memref<8192xf32, #tpu.memory_space<vmem>>, vector<16xf32>,
    tpu.vector_store %arg11[%swap3A_55], %broadcast_in_dim3A_3 {strides = array<i32>} : memref<8192xf32, #tpu.memory_space<vmem>>, vector<16xf32>,
    %swap3A_57 = arith.constant 432 : index
    %swap3A_58 = tpu.vector_load %arg11[%swap3A_57] {strides = array<i32>} : memref<8192xf32, #tpu.memory_space<vmem>>, vector<16xf32>,
    tpu.vector_store %arg11[%swap3A_57], %broadcast_in_dim3A_3 {strides = array<i32>} : memref<8192xf32, #tpu.memory_space<vmem>>, vector<16xf32>,
    %swap3A_59 = arith.constant 448 : index
    %swap3A_60 = tpu.vector_load %arg11[%swap3A_59] {strides = array<i32>} : memref<8192xf32, #tpu.memory_space<vmem>>, vector<16xf32>,
    tpu.vector_store %arg11[%swap3A_59], %broadcast_in_dim3A_3 {strides = array<i32>} : memref<8192xf32, #tpu.memory_space<vmem>>, vector<16xf32>,
    %swap3A_61 = arith.constant 464 : index
    %swap3A_62 = tpu.vector_load %arg11[%swap3A_61] {strides = array<i32>} : memref<8192xf32, #tpu.memory_space<vmem>>, vector<16xf32>,
    tpu.vector_store %arg11[%swap3A_61], %broadcast_in_dim3A_3 {strides = array<i32>} : memref<8192xf32, #tpu.memory_space<vmem>>, vector<16xf32>,
    %swap3A_63 = arith.constant 480 : index
    %swap3A_64 = tpu.vector_load %arg11[%swap3A_63] {strides = array<i32>} : memref<8192xf32, #tpu.memory_space<vmem>>, vector<16xf32>,
    tpu.vector_store %arg11[%swap3A_63], %broadcast_in_dim3A_3 {strides = array<i32>} : memref<8192xf32, #tpu.memory_space<vmem>>, vector<16xf32>,
    %swap3A_65 = arith.constant 496 : index
    %swap3A_66 = tpu.vector_load %arg11[%swap3A_65] {strides = array<i32>} : memref<8192xf32, #tpu.memory_space<vmem>>, vector<16xf32>,
    tpu.vector_store %arg11[%swap3A_65], %broadcast_in_dim3A_3 {strides = array<i32>} : memref<8192xf32, #tpu.memory_space<vmem>>, vector<16xf32>,
    %swap3A_67 = arith.constant 512 : index
    %swap3A_68 = tpu.vector_load %arg11[%swap3A_67] {strides = array<i32>} : memref<8192xf32, #tpu.memory_space<vmem>>, vector<16xf32>,
    tpu.vector_store %arg11[%swap3A_67], %broadcast_in_dim3A_3 {strides = array<i32>} : memref<8192xf32, #tpu.memory_space<vmem>>, vector<16xf32>,
    %swap3A_69 = arith.constant 528 : index
    %swap3A_70 = tpu.vector_load %arg11[%swap3A_69] {strides = array<i32>} : memref<8192xf32, #tpu.memory_space<vmem>>, vector<16xf32>,
    tpu.vector_store %arg11[%swap3A_69], %broadcast_in_dim3A_3 {strides = array<i32>} : memref<8192xf32, #tpu.memory_space<vmem>>, vector<16xf32>,
    %swap3A_71 = arith.constant 544 : index
    %swap3A_72 = tpu.vector_load %arg11[%swap3A_71] {strides = array<i32>} : memref<8192xf32, #tpu.memory_space<vmem>>, vector<16xf32>,
    tpu.vector_store %arg11[%swap3A_71], %broadcast_in_dim3A_3 {strides = array<i32>} : memref<8192xf32, #tpu.memory_space<vmem>>, vector<16xf32>,
    %swap3A_73 = arith.constant 560 : index
    %swap3A_74 = tpu.vector_load %arg11[%swap3A_73] {strides = array<i32>} : memref<8192xf32, #tpu.memory_space<vmem>>, vector<16xf32>,
    tpu.vector_store %arg11[%swap3A_73], %broadcast_in_dim3A_3 {strides = array<i32>} : memref<8192xf32, #tpu.memory_space<vmem>>, vector<16xf32>,
    %swap3A_75 = arith.constant 576 : index
    %swap3A_76 = tpu.vector_load %arg11[%swap3A_75] {strides = array<i32>} : memref<8192xf32, #tpu.memory_space<vmem>>, vector<16xf32>,
    tpu.vector_store %arg11[%swap3A_75], %broadcast_in_dim3A_3 {strides = array<i32>} : memref<8192xf32, #tpu.memory_space<vmem>>, vector<16xf32>,
    %swap3A_77 = arith.constant 592 : index
    %swap3A_78 = tpu.vector_load %arg11[%swap3A_77] {strides = array<i32>} : memref<8192xf32, #tpu.memory_space<vmem>>, vector<16xf32>,
    tpu.vector_store %arg11[%swap3A_77], %broadcast_in_dim3A_3 {strides = array<i32>} : memref<8192xf32, #tpu.memory_space<vmem>>, vector<16xf32>,
    %swap3A_79 = arith.constant 608 : index
    %swap3A_80 = tpu.vector_load %arg11[%swap3A_79] {strides = array<i32>} : memref<8192xf32, #tpu.memory_space<vmem>>, vector<16xf32>,
    tpu.vector_store %arg11[%swap3A_79], %broadcast_in_dim3A_3 {strides = array<i32>} : memref<8192xf32, #tpu.memory_space<vmem>>, vector<16xf32>,
    %swap3A_81 = arith.constant 624 : index
    %swap3A_82 = tpu.vector_load %arg11[%swap3A_81] {strides = array<i32>} : memref<8192xf32, #tpu.memory_space<vmem>>, vector<16xf32>,
    tpu.vector_store %arg11[%swap3A_81], %broadcast_in_dim3A_3 {strides = array<i32>} : memref<8192xf32, #tpu.memory_space<vmem>>, vector<16xf32>,
    %swap3A_83 = arith.constant 640 : index
    %swap3A_84 = tpu.vector_load %arg11[%swap3A_83] {strides = array<i32>} : memref<8192xf32, #tpu.memory_space<vmem>>, vector<16xf32>,
    tpu.vector_store %arg11[%swap3A_83], %broadcast_in_dim3A_3 {strides = array<i32>} : memref<8192xf32, #tpu.memory_space<vmem>>, vector<16xf32>,
    %swap3A_85 = arith.constant 656 : index
    %swap3A_86 = tpu.vector_load %arg11[%swap3A_85] {strides = array<i32>} : memref<8192xf32, #tpu.memory_space<vmem>>, vector<16xf32>,
    tpu.vector_store %arg11[%swap3A_85], %broadcast_in_dim3A_3 {strides = array<i32>} : memref<8192xf32, #tpu.memory_space<vmem>>, vector<16xf32>,
    %swap3A_87 = arith.constant 672 : index
    %swap3A_88 = tpu.vector_load %arg11[%swap3A_87] {strides = array<i32>} : memref<8192xf32, #tpu.memory_space<vmem>>, vector<16xf32>,
    tpu.vector_store %arg11[%swap3A_87], %broadcast_in_dim3A_3 {strides = array<i32>} : memref<8192xf32, #tpu.memory_space<vmem>>, vector<16xf32>,
    %swap3A_89 = arith.constant 688 : index
    %swap3A_90 = tpu.vector_load %arg11[%swap3A_89] {strides = array<i32>} : memref<8192xf32, #tpu.memory_space<vmem>>, vector<16xf32>,
    tpu.vector_store %arg11[%swap3A_89], %broadcast_in_dim3A_3 {strides = array<i32>} : memref<8192xf32, #tpu.memory_space<vmem>>, vector<16xf32>,
    %swap3A_91 = arith.constant 704 : index
    %swap3A_92 = tpu.vector_load %arg11[%swap3A_91] {strides = array<i32>} : memref<8192xf32, #tpu.memory_space<vmem>>, vector<16xf32>,
    tpu.vector_store %arg11[%swap3A_91], %broadcast_in_dim3A_3 {strides = array<i32>} : memref<8192xf32, #tpu.memory_space<vmem>>, vector<16xf32>,
    %swap3A_93 = arith.constant 720 : index
    %swap3A_94 = tpu.vector_load %arg11[%swap3A_93] {strides = array<i32>} : memref<8192xf32, #tpu.memory_space<vmem>>, vector<16xf32>,
    tpu.vector_store %arg11[%swap3A_93], %broadcast_in_dim3A_3 {strides = array<i32>} : memref<8192xf32, #tpu.memory_space<vmem>>, vector<16xf32>,
    %swap3A_95 = arith.constant 736 : index
    %swap3A_96 = tpu.vector_load %arg11[%swap3A_95] {strides = array<i32>} : memref<8192xf32, #tpu.memory_space<vmem>>, vector<16xf32>,
    tpu.vector_store %arg11[%swap3A_95], %broadcast_in_dim3A_3 {strides = array<i32>} : memref<8192xf32, #tpu.memory_space<vmem>>, vector<16xf32>,
    %swap3A_97 = arith.constant 752 : index
    %swap3A_98 = tpu.vector_load %arg11[%swap3A_97] {strides = array<i32>} : memref<8192xf32, #tpu.memory_space<vmem>>, vector<16xf32>,
    tpu.vector_store %arg11[%swap3A_97], %broadcast_in_dim3A_3 {strides = array<i32>} : memref<8192xf32, #tpu.memory_space<vmem>>, vector<16xf32>,
    %swap3A_99 = arith.constant 768 : index
    %swap3A_100 = tpu.vector_load %arg11[%swap3A_99] {strides = array<i32>} : memref<8192xf32, #tpu.memory_space<vmem>>, vector<16xf32>,
    tpu.vector_store %arg11[%swap3A_99], %broadcast_in_dim3A_3 {strides = array<i32>} : memref<8192xf32, #tpu.memory_space<vmem>>, vector<16xf32>,
    %swap3A_101 = arith.constant 784 : index
    %swap3A_102 = tpu.vector_load %arg11[%swap3A_101] {strides = array<i32>} : memref<8192xf32, #tpu.memory_space<vmem>>, vector<16xf32>,
    tpu.vector_store %arg11[%swap3A_101], %broadcast_in_dim3A_3 {strides = array<i32>} : memref<8192xf32, #tpu.memory_space<vmem>>, vector<16xf32>,
    %swap3A_103 = arith.constant 800 : index
    %swap3A_104 = tpu.vector_load %arg11[%swap3A_103] {strides = array<i32>} : memref<8192xf32, #tpu.memory_space<vmem>>, vector<16xf32>,
    tpu.vector_store %arg11[%swap3A_103], %broadcast_in_dim3A_3 {strides = array<i32>} : memref<8192xf32, #tpu.memory_space<vmem>>, vector<16xf32>,
    %swap3A_105 = arith.constant 816 : index
    %swap3A_106 = tpu.vector_load %arg11[%swap3A_105] {strides = array<i32>} : memref<8192xf32, #tpu.memory_space<vmem>>, vector<16xf32>,
    tpu.vector_store %arg11[%swap3A_105], %broadcast_in_dim3A_3 {strides = array<i32>} : memref<8192xf32, #tpu.memory_space<vmem>>, vector<16xf32>,
    %swap3A_107 = arith.constant 832 : index
    %swap3A_108 = tpu.vector_load %arg11[%swap3A_107] {strides = array<i32>} : memref<8192xf32, #tpu.memory_space<vmem>>, vector<16xf32>,
    tpu.vector_store %arg11[%swap3A_107], %broadcast_in_dim3A_3 {strides = array<i32>} : memref<8192xf32, #tpu.memory_space<vmem>>, vector<16xf32>,
    %swap3A_109 = arith.constant 848 : index
    %swap3A_110 = tpu.vector_load %arg11[%swap3A_109] {strides = array<i32>} : memref<8192xf32, #tpu.memory_space<vmem>>, vector<16xf32>,
    tpu.vector_store %arg11[%swap3A_109], %broadcast_in_dim3A_3 {strides = array<i32>} : memref<8192xf32, #tpu.memory_space<vmem>>, vector<16xf32>,
    %swap3A_111 = arith.constant 864 : index
    %swap3A_112 = tpu.vector_load %arg11[%swap3A_111] {strides = array<i32>} : memref<8192xf32, #tpu.memory_space<vmem>>, vector<16xf32>,
    tpu.vector_store %arg11[%swap3A_111], %broadcast_in_dim3A_3 {strides = array<i32>} : memref<8192xf32, #tpu.memory_space<vmem>>, vector<16xf32>,
    %swap3A_113 = arith.constant 880 : index
    %swap3A_114 = tpu.vector_load %arg11[%swap3A_113] {strides = array<i32>} : memref<8192xf32, #tpu.memory_space<vmem>>, vector<16xf32>,
    tpu.vector_store %arg11[%swap3A_113], %broadcast_in_dim3A_3 {strides = array<i32>} : memref<8192xf32, #tpu.memory_space<vmem>>, vector<16xf32>,
    %swap3A_115 = arith.constant 896 : index
    %swap3A_116 = tpu.vector_load %arg11[%swap3A_115] {strides = array<i32>} : memref<8192xf32, #tpu.memory_space<vmem>>, vector<16xf32>,
    tpu.vector_store %arg11[%swap3A_115], %broadcast_in_dim3A_3 {strides = array<i32>} : memref<8192xf32, #tpu.memory_space<vmem>>, vector<16xf32>,
    %swap3A_117 = arith.constant 912 : index
    %swap3A_118 = tpu.vector_load %arg11[%swap3A_117] {strides = array<i32>} : memref<8192xf32, #tpu.memory_space<vmem>>, vector<16xf32>,
    tpu.vector_store %arg11[%swap3A_117], %broadcast_in_dim3A_3 {strides = array<i32>} : memref<8192xf32, #tpu.memory_space<vmem>>, vector<16xf32>,
    %swap3A_119 = arith.constant 928 : index
    %swap3A_120 = tpu.vector_load %arg11[%swap3A_119] {strides = array<i32>} : memref<8192xf32, #tpu.memory_space<vmem>>, vector<16xf32>,
    tpu.vector_store %arg11[%swap3A_119], %broadcast_in_dim3A_3 {strides = array<i32>} : memref<8192xf32, #tpu.memory_space<vmem>>, vector<16xf32>,
    %swap3A_121 = arith.constant 944 : index
    %swap3A_122 = tpu.vector_load %arg11[%swap3A_121] {strides = array<i32>} : memref<8192xf32, #tpu.memory_space<vmem>>, vector<16xf32>,
    tpu.vector_store %arg11[%swap3A_121], %broadcast_in_dim3A_3 {strides = array<i32>} : memref<8192xf32, #tpu.memory_space<vmem>>, vector<16xf32>,
    %swap3A_123 = arith.constant 960 : index
    %swap3A_124 = tpu.vector_load %arg11[%swap3A_123] {strides = array<i32>} : memref<8192xf32, #tpu.memory_space<vmem>>, vector<16xf32>,
    tpu.vector_store %arg11[%swap3A_123], %broadcast_in_dim3A_3 {strides = array<i32>} : memref<8192xf32, #tpu.memory_space<vmem>>, vector<16xf32>,
    %swap3A_125 = arith.constant 976 : index
    %swap3A_126 = tpu.vector_load %arg11[%swap3A_125] {strides = array<i32>} : memref<8192xf32, #tpu.memory_space<vmem>>, vector<16xf32>,
    tpu.vector_store %arg11[%swap3A_125], %broadcast_in_dim3A_3 {strides = array<i32>} : memref<8192xf32, #tpu.memory_space<vmem>>, vector<16xf32>,
    %swap3A_127 = arith.constant 992 : index
    %swap3A_128 = tpu.vector_load %arg11[%swap3A_127] {strides = array<i32>} : memref<8192xf32, #tpu.memory_space<vmem>>, vector<16xf32>,
    tpu.vector_store %arg11[%swap3A_127], %broadcast_in_dim3A_3 {strides = array<i32>} : memref<8192xf32, #tpu.memory_space<vmem>>, vector<16xf32>,
    %swap3A_129 = arith.constant 1008 : index
    %swap3A_130 = tpu.vector_load %arg11[%swap3A_129] {strides = array<i32>} : memref<8192xf32, #tpu.memory_space<vmem>>, vector<16xf32>,
    tpu.vector_store %arg11[%swap3A_129], %broadcast_in_dim3A_3 {strides = array<i32>} : memref<8192xf32, #tpu.memory_space<vmem>>, vector<16xf32>,
    %swap3A_131 = arith.constant 1024 : index
    %swap3A_132 = tpu.vector_load %arg11[%swap3A_131] {strides = array<i32>} : memref<8192xf32, #tpu.memory_space<vmem>>, vector<16xf32>,
    tpu.vector_store %arg11[%swap3A_131], %broadcast_in_dim3A_3 {strides = array<i32>} : memref<8192xf32, #tpu.memory_space<vmem>>, vector<16xf32>,
    %swap3A_133 = arith.constant 1040 : index
    %swap3A_134 = tpu.vector_load %arg11[%swap3A_133] {strides = array<i32>} : memref<8192xf32, #tpu.memory_space<vmem>>, vector<16xf32>,
    tpu.vector_store %arg11[%swap3A_133], %broadcast_in_dim3A_3 {strides = array<i32>} : memref<8192xf32, #tpu.memory_space<vmem>>, vector<16xf32>,
    %swap3A_135 = arith.constant 1056 : index
    %swap3A_136 = tpu.vector_load %arg11[%swap3A_135] {strides = array<i32>} : memref<8192xf32, #tpu.memory_space<vmem>>, vector<16xf32>,
    tpu.vector_store %arg11[%swap3A_135], %broadcast_in_dim3A_3 {strides = array<i32>} : memref<8192xf32, #tpu.memory_space<vmem>>, vector<16xf32>,
    %swap3A_137 = arith.constant 1072 : index
    %swap3A_138 = tpu.vector_load %arg11[%swap3A_137] {strides = array<i32>} : memref<8192xf32, #tpu.memory_space<vmem>>, vector<16xf32>,
    tpu.vector_store %arg11[%swap3A_137], %broadcast_in_dim3A_3 {strides = array<i32>} : memref<8192xf32, #tpu.memory_space<vmem>>, vector<16xf32>,
    %swap3A_139 = arith.constant 1088 : index
    %swap3A_140 = tpu.vector_load %arg11[%swap3A_139] {strides = array<i32>} : memref<8192xf32, #tpu.memory_space<vmem>>, vector<16xf32>,
    tpu.vector_store %arg11[%swap3A_139], %broadcast_in_dim3A_3 {strides = array<i32>} : memref<8192xf32, #tpu.memory_space<vmem>>, vector<16xf32>,
    %swap3A_141 = arith.constant 1104 : index
    %swap3A_142 = tpu.vector_load %arg11[%swap3A_141] {strides = array<i32>} : memref<8192xf32, #tpu.memory_space<vmem>>, vector<16xf32>,
    tpu.vector_store %arg11[%swap3A_141], %broadcast_in_dim3A_3 {strides = array<i32>} : memref<8192xf32, #tpu.memory_space<vmem>>, vector<16xf32>,
    %swap3A_143 = arith.constant 1120 : index
    %swap3A_144 = tpu.vector_load %arg11[%swap3A_143] {strides = array<i32>} : memref<8192xf32, #tpu.memory_space<vmem>>, vector<16xf32>,
    tpu.vector_store %arg11[%swap3A_143], %broadcast_in_dim3A_3 {strides = array<i32>} : memref<8192xf32, #tpu.memory_space<vmem>>, vector<16xf32>,
    %swap3A_145 = arith.constant 1136 : index
    %swap3A_146 = tpu.vector_load %arg11[%swap3A_145] {strides = array<i32>} : memref<8192xf32, #tpu.memory_space<vmem>>, vector<16xf32>,
    tpu.vector_store %arg11[%swap3A_145], %broadcast_in_dim3A_3 {strides = array<i32>} : memref<8192xf32, #tpu.memory_space<vmem>>, vector<16xf32>,
    %swap3A_147 = arith.constant 1152 : index
    %swap3A_148 = tpu.vector_load %arg11[%swap3A_147] {strides = array<i32>} : memref<8192xf32, #tpu.memory_space<vmem>>, vector<16xf32>,
    tpu.vector_store %arg11[%swap3A_147], %broadcast_in_dim3A_3 {strides = array<i32>} : memref<8192xf32, #tpu.memory_space<vmem>>, vector<16xf32>,
    %swap3A_149 = arith.constant 1168 : index
    %swap3A_150 = tpu.vector_load %arg11[%swap3A_149] {strides = array<i32>} : memref<8192xf32, #tpu.memory_space<vmem>>, vector<16xf32>,
    tpu.vector_store %arg11[%swap3A_149], %broadcast_in_dim3A_3 {strides = array<i32>} : memref<8192xf32, #tpu.memory_space<vmem>>, vector<16xf32>,
    %swap3A_151 = arith.constant 1184 : index
    %swap3A_152 = tpu.vector_load %arg11[%swap3A_151] {strides = array<i32>} : memref<8192xf32, #tpu.memory_space<vmem>>, vector<16xf32>,
    tpu.vector_store %arg11[%swap3A_151], %broadcast_in_dim3A_3 {strides = array<i32>} : memref<8192xf32, #tpu.memory_space<vmem>>, vector<16xf32>,
    %swap3A_153 = arith.constant 1200 : index
    %swap3A_154 = tpu.vector_load %arg11[%swap3A_153] {strides = array<i32>} : memref<8192xf32, #tpu.memory_space<vmem>>, vector<16xf32>,
    tpu.vector_store %arg11[%swap3A_153], %broadcast_in_dim3A_3 {strides = array<i32>} : memref<8192xf32, #tpu.memory_space<vmem>>, vector<16xf32>,
    %swap3A_155 = arith.constant 1216 : index
    %swap3A_156 = tpu.vector_load %arg11[%swap3A_155] {strides = array<i32>} : memref<8192xf32, #tpu.memory_space<vmem>>, vector<16xf32>,
    tpu.vector_store %arg11[%swap3A_155], %broadcast_in_dim3A_3 {strides = array<i32>} : memref<8192xf32, #tpu.memory_space<vmem>>, vector<16xf32>,
    %swap3A_157 = arith.constant 1232 : index
    %swap3A_158 = tpu.vector_load %arg11[%swap3A_157] {strides = array<i32>} : memref<8192xf32, #tpu.memory_space<vmem>>, vector<16xf32>,
    tpu.vector_store %arg11[%swap3A_157], %broadcast_in_dim3A_3 {strides = array<i32>} : memref<8192xf32, #tpu.memory_space<vmem>>, vector<16xf32>,
    %swap3A_159 = arith.constant 1248 : index
    %swap3A_160 = tpu.vector_load %arg11[%swap3A_159] {strides = array<i32>} : memref<8192xf32, #tpu.memory_space<vmem>>, vector<16xf32>,
    tpu.vector_store %arg11[%swap3A_159], %broadcast_in_dim3A_3 {strides = array<i32>} : memref<8192xf32, #tpu.memory_space<vmem>>, vector<16xf32>,
    %swap3A_161 = arith.constant 1264 : index
    %swap3A_162 = tpu.vector_load %arg11[%swap3A_161] {strides = array<i32>} : memref<8192xf32, #tpu.memory_space<vmem>>, vector<16xf32>,
    tpu.vector_store %arg11[%swap3A_161], %broadcast_in_dim3A_3 {strides = array<i32>} : memref<8192xf32, #tpu.memory_space<vmem>>, vector<16xf32>,
    %swap3A_163 = arith.constant 1280 : index
    %swap3A_164 = tpu.vector_load %arg11[%swap3A_163] {strides = array<i32>} : memref<8192xf32, #tpu.memory_space<vmem>>, vector<16xf32>,
    tpu.vector_store %arg11[%swap3A_163], %broadcast_in_dim3A_3 {strides = array<i32>} : memref<8192xf32, #tpu.memory_space<vmem>>, vector<16xf32>,
    %swap3A_165 = arith.constant 1296 : index
    %swap3A_166 = tpu.vector_load %arg11[%swap3A_165] {strides = array<i32>} : memref<8192xf32, #tpu.memory_space<vmem>>, vector<16xf32>,
    tpu.vector_store %arg11[%swap3A_165], %broadcast_in_dim3A_3 {strides = array<i32>} : memref<8192xf32, #tpu.memory_space<vmem>>, vector<16xf32>,
    %swap3A_167 = arith.constant 1312 : index
    %swap3A_168 = tpu.vector_load %arg11[%swap3A_167] {strides = array<i32>} : memref<8192xf32, #tpu.memory_space<vmem>>, vector<16xf32>,
    tpu.vector_store %arg11[%swap3A_167], %broadcast_in_dim3A_3 {strides = array<i32>} : memref<8192xf32, #tpu.memory_space<vmem>>, vector<16xf32>,
    %swap3A_169 = arith.constant 1328 : index
    %swap3A_170 = tpu.vector_load %arg11[%swap3A_169] {strides = array<i32>} : memref<8192xf32, #tpu.memory_space<vmem>>, vector<16xf32>,
    tpu.vector_store %arg11[%swap3A_169], %broadcast_in_dim3A_3 {strides = array<i32>} : memref<8192xf32, #tpu.memory_space<vmem>>, vector<16xf32>,
    %swap3A_171 = arith.constant 1344 : index
    %swap3A_172 = tpu.vector_load %arg11[%swap3A_171] {strides = array<i32>} : memref<8192xf32, #tpu.memory_space<vmem>>, vector<16xf32>,
    tpu.vector_store %arg11[%swap3A_171], %broadcast_in_dim3A_3 {strides = array<i32>} : memref<8192xf32, #tpu.memory_space<vmem>>, vector<16xf32>,
    %swap3A_173 = arith.constant 1360 : index
    %swap3A_174 = tpu.vector_load %arg11[%swap3A_173] {strides = array<i32>} : memref<8192xf32, #tpu.memory_space<vmem>>, vector<16xf32>,
    tpu.vector_store %arg11[%swap3A_173], %broadcast_in_dim3A_3 {strides = array<i32>} : memref<8192xf32, #tpu.memory_space<vmem>>, vector<16xf32>,
    %swap3A_175 = arith.constant 1376 : index
    %swap3A_176 = tpu.vector_load %arg11[%swap3A_175] {strides = array<i32>} : memref<8192xf32, #tpu.memory_space<vmem>>, vector<16xf32>,
    tpu.vector_store %arg11[%swap3A_175], %broadcast_in_dim3A_3 {strides = array<i32>} : memref<8192xf32, #tpu.memory_space<vmem>>, vector<16xf32>,
    %swap3A_177 = arith.constant 1392 : index
    %swap3A_178 = tpu.vector_load %arg11[%swap3A_177] {strides = array<i32>} : memref<8192xf32, #tpu.memory_space<vmem>>, vector<16xf32>,
    tpu.vector_store %arg11[%swap3A_177], %broadcast_in_dim3A_3 {strides = array<i32>} : memref<8192xf32, #tpu.memory_space<vmem>>, vector<16xf32>,
    %swap3A_179 = arith.constant 1408 : index
    %swap3A_180 = tpu.vector_load %arg11[%swap3A_179] {strides = array<i32>} : memref<8192xf32, #tpu.memory_space<vmem>>, vector<16xf32>,
    tpu.vector_store %arg11[%swap3A_179], %broadcast_in_dim3A_3 {strides = array<i32>} : memref<8192xf32, #tpu.memory_space<vmem>>, vector<16xf32>,
    %swap3A_181 = arith.constant 1424 : index
    %swap3A_182 = tpu.vector_load %arg11[%swap3A_181] {strides = array<i32>} : memref<8192xf32, #tpu.memory_space<vmem>>, vector<16xf32>,
    tpu.vector_store %arg11[%swap3A_181], %broadcast_in_dim3A_3 {strides = array<i32>} : memref<8192xf32, #tpu.memory_space<vmem>>, vector<16xf32>,
    %swap3A_183 = arith.constant 1440 : index
    %swap3A_184 = tpu.vector_load %arg11[%swap3A_183] {strides = array<i32>} : memref<8192xf32, #tpu.memory_space<vmem>>, vector<16xf32>,
    tpu.vector_store %arg11[%swap3A_183], %broadcast_in_dim3A_3 {strides = array<i32>} : memref<8192xf32, #tpu.memory_space<vmem>>, vector<16xf32>,
    %swap3A_185 = arith.constant 1456 : index
    %swap3A_186 = tpu.vector_load %arg11[%swap3A_185] {strides = array<i32>} : memref<8192xf32, #tpu.memory_space<vmem>>, vector<16xf32>,
    tpu.vector_store %arg11[%swap3A_185], %broadcast_in_dim3A_3 {strides = array<i32>} : memref<8192xf32, #tpu.memory_space<vmem>>, vector<16xf32>,
    %swap3A_187 = arith.constant 1472 : index
    %swap3A_188 = tpu.vector_load %arg11[%swap3A_187] {strides = array<i32>} : memref<8192xf32, #tpu.memory_space<vmem>>, vector<16xf32>,
    tpu.vector_store %arg11[%swap3A_187], %broadcast_in_dim3A_3 {strides = array<i32>} : memref<8192xf32, #tpu.memory_space<vmem>>, vector<16xf32>,
    %swap3A_189 = arith.constant 1488 : index
    %swap3A_190 = tpu.vector_load %arg11[%swap3A_189] {strides = array<i32>} : memref<8192xf32, #tpu.memory_space<vmem>>, vector<16xf32>,
    tpu.vector_store %arg11[%swap3A_189], %broadcast_in_dim3A_3 {strides = array<i32>} : memref<8192xf32, #tpu.memory_space<vmem>>, vector<16xf32>,
    %swap3A_191 = arith.constant 1504 : index
    %swap3A_192 = tpu.vector_load %arg11[%swap3A_191] {strides = array<i32>} : memref<8192xf32, #tpu.memory_space<vmem>>, vector<16xf32>,
    tpu.vector_store %arg11[%swap3A_191], %broadcast_in_dim3A_3 {strides = array<i32>} : memref<8192xf32, #tpu.memory_space<vmem>>, vector<16xf32>,
    %swap3A_193 = arith.constant 1520 : index
    %swap3A_194 = tpu.vector_load %arg11[%swap3A_193] {strides = array<i32>} : memref<8192xf32, #tpu.memory_space<vmem>>, vector<16xf32>,
    tpu.vector_store %arg11[%swap3A_193], %broadcast_in_dim3A_3 {strides = array<i32>} : memref<8192xf32, #tpu.memory_space<vmem>>, vector<16xf32>,
    %swap3A_195 = arith.constant 1536 : index
    %swap3A_196 = tpu.vector_load %arg11[%swap3A_195] {strides = array<i32>} : memref<8192xf32, #tpu.memory_space<vmem>>, vector<16xf32>,
    tpu.vector_store %arg11[%swap3A_195], %broadcast_in_dim3A_3 {strides = array<i32>} : memref<8192xf32, #tpu.memory_space<vmem>>, vector<16xf32>,
    %swap3A_197 = arith.constant 1552 : index
    %swap3A_198 = tpu.vector_load %arg11[%swap3A_197] {strides = array<i32>} : memref<8192xf32, #tpu.memory_space<vmem>>, vector<16xf32>,
    tpu.vector_store %arg11[%swap3A_197], %broadcast_in_dim3A_3 {strides = array<i32>} : memref<8192xf32, #tpu.memory_space<vmem>>, vector<16xf32>,
    %swap3A_199 = arith.constant 1568 : index
    %swap3A_200 = tpu.vector_load %arg11[%swap3A_199] {strides = array<i32>} : memref<8192xf32, #tpu.memory_space<vmem>>, vector<16xf32>,
    tpu.vector_store %arg11[%swap3A_199], %broadcast_in_dim3A_3 {strides = array<i32>} : memref<8192xf32, #tpu.memory_space<vmem>>, vector<16xf32>,
    %swap3A_201 = arith.constant 1584 : index
    %swap3A_202 = tpu.vector_load %arg11[%swap3A_201] {strides = array<i32>} : memref<8192xf32, #tpu.memory_space<vmem>>, vector<16xf32>,
    tpu.vector_store %arg11[%swap3A_201], %broadcast_in_dim3A_3 {strides = array<i32>} : memref<8192xf32, #tpu.memory_space<vmem>>, vector<16xf32>,
    %swap3A_203 = arith.constant 1600 : index
    %swap3A_204 = tpu.vector_load %arg11[%swap3A_203] {strides = array<i32>} : memref<8192xf32, #tpu.memory_space<vmem>>, vector<16xf32>,
    tpu.vector_store %arg11[%swap3A_203], %broadcast_in_dim3A_3 {strides = array<i32>} : memref<8192xf32, #tpu.memory_space<vmem>>, vector<16xf32>,
    %swap3A_205 = arith.constant 1616 : index
    %swap3A_206 = tpu.vector_load %arg11[%swap3A_205] {strides = array<i32>} : memref<8192xf32, #tpu.memory_space<vmem>>, vector<16xf32>,
    tpu.vector_store %arg11[%swap3A_205], %broadcast_in_dim3A_3 {strides = array<i32>} : memref<8192xf32, #tpu.memory_space<vmem>>, vector<16xf32>,
    %swap3A_207 = arith.constant 1632 : index
    %swap3A_208 = tpu.vector_load %arg11[%swap3A_207] {strides = array<i32>} : memref<8192xf32, #tpu.memory_space<vmem>>, vector<16xf32>,
    tpu.vector_store %arg11[%swap3A_207], %broadcast_in_dim3A_3 {strides = array<i32>} : memref<8192xf32, #tpu.memory_space<vmem>>, vector<16xf32>,
    %swap3A_209 = arith.constant 1648 : index
    %swap3A_210 = tpu.vector_load %arg11[%swap3A_209] {strides = array<i32>} : memref<8192xf32, #tpu.memory_space<vmem>>, vector<16xf32>,
    tpu.vector_store %arg11[%swap3A_209], %broadcast_in_dim3A_3 {strides = array<i32>} : memref<8192xf32, #tpu.memory_space<vmem>>, vector<16xf32>,
    %swap3A_211 = arith.constant 1664 : index
    %swap3A_212 = tpu.vector_load %arg11[%swap3A_211] {strides = array<i32>} : memref<8192xf32, #tpu.memory_space<vmem>>, vector<16xf32>,
    tpu.vector_store %arg11[%swap3A_211], %broadcast_in_dim3A_3 {strides = array<i32>} : memref<8192xf32, #tpu.memory_space<vmem>>, vector<16xf32>,
    %swap3A_213 = arith.constant 1680 : index
    %swap3A_214 = tpu.vector_load %arg11[%swap3A_213] {strides = array<i32>} : memref<8192xf32, #tpu.memory_space<vmem>>, vector<16xf32>,
    tpu.vector_store %arg11[%swap3A_213], %broadcast_in_dim3A_3 {strides = array<i32>} : memref<8192xf32, #tpu.memory_space<vmem>>, vector<16xf32>,
    %swap3A_215 = arith.constant 1696 : index
    %swap3A_216 = tpu.vector_load %arg11[%swap3A_215] {strides = array<i32>} : memref<8192xf32, #tpu.memory_space<vmem>>, vector<16xf32>,
    tpu.vector_store %arg11[%swap3A_215], %broadcast_in_dim3A_3 {strides = array<i32>} : memref<8192xf32, #tpu.memory_space<vmem>>, vector<16xf32>,
    %swap3A_217 = arith.constant 1712 : index
    %swap3A_218 = tpu.vector_load %arg11[%swap3A_217] {strides = array<i32>} : memref<8192xf32, #tpu.memory_space<vmem>>, vector<16xf32>,
    tpu.vector_store %arg11[%swap3A_217], %broadcast_in_dim3A_3 {strides = array<i32>} : memref<8192xf32, #tpu.memory_space<vmem>>, vector<16xf32>,
    %swap3A_219 = arith.constant 1728 : index
    %swap3A_220 = tpu.vector_load %arg11[%swap3A_219] {strides = array<i32>} : memref<8192xf32, #tpu.memory_space<vmem>>, vector<16xf32>,
    tpu.vector_store %arg11[%swap3A_219], %broadcast_in_dim3A_3 {strides = array<i32>} : memref<8192xf32, #tpu.memory_space<vmem>>, vector<16xf32>,
    %swap3A_221 = arith.constant 1744 : index
    %swap3A_222 = tpu.vector_load %arg11[%swap3A_221] {strides = array<i32>} : memref<8192xf32, #tpu.memory_space<vmem>>, vector<16xf32>,
    tpu.vector_store %arg11[%swap3A_221], %broadcast_in_dim3A_3 {strides = array<i32>} : memref<8192xf32, #tpu.memory_space<vmem>>, vector<16xf32>,
    %swap3A_223 = arith.constant 1760 : index
    %swap3A_224 = tpu.vector_load %arg11[%swap3A_223] {strides = array<i32>} : memref<8192xf32, #tpu.memory_space<vmem>>, vector<16xf32>,
    tpu.vector_store %arg11[%swap3A_223], %broadcast_in_dim3A_3 {strides = array<i32>} : memref<8192xf32, #tpu.memory_space<vmem>>, vector<16xf32>,
    %swap3A_225 = arith.constant 1776 : index
    %swap3A_226 = tpu.vector_load %arg11[%swap3A_225] {strides = array<i32>} : memref<8192xf32, #tpu.memory_space<vmem>>, vector<16xf32>,
    tpu.vector_store %arg11[%swap3A_225], %broadcast_in_dim3A_3 {strides = array<i32>} : memref<8192xf32, #tpu.memory_space<vmem>>, vector<16xf32>,
    %swap3A_227 = arith.constant 1792 : index
    %swap3A_228 = tpu.vector_load %arg11[%swap3A_227] {strides = array<i32>} : memref<8192xf32, #tpu.memory_space<vmem>>, vector<16xf32>,
    tpu.vector_store %arg11[%swap3A_227], %broadcast_in_dim3A_3 {strides = array<i32>} : memref<8192xf32, #tpu.memory_space<vmem>>, vector<16xf32>,
    %swap3A_229 = arith.constant 1808 : index
    %swap3A_230 = tpu.vector_load %arg11[%swap3A_229] {strides = array<i32>} : memref<8192xf32, #tpu.memory_space<vmem>>, vector<16xf32>,
    tpu.vector_store %arg11[%swap3A_229], %broadcast_in_dim3A_3 {strides = array<i32>} : memref<8192xf32, #tpu.memory_space<vmem>>, vector<16xf32>,
    %swap3A_231 = arith.constant 1824 : index
    %swap3A_232 = tpu.vector_load %arg11[%swap3A_231] {strides = array<i32>} : memref<8192xf32, #tpu.memory_space<vmem>>, vector<16xf32>,
    tpu.vector_store %arg11[%swap3A_231], %broadcast_in_dim3A_3 {strides = array<i32>} : memref<8192xf32, #tpu.memory_space<vmem>>, vector<16xf32>,
    %swap3A_233 = arith.constant 1840 : index
    %swap3A_234 = tpu.vector_load %arg11[%swap3A_233] {strides = array<i32>} : memref<8192xf32, #tpu.memory_space<vmem>>, vector<16xf32>,
    tpu.vector_store %arg11[%swap3A_233], %broadcast_in_dim3A_3 {strides = array<i32>} : memref<8192xf32, #tpu.memory_space<vmem>>, vector<16xf32>,
    %swap3A_235 = arith.constant 1856 : index
    %swap3A_236 = tpu.vector_load %arg11[%swap3A_235] {strides = array<i32>} : memref<8192xf32, #tpu.memory_space<vmem>>, vector<16xf32>,
    tpu.vector_store %arg11[%swap3A_235], %broadcast_in_dim3A_3 {strides = array<i32>} : memref<8192xf32, #tpu.memory_space<vmem>>, vector<16xf32>,
    %swap3A_237 = arith.constant 1872 : index
    %swap3A_238 = tpu.vector_load %arg11[%swap3A_237] {strides = array<i32>} : memref<8192xf32, #tpu.memory_space<vmem>>, vector<16xf32>,
    tpu.vector_store %arg11[%swap3A_237], %broadcast_in_dim3A_3 {strides = array<i32>} : memref<8192xf32, #tpu.memory_space<vmem>>, vector<16xf32>,
    %swap3A_239 = arith.constant 1888 : index
    %swap3A_240 = tpu.vector_load %arg11[%swap3A_239] {strides = array<i32>} : memref<8192xf32, #tpu.memory_space<vmem>>, vector<16xf32>,
    tpu.vector_store %arg11[%swap3A_239], %broadcast_in_dim3A_3 {strides = array<i32>} : memref<8192xf32, #tpu.memory_space<vmem>>, vector<16xf32>,
    %swap3A_241 = arith.constant 1904 : index
    %swap3A_242 = tpu.vector_load %arg11[%swap3A_241] {strides = array<i32>} : memref<8192xf32, #tpu.memory_space<vmem>>, vector<16xf32>,
    tpu.vector_store %arg11[%swap3A_241], %broadcast_in_dim3A_3 {strides = array<i32>} : memref<8192xf32, #tpu.memory_space<vmem>>, vector<16xf32>,
    %swap3A_243 = arith.constant 1920 : index
    %swap3A_244 = tpu.vector_load %arg11[%swap3A_243] {strides = array<i32>} : memref<8192xf32, #tpu.memory_space<vmem>>, vector<16xf32>,
    tpu.vector_store %arg11[%swap3A_243], %broadcast_in_dim3A_3 {strides = array<i32>} : memref<8192xf32, #tpu.memory_space<vmem>>, vector<16xf32>,
    %swap3A_245 = arith.constant 1936 : index
    %swap3A_246 = tpu.vector_load %arg11[%swap3A_245] {strides = array<i32>} : memref<8192xf32, #tpu.memory_space<vmem>>, vector<16xf32>,
    tpu.vector_store %arg11[%swap3A_245], %broadcast_in_dim3A_3 {strides = array<i32>} : memref<8192xf32, #tpu.memory_space<vmem>>, vector<16xf32>,
    %swap3A_247 = arith.constant 1952 : index
    %swap3A_248 = tpu.vector_load %arg11[%swap3A_247] {strides = array<i32>} : memref<8192xf32, #tpu.memory_space<vmem>>, vector<16xf32>,
    tpu.vector_store %arg11[%swap3A_247], %broadcast_in_dim3A_3 {strides = array<i32>} : memref<8192xf32, #tpu.memory_space<vmem>>, vector<16xf32>,
    %swap3A_249 = arith.constant 1968 : index
    %swap3A_250 = tpu.vector_load %arg11[%swap3A_249] {strides = array<i32>} : memref<8192xf32, #tpu.memory_space<vmem>>, vector<16xf32>,
    tpu.vector_store %arg11[%swap3A_249], %broadcast_in_dim3A_3 {strides = array<i32>} : memref<8192xf32, #tpu.memory_space<vmem>>, vector<16xf32>,
    %swap3A_251 = arith.constant 1984 : index
    %swap3A_252 = tpu.vector_load %arg11[%swap3A_251] {strides = array<i32>} : memref<8192xf32, #tpu.memory_space<vmem>>, vector<16xf32>,
    tpu.vector_store %arg11[%swap3A_251], %broadcast_in_dim3A_3 {strides = array<i32>} : memref<8192xf32, #tpu.memory_space<vmem>>, vector<16xf32>,
    %swap3A_253 = arith.constant 2000 : index
    %swap3A_254 = tpu.vector_load %arg11[%swap3A_253] {strides = array<i32>} : memref<8192xf32, #tpu.memory_space<vmem>>, vector<16xf32>,
    tpu.vector_store %arg11[%swap3A_253], %broadcast_in_dim3A_3 {strides = array<i32>} : memref<8192xf32, #tpu.memory_space<vmem>>, vector<16xf32>,
    %swap3A_255 = arith.constant 2016 : index
    %swap3A_256 = tpu.vector_load %arg11[%swap3A_255] {strides = array<i32>} : memref<8192xf32, #tpu.memory_space<vmem>>, vector<16xf32>,
    tpu.vector_store %arg11[%swap3A_255], %broadcast_in_dim3A_3 {strides = array<i32>} : memref<8192xf32, #tpu.memory_space<vmem>>, vector<16xf32>,
    %swap3A_257 = arith.constant 2032 : index
    %swap3A_258 = tpu.vector_load %arg11[%swap3A_257] {strides = array<i32>} : memref<8192xf32, #tpu.memory_space<vmem>>, vector<16xf32>,
    tpu.vector_store %arg11[%swap3A_257], %broadcast_in_dim3A_3 {strides = array<i32>} : memref<8192xf32, #tpu.memory_space<vmem>>, vector<16xf32>,
    %swap3A_259 = arith.constant 2048 : index
    %swap3A_260 = tpu.vector_load %arg11[%swap3A_259] {strides = array<i32>} : memref<8192xf32, #tpu.memory_space<vmem>>, vector<16xf32>,
    tpu.vector_store %arg11[%swap3A_259], %broadcast_in_dim3A_3 {strides = array<i32>} : memref<8192xf32, #tpu.memory_space<vmem>>, vector<16xf32>,
    %swap3A_261 = arith.constant 2064 : index
    %swap3A_262 = tpu.vector_load %arg11[%swap3A_261] {strides = array<i32>} : memref<8192xf32, #tpu.memory_space<vmem>>, vector<16xf32>,
    tpu.vector_store %arg11[%swap3A_261], %broadcast_in_dim3A_3 {strides = array<i32>} : memref<8192xf32, #tpu.memory_space<vmem>>, vector<16xf32>,
    %swap3A_263 = arith.constant 2080 : index
    %swap3A_264 = tpu.vector_load %arg11[%swap3A_263] {strides = array<i32>} : memref<8192xf32, #tpu.memory_space<vmem>>, vector<16xf32>,
    tpu.vector_store %arg11[%swap3A_263], %broadcast_in_dim3A_3 {strides = array<i32>} : memref<8192xf32, #tpu.memory_space<vmem>>, vector<16xf32>,
    %swap3A_265 = arith.constant 2096 : index
    %swap3A_266 = tpu.vector_load %arg11[%swap3A_265] {strides = array<i32>} : memref<8192xf32, #tpu.memory_space<vmem>>, vector<16xf32>,
    tpu.vector_store %arg11[%swap3A_265], %broadcast_in_dim3A_3 {strides = array<i32>} : memref<8192xf32, #tpu.memory_space<vmem>>, vector<16xf32>,
    %swap3A_267 = arith.constant 2112 : index
    %swap3A_268 = tpu.vector_load %arg11[%swap3A_267] {strides = array<i32>} : memref<8192xf32, #tpu.memory_space<vmem>>, vector<16xf32>,
    tpu.vector_store %arg11[%swap3A_267], %broadcast_in_dim3A_3 {strides = array<i32>} : memref<8192xf32, #tpu.memory_space<vmem>>, vector<16xf32>,
    %swap3A_269 = arith.constant 2128 : index
    %swap3A_270 = tpu.vector_load %arg11[%swap3A_269] {strides = array<i32>} : memref<8192xf32, #tpu.memory_space<vmem>>, vector<16xf32>,
    tpu.vector_store %arg11[%swap3A_269], %broadcast_in_dim3A_3 {strides = array<i32>} : memref<8192xf32, #tpu.memory_space<vmem>>, vector<16xf32>,
    %swap3A_271 = arith.constant 2144 : index
    %swap3A_272 = tpu.vector_load %arg11[%swap3A_271] {strides = array<i32>} : memref<8192xf32, #tpu.memory_space<vmem>>, vector<16xf32>,
    tpu.vector_store %arg11[%swap3A_271], %broadcast_in_dim3A_3 {strides = array<i32>} : memref<8192xf32, #tpu.memory_space<vmem>>, vector<16xf32>,
    %swap3A_273 = arith.constant 2160 : index
    %swap3A_274 = tpu.vector_load %arg11[%swap3A_273] {strides = array<i32>} : memref<8192xf32, #tpu.memory_space<vmem>>, vector<16xf32>,
    tpu.vector_store %arg11[%swap3A_273], %broadcast_in_dim3A_3 {strides = array<i32>} : memref<8192xf32, #tpu.memory_space<vmem>>, vector<16xf32>,
    %swap3A_275 = arith.constant 2176 : index
    %swap3A_276 = tpu.vector_load %arg11[%swap3A_275] {strides = array<i32>} : memref<8192xf32, #tpu.memory_space<vmem>>, vector<16xf32>,
    tpu.vector_store %arg11[%swap3A_275], %broadcast_in_dim3A_3 {strides = array<i32>} : memref<8192xf32, #tpu.memory_space<vmem>>, vector<16xf32>,
    %swap3A_277 = arith.constant 2192 : index
    %swap3A_278 = tpu.vector_load %arg11[%swap3A_277] {strides = array<i32>} : memref<8192xf32, #tpu.memory_space<vmem>>, vector<16xf32>,
    tpu.vector_store %arg11[%swap3A_277], %broadcast_in_dim3A_3 {strides = array<i32>} : memref<8192xf32, #tpu.memory_space<vmem>>, vector<16xf32>,
    %swap3A_279 = arith.constant 2208 : index
    %swap3A_280 = tpu.vector_load %arg11[%swap3A_279] {strides = array<i32>} : memref<8192xf32, #tpu.memory_space<vmem>>, vector<16xf32>,
    tpu.vector_store %arg11[%swap3A_279], %broadcast_in_dim3A_3 {strides = array<i32>} : memref<8192xf32, #tpu.memory_space<vmem>>, vector<16xf32>,
    %swap3A_281 = arith.constant 2224 : index
    %swap3A_282 = tpu.vector_load %arg11[%swap3A_281] {strides = array<i32>} : memref<8192xf32, #tpu.memory_space<vmem>>, vector<16xf32>,
    tpu.vector_store %arg11[%swap3A_281], %broadcast_in_dim3A_3 {strides = array<i32>} : memref<8192xf32, #tpu.memory_space<vmem>>, vector<16xf32>,
    %swap3A_283 = arith.constant 2240 : index
    %swap3A_284 = tpu.vector_load %arg11[%swap3A_283] {strides = array<i32>} : memref<8192xf32, #tpu.memory_space<vmem>>, vector<16xf32>,
    tpu.vector_store %arg11[%swap3A_283], %broadcast_in_dim3A_3 {strides = array<i32>} : memref<8192xf32, #tpu.memory_space<vmem>>, vector<16xf32>,
    %swap3A_285 = arith.constant 2256 : index
    %swap3A_286 = tpu.vector_load %arg11[%swap3A_285] {strides = array<i32>} : memref<8192xf32, #tpu.memory_space<vmem>>, vector<16xf32>,
    tpu.vector_store %arg11[%swap3A_285], %broadcast_in_dim3A_3 {strides = array<i32>} : memref<8192xf32, #tpu.memory_space<vmem>>, vector<16xf32>,
    %swap3A_287 = arith.constant 2272 : index
    %swap3A_288 = tpu.vector_load %arg11[%swap3A_287] {strides = array<i32>} : memref<8192xf32, #tpu.memory_space<vmem>>, vector<16xf32>,
    tpu.vector_store %arg11[%swap3A_287], %broadcast_in_dim3A_3 {strides = array<i32>} : memref<8192xf32, #tpu.memory_space<vmem>>, vector<16xf32>,
    %swap3A_289 = arith.constant 2288 : index
    %swap3A_290 = tpu.vector_load %arg11[%swap3A_289] {strides = array<i32>} : memref<8192xf32, #tpu.memory_space<vmem>>, vector<16xf32>,
    tpu.vector_store %arg11[%swap3A_289], %broadcast_in_dim3A_3 {strides = array<i32>} : memref<8192xf32, #tpu.memory_space<vmem>>, vector<16xf32>,
    %swap3A_291 = arith.constant 2304 : index
    %swap3A_292 = tpu.vector_load %arg11[%swap3A_291] {strides = array<i32>} : memref<8192xf32, #tpu.memory_space<vmem>>, vector<16xf32>,
    tpu.vector_store %arg11[%swap3A_291], %broadcast_in_dim3A_3 {strides = array<i32>} : memref<8192xf32, #tpu.memory_space<vmem>>, vector<16xf32>,
    %swap3A_293 = arith.constant 2320 : index
    %swap3A_294 = tpu.vector_load %arg11[%swap3A_293] {strides = array<i32>} : memref<8192xf32, #tpu.memory_space<vmem>>, vector<16xf32>,
    tpu.vector_store %arg11[%swap3A_293], %broadcast_in_dim3A_3 {strides = array<i32>} : memref<8192xf32, #tpu.memory_space<vmem>>, vector<16xf32>,
    %swap3A_295 = arith.constant 2336 : index
    %swap3A_296 = tpu.vector_load %arg11[%swap3A_295] {strides = array<i32>} : memref<8192xf32, #tpu.memory_space<vmem>>, vector<16xf32>,
    tpu.vector_store %arg11[%swap3A_295], %broadcast_in_dim3A_3 {strides = array<i32>} : memref<8192xf32, #tpu.memory_space<vmem>>, vector<16xf32>,
    %swap3A_297 = arith.constant 2352 : index
    %swap3A_298 = tpu.vector_load %arg11[%swap3A_297] {strides = array<i32>} : memref<8192xf32, #tpu.memory_space<vmem>>, vector<16xf32>,
    tpu.vector_store %arg11[%swap3A_297], %broadcast_in_dim3A_3 {strides = array<i32>} : memref<8192xf32, #tpu.memory_space<vmem>>, vector<16xf32>,
    %swap3A_299 = arith.constant 2368 : index
    %swap3A_300 = tpu.vector_load %arg11[%swap3A_299] {strides = array<i32>} : memref<8192xf32, #tpu.memory_space<vmem>>, vector<16xf32>,
    tpu.vector_store %arg11[%swap3A_299], %broadcast_in_dim3A_3 {strides = array<i32>} : memref<8192xf32, #tpu.memory_space<vmem>>, vector<16xf32>,
    %swap3A_301 = arith.constant 2384 : index
    %swap3A_302 = tpu.vector_load %arg11[%swap3A_301] {strides = array<i32>} : memref<8192xf32, #tpu.memory_space<vmem>>, vector<16xf32>,
    tpu.vector_store %arg11[%swap3A_301], %broadcast_in_dim3A_3 {strides = array<i32>} : memref<8192xf32, #tpu.memory_space<vmem>>, vector<16xf32>,
    %swap3A_303 = arith.constant 2400 : index
    %swap3A_304 = tpu.vector_load %arg11[%swap3A_303] {strides = array<i32>} : memref<8192xf32, #tpu.memory_space<vmem>>, vector<16xf32>,
    tpu.vector_store %arg11[%swap3A_303], %broadcast_in_dim3A_3 {strides = array<i32>} : memref<8192xf32, #tpu.memory_space<vmem>>, vector<16xf32>,
    %swap3A_305 = arith.constant 2416 : index
    %swap3A_306 = tpu.vector_load %arg11[%swap3A_305] {strides = array<i32>} : memref<8192xf32, #tpu.memory_space<vmem>>, vector<16xf32>,
    tpu.vector_store %arg11[%swap3A_305], %broadcast_in_dim3A_3 {strides = array<i32>} : memref<8192xf32, #tpu.memory_space<vmem>>, vector<16xf32>,
    %swap3A_307 = arith.constant 2432 : index
    %swap3A_308 = tpu.vector_load %arg11[%swap3A_307] {strides = array<i32>} : memref<8192xf32, #tpu.memory_space<vmem>>, vector<16xf32>,
    tpu.vector_store %arg11[%swap3A_307], %broadcast_in_dim3A_3 {strides = array<i32>} : memref<8192xf32, #tpu.memory_space<vmem>>, vector<16xf32>,
    %swap3A_309 = arith.constant 2448 : index
    %swap3A_310 = tpu.vector_load %arg11[%swap3A_309] {strides = array<i32>} : memref<8192xf32, #tpu.memory_space<vmem>>, vector<16xf32>,
    tpu.vector_store %arg11[%swap3A_309], %broadcast_in_dim3A_3 {strides = array<i32>} : memref<8192xf32, #tpu.memory_space<vmem>>, vector<16xf32>,
    %swap3A_311 = arith.constant 2464 : index
    %swap3A_312 = tpu.vector_load %arg11[%swap3A_311] {strides = array<i32>} : memref<8192xf32, #tpu.memory_space<vmem>>, vector<16xf32>,
    tpu.vector_store %arg11[%swap3A_311], %broadcast_in_dim3A_3 {strides = array<i32>} : memref<8192xf32, #tpu.memory_space<vmem>>, vector<16xf32>,
    %swap3A_313 = arith.constant 2480 : index
    %swap3A_314 = tpu.vector_load %arg11[%swap3A_313] {strides = array<i32>} : memref<8192xf32, #tpu.memory_space<vmem>>, vector<16xf32>,
    tpu.vector_store %arg11[%swap3A_313], %broadcast_in_dim3A_3 {strides = array<i32>} : memref<8192xf32, #tpu.memory_space<vmem>>, vector<16xf32>,
    %swap3A_315 = arith.constant 2496 : index
    %swap3A_316 = tpu.vector_load %arg11[%swap3A_315] {strides = array<i32>} : memref<8192xf32, #tpu.memory_space<vmem>>, vector<16xf32>,
    tpu.vector_store %arg11[%swap3A_315], %broadcast_in_dim3A_3 {strides = array<i32>} : memref<8192xf32, #tpu.memory_space<vmem>>, vector<16xf32>,
    %swap3A_317 = arith.constant 2512 : index
    %swap3A_318 = tpu.vector_load %arg11[%swap3A_317] {strides = array<i32>} : memref<8192xf32, #tpu.memory_space<vmem>>, vector<16xf32>,
    tpu.vector_store %arg11[%swap3A_317], %broadcast_in_dim3A_3 {strides = array<i32>} : memref<8192xf32, #tpu.memory_space<vmem>>, vector<16xf32>,
    %swap3A_319 = arith.constant 2528 : index
    %swap3A_320 = tpu.vector_load %arg11[%swap3A_319] {strides = array<i32>} : memref<8192xf32, #tpu.memory_space<vmem>>, vector<16xf32>,
    tpu.vector_store %arg11[%swap3A_319], %broadcast_in_dim3A_3 {strides = array<i32>} : memref<8192xf32, #tpu.memory_space<vmem>>, vector<16xf32>,
    %swap3A_321 = arith.constant 2544 : index
    %swap3A_322 = tpu.vector_load %arg11[%swap3A_321] {strides = array<i32>} : memref<8192xf32, #tpu.memory_space<vmem>>, vector<16xf32>,
    tpu.vector_store %arg11[%swap3A_321], %broadcast_in_dim3A_3 {strides = array<i32>} : memref<8192xf32, #tpu.memory_space<vmem>>, vector<16xf32>,
    %swap3A_323 = arith.constant 2560 : index
    %swap3A_324 = tpu.vector_load %arg11[%swap3A_323] {strides = array<i32>} : memref<8192xf32, #tpu.memory_space<vmem>>, vector<16xf32>,
    tpu.vector_store %arg11[%swap3A_323], %broadcast_in_dim3A_3 {strides = array<i32>} : memref<8192xf32, #tpu.memory_space<vmem>>, vector<16xf32>,
    %swap3A_325 = arith.constant 2576 : index
    %swap3A_326 = tpu.vector_load %arg11[%swap3A_325] {strides = array<i32>} : memref<8192xf32, #tpu.memory_space<vmem>>, vector<16xf32>,
    tpu.vector_store %arg11[%swap3A_325], %broadcast_in_dim3A_3 {strides = array<i32>} : memref<8192xf32, #tpu.memory_space<vmem>>, vector<16xf32>,
    %swap3A_327 = arith.constant 2592 : index
    %swap3A_328 = tpu.vector_load %arg11[%swap3A_327] {strides = array<i32>} : memref<8192xf32, #tpu.memory_space<vmem>>, vector<16xf32>,
    tpu.vector_store %arg11[%swap3A_327], %broadcast_in_dim3A_3 {strides = array<i32>} : memref<8192xf32, #tpu.memory_space<vmem>>, vector<16xf32>,
    %swap3A_329 = arith.constant 2608 : index
    %swap3A_330 = tpu.vector_load %arg11[%swap3A_329] {strides = array<i32>} : memref<8192xf32, #tpu.memory_space<vmem>>, vector<16xf32>,
    tpu.vector_store %arg11[%swap3A_329], %broadcast_in_dim3A_3 {strides = array<i32>} : memref<8192xf32, #tpu.memory_space<vmem>>, vector<16xf32>,
    %swap3A_331 = arith.constant 2624 : index
    %swap3A_332 = tpu.vector_load %arg11[%swap3A_331] {strides = array<i32>} : memref<8192xf32, #tpu.memory_space<vmem>>, vector<16xf32>,
    tpu.vector_store %arg11[%swap3A_331], %broadcast_in_dim3A_3 {strides = array<i32>} : memref<8192xf32, #tpu.memory_space<vmem>>, vector<16xf32>,
    %swap3A_333 = arith.constant 2640 : index
    %swap3A_334 = tpu.vector_load %arg11[%swap3A_333] {strides = array<i32>} : memref<8192xf32, #tpu.memory_space<vmem>>, vector<16xf32>,
    tpu.vector_store %arg11[%swap3A_333], %broadcast_in_dim3A_3 {strides = array<i32>} : memref<8192xf32, #tpu.memory_space<vmem>>, vector<16xf32>,
    %swap3A_335 = arith.constant 2656 : index
    %swap3A_336 = tpu.vector_load %arg11[%swap3A_335] {strides = array<i32>} : memref<8192xf32, #tpu.memory_space<vmem>>, vector<16xf32>,
    tpu.vector_store %arg11[%swap3A_335], %broadcast_in_dim3A_3 {strides = array<i32>} : memref<8192xf32, #tpu.memory_space<vmem>>, vector<16xf32>,
    %swap3A_337 = arith.constant 2672 : index
    %swap3A_338 = tpu.vector_load %arg11[%swap3A_337] {strides = array<i32>} : memref<8192xf32, #tpu.memory_space<vmem>>, vector<16xf32>,
    tpu.vector_store %arg11[%swap3A_337], %broadcast_in_dim3A_3 {strides = array<i32>} : memref<8192xf32, #tpu.memory_space<vmem>>, vector<16xf32>,
    %swap3A_339 = arith.constant 2688 : index
    %swap3A_340 = tpu.vector_load %arg11[%swap3A_339] {strides = array<i32>} : memref<8192xf32, #tpu.memory_space<vmem>>, vector<16xf32>,
    tpu.vector_store %arg11[%swap3A_339], %broadcast_in_dim3A_3 {strides = array<i32>} : memref<8192xf32, #tpu.memory_space<vmem>>, vector<16xf32>,
    %swap3A_341 = arith.constant 2704 : index
    %swap3A_342 = tpu.vector_load %arg11[%swap3A_341] {strides = array<i32>} : memref<8192xf32, #tpu.memory_space<vmem>>, vector<16xf32>,
    tpu.vector_store %arg11[%swap3A_341], %broadcast_in_dim3A_3 {strides = array<i32>} : memref<8192xf32, #tpu.memory_space<vmem>>, vector<16xf32>,
    %swap3A_343 = arith.constant 2720 : index
    %swap3A_344 = tpu.vector_load %arg11[%swap3A_343] {strides = array<i32>} : memref<8192xf32, #tpu.memory_space<vmem>>, vector<16xf32>,
    tpu.vector_store %arg11[%swap3A_343], %broadcast_in_dim3A_3 {strides = array<i32>} : memref<8192xf32, #tpu.memory_space<vmem>>, vector<16xf32>,
    %swap3A_345 = arith.constant 2736 : index
    %swap3A_346 = tpu.vector_load %arg11[%swap3A_345] {strides = array<i32>} : memref<8192xf32, #tpu.memory_space<vmem>>, vector<16xf32>,
    tpu.vector_store %arg11[%swap3A_345], %broadcast_in_dim3A_3 {strides = array<i32>} : memref<8192xf32, #tpu.memory_space<vmem>>, vector<16xf32>,
    %swap3A_347 = arith.constant 2752 : index
    %swap3A_348 = tpu.vector_load %arg11[%swap3A_347] {strides = array<i32>} : memref<8192xf32, #tpu.memory_space<vmem>>, vector<16xf32>,
    tpu.vector_store %arg11[%swap3A_347], %broadcast_in_dim3A_3 {strides = array<i32>} : memref<8192xf32, #tpu.memory_space<vmem>>, vector<16xf32>,
    %swap3A_349 = arith.constant 2768 : index
    %swap3A_350 = tpu.vector_load %arg11[%swap3A_349] {strides = array<i32>} : memref<8192xf32, #tpu.memory_space<vmem>>, vector<16xf32>,
    tpu.vector_store %arg11[%swap3A_349], %broadcast_in_dim3A_3 {strides = array<i32>} : memref<8192xf32, #tpu.memory_space<vmem>>, vector<16xf32>,
    %swap3A_351 = arith.constant 2784 : index
    %swap3A_352 = tpu.vector_load %arg11[%swap3A_351] {strides = array<i32>} : memref<8192xf32, #tpu.memory_space<vmem>>, vector<16xf32>,
    tpu.vector_store %arg11[%swap3A_351], %broadcast_in_dim3A_3 {strides = array<i32>} : memref<8192xf32, #tpu.memory_space<vmem>>, vector<16xf32>,
    %swap3A_353 = arith.constant 2800 : index
    %swap3A_354 = tpu.vector_load %arg11[%swap3A_353] {strides = array<i32>} : memref<8192xf32, #tpu.memory_space<vmem>>, vector<16xf32>,
    tpu.vector_store %arg11[%swap3A_353], %broadcast_in_dim3A_3 {strides = array<i32>} : memref<8192xf32, #tpu.memory_space<vmem>>, vector<16xf32>,
    %swap3A_355 = arith.constant 2816 : index
    %swap3A_356 = tpu.vector_load %arg11[%swap3A_355] {strides = array<i32>} : memref<8192xf32, #tpu.memory_space<vmem>>, vector<16xf32>,
    tpu.vector_store %arg11[%swap3A_355], %broadcast_in_dim3A_3 {strides = array<i32>} : memref<8192xf32, #tpu.memory_space<vmem>>, vector<16xf32>,
    %swap3A_357 = arith.constant 2832 : index
    %swap3A_358 = tpu.vector_load %arg11[%swap3A_357] {strides = array<i32>} : memref<8192xf32, #tpu.memory_space<vmem>>, vector<16xf32>,
    tpu.vector_store %arg11[%swap3A_357], %broadcast_in_dim3A_3 {strides = array<i32>} : memref<8192xf32, #tpu.memory_space<vmem>>, vector<16xf32>,
    %swap3A_359 = arith.constant 2848 : index
    %swap3A_360 = tpu.vector_load %arg11[%swap3A_359] {strides = array<i32>} : memref<8192xf32, #tpu.memory_space<vmem>>, vector<16xf32>,
    tpu.vector_store %arg11[%swap3A_359], %broadcast_in_dim3A_3 {strides = array<i32>} : memref<8192xf32, #tpu.memory_space<vmem>>, vector<16xf32>,
    %swap3A_361 = arith.constant 2864 : index
    %swap3A_362 = tpu.vector_load %arg11[%swap3A_361] {strides = array<i32>} : memref<8192xf32, #tpu.memory_space<vmem>>, vector<16xf32>,
    tpu.vector_store %arg11[%swap3A_361], %broadcast_in_dim3A_3 {strides = array<i32>} : memref<8192xf32, #tpu.memory_space<vmem>>, vector<16xf32>,
    %swap3A_363 = arith.constant 2880 : index
    %swap3A_364 = tpu.vector_load %arg11[%swap3A_363] {strides = array<i32>} : memref<8192xf32, #tpu.memory_space<vmem>>, vector<16xf32>,
    tpu.vector_store %arg11[%swap3A_363], %broadcast_in_dim3A_3 {strides = array<i32>} : memref<8192xf32, #tpu.memory_space<vmem>>, vector<16xf32>,
    %swap3A_365 = arith.constant 2896 : index
    %swap3A_366 = tpu.vector_load %arg11[%swap3A_365] {strides = array<i32>} : memref<8192xf32, #tpu.memory_space<vmem>>, vector<16xf32>,
    tpu.vector_store %arg11[%swap3A_365], %broadcast_in_dim3A_3 {strides = array<i32>} : memref<8192xf32, #tpu.memory_space<vmem>>, vector<16xf32>,
    %swap3A_367 = arith.constant 2912 : index
    %swap3A_368 = tpu.vector_load %arg11[%swap3A_367] {strides = array<i32>} : memref<8192xf32, #tpu.memory_space<vmem>>, vector<16xf32>,
    tpu.vector_store %arg11[%swap3A_367], %broadcast_in_dim3A_3 {strides = array<i32>} : memref<8192xf32, #tpu.memory_space<vmem>>, vector<16xf32>,
    %swap3A_369 = arith.constant 2928 : index
    %swap3A_370 = tpu.vector_load %arg11[%swap3A_369] {strides = array<i32>} : memref<8192xf32, #tpu.memory_space<vmem>>, vector<16xf32>,
    tpu.vector_store %arg11[%swap3A_369], %broadcast_in_dim3A_3 {strides = array<i32>} : memref<8192xf32, #tpu.memory_space<vmem>>, vector<16xf32>,
    %swap3A_371 = arith.constant 2944 : index
    %swap3A_372 = tpu.vector_load %arg11[%swap3A_371] {strides = array<i32>} : memref<8192xf32, #tpu.memory_space<vmem>>, vector<16xf32>,
    tpu.vector_store %arg11[%swap3A_371], %broadcast_in_dim3A_3 {strides = array<i32>} : memref<8192xf32, #tpu.memory_space<vmem>>, vector<16xf32>,
    %swap3A_373 = arith.constant 2960 : index
    %swap3A_374 = tpu.vector_load %arg11[%swap3A_373] {strides = array<i32>} : memref<8192xf32, #tpu.memory_space<vmem>>, vector<16xf32>,
    tpu.vector_store %arg11[%swap3A_373], %broadcast_in_dim3A_3 {strides = array<i32>} : memref<8192xf32, #tpu.memory_space<vmem>>, vector<16xf32>,
    %swap3A_375 = arith.constant 2976 : index
    %swap3A_376 = tpu.vector_load %arg11[%swap3A_375] {strides = array<i32>} : memref<8192xf32, #tpu.memory_space<vmem>>, vector<16xf32>,
    tpu.vector_store %arg11[%swap3A_375], %broadcast_in_dim3A_3 {strides = array<i32>} : memref<8192xf32, #tpu.memory_space<vmem>>, vector<16xf32>,
    %swap3A_377 = arith.constant 2992 : index
    %swap3A_378 = tpu.vector_load %arg11[%swap3A_377] {strides = array<i32>} : memref<8192xf32, #tpu.memory_space<vmem>>, vector<16xf32>,
    tpu.vector_store %arg11[%swap3A_377], %broadcast_in_dim3A_3 {strides = array<i32>} : memref<8192xf32, #tpu.memory_space<vmem>>, vector<16xf32>,
    %swap3A_379 = arith.constant 3008 : index
    %swap3A_380 = tpu.vector_load %arg11[%swap3A_379] {strides = array<i32>} : memref<8192xf32, #tpu.memory_space<vmem>>, vector<16xf32>,
    tpu.vector_store %arg11[%swap3A_379], %broadcast_in_dim3A_3 {strides = array<i32>} : memref<8192xf32, #tpu.memory_space<vmem>>, vector<16xf32>,
    %swap3A_381 = arith.constant 3024 : index
    %swap3A_382 = tpu.vector_load %arg11[%swap3A_381] {strides = array<i32>} : memref<8192xf32, #tpu.memory_space<vmem>>, vector<16xf32>,
    tpu.vector_store %arg11[%swap3A_381], %broadcast_in_dim3A_3 {strides = array<i32>} : memref<8192xf32, #tpu.memory_space<vmem>>, vector<16xf32>,
    %swap3A_383 = arith.constant 3040 : index
    %swap3A_384 = tpu.vector_load %arg11[%swap3A_383] {strides = array<i32>} : memref<8192xf32, #tpu.memory_space<vmem>>, vector<16xf32>,
    tpu.vector_store %arg11[%swap3A_383], %broadcast_in_dim3A_3 {strides = array<i32>} : memref<8192xf32, #tpu.memory_space<vmem>>, vector<16xf32>,
    %swap3A_385 = arith.constant 3056 : index
    %swap3A_386 = tpu.vector_load %arg11[%swap3A_385] {strides = array<i32>} : memref<8192xf32, #tpu.memory_space<vmem>>, vector<16xf32>,
    tpu.vector_store %arg11[%swap3A_385], %broadcast_in_dim3A_3 {strides = array<i32>} : memref<8192xf32, #tpu.memory_space<vmem>>, vector<16xf32>,
    %swap3A_387 = arith.constant 3072 : index
    %swap3A_388 = tpu.vector_load %arg11[%swap3A_387] {strides = array<i32>} : memref<8192xf32, #tpu.memory_space<vmem>>, vector<16xf32>,
    tpu.vector_store %arg11[%swap3A_387], %broadcast_in_dim3A_3 {strides = array<i32>} : memref<8192xf32, #tpu.memory_space<vmem>>, vector<16xf32>,
    %swap3A_389 = arith.constant 3088 : index
    %swap3A_390 = tpu.vector_load %arg11[%swap3A_389] {strides = array<i32>} : memref<8192xf32, #tpu.memory_space<vmem>>, vector<16xf32>,
    tpu.vector_store %arg11[%swap3A_389], %broadcast_in_dim3A_3 {strides = array<i32>} : memref<8192xf32, #tpu.memory_space<vmem>>, vector<16xf32>,
    %swap3A_391 = arith.constant 3104 : index
    %swap3A_392 = tpu.vector_load %arg11[%swap3A_391] {strides = array<i32>} : memref<8192xf32, #tpu.memory_space<vmem>>, vector<16xf32>,
    tpu.vector_store %arg11[%swap3A_391], %broadcast_in_dim3A_3 {strides = array<i32>} : memref<8192xf32, #tpu.memory_space<vmem>>, vector<16xf32>,
    %swap3A_393 = arith.constant 3120 : index
    %swap3A_394 = tpu.vector_load %arg11[%swap3A_393] {strides = array<i32>} : memref<8192xf32, #tpu.memory_space<vmem>>, vector<16xf32>,
    tpu.vector_store %arg11[%swap3A_393], %broadcast_in_dim3A_3 {strides = array<i32>} : memref<8192xf32, #tpu.memory_space<vmem>>, vector<16xf32>,
    %swap3A_395 = arith.constant 3136 : index
    %swap3A_396 = tpu.vector_load %arg11[%swap3A_395] {strides = array<i32>} : memref<8192xf32, #tpu.memory_space<vmem>>, vector<16xf32>,
    tpu.vector_store %arg11[%swap3A_395], %broadcast_in_dim3A_3 {strides = array<i32>} : memref<8192xf32, #tpu.memory_space<vmem>>, vector<16xf32>,
    %swap3A_397 = arith.constant 3152 : index
    %swap3A_398 = tpu.vector_load %arg11[%swap3A_397] {strides = array<i32>} : memref<8192xf32, #tpu.memory_space<vmem>>, vector<16xf32>,
    tpu.vector_store %arg11[%swap3A_397], %broadcast_in_dim3A_3 {strides = array<i32>} : memref<8192xf32, #tpu.memory_space<vmem>>, vector<16xf32>,
    %swap3A_399 = arith.constant 3168 : index
    %swap3A_400 = tpu.vector_load %arg11[%swap3A_399] {strides = array<i32>} : memref<8192xf32, #tpu.memory_space<vmem>>, vector<16xf32>,
    tpu.vector_store %arg11[%swap3A_399], %broadcast_in_dim3A_3 {strides = array<i32>} : memref<8192xf32, #tpu.memory_space<vmem>>, vector<16xf32>,
    %swap3A_401 = arith.constant 3184 : index
    %swap3A_402 = tpu.vector_load %arg11[%swap3A_401] {strides = array<i32>} : memref<8192xf32, #tpu.memory_space<vmem>>, vector<16xf32>,
    tpu.vector_store %arg11[%swap3A_401], %broadcast_in_dim3A_3 {strides = array<i32>} : memref<8192xf32, #tpu.memory_space<vmem>>, vector<16xf32>,
    %swap3A_403 = arith.constant 3200 : index
    %swap3A_404 = tpu.vector_load %arg11[%swap3A_403] {strides = array<i32>} : memref<8192xf32, #tpu.memory_space<vmem>>, vector<16xf32>,
    tpu.vector_store %arg11[%swap3A_403], %broadcast_in_dim3A_3 {strides = array<i32>} : memref<8192xf32, #tpu.memory_space<vmem>>, vector<16xf32>,
    %swap3A_405 = arith.constant 3216 : index
    %swap3A_406 = tpu.vector_load %arg11[%swap3A_405] {strides = array<i32>} : memref<8192xf32, #tpu.memory_space<vmem>>, vector<16xf32>,
    tpu.vector_store %arg11[%swap3A_405], %broadcast_in_dim3A_3 {strides = array<i32>} : memref<8192xf32, #tpu.memory_space<vmem>>, vector<16xf32>,
    %swap3A_407 = arith.constant 3232 : index
    %swap3A_408 = tpu.vector_load %arg11[%swap3A_407] {strides = array<i32>} : memref<8192xf32, #tpu.memory_space<vmem>>, vector<16xf32>,
    tpu.vector_store %arg11[%swap3A_407], %broadcast_in_dim3A_3 {strides = array<i32>} : memref<8192xf32, #tpu.memory_space<vmem>>, vector<16xf32>,
    %swap3A_409 = arith.constant 3248 : index
    %swap3A_410 = tpu.vector_load %arg11[%swap3A_409] {strides = array<i32>} : memref<8192xf32, #tpu.memory_space<vmem>>, vector<16xf32>,
    tpu.vector_store %arg11[%swap3A_409], %broadcast_in_dim3A_3 {strides = array<i32>} : memref<8192xf32, #tpu.memory_space<vmem>>, vector<16xf32>,
    %swap3A_411 = arith.constant 3264 : index
    %swap3A_412 = tpu.vector_load %arg11[%swap3A_411] {strides = array<i32>} : memref<8192xf32, #tpu.memory_space<vmem>>, vector<16xf32>,
    tpu.vector_store %arg11[%swap3A_411], %broadcast_in_dim3A_3 {strides = array<i32>} : memref<8192xf32, #tpu.memory_space<vmem>>, vector<16xf32>,
    %swap3A_413 = arith.constant 3280 : index
    %swap3A_414 = tpu.vector_load %arg11[%swap3A_413] {strides = array<i32>} : memref<8192xf32, #tpu.memory_space<vmem>>, vector<16xf32>,
    tpu.vector_store %arg11[%swap3A_413], %broadcast_in_dim3A_3 {strides = array<i32>} : memref<8192xf32, #tpu.memory_space<vmem>>, vector<16xf32>,
    %swap3A_415 = arith.constant 3296 : index
    %swap3A_416 = tpu.vector_load %arg11[%swap3A_415] {strides = array<i32>} : memref<8192xf32, #tpu.memory_space<vmem>>, vector<16xf32>,
    tpu.vector_store %arg11[%swap3A_415], %broadcast_in_dim3A_3 {strides = array<i32>} : memref<8192xf32, #tpu.memory_space<vmem>>, vector<16xf32>,
    %swap3A_417 = arith.constant 3312 : index
    %swap3A_418 = tpu.vector_load %arg11[%swap3A_417] {strides = array<i32>} : memref<8192xf32, #tpu.memory_space<vmem>>, vector<16xf32>,
    tpu.vector_store %arg11[%swap3A_417], %broadcast_in_dim3A_3 {strides = array<i32>} : memref<8192xf32, #tpu.memory_space<vmem>>, vector<16xf32>,
    %swap3A_419 = arith.constant 3328 : index
    %swap3A_420 = tpu.vector_load %arg11[%swap3A_419] {strides = array<i32>} : memref<8192xf32, #tpu.memory_space<vmem>>, vector<16xf32>,
    tpu.vector_store %arg11[%swap3A_419], %broadcast_in_dim3A_3 {strides = array<i32>} : memref<8192xf32, #tpu.memory_space<vmem>>, vector<16xf32>,
    %swap3A_421 = arith.constant 3344 : index
    %swap3A_422 = tpu.vector_load %arg11[%swap3A_421] {strides = array<i32>} : memref<8192xf32, #tpu.memory_space<vmem>>, vector<16xf32>,
    tpu.vector_store %arg11[%swap3A_421], %broadcast_in_dim3A_3 {strides = array<i32>} : memref<8192xf32, #tpu.memory_space<vmem>>, vector<16xf32>,
    %swap3A_423 = arith.constant 3360 : index
    %swap3A_424 = tpu.vector_load %arg11[%swap3A_423] {strides = array<i32>} : memref<8192xf32, #tpu.memory_space<vmem>>, vector<16xf32>,
    tpu.vector_store %arg11[%swap3A_423], %broadcast_in_dim3A_3 {strides = array<i32>} : memref<8192xf32, #tpu.memory_space<vmem>>, vector<16xf32>,
    %swap3A_425 = arith.constant 3376 : index
    %swap3A_426 = tpu.vector_load %arg11[%swap3A_425] {strides = array<i32>} : memref<8192xf32, #tpu.memory_space<vmem>>, vector<16xf32>,
    tpu.vector_store %arg11[%swap3A_425], %broadcast_in_dim3A_3 {strides = array<i32>} : memref<8192xf32, #tpu.memory_space<vmem>>, vector<16xf32>,
    %swap3A_427 = arith.constant 3392 : index
    %swap3A_428 = tpu.vector_load %arg11[%swap3A_427] {strides = array<i32>} : memref<8192xf32, #tpu.memory_space<vmem>>, vector<16xf32>,
    tpu.vector_store %arg11[%swap3A_427], %broadcast_in_dim3A_3 {strides = array<i32>} : memref<8192xf32, #tpu.memory_space<vmem>>, vector<16xf32>,
    %swap3A_429 = arith.constant 3408 : index
    %swap3A_430 = tpu.vector_load %arg11[%swap3A_429] {strides = array<i32>} : memref<8192xf32, #tpu.memory_space<vmem>>, vector<16xf32>,
    tpu.vector_store %arg11[%swap3A_429], %broadcast_in_dim3A_3 {strides = array<i32>} : memref<8192xf32, #tpu.memory_space<vmem>>, vector<16xf32>,
    %swap3A_431 = arith.constant 3424 : index
    %swap3A_432 = tpu.vector_load %arg11[%swap3A_431] {strides = array<i32>} : memref<8192xf32, #tpu.memory_space<vmem>>, vector<16xf32>,
    tpu.vector_store %arg11[%swap3A_431], %broadcast_in_dim3A_3 {strides = array<i32>} : memref<8192xf32, #tpu.memory_space<vmem>>, vector<16xf32>,
    %swap3A_433 = arith.constant 3440 : index
    %swap3A_434 = tpu.vector_load %arg11[%swap3A_433] {strides = array<i32>} : memref<8192xf32, #tpu.memory_space<vmem>>, vector<16xf32>,
    tpu.vector_store %arg11[%swap3A_433], %broadcast_in_dim3A_3 {strides = array<i32>} : memref<8192xf32, #tpu.memory_space<vmem>>, vector<16xf32>,
    %swap3A_435 = arith.constant 3456 : index
    %swap3A_436 = tpu.vector_load %arg11[%swap3A_435] {strides = array<i32>} : memref<8192xf32, #tpu.memory_space<vmem>>, vector<16xf32>,
    tpu.vector_store %arg11[%swap3A_435], %broadcast_in_dim3A_3 {strides = array<i32>} : memref<8192xf32, #tpu.memory_space<vmem>>, vector<16xf32>,
    %swap3A_437 = arith.constant 3472 : index
    %swap3A_438 = tpu.vector_load %arg11[%swap3A_437] {strides = array<i32>} : memref<8192xf32, #tpu.memory_space<vmem>>, vector<16xf32>,
    tpu.vector_store %arg11[%swap3A_437], %broadcast_in_dim3A_3 {strides = array<i32>} : memref<8192xf32, #tpu.memory_space<vmem>>, vector<16xf32>,
    %swap3A_439 = arith.constant 3488 : index
    %swap3A_440 = tpu.vector_load %arg11[%swap3A_439] {strides = array<i32>} : memref<8192xf32, #tpu.memory_space<vmem>>, vector<16xf32>,
    tpu.vector_store %arg11[%swap3A_439], %broadcast_in_dim3A_3 {strides = array<i32>} : memref<8192xf32, #tpu.memory_space<vmem>>, vector<16xf32>,
    %swap3A_441 = arith.constant 3504 : index
    %swap3A_442 = tpu.vector_load %arg11[%swap3A_441] {strides = array<i32>} : memref<8192xf32, #tpu.memory_space<vmem>>, vector<16xf32>,
    tpu.vector_store %arg11[%swap3A_441], %broadcast_in_dim3A_3 {strides = array<i32>} : memref<8192xf32, #tpu.memory_space<vmem>>, vector<16xf32>,
    %swap3A_443 = arith.constant 3520 : index
    %swap3A_444 = tpu.vector_load %arg11[%swap3A_443] {strides = array<i32>} : memref<8192xf32, #tpu.memory_space<vmem>>, vector<16xf32>,
    tpu.vector_store %arg11[%swap3A_443], %broadcast_in_dim3A_3 {strides = array<i32>} : memref<8192xf32, #tpu.memory_space<vmem>>, vector<16xf32>,
    %swap3A_445 = arith.constant 3536 : index
    %swap3A_446 = tpu.vector_load %arg11[%swap3A_445] {strides = array<i32>} : memref<8192xf32, #tpu.memory_space<vmem>>, vector<16xf32>,
    tpu.vector_store %arg11[%swap3A_445], %broadcast_in_dim3A_3 {strides = array<i32>} : memref<8192xf32, #tpu.memory_space<vmem>>, vector<16xf32>,
    %swap3A_447 = arith.constant 3552 : index
    %swap3A_448 = tpu.vector_load %arg11[%swap3A_447] {strides = array<i32>} : memref<8192xf32, #tpu.memory_space<vmem>>, vector<16xf32>,
    tpu.vector_store %arg11[%swap3A_447], %broadcast_in_dim3A_3 {strides = array<i32>} : memref<8192xf32, #tpu.memory_space<vmem>>, vector<16xf32>,
    %swap3A_449 = arith.constant 3568 : index
    %swap3A_450 = tpu.vector_load %arg11[%swap3A_449] {strides = array<i32>} : memref<8192xf32, #tpu.memory_space<vmem>>, vector<16xf32>,
    tpu.vector_store %arg11[%swap3A_449], %broadcast_in_dim3A_3 {strides = array<i32>} : memref<8192xf32, #tpu.memory_space<vmem>>, vector<16xf32>,
    %swap3A_451 = arith.constant 3584 : index
    %swap3A_452 = tpu.vector_load %arg11[%swap3A_451] {strides = array<i32>} : memref<8192xf32, #tpu.memory_space<vmem>>, vector<16xf32>,
    tpu.vector_store %arg11[%swap3A_451], %broadcast_in_dim3A_3 {strides = array<i32>} : memref<8192xf32, #tpu.memory_space<vmem>>, vector<16xf32>,
    %swap3A_453 = arith.constant 3600 : index
    %swap3A_454 = tpu.vector_load %arg11[%swap3A_453] {strides = array<i32>} : memref<8192xf32, #tpu.memory_space<vmem>>, vector<16xf32>,
    tpu.vector_store %arg11[%swap3A_453], %broadcast_in_dim3A_3 {strides = array<i32>} : memref<8192xf32, #tpu.memory_space<vmem>>, vector<16xf32>,
    %swap3A_455 = arith.constant 3616 : index
    %swap3A_456 = tpu.vector_load %arg11[%swap3A_455] {strides = array<i32>} : memref<8192xf32, #tpu.memory_space<vmem>>, vector<16xf32>,
    tpu.vector_store %arg11[%swap3A_455], %broadcast_in_dim3A_3 {strides = array<i32>} : memref<8192xf32, #tpu.memory_space<vmem>>, vector<16xf32>,
    %swap3A_457 = arith.constant 3632 : index
    %swap3A_458 = tpu.vector_load %arg11[%swap3A_457] {strides = array<i32>} : memref<8192xf32, #tpu.memory_space<vmem>>, vector<16xf32>,
    tpu.vector_store %arg11[%swap3A_457], %broadcast_in_dim3A_3 {strides = array<i32>} : memref<8192xf32, #tpu.memory_space<vmem>>, vector<16xf32>,
    %swap3A_459 = arith.constant 3648 : index
    %swap3A_460 = tpu.vector_load %arg11[%swap3A_459] {strides = array<i32>} : memref<8192xf32, #tpu.memory_space<vmem>>, vector<16xf32>,
    tpu.vector_store %arg11[%swap3A_459], %broadcast_in_dim3A_3 {strides = array<i32>} : memref<8192xf32, #tpu.memory_space<vmem>>, vector<16xf32>,
    %swap3A_461 = arith.constant 3664 : index
    %swap3A_462 = tpu.vector_load %arg11[%swap3A_461] {strides = array<i32>} : memref<8192xf32, #tpu.memory_space<vmem>>, vector<16xf32>,
    tpu.vector_store %arg11[%swap3A_461], %broadcast_in_dim3A_3 {strides = array<i32>} : memref<8192xf32, #tpu.memory_space<vmem>>, vector<16xf32>,
    %swap3A_463 = arith.constant 3680 : index
    %swap3A_464 = tpu.vector_load %arg11[%swap3A_463] {strides = array<i32>} : memref<8192xf32, #tpu.memory_space<vmem>>, vector<16xf32>,
    tpu.vector_store %arg11[%swap3A_463], %broadcast_in_dim3A_3 {strides = array<i32>} : memref<8192xf32, #tpu.memory_space<vmem>>, vector<16xf32>,
    %swap3A_465 = arith.constant 3696 : index
    %swap3A_466 = tpu.vector_load %arg11[%swap3A_465] {strides = array<i32>} : memref<8192xf32, #tpu.memory_space<vmem>>, vector<16xf32>,
    tpu.vector_store %arg11[%swap3A_465], %broadcast_in_dim3A_3 {strides = array<i32>} : memref<8192xf32, #tpu.memory_space<vmem>>, vector<16xf32>,
    %swap3A_467 = arith.constant 3712 : index
    %swap3A_468 = tpu.vector_load %arg11[%swap3A_467] {strides = array<i32>} : memref<8192xf32, #tpu.memory_space<vmem>>, vector<16xf32>,
    tpu.vector_store %arg11[%swap3A_467], %broadcast_in_dim3A_3 {strides = array<i32>} : memref<8192xf32, #tpu.memory_space<vmem>>, vector<16xf32>,
    %swap3A_469 = arith.constant 3728 : index
    %swap3A_470 = tpu.vector_load %arg11[%swap3A_469] {strides = array<i32>} : memref<8192xf32, #tpu.memory_space<vmem>>, vector<16xf32>,
    tpu.vector_store %arg11[%swap3A_469], %broadcast_in_dim3A_3 {strides = array<i32>} : memref<8192xf32, #tpu.memory_space<vmem>>, vector<16xf32>,
    %swap3A_471 = arith.constant 3744 : index
    %swap3A_472 = tpu.vector_load %arg11[%swap3A_471] {strides = array<i32>} : memref<8192xf32, #tpu.memory_space<vmem>>, vector<16xf32>,
    tpu.vector_store %arg11[%swap3A_471], %broadcast_in_dim3A_3 {strides = array<i32>} : memref<8192xf32, #tpu.memory_space<vmem>>, vector<16xf32>,
    %swap3A_473 = arith.constant 3760 : index
    %swap3A_474 = tpu.vector_load %arg11[%swap3A_473] {strides = array<i32>} : memref<8192xf32, #tpu.memory_space<vmem>>, vector<16xf32>,
    tpu.vector_store %arg11[%swap3A_473], %broadcast_in_dim3A_3 {strides = array<i32>} : memref<8192xf32, #tpu.memory_space<vmem>>, vector<16xf32>,
    %swap3A_475 = arith.constant 3776 : index
    %swap3A_476 = tpu.vector_load %arg11[%swap3A_475] {strides = array<i32>} : memref<8192xf32, #tpu.memory_space<vmem>>, vector<16xf32>,
    tpu.vector_store %arg11[%swap3A_475], %broadcast_in_dim3A_3 {strides = array<i32>} : memref<8192xf32, #tpu.memory_space<vmem>>, vector<16xf32>,
    %swap3A_477 = arith.constant 3792 : index
    %swap3A_478 = tpu.vector_load %arg11[%swap3A_477] {strides = array<i32>} : memref<8192xf32, #tpu.memory_space<vmem>>, vector<16xf32>,
    tpu.vector_store %arg11[%swap3A_477], %broadcast_in_dim3A_3 {strides = array<i32>} : memref<8192xf32, #tpu.memory_space<vmem>>, vector<16xf32>,
    %swap3A_479 = arith.constant 3808 : index
    %swap3A_480 = tpu.vector_load %arg11[%swap3A_479] {strides = array<i32>} : memref<8192xf32, #tpu.memory_space<vmem>>, vector<16xf32>,
    tpu.vector_store %arg11[%swap3A_479], %broadcast_in_dim3A_3 {strides = array<i32>} : memref<8192xf32, #tpu.memory_space<vmem>>, vector<16xf32>,
    %swap3A_481 = arith.constant 3824 : index
    %swap3A_482 = tpu.vector_load %arg11[%swap3A_481] {strides = array<i32>} : memref<8192xf32, #tpu.memory_space<vmem>>, vector<16xf32>,
    tpu.vector_store %arg11[%swap3A_481], %broadcast_in_dim3A_3 {strides = array<i32>} : memref<8192xf32, #tpu.memory_space<vmem>>, vector<16xf32>,
    %swap3A_483 = arith.constant 3840 : index
    %swap3A_484 = tpu.vector_load %arg11[%swap3A_483] {strides = array<i32>} : memref<8192xf32, #tpu.memory_space<vmem>>, vector<16xf32>,
    tpu.vector_store %arg11[%swap3A_483], %broadcast_in_dim3A_3 {strides = array<i32>} : memref<8192xf32, #tpu.memory_space<vmem>>, vector<16xf32>,
    %swap3A_485 = arith.constant 3856 : index
    %swap3A_486 = tpu.vector_load %arg11[%swap3A_485] {strides = array<i32>} : memref<8192xf32, #tpu.memory_space<vmem>>, vector<16xf32>,
    tpu.vector_store %arg11[%swap3A_485], %broadcast_in_dim3A_3 {strides = array<i32>} : memref<8192xf32, #tpu.memory_space<vmem>>, vector<16xf32>,
    %swap3A_487 = arith.constant 3872 : index
    %swap3A_488 = tpu.vector_load %arg11[%swap3A_487] {strides = array<i32>} : memref<8192xf32, #tpu.memory_space<vmem>>, vector<16xf32>,
    tpu.vector_store %arg11[%swap3A_487], %broadcast_in_dim3A_3 {strides = array<i32>} : memref<8192xf32, #tpu.memory_space<vmem>>, vector<16xf32>,
    %swap3A_489 = arith.constant 3888 : index
    %swap3A_490 = tpu.vector_load %arg11[%swap3A_489] {strides = array<i32>} : memref<8192xf32, #tpu.memory_space<vmem>>, vector<16xf32>,
    tpu.vector_store %arg11[%swap3A_489], %broadcast_in_dim3A_3 {strides = array<i32>} : memref<8192xf32, #tpu.memory_space<vmem>>, vector<16xf32>,
    %swap3A_491 = arith.constant 3904 : index
    %swap3A_492 = tpu.vector_load %arg11[%swap3A_491] {strides = array<i32>} : memref<8192xf32, #tpu.memory_space<vmem>>, vector<16xf32>,
    tpu.vector_store %arg11[%swap3A_491], %broadcast_in_dim3A_3 {strides = array<i32>} : memref<8192xf32, #tpu.memory_space<vmem>>, vector<16xf32>,
    %swap3A_493 = arith.constant 3920 : index
    %swap3A_494 = tpu.vector_load %arg11[%swap3A_493] {strides = array<i32>} : memref<8192xf32, #tpu.memory_space<vmem>>, vector<16xf32>,
    tpu.vector_store %arg11[%swap3A_493], %broadcast_in_dim3A_3 {strides = array<i32>} : memref<8192xf32, #tpu.memory_space<vmem>>, vector<16xf32>,
    %swap3A_495 = arith.constant 3936 : index
    %swap3A_496 = tpu.vector_load %arg11[%swap3A_495] {strides = array<i32>} : memref<8192xf32, #tpu.memory_space<vmem>>, vector<16xf32>,
    tpu.vector_store %arg11[%swap3A_495], %broadcast_in_dim3A_3 {strides = array<i32>} : memref<8192xf32, #tpu.memory_space<vmem>>, vector<16xf32>,
    %swap3A_497 = arith.constant 3952 : index
    %swap3A_498 = tpu.vector_load %arg11[%swap3A_497] {strides = array<i32>} : memref<8192xf32, #tpu.memory_space<vmem>>, vector<16xf32>,
    tpu.vector_store %arg11[%swap3A_497], %broadcast_in_dim3A_3 {strides = array<i32>} : memref<8192xf32, #tpu.memory_space<vmem>>, vector<16xf32>,
    %swap3A_499 = arith.constant 3968 : index
    %swap3A_500 = tpu.vector_load %arg11[%swap3A_499] {strides = array<i32>} : memref<8192xf32, #tpu.memory_space<vmem>>, vector<16xf32>,
    tpu.vector_store %arg11[%swap3A_499], %broadcast_in_dim3A_3 {strides = array<i32>} : memref<8192xf32, #tpu.memory_space<vmem>>, vector<16xf32>,
    %swap3A_501 = arith.constant 3984 : index
    %swap3A_502 = tpu.vector_load %arg11[%swap3A_501] {strides = array<i32>} : memref<8192xf32, #tpu.memory_space<vmem>>, vector<16xf32>,
    tpu.vector_store %arg11[%swap3A_501], %broadcast_in_dim3A_3 {strides = array<i32>} : memref<8192xf32, #tpu.memory_space<vmem>>, vector<16xf32>,
    %swap3A_503 = arith.constant 4000 : index
    %swap3A_504 = tpu.vector_load %arg11[%swap3A_503] {strides = array<i32>} : memref<8192xf32, #tpu.memory_space<vmem>>, vector<16xf32>,
    tpu.vector_store %arg11[%swap3A_503], %broadcast_in_dim3A_3 {strides = array<i32>} : memref<8192xf32, #tpu.memory_space<vmem>>, vector<16xf32>,
    %swap3A_505 = arith.constant 4016 : index
    %swap3A_506 = tpu.vector_load %arg11[%swap3A_505] {strides = array<i32>} : memref<8192xf32, #tpu.memory_space<vmem>>, vector<16xf32>,
    tpu.vector_store %arg11[%swap3A_505], %broadcast_in_dim3A_3 {strides = array<i32>} : memref<8192xf32, #tpu.memory_space<vmem>>, vector<16xf32>,
    %swap3A_507 = arith.constant 4032 : index
    %swap3A_508 = tpu.vector_load %arg11[%swap3A_507] {strides = array<i32>} : memref<8192xf32, #tpu.memory_space<vmem>>, vector<16xf32>,
    tpu.vector_store %arg11[%swap3A_507], %broadcast_in_dim3A_3 {strides = array<i32>} : memref<8192xf32, #tpu.memory_space<vmem>>, vector<16xf32>,
    %swap3A_509 = arith.constant 4048 : index
    %swap3A_510 = tpu.vector_load %arg11[%swap3A_509] {strides = array<i32>} : memref<8192xf32, #tpu.memory_space<vmem>>, vector<16xf32>,
    tpu.vector_store %arg11[%swap3A_509], %broadcast_in_dim3A_3 {strides = array<i32>} : memref<8192xf32, #tpu.memory_space<vmem>>, vector<16xf32>,
    %swap3A_511 = arith.constant 4064 : index
    %swap3A_512 = tpu.vector_load %arg11[%swap3A_511] {strides = array<i32>} : memref<8192xf32, #tpu.memory_space<vmem>>, vector<16xf32>,
    tpu.vector_store %arg11[%swap3A_511], %broadcast_in_dim3A_3 {strides = array<i32>} : memref<8192xf32, #tpu.memory_space<vmem>>, vector<16xf32>,
    %swap3A_513 = arith.constant 4080 : index
    %swap3A_514 = tpu.vector_load %arg11[%swap3A_513] {strides = array<i32>} : memref<8192xf32, #tpu.memory_space<vmem>>, vector<16xf32>,
    tpu.vector_store %arg11[%swap3A_513], %broadcast_in_dim3A_3 {strides = array<i32>} : memref<8192xf32, #tpu.memory_space<vmem>>, vector<16xf32>,
    %swap3A_515 = arith.constant 4096 : index
    %swap3A_516 = tpu.vector_load %arg11[%swap3A_515] {strides = array<i32>} : memref<8192xf32, #tpu.memory_space<vmem>>, vector<16xf32>,
    tpu.vector_store %arg11[%swap3A_515], %broadcast_in_dim3A_3 {strides = array<i32>} : memref<8192xf32, #tpu.memory_space<vmem>>, vector<16xf32>,
    %swap3A_517 = arith.constant 4112 : index
    %swap3A_518 = tpu.vector_load %arg11[%swap3A_517] {strides = array<i32>} : memref<8192xf32, #tpu.memory_space<vmem>>, vector<16xf32>,
    tpu.vector_store %arg11[%swap3A_517], %broadcast_in_dim3A_3 {strides = array<i32>} : memref<8192xf32, #tpu.memory_space<vmem>>, vector<16xf32>,
    %swap3A_519 = arith.constant 4128 : index
    %swap3A_520 = tpu.vector_load %arg11[%swap3A_519] {strides = array<i32>} : memref<8192xf32, #tpu.memory_space<vmem>>, vector<16xf32>,
    tpu.vector_store %arg11[%swap3A_519], %broadcast_in_dim3A_3 {strides = array<i32>} : memref<8192xf32, #tpu.memory_space<vmem>>, vector<16xf32>,
    %swap3A_521 = arith.constant 4144 : index
    %swap3A_522 = tpu.vector_load %arg11[%swap3A_521] {strides = array<i32>} : memref<8192xf32, #tpu.memory_space<vmem>>, vector<16xf32>,
    tpu.vector_store %arg11[%swap3A_521], %broadcast_in_dim3A_3 {strides = array<i32>} : memref<8192xf32, #tpu.memory_space<vmem>>, vector<16xf32>,
    %swap3A_523 = arith.constant 4160 : index
    %swap3A_524 = tpu.vector_load %arg11[%swap3A_523] {strides = array<i32>} : memref<8192xf32, #tpu.memory_space<vmem>>, vector<16xf32>,
    tpu.vector_store %arg11[%swap3A_523], %broadcast_in_dim3A_3 {strides = array<i32>} : memref<8192xf32, #tpu.memory_space<vmem>>, vector<16xf32>,
    %swap3A_525 = arith.constant 4176 : index
    %swap3A_526 = tpu.vector_load %arg11[%swap3A_525] {strides = array<i32>} : memref<8192xf32, #tpu.memory_space<vmem>>, vector<16xf32>,
    tpu.vector_store %arg11[%swap3A_525], %broadcast_in_dim3A_3 {strides = array<i32>} : memref<8192xf32, #tpu.memory_space<vmem>>, vector<16xf32>,
    %swap3A_527 = arith.constant 4192 : index
    %swap3A_528 = tpu.vector_load %arg11[%swap3A_527] {strides = array<i32>} : memref<8192xf32, #tpu.memory_space<vmem>>, vector<16xf32>,
    tpu.vector_store %arg11[%swap3A_527], %broadcast_in_dim3A_3 {strides = array<i32>} : memref<8192xf32, #tpu.memory_space<vmem>>, vector<16xf32>,
    %swap3A_529 = arith.constant 4208 : index
    %swap3A_530 = tpu.vector_load %arg11[%swap3A_529] {strides = array<i32>} : memref<8192xf32, #tpu.memory_space<vmem>>, vector<16xf32>,
    tpu.vector_store %arg11[%swap3A_529], %broadcast_in_dim3A_3 {strides = array<i32>} : memref<8192xf32, #tpu.memory_space<vmem>>, vector<16xf32>,
    %swap3A_531 = arith.constant 4224 : index
    %swap3A_532 = tpu.vector_load %arg11[%swap3A_531] {strides = array<i32>} : memref<8192xf32, #tpu.memory_space<vmem>>, vector<16xf32>,
    tpu.vector_store %arg11[%swap3A_531], %broadcast_in_dim3A_3 {strides = array<i32>} : memref<8192xf32, #tpu.memory_space<vmem>>, vector<16xf32>,
    %swap3A_533 = arith.constant 4240 : index
    %swap3A_534 = tpu.vector_load %arg11[%swap3A_533] {strides = array<i32>} : memref<8192xf32, #tpu.memory_space<vmem>>, vector<16xf32>,
    tpu.vector_store %arg11[%swap3A_533], %broadcast_in_dim3A_3 {strides = array<i32>} : memref<8192xf32, #tpu.memory_space<vmem>>, vector<16xf32>,
    %swap3A_535 = arith.constant 4256 : index
    %swap3A_536 = tpu.vector_load %arg11[%swap3A_535] {strides = array<i32>} : memref<8192xf32, #tpu.memory_space<vmem>>, vector<16xf32>,
    tpu.vector_store %arg11[%swap3A_535], %broadcast_in_dim3A_3 {strides = array<i32>} : memref<8192xf32, #tpu.memory_space<vmem>>, vector<16xf32>,
    %swap3A_537 = arith.constant 4272 : index
    %swap3A_538 = tpu.vector_load %arg11[%swap3A_537] {strides = array<i32>} : memref<8192xf32, #tpu.memory_space<vmem>>, vector<16xf32>,
    tpu.vector_store %arg11[%swap3A_537], %broadcast_in_dim3A_3 {strides = array<i32>} : memref<8192xf32, #tpu.memory_space<vmem>>, vector<16xf32>,
    %swap3A_539 = arith.constant 4288 : index
    %swap3A_540 = tpu.vector_load %arg11[%swap3A_539] {strides = array<i32>} : memref<8192xf32, #tpu.memory_space<vmem>>, vector<16xf32>,
    tpu.vector_store %arg11[%swap3A_539], %broadcast_in_dim3A_3 {strides = array<i32>} : memref<8192xf32, #tpu.memory_space<vmem>>, vector<16xf32>,
    %swap3A_541 = arith.constant 4304 : index
    %swap3A_542 = tpu.vector_load %arg11[%swap3A_541] {strides = array<i32>} : memref<8192xf32, #tpu.memory_space<vmem>>, vector<16xf32>,
    tpu.vector_store %arg11[%swap3A_541], %broadcast_in_dim3A_3 {strides = array<i32>} : memref<8192xf32, #tpu.memory_space<vmem>>, vector<16xf32>,
    %swap3A_543 = arith.constant 4320 : index
    %swap3A_544 = tpu.vector_load %arg11[%swap3A_543] {strides = array<i32>} : memref<8192xf32, #tpu.memory_space<vmem>>, vector<16xf32>,
    tpu.vector_store %arg11[%swap3A_543], %broadcast_in_dim3A_3 {strides = array<i32>} : memref<8192xf32, #tpu.memory_space<vmem>>, vector<16xf32>,
    %swap3A_545 = arith.constant 4336 : index
    %swap3A_546 = tpu.vector_load %arg11[%swap3A_545] {strides = array<i32>} : memref<8192xf32, #tpu.memory_space<vmem>>, vector<16xf32>,
    tpu.vector_store %arg11[%swap3A_545], %broadcast_in_dim3A_3 {strides = array<i32>} : memref<8192xf32, #tpu.memory_space<vmem>>, vector<16xf32>,
    %swap3A_547 = arith.constant 4352 : index
    %swap3A_548 = tpu.vector_load %arg11[%swap3A_547] {strides = array<i32>} : memref<8192xf32, #tpu.memory_space<vmem>>, vector<16xf32>,
    tpu.vector_store %arg11[%swap3A_547], %broadcast_in_dim3A_3 {strides = array<i32>} : memref<8192xf32, #tpu.memory_space<vmem>>, vector<16xf32>,
    %swap3A_549 = arith.constant 4368 : index
    %swap3A_550 = tpu.vector_load %arg11[%swap3A_549] {strides = array<i32>} : memref<8192xf32, #tpu.memory_space<vmem>>, vector<16xf32>,
    tpu.vector_store %arg11[%swap3A_549], %broadcast_in_dim3A_3 {strides = array<i32>} : memref<8192xf32, #tpu.memory_space<vmem>>, vector<16xf32>,
    %swap3A_551 = arith.constant 4384 : index
    %swap3A_552 = tpu.vector_load %arg11[%swap3A_551] {strides = array<i32>} : memref<8192xf32, #tpu.memory_space<vmem>>, vector<16xf32>,
    tpu.vector_store %arg11[%swap3A_551], %broadcast_in_dim3A_3 {strides = array<i32>} : memref<8192xf32, #tpu.memory_space<vmem>>, vector<16xf32>,
    %swap3A_553 = arith.constant 4400 : index
    %swap3A_554 = tpu.vector_load %arg11[%swap3A_553] {strides = array<i32>} : memref<8192xf32, #tpu.memory_space<vmem>>, vector<16xf32>,
    tpu.vector_store %arg11[%swap3A_553], %broadcast_in_dim3A_3 {strides = array<i32>} : memref<8192xf32, #tpu.memory_space<vmem>>, vector<16xf32>,
    %swap3A_555 = arith.constant 4416 : index
    %swap3A_556 = tpu.vector_load %arg11[%swap3A_555] {strides = array<i32>} : memref<8192xf32, #tpu.memory_space<vmem>>, vector<16xf32>,
    tpu.vector_store %arg11[%swap3A_555], %broadcast_in_dim3A_3 {strides = array<i32>} : memref<8192xf32, #tpu.memory_space<vmem>>, vector<16xf32>,
    %swap3A_557 = arith.constant 4432 : index
    %swap3A_558 = tpu.vector_load %arg11[%swap3A_557] {strides = array<i32>} : memref<8192xf32, #tpu.memory_space<vmem>>, vector<16xf32>,
    tpu.vector_store %arg11[%swap3A_557], %broadcast_in_dim3A_3 {strides = array<i32>} : memref<8192xf32, #tpu.memory_space<vmem>>, vector<16xf32>,
    %swap3A_559 = arith.constant 4448 : index
    %swap3A_560 = tpu.vector_load %arg11[%swap3A_559] {strides = array<i32>} : memref<8192xf32, #tpu.memory_space<vmem>>, vector<16xf32>,
    tpu.vector_store %arg11[%swap3A_559], %broadcast_in_dim3A_3 {strides = array<i32>} : memref<8192xf32, #tpu.memory_space<vmem>>, vector<16xf32>,
    %swap3A_561 = arith.constant 4464 : index
    %swap3A_562 = tpu.vector_load %arg11[%swap3A_561] {strides = array<i32>} : memref<8192xf32, #tpu.memory_space<vmem>>, vector<16xf32>,
    tpu.vector_store %arg11[%swap3A_561], %broadcast_in_dim3A_3 {strides = array<i32>} : memref<8192xf32, #tpu.memory_space<vmem>>, vector<16xf32>,
    %swap3A_563 = arith.constant 4480 : index
    %swap3A_564 = tpu.vector_load %arg11[%swap3A_563] {strides = array<i32>} : memref<8192xf32, #tpu.memory_space<vmem>>, vector<16xf32>,
    tpu.vector_store %arg11[%swap3A_563], %broadcast_in_dim3A_3 {strides = array<i32>} : memref<8192xf32, #tpu.memory_space<vmem>>, vector<16xf32>,
    %swap3A_565 = arith.constant 4496 : index
    %swap3A_566 = tpu.vector_load %arg11[%swap3A_565] {strides = array<i32>} : memref<8192xf32, #tpu.memory_space<vmem>>, vector<16xf32>,
    tpu.vector_store %arg11[%swap3A_565], %broadcast_in_dim3A_3 {strides = array<i32>} : memref<8192xf32, #tpu.memory_space<vmem>>, vector<16xf32>,
    %swap3A_567 = arith.constant 4512 : index
    %swap3A_568 = tpu.vector_load %arg11[%swap3A_567] {strides = array<i32>} : memref<8192xf32, #tpu.memory_space<vmem>>, vector<16xf32>,
    tpu.vector_store %arg11[%swap3A_567], %broadcast_in_dim3A_3 {strides = array<i32>} : memref<8192xf32, #tpu.memory_space<vmem>>, vector<16xf32>,
    %swap3A_569 = arith.constant 4528 : index
    %swap3A_570 = tpu.vector_load %arg11[%swap3A_569] {strides = array<i32>} : memref<8192xf32, #tpu.memory_space<vmem>>, vector<16xf32>,
    tpu.vector_store %arg11[%swap3A_569], %broadcast_in_dim3A_3 {strides = array<i32>} : memref<8192xf32, #tpu.memory_space<vmem>>, vector<16xf32>,
    %swap3A_571 = arith.constant 4544 : index
    %swap3A_572 = tpu.vector_load %arg11[%swap3A_571] {strides = array<i32>} : memref<8192xf32, #tpu.memory_space<vmem>>, vector<16xf32>,
    tpu.vector_store %arg11[%swap3A_571], %broadcast_in_dim3A_3 {strides = array<i32>} : memref<8192xf32, #tpu.memory_space<vmem>>, vector<16xf32>,
    %swap3A_573 = arith.constant 4560 : index
    %swap3A_574 = tpu.vector_load %arg11[%swap3A_573] {strides = array<i32>} : memref<8192xf32, #tpu.memory_space<vmem>>, vector<16xf32>,
    tpu.vector_store %arg11[%swap3A_573], %broadcast_in_dim3A_3 {strides = array<i32>} : memref<8192xf32, #tpu.memory_space<vmem>>, vector<16xf32>,
    %swap3A_575 = arith.constant 4576 : index
    %swap3A_576 = tpu.vector_load %arg11[%swap3A_575] {strides = array<i32>} : memref<8192xf32, #tpu.memory_space<vmem>>, vector<16xf32>,
    tpu.vector_store %arg11[%swap3A_575], %broadcast_in_dim3A_3 {strides = array<i32>} : memref<8192xf32, #tpu.memory_space<vmem>>, vector<16xf32>,
    %swap3A_577 = arith.constant 4592 : index
    %swap3A_578 = tpu.vector_load %arg11[%swap3A_577] {strides = array<i32>} : memref<8192xf32, #tpu.memory_space<vmem>>, vector<16xf32>,
    tpu.vector_store %arg11[%swap3A_577], %broadcast_in_dim3A_3 {strides = array<i32>} : memref<8192xf32, #tpu.memory_space<vmem>>, vector<16xf32>,
    %swap3A_579 = arith.constant 4608 : index
    %swap3A_580 = tpu.vector_load %arg11[%swap3A_579] {strides = array<i32>} : memref<8192xf32, #tpu.memory_space<vmem>>, vector<16xf32>,
    tpu.vector_store %arg11[%swap3A_579], %broadcast_in_dim3A_3 {strides = array<i32>} : memref<8192xf32, #tpu.memory_space<vmem>>, vector<16xf32>,
    %swap3A_581 = arith.constant 4624 : index
    %swap3A_582 = tpu.vector_load %arg11[%swap3A_581] {strides = array<i32>} : memref<8192xf32, #tpu.memory_space<vmem>>, vector<16xf32>,
    tpu.vector_store %arg11[%swap3A_581], %broadcast_in_dim3A_3 {strides = array<i32>} : memref<8192xf32, #tpu.memory_space<vmem>>, vector<16xf32>,
    %swap3A_583 = arith.constant 4640 : index
    %swap3A_584 = tpu.vector_load %arg11[%swap3A_583] {strides = array<i32>} : memref<8192xf32, #tpu.memory_space<vmem>>, vector<16xf32>,
    tpu.vector_store %arg11[%swap3A_583], %broadcast_in_dim3A_3 {strides = array<i32>} : memref<8192xf32, #tpu.memory_space<vmem>>, vector<16xf32>,
    %swap3A_585 = arith.constant 4656 : index
    %swap3A_586 = tpu.vector_load %arg11[%swap3A_585] {strides = array<i32>} : memref<8192xf32, #tpu.memory_space<vmem>>, vector<16xf32>,
    tpu.vector_store %arg11[%swap3A_585], %broadcast_in_dim3A_3 {strides = array<i32>} : memref<8192xf32, #tpu.memory_space<vmem>>, vector<16xf32>,
    %swap3A_587 = arith.constant 4672 : index
    %swap3A_588 = tpu.vector_load %arg11[%swap3A_587] {strides = array<i32>} : memref<8192xf32, #tpu.memory_space<vmem>>, vector<16xf32>,
    tpu.vector_store %arg11[%swap3A_587], %broadcast_in_dim3A_3 {strides = array<i32>} : memref<8192xf32, #tpu.memory_space<vmem>>, vector<16xf32>,
    %swap3A_589 = arith.constant 4688 : index
    %swap3A_590 = tpu.vector_load %arg11[%swap3A_589] {strides = array<i32>} : memref<8192xf32, #tpu.memory_space<vmem>>, vector<16xf32>,
    tpu.vector_store %arg11[%swap3A_589], %broadcast_in_dim3A_3 {strides = array<i32>} : memref<8192xf32, #tpu.memory_space<vmem>>, vector<16xf32>,
    %swap3A_591 = arith.constant 4704 : index
    %swap3A_592 = tpu.vector_load %arg11[%swap3A_591] {strides = array<i32>} : memref<8192xf32, #tpu.memory_space<vmem>>, vector<16xf32>,
    tpu.vector_store %arg11[%swap3A_591], %broadcast_in_dim3A_3 {strides = array<i32>} : memref<8192xf32, #tpu.memory_space<vmem>>, vector<16xf32>,
    %swap3A_593 = arith.constant 4720 : index
    %swap3A_594 = tpu.vector_load %arg11[%swap3A_593] {strides = array<i32>} : memref<8192xf32, #tpu.memory_space<vmem>>, vector<16xf32>,
    tpu.vector_store %arg11[%swap3A_593], %broadcast_in_dim3A_3 {strides = array<i32>} : memref<8192xf32, #tpu.memory_space<vmem>>, vector<16xf32>,
    %swap3A_595 = arith.constant 4736 : index
    %swap3A_596 = tpu.vector_load %arg11[%swap3A_595] {strides = array<i32>} : memref<8192xf32, #tpu.memory_space<vmem>>, vector<16xf32>,
    tpu.vector_store %arg11[%swap3A_595], %broadcast_in_dim3A_3 {strides = array<i32>} : memref<8192xf32, #tpu.memory_space<vmem>>, vector<16xf32>,
    %swap3A_597 = arith.constant 4752 : index
    %swap3A_598 = tpu.vector_load %arg11[%swap3A_597] {strides = array<i32>} : memref<8192xf32, #tpu.memory_space<vmem>>, vector<16xf32>,
    tpu.vector_store %arg11[%swap3A_597], %broadcast_in_dim3A_3 {strides = array<i32>} : memref<8192xf32, #tpu.memory_space<vmem>>, vector<16xf32>,
    %swap3A_599 = arith.constant 4768 : index
    %swap3A_600 = tpu.vector_load %arg11[%swap3A_599] {strides = array<i32>} : memref<8192xf32, #tpu.memory_space<vmem>>, vector<16xf32>,
    tpu.vector_store %arg11[%swap3A_599], %broadcast_in_dim3A_3 {strides = array<i32>} : memref<8192xf32, #tpu.memory_space<vmem>>, vector<16xf32>,
    %swap3A_601 = arith.constant 4784 : index
    %swap3A_602 = tpu.vector_load %arg11[%swap3A_601] {strides = array<i32>} : memref<8192xf32, #tpu.memory_space<vmem>>, vector<16xf32>,
    tpu.vector_store %arg11[%swap3A_601], %broadcast_in_dim3A_3 {strides = array<i32>} : memref<8192xf32, #tpu.memory_space<vmem>>, vector<16xf32>,
    %swap3A_603 = arith.constant 4800 : index
    %swap3A_604 = tpu.vector_load %arg11[%swap3A_603] {strides = array<i32>} : memref<8192xf32, #tpu.memory_space<vmem>>, vector<16xf32>,
    tpu.vector_store %arg11[%swap3A_603], %broadcast_in_dim3A_3 {strides = array<i32>} : memref<8192xf32, #tpu.memory_space<vmem>>, vector<16xf32>,
    %swap3A_605 = arith.constant 4816 : index
    %swap3A_606 = tpu.vector_load %arg11[%swap3A_605] {strides = array<i32>} : memref<8192xf32, #tpu.memory_space<vmem>>, vector<16xf32>,
    tpu.vector_store %arg11[%swap3A_605], %broadcast_in_dim3A_3 {strides = array<i32>} : memref<8192xf32, #tpu.memory_space<vmem>>, vector<16xf32>,
    %swap3A_607 = arith.constant 4832 : index
    %swap3A_608 = tpu.vector_load %arg11[%swap3A_607] {strides = array<i32>} : memref<8192xf32, #tpu.memory_space<vmem>>, vector<16xf32>,
    tpu.vector_store %arg11[%swap3A_607], %broadcast_in_dim3A_3 {strides = array<i32>} : memref<8192xf32, #tpu.memory_space<vmem>>, vector<16xf32>,
    %swap3A_609 = arith.constant 4848 : index
    %swap3A_610 = tpu.vector_load %arg11[%swap3A_609] {strides = array<i32>} : memref<8192xf32, #tpu.memory_space<vmem>>, vector<16xf32>,
    tpu.vector_store %arg11[%swap3A_609], %broadcast_in_dim3A_3 {strides = array<i32>} : memref<8192xf32, #tpu.memory_space<vmem>>, vector<16xf32>,
    %swap3A_611 = arith.constant 4864 : index
    %swap3A_612 = tpu.vector_load %arg11[%swap3A_611] {strides = array<i32>} : memref<8192xf32, #tpu.memory_space<vmem>>, vector<16xf32>,
    tpu.vector_store %arg11[%swap3A_611], %broadcast_in_dim3A_3 {strides = array<i32>} : memref<8192xf32, #tpu.memory_space<vmem>>, vector<16xf32>,
    %swap3A_613 = arith.constant 4880 : index
    %swap3A_614 = tpu.vector_load %arg11[%swap3A_613] {strides = array<i32>} : memref<8192xf32, #tpu.memory_space<vmem>>, vector<16xf32>,
    tpu.vector_store %arg11[%swap3A_613], %broadcast_in_dim3A_3 {strides = array<i32>} : memref<8192xf32, #tpu.memory_space<vmem>>, vector<16xf32>,
    %swap3A_615 = arith.constant 4896 : index
    %swap3A_616 = tpu.vector_load %arg11[%swap3A_615] {strides = array<i32>} : memref<8192xf32, #tpu.memory_space<vmem>>, vector<16xf32>,
    tpu.vector_store %arg11[%swap3A_615], %broadcast_in_dim3A_3 {strides = array<i32>} : memref<8192xf32, #tpu.memory_space<vmem>>, vector<16xf32>,
    %swap3A_617 = arith.constant 4912 : index
    %swap3A_618 = tpu.vector_load %arg11[%swap3A_617] {strides = array<i32>} : memref<8192xf32, #tpu.memory_space<vmem>>, vector<16xf32>,
    tpu.vector_store %arg11[%swap3A_617], %broadcast_in_dim3A_3 {strides = array<i32>} : memref<8192xf32, #tpu.memory_space<vmem>>, vector<16xf32>,
    %swap3A_619 = arith.constant 4928 : index
    %swap3A_620 = tpu.vector_load %arg11[%swap3A_619] {strides = array<i32>} : memref<8192xf32, #tpu.memory_space<vmem>>, vector<16xf32>,
    tpu.vector_store %arg11[%swap3A_619], %broadcast_in_dim3A_3 {strides = array<i32>} : memref<8192xf32, #tpu.memory_space<vmem>>, vector<16xf32>,
    %swap3A_621 = arith.constant 4944 : index
    %swap3A_622 = tpu.vector_load %arg11[%swap3A_621] {strides = array<i32>} : memref<8192xf32, #tpu.memory_space<vmem>>, vector<16xf32>,
    tpu.vector_store %arg11[%swap3A_621], %broadcast_in_dim3A_3 {strides = array<i32>} : memref<8192xf32, #tpu.memory_space<vmem>>, vector<16xf32>,
    %swap3A_623 = arith.constant 4960 : index
    %swap3A_624 = tpu.vector_load %arg11[%swap3A_623] {strides = array<i32>} : memref<8192xf32, #tpu.memory_space<vmem>>, vector<16xf32>,
    tpu.vector_store %arg11[%swap3A_623], %broadcast_in_dim3A_3 {strides = array<i32>} : memref<8192xf32, #tpu.memory_space<vmem>>, vector<16xf32>,
    %swap3A_625 = arith.constant 4976 : index
    %swap3A_626 = tpu.vector_load %arg11[%swap3A_625] {strides = array<i32>} : memref<8192xf32, #tpu.memory_space<vmem>>, vector<16xf32>,
    tpu.vector_store %arg11[%swap3A_625], %broadcast_in_dim3A_3 {strides = array<i32>} : memref<8192xf32, #tpu.memory_space<vmem>>, vector<16xf32>,
    %swap3A_627 = arith.constant 4992 : index
    %swap3A_628 = tpu.vector_load %arg11[%swap3A_627] {strides = array<i32>} : memref<8192xf32, #tpu.memory_space<vmem>>, vector<16xf32>,
    tpu.vector_store %arg11[%swap3A_627], %broadcast_in_dim3A_3 {strides = array<i32>} : memref<8192xf32, #tpu.memory_space<vmem>>, vector<16xf32>,
    %swap3A_629 = arith.constant 5008 : index
    %swap3A_630 = tpu.vector_load %arg11[%swap3A_629] {strides = array<i32>} : memref<8192xf32, #tpu.memory_space<vmem>>, vector<16xf32>,
    tpu.vector_store %arg11[%swap3A_629], %broadcast_in_dim3A_3 {strides = array<i32>} : memref<8192xf32, #tpu.memory_space<vmem>>, vector<16xf32>,
    %swap3A_631 = arith.constant 5024 : index
    %swap3A_632 = tpu.vector_load %arg11[%swap3A_631] {strides = array<i32>} : memref<8192xf32, #tpu.memory_space<vmem>>, vector<16xf32>,
    tpu.vector_store %arg11[%swap3A_631], %broadcast_in_dim3A_3 {strides = array<i32>} : memref<8192xf32, #tpu.memory_space<vmem>>, vector<16xf32>,
    %swap3A_633 = arith.constant 5040 : index
    %swap3A_634 = tpu.vector_load %arg11[%swap3A_633] {strides = array<i32>} : memref<8192xf32, #tpu.memory_space<vmem>>, vector<16xf32>,
    tpu.vector_store %arg11[%swap3A_633], %broadcast_in_dim3A_3 {strides = array<i32>} : memref<8192xf32, #tpu.memory_space<vmem>>, vector<16xf32>,
    %swap3A_635 = arith.constant 5056 : index
    %swap3A_636 = tpu.vector_load %arg11[%swap3A_635] {strides = array<i32>} : memref<8192xf32, #tpu.memory_space<vmem>>, vector<16xf32>,
    tpu.vector_store %arg11[%swap3A_635], %broadcast_in_dim3A_3 {strides = array<i32>} : memref<8192xf32, #tpu.memory_space<vmem>>, vector<16xf32>,
    %swap3A_637 = arith.constant 5072 : index
    %swap3A_638 = tpu.vector_load %arg11[%swap3A_637] {strides = array<i32>} : memref<8192xf32, #tpu.memory_space<vmem>>, vector<16xf32>,
    tpu.vector_store %arg11[%swap3A_637], %broadcast_in_dim3A_3 {strides = array<i32>} : memref<8192xf32, #tpu.memory_space<vmem>>, vector<16xf32>,
    %swap3A_639 = arith.constant 5088 : index
    %swap3A_640 = tpu.vector_load %arg11[%swap3A_639] {strides = array<i32>} : memref<8192xf32, #tpu.memory_space<vmem>>, vector<16xf32>,
    tpu.vector_store %arg11[%swap3A_639], %broadcast_in_dim3A_3 {strides = array<i32>} : memref<8192xf32, #tpu.memory_space<vmem>>, vector<16xf32>,
    %swap3A_641 = arith.constant 5104 : index
    %swap3A_642 = tpu.vector_load %arg11[%swap3A_641] {strides = array<i32>} : memref<8192xf32, #tpu.memory_space<vmem>>, vector<16xf32>,
    tpu.vector_store %arg11[%swap3A_641], %broadcast_in_dim3A_3 {strides = array<i32>} : memref<8192xf32, #tpu.memory_space<vmem>>, vector<16xf32>,
    %swap3A_643 = arith.constant 5120 : index
    %swap3A_644 = tpu.vector_load %arg11[%swap3A_643] {strides = array<i32>} : memref<8192xf32, #tpu.memory_space<vmem>>, vector<16xf32>,
    tpu.vector_store %arg11[%swap3A_643], %broadcast_in_dim3A_3 {strides = array<i32>} : memref<8192xf32, #tpu.memory_space<vmem>>, vector<16xf32>,
    %swap3A_645 = arith.constant 5136 : index
    %swap3A_646 = tpu.vector_load %arg11[%swap3A_645] {strides = array<i32>} : memref<8192xf32, #tpu.memory_space<vmem>>, vector<16xf32>,
    tpu.vector_store %arg11[%swap3A_645], %broadcast_in_dim3A_3 {strides = array<i32>} : memref<8192xf32, #tpu.memory_space<vmem>>, vector<16xf32>,
    %swap3A_647 = arith.constant 5152 : index
    %swap3A_648 = tpu.vector_load %arg11[%swap3A_647] {strides = array<i32>} : memref<8192xf32, #tpu.memory_space<vmem>>, vector<16xf32>,
    tpu.vector_store %arg11[%swap3A_647], %broadcast_in_dim3A_3 {strides = array<i32>} : memref<8192xf32, #tpu.memory_space<vmem>>, vector<16xf32>,
    %swap3A_649 = arith.constant 5168 : index
    %swap3A_650 = tpu.vector_load %arg11[%swap3A_649] {strides = array<i32>} : memref<8192xf32, #tpu.memory_space<vmem>>, vector<16xf32>,
    tpu.vector_store %arg11[%swap3A_649], %broadcast_in_dim3A_3 {strides = array<i32>} : memref<8192xf32, #tpu.memory_space<vmem>>, vector<16xf32>,
    %swap3A_651 = arith.constant 5184 : index
    %swap3A_652 = tpu.vector_load %arg11[%swap3A_651] {strides = array<i32>} : memref<8192xf32, #tpu.memory_space<vmem>>, vector<16xf32>,
    tpu.vector_store %arg11[%swap3A_651], %broadcast_in_dim3A_3 {strides = array<i32>} : memref<8192xf32, #tpu.memory_space<vmem>>, vector<16xf32>,
    %swap3A_653 = arith.constant 5200 : index
    %swap3A_654 = tpu.vector_load %arg11[%swap3A_653] {strides = array<i32>} : memref<8192xf32, #tpu.memory_space<vmem>>, vector<16xf32>,
    tpu.vector_store %arg11[%swap3A_653], %broadcast_in_dim3A_3 {strides = array<i32>} : memref<8192xf32, #tpu.memory_space<vmem>>, vector<16xf32>,
    %swap3A_655 = arith.constant 5216 : index
    %swap3A_656 = tpu.vector_load %arg11[%swap3A_655] {strides = array<i32>} : memref<8192xf32, #tpu.memory_space<vmem>>, vector<16xf32>,
    tpu.vector_store %arg11[%swap3A_655], %broadcast_in_dim3A_3 {strides = array<i32>} : memref<8192xf32, #tpu.memory_space<vmem>>, vector<16xf32>,
    %swap3A_657 = arith.constant 5232 : index
    %swap3A_658 = tpu.vector_load %arg11[%swap3A_657] {strides = array<i32>} : memref<8192xf32, #tpu.memory_space<vmem>>, vector<16xf32>,
    tpu.vector_store %arg11[%swap3A_657], %broadcast_in_dim3A_3 {strides = array<i32>} : memref<8192xf32, #tpu.memory_space<vmem>>, vector<16xf32>,
    %swap3A_659 = arith.constant 5248 : index
    %swap3A_660 = tpu.vector_load %arg11[%swap3A_659] {strides = array<i32>} : memref<8192xf32, #tpu.memory_space<vmem>>, vector<16xf32>,
    tpu.vector_store %arg11[%swap3A_659], %broadcast_in_dim3A_3 {strides = array<i32>} : memref<8192xf32, #tpu.memory_space<vmem>>, vector<16xf32>,
    %swap3A_661 = arith.constant 5264 : index
    %swap3A_662 = tpu.vector_load %arg11[%swap3A_661] {strides = array<i32>} : memref<8192xf32, #tpu.memory_space<vmem>>, vector<16xf32>,
    tpu.vector_store %arg11[%swap3A_661], %broadcast_in_dim3A_3 {strides = array<i32>} : memref<8192xf32, #tpu.memory_space<vmem>>, vector<16xf32>,
    %swap3A_663 = arith.constant 5280 : index
    %swap3A_664 = tpu.vector_load %arg11[%swap3A_663] {strides = array<i32>} : memref<8192xf32, #tpu.memory_space<vmem>>, vector<16xf32>,
    tpu.vector_store %arg11[%swap3A_663], %broadcast_in_dim3A_3 {strides = array<i32>} : memref<8192xf32, #tpu.memory_space<vmem>>, vector<16xf32>,
    %swap3A_665 = arith.constant 5296 : index
    %swap3A_666 = tpu.vector_load %arg11[%swap3A_665] {strides = array<i32>} : memref<8192xf32, #tpu.memory_space<vmem>>, vector<16xf32>,
    tpu.vector_store %arg11[%swap3A_665], %broadcast_in_dim3A_3 {strides = array<i32>} : memref<8192xf32, #tpu.memory_space<vmem>>, vector<16xf32>,
    %swap3A_667 = arith.constant 5312 : index
    %swap3A_668 = tpu.vector_load %arg11[%swap3A_667] {strides = array<i32>} : memref<8192xf32, #tpu.memory_space<vmem>>, vector<16xf32>,
    tpu.vector_store %arg11[%swap3A_667], %broadcast_in_dim3A_3 {strides = array<i32>} : memref<8192xf32, #tpu.memory_space<vmem>>, vector<16xf32>,
    %swap3A_669 = arith.constant 5328 : index
    %swap3A_670 = tpu.vector_load %arg11[%swap3A_669] {strides = array<i32>} : memref<8192xf32, #tpu.memory_space<vmem>>, vector<16xf32>,
    tpu.vector_store %arg11[%swap3A_669], %broadcast_in_dim3A_3 {strides = array<i32>} : memref<8192xf32, #tpu.memory_space<vmem>>, vector<16xf32>,
    %swap3A_671 = arith.constant 5344 : index
    %swap3A_672 = tpu.vector_load %arg11[%swap3A_671] {strides = array<i32>} : memref<8192xf32, #tpu.memory_space<vmem>>, vector<16xf32>,
    tpu.vector_store %arg11[%swap3A_671], %broadcast_in_dim3A_3 {strides = array<i32>} : memref<8192xf32, #tpu.memory_space<vmem>>, vector<16xf32>,
    %swap3A_673 = arith.constant 5360 : index
    %swap3A_674 = tpu.vector_load %arg11[%swap3A_673] {strides = array<i32>} : memref<8192xf32, #tpu.memory_space<vmem>>, vector<16xf32>,
    tpu.vector_store %arg11[%swap3A_673], %broadcast_in_dim3A_3 {strides = array<i32>} : memref<8192xf32, #tpu.memory_space<vmem>>, vector<16xf32>,
    %swap3A_675 = arith.constant 5376 : index
    %swap3A_676 = tpu.vector_load %arg11[%swap3A_675] {strides = array<i32>} : memref<8192xf32, #tpu.memory_space<vmem>>, vector<16xf32>,
    tpu.vector_store %arg11[%swap3A_675], %broadcast_in_dim3A_3 {strides = array<i32>} : memref<8192xf32, #tpu.memory_space<vmem>>, vector<16xf32>,
    %swap3A_677 = arith.constant 5392 : index
    %swap3A_678 = tpu.vector_load %arg11[%swap3A_677] {strides = array<i32>} : memref<8192xf32, #tpu.memory_space<vmem>>, vector<16xf32>,
    tpu.vector_store %arg11[%swap3A_677], %broadcast_in_dim3A_3 {strides = array<i32>} : memref<8192xf32, #tpu.memory_space<vmem>>, vector<16xf32>,
    %swap3A_679 = arith.constant 5408 : index
    %swap3A_680 = tpu.vector_load %arg11[%swap3A_679] {strides = array<i32>} : memref<8192xf32, #tpu.memory_space<vmem>>, vector<16xf32>,
    tpu.vector_store %arg11[%swap3A_679], %broadcast_in_dim3A_3 {strides = array<i32>} : memref<8192xf32, #tpu.memory_space<vmem>>, vector<16xf32>,
    %swap3A_681 = arith.constant 5424 : index
    %swap3A_682 = tpu.vector_load %arg11[%swap3A_681] {strides = array<i32>} : memref<8192xf32, #tpu.memory_space<vmem>>, vector<16xf32>,
    tpu.vector_store %arg11[%swap3A_681], %broadcast_in_dim3A_3 {strides = array<i32>} : memref<8192xf32, #tpu.memory_space<vmem>>, vector<16xf32>,
    %swap3A_683 = arith.constant 5440 : index
    %swap3A_684 = tpu.vector_load %arg11[%swap3A_683] {strides = array<i32>} : memref<8192xf32, #tpu.memory_space<vmem>>, vector<16xf32>,
    tpu.vector_store %arg11[%swap3A_683], %broadcast_in_dim3A_3 {strides = array<i32>} : memref<8192xf32, #tpu.memory_space<vmem>>, vector<16xf32>,
    %swap3A_685 = arith.constant 5456 : index
    %swap3A_686 = tpu.vector_load %arg11[%swap3A_685] {strides = array<i32>} : memref<8192xf32, #tpu.memory_space<vmem>>, vector<16xf32>,
    tpu.vector_store %arg11[%swap3A_685], %broadcast_in_dim3A_3 {strides = array<i32>} : memref<8192xf32, #tpu.memory_space<vmem>>, vector<16xf32>,
    %swap3A_687 = arith.constant 5472 : index
    %swap3A_688 = tpu.vector_load %arg11[%swap3A_687] {strides = array<i32>} : memref<8192xf32, #tpu.memory_space<vmem>>, vector<16xf32>,
    tpu.vector_store %arg11[%swap3A_687], %broadcast_in_dim3A_3 {strides = array<i32>} : memref<8192xf32, #tpu.memory_space<vmem>>, vector<16xf32>,
    %swap3A_689 = arith.constant 5488 : index
    %swap3A_690 = tpu.vector_load %arg11[%swap3A_689] {strides = array<i32>} : memref<8192xf32, #tpu.memory_space<vmem>>, vector<16xf32>,
    tpu.vector_store %arg11[%swap3A_689], %broadcast_in_dim3A_3 {strides = array<i32>} : memref<8192xf32, #tpu.memory_space<vmem>>, vector<16xf32>,
    %swap3A_691 = arith.constant 5504 : index
    %swap3A_692 = tpu.vector_load %arg11[%swap3A_691] {strides = array<i32>} : memref<8192xf32, #tpu.memory_space<vmem>>, vector<16xf32>,
    tpu.vector_store %arg11[%swap3A_691], %broadcast_in_dim3A_3 {strides = array<i32>} : memref<8192xf32, #tpu.memory_space<vmem>>, vector<16xf32>,
    %swap3A_693 = arith.constant 5520 : index
    %swap3A_694 = tpu.vector_load %arg11[%swap3A_693] {strides = array<i32>} : memref<8192xf32, #tpu.memory_space<vmem>>, vector<16xf32>,
    tpu.vector_store %arg11[%swap3A_693], %broadcast_in_dim3A_3 {strides = array<i32>} : memref<8192xf32, #tpu.memory_space<vmem>>, vector<16xf32>,
    %swap3A_695 = arith.constant 5536 : index
    %swap3A_696 = tpu.vector_load %arg11[%swap3A_695] {strides = array<i32>} : memref<8192xf32, #tpu.memory_space<vmem>>, vector<16xf32>,
    tpu.vector_store %arg11[%swap3A_695], %broadcast_in_dim3A_3 {strides = array<i32>} : memref<8192xf32, #tpu.memory_space<vmem>>, vector<16xf32>,
    %swap3A_697 = arith.constant 5552 : index
    %swap3A_698 = tpu.vector_load %arg11[%swap3A_697] {strides = array<i32>} : memref<8192xf32, #tpu.memory_space<vmem>>, vector<16xf32>,
    tpu.vector_store %arg11[%swap3A_697], %broadcast_in_dim3A_3 {strides = array<i32>} : memref<8192xf32, #tpu.memory_space<vmem>>, vector<16xf32>,
    %swap3A_699 = arith.constant 5568 : index
    %swap3A_700 = tpu.vector_load %arg11[%swap3A_699] {strides = array<i32>} : memref<8192xf32, #tpu.memory_space<vmem>>, vector<16xf32>,
    tpu.vector_store %arg11[%swap3A_699], %broadcast_in_dim3A_3 {strides = array<i32>} : memref<8192xf32, #tpu.memory_space<vmem>>, vector<16xf32>,
    %swap3A_701 = arith.constant 5584 : index
    %swap3A_702 = tpu.vector_load %arg11[%swap3A_701] {strides = array<i32>} : memref<8192xf32, #tpu.memory_space<vmem>>, vector<16xf32>,
    tpu.vector_store %arg11[%swap3A_701], %broadcast_in_dim3A_3 {strides = array<i32>} : memref<8192xf32, #tpu.memory_space<vmem>>, vector<16xf32>,
    %swap3A_703 = arith.constant 5600 : index
    %swap3A_704 = tpu.vector_load %arg11[%swap3A_703] {strides = array<i32>} : memref<8192xf32, #tpu.memory_space<vmem>>, vector<16xf32>,
    tpu.vector_store %arg11[%swap3A_703], %broadcast_in_dim3A_3 {strides = array<i32>} : memref<8192xf32, #tpu.memory_space<vmem>>, vector<16xf32>,
    %swap3A_705 = arith.constant 5616 : index
    %swap3A_706 = tpu.vector_load %arg11[%swap3A_705] {strides = array<i32>} : memref<8192xf32, #tpu.memory_space<vmem>>, vector<16xf32>,
    tpu.vector_store %arg11[%swap3A_705], %broadcast_in_dim3A_3 {strides = array<i32>} : memref<8192xf32, #tpu.memory_space<vmem>>, vector<16xf32>,
    %swap3A_707 = arith.constant 5632 : index
    %swap3A_708 = tpu.vector_load %arg11[%swap3A_707] {strides = array<i32>} : memref<8192xf32, #tpu.memory_space<vmem>>, vector<16xf32>,
    tpu.vector_store %arg11[%swap3A_707], %broadcast_in_dim3A_3 {strides = array<i32>} : memref<8192xf32, #tpu.memory_space<vmem>>, vector<16xf32>,
    %swap3A_709 = arith.constant 5648 : index
    %swap3A_710 = tpu.vector_load %arg11[%swap3A_709] {strides = array<i32>} : memref<8192xf32, #tpu.memory_space<vmem>>, vector<16xf32>,
    tpu.vector_store %arg11[%swap3A_709], %broadcast_in_dim3A_3 {strides = array<i32>} : memref<8192xf32, #tpu.memory_space<vmem>>, vector<16xf32>,
    %swap3A_711 = arith.constant 5664 : index
    %swap3A_712 = tpu.vector_load %arg11[%swap3A_711] {strides = array<i32>} : memref<8192xf32, #tpu.memory_space<vmem>>, vector<16xf32>,
    tpu.vector_store %arg11[%swap3A_711], %broadcast_in_dim3A_3 {strides = array<i32>} : memref<8192xf32, #tpu.memory_space<vmem>>, vector<16xf32>,
    %swap3A_713 = arith.constant 5680 : index
    %swap3A_714 = tpu.vector_load %arg11[%swap3A_713] {strides = array<i32>} : memref<8192xf32, #tpu.memory_space<vmem>>, vector<16xf32>,
    tpu.vector_store %arg11[%swap3A_713], %broadcast_in_dim3A_3 {strides = array<i32>} : memref<8192xf32, #tpu.memory_space<vmem>>, vector<16xf32>,
    %swap3A_715 = arith.constant 5696 : index
    %swap3A_716 = tpu.vector_load %arg11[%swap3A_715] {strides = array<i32>} : memref<8192xf32, #tpu.memory_space<vmem>>, vector<16xf32>,
    tpu.vector_store %arg11[%swap3A_715], %broadcast_in_dim3A_3 {strides = array<i32>} : memref<8192xf32, #tpu.memory_space<vmem>>, vector<16xf32>,
    %swap3A_717 = arith.constant 5712 : index
    %swap3A_718 = tpu.vector_load %arg11[%swap3A_717] {strides = array<i32>} : memref<8192xf32, #tpu.memory_space<vmem>>, vector<16xf32>,
    tpu.vector_store %arg11[%swap3A_717], %broadcast_in_dim3A_3 {strides = array<i32>} : memref<8192xf32, #tpu.memory_space<vmem>>, vector<16xf32>,
    %swap3A_719 = arith.constant 5728 : index
    %swap3A_720 = tpu.vector_load %arg11[%swap3A_719] {strides = array<i32>} : memref<8192xf32, #tpu.memory_space<vmem>>, vector<16xf32>,
    tpu.vector_store %arg11[%swap3A_719], %broadcast_in_dim3A_3 {strides = array<i32>} : memref<8192xf32, #tpu.memory_space<vmem>>, vector<16xf32>,
    %swap3A_721 = arith.constant 5744 : index
    %swap3A_722 = tpu.vector_load %arg11[%swap3A_721] {strides = array<i32>} : memref<8192xf32, #tpu.memory_space<vmem>>, vector<16xf32>,
    tpu.vector_store %arg11[%swap3A_721], %broadcast_in_dim3A_3 {strides = array<i32>} : memref<8192xf32, #tpu.memory_space<vmem>>, vector<16xf32>,
    %swap3A_723 = arith.constant 5760 : index
    %swap3A_724 = tpu.vector_load %arg11[%swap3A_723] {strides = array<i32>} : memref<8192xf32, #tpu.memory_space<vmem>>, vector<16xf32>,
    tpu.vector_store %arg11[%swap3A_723], %broadcast_in_dim3A_3 {strides = array<i32>} : memref<8192xf32, #tpu.memory_space<vmem>>, vector<16xf32>,
    %swap3A_725 = arith.constant 5776 : index
    %swap3A_726 = tpu.vector_load %arg11[%swap3A_725] {strides = array<i32>} : memref<8192xf32, #tpu.memory_space<vmem>>, vector<16xf32>,
    tpu.vector_store %arg11[%swap3A_725], %broadcast_in_dim3A_3 {strides = array<i32>} : memref<8192xf32, #tpu.memory_space<vmem>>, vector<16xf32>,
    %swap3A_727 = arith.constant 5792 : index
    %swap3A_728 = tpu.vector_load %arg11[%swap3A_727] {strides = array<i32>} : memref<8192xf32, #tpu.memory_space<vmem>>, vector<16xf32>,
    tpu.vector_store %arg11[%swap3A_727], %broadcast_in_dim3A_3 {strides = array<i32>} : memref<8192xf32, #tpu.memory_space<vmem>>, vector<16xf32>,
    %swap3A_729 = arith.constant 5808 : index
    %swap3A_730 = tpu.vector_load %arg11[%swap3A_729] {strides = array<i32>} : memref<8192xf32, #tpu.memory_space<vmem>>, vector<16xf32>,
    tpu.vector_store %arg11[%swap3A_729], %broadcast_in_dim3A_3 {strides = array<i32>} : memref<8192xf32, #tpu.memory_space<vmem>>, vector<16xf32>,
    %swap3A_731 = arith.constant 5824 : index
    %swap3A_732 = tpu.vector_load %arg11[%swap3A_731] {strides = array<i32>} : memref<8192xf32, #tpu.memory_space<vmem>>, vector<16xf32>,
    tpu.vector_store %arg11[%swap3A_731], %broadcast_in_dim3A_3 {strides = array<i32>} : memref<8192xf32, #tpu.memory_space<vmem>>, vector<16xf32>,
    %swap3A_733 = arith.constant 5840 : index
    %swap3A_734 = tpu.vector_load %arg11[%swap3A_733] {strides = array<i32>} : memref<8192xf32, #tpu.memory_space<vmem>>, vector<16xf32>,
    tpu.vector_store %arg11[%swap3A_733], %broadcast_in_dim3A_3 {strides = array<i32>} : memref<8192xf32, #tpu.memory_space<vmem>>, vector<16xf32>,
    %swap3A_735 = arith.constant 5856 : index
    %swap3A_736 = tpu.vector_load %arg11[%swap3A_735] {strides = array<i32>} : memref<8192xf32, #tpu.memory_space<vmem>>, vector<16xf32>,
    tpu.vector_store %arg11[%swap3A_735], %broadcast_in_dim3A_3 {strides = array<i32>} : memref<8192xf32, #tpu.memory_space<vmem>>, vector<16xf32>,
    %swap3A_737 = arith.constant 5872 : index
    %swap3A_738 = tpu.vector_load %arg11[%swap3A_737] {strides = array<i32>} : memref<8192xf32, #tpu.memory_space<vmem>>, vector<16xf32>,
    tpu.vector_store %arg11[%swap3A_737], %broadcast_in_dim3A_3 {strides = array<i32>} : memref<8192xf32, #tpu.memory_space<vmem>>, vector<16xf32>,
    %swap3A_739 = arith.constant 5888 : index
    %swap3A_740 = tpu.vector_load %arg11[%swap3A_739] {strides = array<i32>} : memref<8192xf32, #tpu.memory_space<vmem>>, vector<16xf32>,
    tpu.vector_store %arg11[%swap3A_739], %broadcast_in_dim3A_3 {strides = array<i32>} : memref<8192xf32, #tpu.memory_space<vmem>>, vector<16xf32>,
    %swap3A_741 = arith.constant 5904 : index
    %swap3A_742 = tpu.vector_load %arg11[%swap3A_741] {strides = array<i32>} : memref<8192xf32, #tpu.memory_space<vmem>>, vector<16xf32>,
    tpu.vector_store %arg11[%swap3A_741], %broadcast_in_dim3A_3 {strides = array<i32>} : memref<8192xf32, #tpu.memory_space<vmem>>, vector<16xf32>,
    %swap3A_743 = arith.constant 5920 : index
    %swap3A_744 = tpu.vector_load %arg11[%swap3A_743] {strides = array<i32>} : memref<8192xf32, #tpu.memory_space<vmem>>, vector<16xf32>,
    tpu.vector_store %arg11[%swap3A_743], %broadcast_in_dim3A_3 {strides = array<i32>} : memref<8192xf32, #tpu.memory_space<vmem>>, vector<16xf32>,
    %swap3A_745 = arith.constant 5936 : index
    %swap3A_746 = tpu.vector_load %arg11[%swap3A_745] {strides = array<i32>} : memref<8192xf32, #tpu.memory_space<vmem>>, vector<16xf32>,
    tpu.vector_store %arg11[%swap3A_745], %broadcast_in_dim3A_3 {strides = array<i32>} : memref<8192xf32, #tpu.memory_space<vmem>>, vector<16xf32>,
    %swap3A_747 = arith.constant 5952 : index
    %swap3A_748 = tpu.vector_load %arg11[%swap3A_747] {strides = array<i32>} : memref<8192xf32, #tpu.memory_space<vmem>>, vector<16xf32>,
    tpu.vector_store %arg11[%swap3A_747], %broadcast_in_dim3A_3 {strides = array<i32>} : memref<8192xf32, #tpu.memory_space<vmem>>, vector<16xf32>,
    %swap3A_749 = arith.constant 5968 : index
    %swap3A_750 = tpu.vector_load %arg11[%swap3A_749] {strides = array<i32>} : memref<8192xf32, #tpu.memory_space<vmem>>, vector<16xf32>,
    tpu.vector_store %arg11[%swap3A_749], %broadcast_in_dim3A_3 {strides = array<i32>} : memref<8192xf32, #tpu.memory_space<vmem>>, vector<16xf32>,
    %swap3A_751 = arith.constant 5984 : index
    %swap3A_752 = tpu.vector_load %arg11[%swap3A_751] {strides = array<i32>} : memref<8192xf32, #tpu.memory_space<vmem>>, vector<16xf32>,
    tpu.vector_store %arg11[%swap3A_751], %broadcast_in_dim3A_3 {strides = array<i32>} : memref<8192xf32, #tpu.memory_space<vmem>>, vector<16xf32>,
    %swap3A_753 = arith.constant 6000 : index
    %swap3A_754 = tpu.vector_load %arg11[%swap3A_753] {strides = array<i32>} : memref<8192xf32, #tpu.memory_space<vmem>>, vector<16xf32>,
    tpu.vector_store %arg11[%swap3A_753], %broadcast_in_dim3A_3 {strides = array<i32>} : memref<8192xf32, #tpu.memory_space<vmem>>, vector<16xf32>,
    %swap3A_755 = arith.constant 6016 : index
    %swap3A_756 = tpu.vector_load %arg11[%swap3A_755] {strides = array<i32>} : memref<8192xf32, #tpu.memory_space<vmem>>, vector<16xf32>,
    tpu.vector_store %arg11[%swap3A_755], %broadcast_in_dim3A_3 {strides = array<i32>} : memref<8192xf32, #tpu.memory_space<vmem>>, vector<16xf32>,
    %swap3A_757 = arith.constant 6032 : index
    %swap3A_758 = tpu.vector_load %arg11[%swap3A_757] {strides = array<i32>} : memref<8192xf32, #tpu.memory_space<vmem>>, vector<16xf32>,
    tpu.vector_store %arg11[%swap3A_757], %broadcast_in_dim3A_3 {strides = array<i32>} : memref<8192xf32, #tpu.memory_space<vmem>>, vector<16xf32>,
    %swap3A_759 = arith.constant 6048 : index
    %swap3A_760 = tpu.vector_load %arg11[%swap3A_759] {strides = array<i32>} : memref<8192xf32, #tpu.memory_space<vmem>>, vector<16xf32>,
    tpu.vector_store %arg11[%swap3A_759], %broadcast_in_dim3A_3 {strides = array<i32>} : memref<8192xf32, #tpu.memory_space<vmem>>, vector<16xf32>,
    %swap3A_761 = arith.constant 6064 : index
    %swap3A_762 = tpu.vector_load %arg11[%swap3A_761] {strides = array<i32>} : memref<8192xf32, #tpu.memory_space<vmem>>, vector<16xf32>,
    tpu.vector_store %arg11[%swap3A_761], %broadcast_in_dim3A_3 {strides = array<i32>} : memref<8192xf32, #tpu.memory_space<vmem>>, vector<16xf32>,
    %swap3A_763 = arith.constant 6080 : index
    %swap3A_764 = tpu.vector_load %arg11[%swap3A_763] {strides = array<i32>} : memref<8192xf32, #tpu.memory_space<vmem>>, vector<16xf32>,
    tpu.vector_store %arg11[%swap3A_763], %broadcast_in_dim3A_3 {strides = array<i32>} : memref<8192xf32, #tpu.memory_space<vmem>>, vector<16xf32>,
    %swap3A_765 = arith.constant 6096 : index
    %swap3A_766 = tpu.vector_load %arg11[%swap3A_765] {strides = array<i32>} : memref<8192xf32, #tpu.memory_space<vmem>>, vector<16xf32>,
    tpu.vector_store %arg11[%swap3A_765], %broadcast_in_dim3A_3 {strides = array<i32>} : memref<8192xf32, #tpu.memory_space<vmem>>, vector<16xf32>,
    %swap3A_767 = arith.constant 6112 : index
    %swap3A_768 = tpu.vector_load %arg11[%swap3A_767] {strides = array<i32>} : memref<8192xf32, #tpu.memory_space<vmem>>, vector<16xf32>,
    tpu.vector_store %arg11[%swap3A_767], %broadcast_in_dim3A_3 {strides = array<i32>} : memref<8192xf32, #tpu.memory_space<vmem>>, vector<16xf32>,
    %swap3A_769 = arith.constant 6128 : index
    %swap3A_770 = tpu.vector_load %arg11[%swap3A_769] {strides = array<i32>} : memref<8192xf32, #tpu.memory_space<vmem>>, vector<16xf32>,
    tpu.vector_store %arg11[%swap3A_769], %broadcast_in_dim3A_3 {strides = array<i32>} : memref<8192xf32, #tpu.memory_space<vmem>>, vector<16xf32>,
    %swap3A_771 = arith.constant 6144 : index
    %swap3A_772 = tpu.vector_load %arg11[%swap3A_771] {strides = array<i32>} : memref<8192xf32, #tpu.memory_space<vmem>>, vector<16xf32>,
    tpu.vector_store %arg11[%swap3A_771], %broadcast_in_dim3A_3 {strides = array<i32>} : memref<8192xf32, #tpu.memory_space<vmem>>, vector<16xf32>,
    %swap3A_773 = arith.constant 6160 : index
    %swap3A_774 = tpu.vector_load %arg11[%swap3A_773] {strides = array<i32>} : memref<8192xf32, #tpu.memory_space<vmem>>, vector<16xf32>,
    tpu.vector_store %arg11[%swap3A_773], %broadcast_in_dim3A_3 {strides = array<i32>} : memref<8192xf32, #tpu.memory_space<vmem>>, vector<16xf32>,
    %swap3A_775 = arith.constant 6176 : index
    %swap3A_776 = tpu.vector_load %arg11[%swap3A_775] {strides = array<i32>} : memref<8192xf32, #tpu.memory_space<vmem>>, vector<16xf32>,
    tpu.vector_store %arg11[%swap3A_775], %broadcast_in_dim3A_3 {strides = array<i32>} : memref<8192xf32, #tpu.memory_space<vmem>>, vector<16xf32>,
    %swap3A_777 = arith.constant 6192 : index
    %swap3A_778 = tpu.vector_load %arg11[%swap3A_777] {strides = array<i32>} : memref<8192xf32, #tpu.memory_space<vmem>>, vector<16xf32>,
    tpu.vector_store %arg11[%swap3A_777], %broadcast_in_dim3A_3 {strides = array<i32>} : memref<8192xf32, #tpu.memory_space<vmem>>, vector<16xf32>,
    %swap3A_779 = arith.constant 6208 : index
    %swap3A_780 = tpu.vector_load %arg11[%swap3A_779] {strides = array<i32>} : memref<8192xf32, #tpu.memory_space<vmem>>, vector<16xf32>,
    tpu.vector_store %arg11[%swap3A_779], %broadcast_in_dim3A_3 {strides = array<i32>} : memref<8192xf32, #tpu.memory_space<vmem>>, vector<16xf32>,
    %swap3A_781 = arith.constant 6224 : index
    %swap3A_782 = tpu.vector_load %arg11[%swap3A_781] {strides = array<i32>} : memref<8192xf32, #tpu.memory_space<vmem>>, vector<16xf32>,
    tpu.vector_store %arg11[%swap3A_781], %broadcast_in_dim3A_3 {strides = array<i32>} : memref<8192xf32, #tpu.memory_space<vmem>>, vector<16xf32>,
    %swap3A_783 = arith.constant 6240 : index
    %swap3A_784 = tpu.vector_load %arg11[%swap3A_783] {strides = array<i32>} : memref<8192xf32, #tpu.memory_space<vmem>>, vector<16xf32>,
    tpu.vector_store %arg11[%swap3A_783], %broadcast_in_dim3A_3 {strides = array<i32>} : memref<8192xf32, #tpu.memory_space<vmem>>, vector<16xf32>,
    %swap3A_785 = arith.constant 6256 : index
    %swap3A_786 = tpu.vector_load %arg11[%swap3A_785] {strides = array<i32>} : memref<8192xf32, #tpu.memory_space<vmem>>, vector<16xf32>,
    tpu.vector_store %arg11[%swap3A_785], %broadcast_in_dim3A_3 {strides = array<i32>} : memref<8192xf32, #tpu.memory_space<vmem>>, vector<16xf32>,
    %swap3A_787 = arith.constant 6272 : index
    %swap3A_788 = tpu.vector_load %arg11[%swap3A_787] {strides = array<i32>} : memref<8192xf32, #tpu.memory_space<vmem>>, vector<16xf32>,
    tpu.vector_store %arg11[%swap3A_787], %broadcast_in_dim3A_3 {strides = array<i32>} : memref<8192xf32, #tpu.memory_space<vmem>>, vector<16xf32>,
    %swap3A_789 = arith.constant 6288 : index
    %swap3A_790 = tpu.vector_load %arg11[%swap3A_789] {strides = array<i32>} : memref<8192xf32, #tpu.memory_space<vmem>>, vector<16xf32>,
    tpu.vector_store %arg11[%swap3A_789], %broadcast_in_dim3A_3 {strides = array<i32>} : memref<8192xf32, #tpu.memory_space<vmem>>, vector<16xf32>,
    %swap3A_791 = arith.constant 6304 : index
    %swap3A_792 = tpu.vector_load %arg11[%swap3A_791] {strides = array<i32>} : memref<8192xf32, #tpu.memory_space<vmem>>, vector<16xf32>,
    tpu.vector_store %arg11[%swap3A_791], %broadcast_in_dim3A_3 {strides = array<i32>} : memref<8192xf32, #tpu.memory_space<vmem>>, vector<16xf32>,
    %swap3A_793 = arith.constant 6320 : index
    %swap3A_794 = tpu.vector_load %arg11[%swap3A_793] {strides = array<i32>} : memref<8192xf32, #tpu.memory_space<vmem>>, vector<16xf32>,
    tpu.vector_store %arg11[%swap3A_793], %broadcast_in_dim3A_3 {strides = array<i32>} : memref<8192xf32, #tpu.memory_space<vmem>>, vector<16xf32>,
    %swap3A_795 = arith.constant 6336 : index
    %swap3A_796 = tpu.vector_load %arg11[%swap3A_795] {strides = array<i32>} : memref<8192xf32, #tpu.memory_space<vmem>>, vector<16xf32>,
    tpu.vector_store %arg11[%swap3A_795], %broadcast_in_dim3A_3 {strides = array<i32>} : memref<8192xf32, #tpu.memory_space<vmem>>, vector<16xf32>,
    %swap3A_797 = arith.constant 6352 : index
    %swap3A_798 = tpu.vector_load %arg11[%swap3A_797] {strides = array<i32>} : memref<8192xf32, #tpu.memory_space<vmem>>, vector<16xf32>,
    tpu.vector_store %arg11[%swap3A_797], %broadcast_in_dim3A_3 {strides = array<i32>} : memref<8192xf32, #tpu.memory_space<vmem>>, vector<16xf32>,
    %swap3A_799 = arith.constant 6368 : index
    %swap3A_800 = tpu.vector_load %arg11[%swap3A_799] {strides = array<i32>} : memref<8192xf32, #tpu.memory_space<vmem>>, vector<16xf32>,
    tpu.vector_store %arg11[%swap3A_799], %broadcast_in_dim3A_3 {strides = array<i32>} : memref<8192xf32, #tpu.memory_space<vmem>>, vector<16xf32>,
    %swap3A_801 = arith.constant 6384 : index
    %swap3A_802 = tpu.vector_load %arg11[%swap3A_801] {strides = array<i32>} : memref<8192xf32, #tpu.memory_space<vmem>>, vector<16xf32>,
    tpu.vector_store %arg11[%swap3A_801], %broadcast_in_dim3A_3 {strides = array<i32>} : memref<8192xf32, #tpu.memory_space<vmem>>, vector<16xf32>,
    %swap3A_803 = arith.constant 6400 : index
    %swap3A_804 = tpu.vector_load %arg11[%swap3A_803] {strides = array<i32>} : memref<8192xf32, #tpu.memory_space<vmem>>, vector<16xf32>,
    tpu.vector_store %arg11[%swap3A_803], %broadcast_in_dim3A_3 {strides = array<i32>} : memref<8192xf32, #tpu.memory_space<vmem>>, vector<16xf32>,
    %swap3A_805 = arith.constant 6416 : index
    %swap3A_806 = tpu.vector_load %arg11[%swap3A_805] {strides = array<i32>} : memref<8192xf32, #tpu.memory_space<vmem>>, vector<16xf32>,
    tpu.vector_store %arg11[%swap3A_805], %broadcast_in_dim3A_3 {strides = array<i32>} : memref<8192xf32, #tpu.memory_space<vmem>>, vector<16xf32>,
    %swap3A_807 = arith.constant 6432 : index
    %swap3A_808 = tpu.vector_load %arg11[%swap3A_807] {strides = array<i32>} : memref<8192xf32, #tpu.memory_space<vmem>>, vector<16xf32>,
    tpu.vector_store %arg11[%swap3A_807], %broadcast_in_dim3A_3 {strides = array<i32>} : memref<8192xf32, #tpu.memory_space<vmem>>, vector<16xf32>,
    %swap3A_809 = arith.constant 6448 : index
    %swap3A_810 = tpu.vector_load %arg11[%swap3A_809] {strides = array<i32>} : memref<8192xf32, #tpu.memory_space<vmem>>, vector<16xf32>,
    tpu.vector_store %arg11[%swap3A_809], %broadcast_in_dim3A_3 {strides = array<i32>} : memref<8192xf32, #tpu.memory_space<vmem>>, vector<16xf32>,
    %swap3A_811 = arith.constant 6464 : index
    %swap3A_812 = tpu.vector_load %arg11[%swap3A_811] {strides = array<i32>} : memref<8192xf32, #tpu.memory_space<vmem>>, vector<16xf32>,
    tpu.vector_store %arg11[%swap3A_811], %broadcast_in_dim3A_3 {strides = array<i32>} : memref<8192xf32, #tpu.memory_space<vmem>>, vector<16xf32>,
    %swap3A_813 = arith.constant 6480 : index
    %swap3A_814 = tpu.vector_load %arg11[%swap3A_813] {strides = array<i32>} : memref<8192xf32, #tpu.memory_space<vmem>>, vector<16xf32>,
    tpu.vector_store %arg11[%swap3A_813], %broadcast_in_dim3A_3 {strides = array<i32>} : memref<8192xf32, #tpu.memory_space<vmem>>, vector<16xf32>,
    %swap3A_815 = arith.constant 6496 : index
    %swap3A_816 = tpu.vector_load %arg11[%swap3A_815] {strides = array<i32>} : memref<8192xf32, #tpu.memory_space<vmem>>, vector<16xf32>,
    tpu.vector_store %arg11[%swap3A_815], %broadcast_in_dim3A_3 {strides = array<i32>} : memref<8192xf32, #tpu.memory_space<vmem>>, vector<16xf32>,
    %swap3A_817 = arith.constant 6512 : index
    %swap3A_818 = tpu.vector_load %arg11[%swap3A_817] {strides = array<i32>} : memref<8192xf32, #tpu.memory_space<vmem>>, vector<16xf32>,
    tpu.vector_store %arg11[%swap3A_817], %broadcast_in_dim3A_3 {strides = array<i32>} : memref<8192xf32, #tpu.memory_space<vmem>>, vector<16xf32>,
    %swap3A_819 = arith.constant 6528 : index
    %swap3A_820 = tpu.vector_load %arg11[%swap3A_819] {strides = array<i32>} : memref<8192xf32, #tpu.memory_space<vmem>>, vector<16xf32>,
    tpu.vector_store %arg11[%swap3A_819], %broadcast_in_dim3A_3 {strides = array<i32>} : memref<8192xf32, #tpu.memory_space<vmem>>, vector<16xf32>,
    %swap3A_821 = arith.constant 6544 : index
    %swap3A_822 = tpu.vector_load %arg11[%swap3A_821] {strides = array<i32>} : memref<8192xf32, #tpu.memory_space<vmem>>, vector<16xf32>,
    tpu.vector_store %arg11[%swap3A_821], %broadcast_in_dim3A_3 {strides = array<i32>} : memref<8192xf32, #tpu.memory_space<vmem>>, vector<16xf32>,
    %swap3A_823 = arith.constant 6560 : index
    %swap3A_824 = tpu.vector_load %arg11[%swap3A_823] {strides = array<i32>} : memref<8192xf32, #tpu.memory_space<vmem>>, vector<16xf32>,
    tpu.vector_store %arg11[%swap3A_823], %broadcast_in_dim3A_3 {strides = array<i32>} : memref<8192xf32, #tpu.memory_space<vmem>>, vector<16xf32>,
    %swap3A_825 = arith.constant 6576 : index
    %swap3A_826 = tpu.vector_load %arg11[%swap3A_825] {strides = array<i32>} : memref<8192xf32, #tpu.memory_space<vmem>>, vector<16xf32>,
    tpu.vector_store %arg11[%swap3A_825], %broadcast_in_dim3A_3 {strides = array<i32>} : memref<8192xf32, #tpu.memory_space<vmem>>, vector<16xf32>,
    %swap3A_827 = arith.constant 6592 : index
    %swap3A_828 = tpu.vector_load %arg11[%swap3A_827] {strides = array<i32>} : memref<8192xf32, #tpu.memory_space<vmem>>, vector<16xf32>,
    tpu.vector_store %arg11[%swap3A_827], %broadcast_in_dim3A_3 {strides = array<i32>} : memref<8192xf32, #tpu.memory_space<vmem>>, vector<16xf32>,
    %swap3A_829 = arith.constant 6608 : index
    %swap3A_830 = tpu.vector_load %arg11[%swap3A_829] {strides = array<i32>} : memref<8192xf32, #tpu.memory_space<vmem>>, vector<16xf32>,
    tpu.vector_store %arg11[%swap3A_829], %broadcast_in_dim3A_3 {strides = array<i32>} : memref<8192xf32, #tpu.memory_space<vmem>>, vector<16xf32>,
    %swap3A_831 = arith.constant 6624 : index
    %swap3A_832 = tpu.vector_load %arg11[%swap3A_831] {strides = array<i32>} : memref<8192xf32, #tpu.memory_space<vmem>>, vector<16xf32>,
    tpu.vector_store %arg11[%swap3A_831], %broadcast_in_dim3A_3 {strides = array<i32>} : memref<8192xf32, #tpu.memory_space<vmem>>, vector<16xf32>,
    %swap3A_833 = arith.constant 6640 : index
    %swap3A_834 = tpu.vector_load %arg11[%swap3A_833] {strides = array<i32>} : memref<8192xf32, #tpu.memory_space<vmem>>, vector<16xf32>,
    tpu.vector_store %arg11[%swap3A_833], %broadcast_in_dim3A_3 {strides = array<i32>} : memref<8192xf32, #tpu.memory_space<vmem>>, vector<16xf32>,
    %swap3A_835 = arith.constant 6656 : index
    %swap3A_836 = tpu.vector_load %arg11[%swap3A_835] {strides = array<i32>} : memref<8192xf32, #tpu.memory_space<vmem>>, vector<16xf32>,
    tpu.vector_store %arg11[%swap3A_835], %broadcast_in_dim3A_3 {strides = array<i32>} : memref<8192xf32, #tpu.memory_space<vmem>>, vector<16xf32>,
    %swap3A_837 = arith.constant 6672 : index
    %swap3A_838 = tpu.vector_load %arg11[%swap3A_837] {strides = array<i32>} : memref<8192xf32, #tpu.memory_space<vmem>>, vector<16xf32>,
    tpu.vector_store %arg11[%swap3A_837], %broadcast_in_dim3A_3 {strides = array<i32>} : memref<8192xf32, #tpu.memory_space<vmem>>, vector<16xf32>,
    %swap3A_839 = arith.constant 6688 : index
    %swap3A_840 = tpu.vector_load %arg11[%swap3A_839] {strides = array<i32>} : memref<8192xf32, #tpu.memory_space<vmem>>, vector<16xf32>,
    tpu.vector_store %arg11[%swap3A_839], %broadcast_in_dim3A_3 {strides = array<i32>} : memref<8192xf32, #tpu.memory_space<vmem>>, vector<16xf32>,
    %swap3A_841 = arith.constant 6704 : index
    %swap3A_842 = tpu.vector_load %arg11[%swap3A_841] {strides = array<i32>} : memref<8192xf32, #tpu.memory_space<vmem>>, vector<16xf32>,
    tpu.vector_store %arg11[%swap3A_841], %broadcast_in_dim3A_3 {strides = array<i32>} : memref<8192xf32, #tpu.memory_space<vmem>>, vector<16xf32>,
    %swap3A_843 = arith.constant 6720 : index
    %swap3A_844 = tpu.vector_load %arg11[%swap3A_843] {strides = array<i32>} : memref<8192xf32, #tpu.memory_space<vmem>>, vector<16xf32>,
    tpu.vector_store %arg11[%swap3A_843], %broadcast_in_dim3A_3 {strides = array<i32>} : memref<8192xf32, #tpu.memory_space<vmem>>, vector<16xf32>,
    %swap3A_845 = arith.constant 6736 : index
    %swap3A_846 = tpu.vector_load %arg11[%swap3A_845] {strides = array<i32>} : memref<8192xf32, #tpu.memory_space<vmem>>, vector<16xf32>,
    tpu.vector_store %arg11[%swap3A_845], %broadcast_in_dim3A_3 {strides = array<i32>} : memref<8192xf32, #tpu.memory_space<vmem>>, vector<16xf32>,
    %swap3A_847 = arith.constant 6752 : index
    %swap3A_848 = tpu.vector_load %arg11[%swap3A_847] {strides = array<i32>} : memref<8192xf32, #tpu.memory_space<vmem>>, vector<16xf32>,
    tpu.vector_store %arg11[%swap3A_847], %broadcast_in_dim3A_3 {strides = array<i32>} : memref<8192xf32, #tpu.memory_space<vmem>>, vector<16xf32>,
    %swap3A_849 = arith.constant 6768 : index
    %swap3A_850 = tpu.vector_load %arg11[%swap3A_849] {strides = array<i32>} : memref<8192xf32, #tpu.memory_space<vmem>>, vector<16xf32>,
    tpu.vector_store %arg11[%swap3A_849], %broadcast_in_dim3A_3 {strides = array<i32>} : memref<8192xf32, #tpu.memory_space<vmem>>, vector<16xf32>,
    %swap3A_851 = arith.constant 6784 : index
    %swap3A_852 = tpu.vector_load %arg11[%swap3A_851] {strides = array<i32>} : memref<8192xf32, #tpu.memory_space<vmem>>, vector<16xf32>,
    tpu.vector_store %arg11[%swap3A_851], %broadcast_in_dim3A_3 {strides = array<i32>} : memref<8192xf32, #tpu.memory_space<vmem>>, vector<16xf32>,
    %swap3A_853 = arith.constant 6800 : index
    %swap3A_854 = tpu.vector_load %arg11[%swap3A_853] {strides = array<i32>} : memref<8192xf32, #tpu.memory_space<vmem>>, vector<16xf32>,
    tpu.vector_store %arg11[%swap3A_853], %broadcast_in_dim3A_3 {strides = array<i32>} : memref<8192xf32, #tpu.memory_space<vmem>>, vector<16xf32>,
    %swap3A_855 = arith.constant 6816 : index
    %swap3A_856 = tpu.vector_load %arg11[%swap3A_855] {strides = array<i32>} : memref<8192xf32, #tpu.memory_space<vmem>>, vector<16xf32>,
    tpu.vector_store %arg11[%swap3A_855], %broadcast_in_dim3A_3 {strides = array<i32>} : memref<8192xf32, #tpu.memory_space<vmem>>, vector<16xf32>,
    %swap3A_857 = arith.constant 6832 : index
    %swap3A_858 = tpu.vector_load %arg11[%swap3A_857] {strides = array<i32>} : memref<8192xf32, #tpu.memory_space<vmem>>, vector<16xf32>,
    tpu.vector_store %arg11[%swap3A_857], %broadcast_in_dim3A_3 {strides = array<i32>} : memref<8192xf32, #tpu.memory_space<vmem>>, vector<16xf32>,
    %swap3A_859 = arith.constant 6848 : index
    %swap3A_860 = tpu.vector_load %arg11[%swap3A_859] {strides = array<i32>} : memref<8192xf32, #tpu.memory_space<vmem>>, vector<16xf32>,
    tpu.vector_store %arg11[%swap3A_859], %broadcast_in_dim3A_3 {strides = array<i32>} : memref<8192xf32, #tpu.memory_space<vmem>>, vector<16xf32>,
    %swap3A_861 = arith.constant 6864 : index
    %swap3A_862 = tpu.vector_load %arg11[%swap3A_861] {strides = array<i32>} : memref<8192xf32, #tpu.memory_space<vmem>>, vector<16xf32>,
    tpu.vector_store %arg11[%swap3A_861], %broadcast_in_dim3A_3 {strides = array<i32>} : memref<8192xf32, #tpu.memory_space<vmem>>, vector<16xf32>,
    %swap3A_863 = arith.constant 6880 : index
    %swap3A_864 = tpu.vector_load %arg11[%swap3A_863] {strides = array<i32>} : memref<8192xf32, #tpu.memory_space<vmem>>, vector<16xf32>,
    tpu.vector_store %arg11[%swap3A_863], %broadcast_in_dim3A_3 {strides = array<i32>} : memref<8192xf32, #tpu.memory_space<vmem>>, vector<16xf32>,
    %swap3A_865 = arith.constant 6896 : index
    %swap3A_866 = tpu.vector_load %arg11[%swap3A_865] {strides = array<i32>} : memref<8192xf32, #tpu.memory_space<vmem>>, vector<16xf32>,
    tpu.vector_store %arg11[%swap3A_865], %broadcast_in_dim3A_3 {strides = array<i32>} : memref<8192xf32, #tpu.memory_space<vmem>>, vector<16xf32>,
    %swap3A_867 = arith.constant 6912 : index
    %swap3A_868 = tpu.vector_load %arg11[%swap3A_867] {strides = array<i32>} : memref<8192xf32, #tpu.memory_space<vmem>>, vector<16xf32>,
    tpu.vector_store %arg11[%swap3A_867], %broadcast_in_dim3A_3 {strides = array<i32>} : memref<8192xf32, #tpu.memory_space<vmem>>, vector<16xf32>,
    %swap3A_869 = arith.constant 6928 : index
    %swap3A_870 = tpu.vector_load %arg11[%swap3A_869] {strides = array<i32>} : memref<8192xf32, #tpu.memory_space<vmem>>, vector<16xf32>,
    tpu.vector_store %arg11[%swap3A_869], %broadcast_in_dim3A_3 {strides = array<i32>} : memref<8192xf32, #tpu.memory_space<vmem>>, vector<16xf32>,
    %swap3A_871 = arith.constant 6944 : index
    %swap3A_872 = tpu.vector_load %arg11[%swap3A_871] {strides = array<i32>} : memref<8192xf32, #tpu.memory_space<vmem>>, vector<16xf32>,
    tpu.vector_store %arg11[%swap3A_871], %broadcast_in_dim3A_3 {strides = array<i32>} : memref<8192xf32, #tpu.memory_space<vmem>>, vector<16xf32>,
    %swap3A_873 = arith.constant 6960 : index
    %swap3A_874 = tpu.vector_load %arg11[%swap3A_873] {strides = array<i32>} : memref<8192xf32, #tpu.memory_space<vmem>>, vector<16xf32>,
    tpu.vector_store %arg11[%swap3A_873], %broadcast_in_dim3A_3 {strides = array<i32>} : memref<8192xf32, #tpu.memory_space<vmem>>, vector<16xf32>,
    %swap3A_875 = arith.constant 6976 : index
    %swap3A_876 = tpu.vector_load %arg11[%swap3A_875] {strides = array<i32>} : memref<8192xf32, #tpu.memory_space<vmem>>, vector<16xf32>,
    tpu.vector_store %arg11[%swap3A_875], %broadcast_in_dim3A_3 {strides = array<i32>} : memref<8192xf32, #tpu.memory_space<vmem>>, vector<16xf32>,
    %swap3A_877 = arith.constant 6992 : index
    %swap3A_878 = tpu.vector_load %arg11[%swap3A_877] {strides = array<i32>} : memref<8192xf32, #tpu.memory_space<vmem>>, vector<16xf32>,
    tpu.vector_store %arg11[%swap3A_877], %broadcast_in_dim3A_3 {strides = array<i32>} : memref<8192xf32, #tpu.memory_space<vmem>>, vector<16xf32>,
    %swap3A_879 = arith.constant 7008 : index
    %swap3A_880 = tpu.vector_load %arg11[%swap3A_879] {strides = array<i32>} : memref<8192xf32, #tpu.memory_space<vmem>>, vector<16xf32>,
    tpu.vector_store %arg11[%swap3A_879], %broadcast_in_dim3A_3 {strides = array<i32>} : memref<8192xf32, #tpu.memory_space<vmem>>, vector<16xf32>,
    %swap3A_881 = arith.constant 7024 : index
    %swap3A_882 = tpu.vector_load %arg11[%swap3A_881] {strides = array<i32>} : memref<8192xf32, #tpu.memory_space<vmem>>, vector<16xf32>,
    tpu.vector_store %arg11[%swap3A_881], %broadcast_in_dim3A_3 {strides = array<i32>} : memref<8192xf32, #tpu.memory_space<vmem>>, vector<16xf32>,
    %swap3A_883 = arith.constant 7040 : index
    %swap3A_884 = tpu.vector_load %arg11[%swap3A_883] {strides = array<i32>} : memref<8192xf32, #tpu.memory_space<vmem>>, vector<16xf32>,
    tpu.vector_store %arg11[%swap3A_883], %broadcast_in_dim3A_3 {strides = array<i32>} : memref<8192xf32, #tpu.memory_space<vmem>>, vector<16xf32>,
    %swap3A_885 = arith.constant 7056 : index
    %swap3A_886 = tpu.vector_load %arg11[%swap3A_885] {strides = array<i32>} : memref<8192xf32, #tpu.memory_space<vmem>>, vector<16xf32>,
    tpu.vector_store %arg11[%swap3A_885], %broadcast_in_dim3A_3 {strides = array<i32>} : memref<8192xf32, #tpu.memory_space<vmem>>, vector<16xf32>,
    %swap3A_887 = arith.constant 7072 : index
    %swap3A_888 = tpu.vector_load %arg11[%swap3A_887] {strides = array<i32>} : memref<8192xf32, #tpu.memory_space<vmem>>, vector<16xf32>,
    tpu.vector_store %arg11[%swap3A_887], %broadcast_in_dim3A_3 {strides = array<i32>} : memref<8192xf32, #tpu.memory_space<vmem>>, vector<16xf32>,
    %swap3A_889 = arith.constant 7088 : index
    %swap3A_890 = tpu.vector_load %arg11[%swap3A_889] {strides = array<i32>} : memref<8192xf32, #tpu.memory_space<vmem>>, vector<16xf32>,
    tpu.vector_store %arg11[%swap3A_889], %broadcast_in_dim3A_3 {strides = array<i32>} : memref<8192xf32, #tpu.memory_space<vmem>>, vector<16xf32>,
    %swap3A_891 = arith.constant 7104 : index
    %swap3A_892 = tpu.vector_load %arg11[%swap3A_891] {strides = array<i32>} : memref<8192xf32, #tpu.memory_space<vmem>>, vector<16xf32>,
    tpu.vector_store %arg11[%swap3A_891], %broadcast_in_dim3A_3 {strides = array<i32>} : memref<8192xf32, #tpu.memory_space<vmem>>, vector<16xf32>,
    %swap3A_893 = arith.constant 7120 : index
    %swap3A_894 = tpu.vector_load %arg11[%swap3A_893] {strides = array<i32>} : memref<8192xf32, #tpu.memory_space<vmem>>, vector<16xf32>,
    tpu.vector_store %arg11[%swap3A_893], %broadcast_in_dim3A_3 {strides = array<i32>} : memref<8192xf32, #tpu.memory_space<vmem>>, vector<16xf32>,
    %swap3A_895 = arith.constant 7136 : index
    %swap3A_896 = tpu.vector_load %arg11[%swap3A_895] {strides = array<i32>} : memref<8192xf32, #tpu.memory_space<vmem>>, vector<16xf32>,
    tpu.vector_store %arg11[%swap3A_895], %broadcast_in_dim3A_3 {strides = array<i32>} : memref<8192xf32, #tpu.memory_space<vmem>>, vector<16xf32>,
    %swap3A_897 = arith.constant 7152 : index
    %swap3A_898 = tpu.vector_load %arg11[%swap3A_897] {strides = array<i32>} : memref<8192xf32, #tpu.memory_space<vmem>>, vector<16xf32>,
    tpu.vector_store %arg11[%swap3A_897], %broadcast_in_dim3A_3 {strides = array<i32>} : memref<8192xf32, #tpu.memory_space<vmem>>, vector<16xf32>,
    %swap3A_899 = arith.constant 7168 : index
    %swap3A_900 = tpu.vector_load %arg11[%swap3A_899] {strides = array<i32>} : memref<8192xf32, #tpu.memory_space<vmem>>, vector<16xf32>,
    tpu.vector_store %arg11[%swap3A_899], %broadcast_in_dim3A_3 {strides = array<i32>} : memref<8192xf32, #tpu.memory_space<vmem>>, vector<16xf32>,
    %swap3A_901 = arith.constant 7184 : index
    %swap3A_902 = tpu.vector_load %arg11[%swap3A_901] {strides = array<i32>} : memref<8192xf32, #tpu.memory_space<vmem>>, vector<16xf32>,
    tpu.vector_store %arg11[%swap3A_901], %broadcast_in_dim3A_3 {strides = array<i32>} : memref<8192xf32, #tpu.memory_space<vmem>>, vector<16xf32>,
    %swap3A_903 = arith.constant 7200 : index
    %swap3A_904 = tpu.vector_load %arg11[%swap3A_903] {strides = array<i32>} : memref<8192xf32, #tpu.memory_space<vmem>>, vector<16xf32>,
    tpu.vector_store %arg11[%swap3A_903], %broadcast_in_dim3A_3 {strides = array<i32>} : memref<8192xf32, #tpu.memory_space<vmem>>, vector<16xf32>,
    %swap3A_905 = arith.constant 7216 : index
    %swap3A_906 = tpu.vector_load %arg11[%swap3A_905] {strides = array<i32>} : memref<8192xf32, #tpu.memory_space<vmem>>, vector<16xf32>,
    tpu.vector_store %arg11[%swap3A_905], %broadcast_in_dim3A_3 {strides = array<i32>} : memref<8192xf32, #tpu.memory_space<vmem>>, vector<16xf32>,
    %swap3A_907 = arith.constant 7232 : index
    %swap3A_908 = tpu.vector_load %arg11[%swap3A_907] {strides = array<i32>} : memref<8192xf32, #tpu.memory_space<vmem>>, vector<16xf32>,
    tpu.vector_store %arg11[%swap3A_907], %broadcast_in_dim3A_3 {strides = array<i32>} : memref<8192xf32, #tpu.memory_space<vmem>>, vector<16xf32>,
    %swap3A_909 = arith.constant 7248 : index
    %swap3A_910 = tpu.vector_load %arg11[%swap3A_909] {strides = array<i32>} : memref<8192xf32, #tpu.memory_space<vmem>>, vector<16xf32>,
    tpu.vector_store %arg11[%swap3A_909], %broadcast_in_dim3A_3 {strides = array<i32>} : memref<8192xf32, #tpu.memory_space<vmem>>, vector<16xf32>,
    %swap3A_911 = arith.constant 7264 : index
    %swap3A_912 = tpu.vector_load %arg11[%swap3A_911] {strides = array<i32>} : memref<8192xf32, #tpu.memory_space<vmem>>, vector<16xf32>,
    tpu.vector_store %arg11[%swap3A_911], %broadcast_in_dim3A_3 {strides = array<i32>} : memref<8192xf32, #tpu.memory_space<vmem>>, vector<16xf32>,
    %swap3A_913 = arith.constant 7280 : index
    %swap3A_914 = tpu.vector_load %arg11[%swap3A_913] {strides = array<i32>} : memref<8192xf32, #tpu.memory_space<vmem>>, vector<16xf32>,
    tpu.vector_store %arg11[%swap3A_913], %broadcast_in_dim3A_3 {strides = array<i32>} : memref<8192xf32, #tpu.memory_space<vmem>>, vector<16xf32>,
    %swap3A_915 = arith.constant 7296 : index
    %swap3A_916 = tpu.vector_load %arg11[%swap3A_915] {strides = array<i32>} : memref<8192xf32, #tpu.memory_space<vmem>>, vector<16xf32>,
    tpu.vector_store %arg11[%swap3A_915], %broadcast_in_dim3A_3 {strides = array<i32>} : memref<8192xf32, #tpu.memory_space<vmem>>, vector<16xf32>,
    %swap3A_917 = arith.constant 7312 : index
    %swap3A_918 = tpu.vector_load %arg11[%swap3A_917] {strides = array<i32>} : memref<8192xf32, #tpu.memory_space<vmem>>, vector<16xf32>,
    tpu.vector_store %arg11[%swap3A_917], %broadcast_in_dim3A_3 {strides = array<i32>} : memref<8192xf32, #tpu.memory_space<vmem>>, vector<16xf32>,
    %swap3A_919 = arith.constant 7328 : index
    %swap3A_920 = tpu.vector_load %arg11[%swap3A_919] {strides = array<i32>} : memref<8192xf32, #tpu.memory_space<vmem>>, vector<16xf32>,
    tpu.vector_store %arg11[%swap3A_919], %broadcast_in_dim3A_3 {strides = array<i32>} : memref<8192xf32, #tpu.memory_space<vmem>>, vector<16xf32>,
    %swap3A_921 = arith.constant 7344 : index
    %swap3A_922 = tpu.vector_load %arg11[%swap3A_921] {strides = array<i32>} : memref<8192xf32, #tpu.memory_space<vmem>>, vector<16xf32>,
    tpu.vector_store %arg11[%swap3A_921], %broadcast_in_dim3A_3 {strides = array<i32>} : memref<8192xf32, #tpu.memory_space<vmem>>, vector<16xf32>,
    %swap3A_923 = arith.constant 7360 : index
    %swap3A_924 = tpu.vector_load %arg11[%swap3A_923] {strides = array<i32>} : memref<8192xf32, #tpu.memory_space<vmem>>, vector<16xf32>,
    tpu.vector_store %arg11[%swap3A_923], %broadcast_in_dim3A_3 {strides = array<i32>} : memref<8192xf32, #tpu.memory_space<vmem>>, vector<16xf32>,
    %swap3A_925 = arith.constant 7376 : index
    %swap3A_926 = tpu.vector_load %arg11[%swap3A_925] {strides = array<i32>} : memref<8192xf32, #tpu.memory_space<vmem>>, vector<16xf32>,
    tpu.vector_store %arg11[%swap3A_925], %broadcast_in_dim3A_3 {strides = array<i32>} : memref<8192xf32, #tpu.memory_space<vmem>>, vector<16xf32>,
    %swap3A_927 = arith.constant 7392 : index
    %swap3A_928 = tpu.vector_load %arg11[%swap3A_927] {strides = array<i32>} : memref<8192xf32, #tpu.memory_space<vmem>>, vector<16xf32>,
    tpu.vector_store %arg11[%swap3A_927], %broadcast_in_dim3A_3 {strides = array<i32>} : memref<8192xf32, #tpu.memory_space<vmem>>, vector<16xf32>,
    %swap3A_929 = arith.constant 7408 : index
    %swap3A_930 = tpu.vector_load %arg11[%swap3A_929] {strides = array<i32>} : memref<8192xf32, #tpu.memory_space<vmem>>, vector<16xf32>,
    tpu.vector_store %arg11[%swap3A_929], %broadcast_in_dim3A_3 {strides = array<i32>} : memref<8192xf32, #tpu.memory_space<vmem>>, vector<16xf32>,
    %swap3A_931 = arith.constant 7424 : index
    %swap3A_932 = tpu.vector_load %arg11[%swap3A_931] {strides = array<i32>} : memref<8192xf32, #tpu.memory_space<vmem>>, vector<16xf32>,
    tpu.vector_store %arg11[%swap3A_931], %broadcast_in_dim3A_3 {strides = array<i32>} : memref<8192xf32, #tpu.memory_space<vmem>>, vector<16xf32>,
    %swap3A_933 = arith.constant 7440 : index
    %swap3A_934 = tpu.vector_load %arg11[%swap3A_933] {strides = array<i32>} : memref<8192xf32, #tpu.memory_space<vmem>>, vector<16xf32>,
    tpu.vector_store %arg11[%swap3A_933], %broadcast_in_dim3A_3 {strides = array<i32>} : memref<8192xf32, #tpu.memory_space<vmem>>, vector<16xf32>,
    %swap3A_935 = arith.constant 7456 : index
    %swap3A_936 = tpu.vector_load %arg11[%swap3A_935] {strides = array<i32>} : memref<8192xf32, #tpu.memory_space<vmem>>, vector<16xf32>,
    tpu.vector_store %arg11[%swap3A_935], %broadcast_in_dim3A_3 {strides = array<i32>} : memref<8192xf32, #tpu.memory_space<vmem>>, vector<16xf32>,
    %swap3A_937 = arith.constant 7472 : index
    %swap3A_938 = tpu.vector_load %arg11[%swap3A_937] {strides = array<i32>} : memref<8192xf32, #tpu.memory_space<vmem>>, vector<16xf32>,
    tpu.vector_store %arg11[%swap3A_937], %broadcast_in_dim3A_3 {strides = array<i32>} : memref<8192xf32, #tpu.memory_space<vmem>>, vector<16xf32>,
    %swap3A_939 = arith.constant 7488 : index
    %swap3A_940 = tpu.vector_load %arg11[%swap3A_939] {strides = array<i32>} : memref<8192xf32, #tpu.memory_space<vmem>>, vector<16xf32>,
    tpu.vector_store %arg11[%swap3A_939], %broadcast_in_dim3A_3 {strides = array<i32>} : memref<8192xf32, #tpu.memory_space<vmem>>, vector<16xf32>,
    %swap3A_941 = arith.constant 7504 : index
    %swap3A_942 = tpu.vector_load %arg11[%swap3A_941] {strides = array<i32>} : memref<8192xf32, #tpu.memory_space<vmem>>, vector<16xf32>,
    tpu.vector_store %arg11[%swap3A_941], %broadcast_in_dim3A_3 {strides = array<i32>} : memref<8192xf32, #tpu.memory_space<vmem>>, vector<16xf32>,
    %swap3A_943 = arith.constant 7520 : index
    %swap3A_944 = tpu.vector_load %arg11[%swap3A_943] {strides = array<i32>} : memref<8192xf32, #tpu.memory_space<vmem>>, vector<16xf32>,
    tpu.vector_store %arg11[%swap3A_943], %broadcast_in_dim3A_3 {strides = array<i32>} : memref<8192xf32, #tpu.memory_space<vmem>>, vector<16xf32>,
    %swap3A_945 = arith.constant 7536 : index
    %swap3A_946 = tpu.vector_load %arg11[%swap3A_945] {strides = array<i32>} : memref<8192xf32, #tpu.memory_space<vmem>>, vector<16xf32>,
    tpu.vector_store %arg11[%swap3A_945], %broadcast_in_dim3A_3 {strides = array<i32>} : memref<8192xf32, #tpu.memory_space<vmem>>, vector<16xf32>,
    %swap3A_947 = arith.constant 7552 : index
    %swap3A_948 = tpu.vector_load %arg11[%swap3A_947] {strides = array<i32>} : memref<8192xf32, #tpu.memory_space<vmem>>, vector<16xf32>,
    tpu.vector_store %arg11[%swap3A_947], %broadcast_in_dim3A_3 {strides = array<i32>} : memref<8192xf32, #tpu.memory_space<vmem>>, vector<16xf32>,
    %swap3A_949 = arith.constant 7568 : index
    %swap3A_950 = tpu.vector_load %arg11[%swap3A_949] {strides = array<i32>} : memref<8192xf32, #tpu.memory_space<vmem>>, vector<16xf32>,
    tpu.vector_store %arg11[%swap3A_949], %broadcast_in_dim3A_3 {strides = array<i32>} : memref<8192xf32, #tpu.memory_space<vmem>>, vector<16xf32>,
    %swap3A_951 = arith.constant 7584 : index
    %swap3A_952 = tpu.vector_load %arg11[%swap3A_951] {strides = array<i32>} : memref<8192xf32, #tpu.memory_space<vmem>>, vector<16xf32>,
    tpu.vector_store %arg11[%swap3A_951], %broadcast_in_dim3A_3 {strides = array<i32>} : memref<8192xf32, #tpu.memory_space<vmem>>, vector<16xf32>,
    %swap3A_953 = arith.constant 7600 : index
    %swap3A_954 = tpu.vector_load %arg11[%swap3A_953] {strides = array<i32>} : memref<8192xf32, #tpu.memory_space<vmem>>, vector<16xf32>,
    tpu.vector_store %arg11[%swap3A_953], %broadcast_in_dim3A_3 {strides = array<i32>} : memref<8192xf32, #tpu.memory_space<vmem>>, vector<16xf32>,
    %swap3A_955 = arith.constant 7616 : index
    %swap3A_956 = tpu.vector_load %arg11[%swap3A_955] {strides = array<i32>} : memref<8192xf32, #tpu.memory_space<vmem>>, vector<16xf32>,
    tpu.vector_store %arg11[%swap3A_955], %broadcast_in_dim3A_3 {strides = array<i32>} : memref<8192xf32, #tpu.memory_space<vmem>>, vector<16xf32>,
    %swap3A_957 = arith.constant 7632 : index
    %swap3A_958 = tpu.vector_load %arg11[%swap3A_957] {strides = array<i32>} : memref<8192xf32, #tpu.memory_space<vmem>>, vector<16xf32>,
    tpu.vector_store %arg11[%swap3A_957], %broadcast_in_dim3A_3 {strides = array<i32>} : memref<8192xf32, #tpu.memory_space<vmem>>, vector<16xf32>,
    %swap3A_959 = arith.constant 7648 : index
    %swap3A_960 = tpu.vector_load %arg11[%swap3A_959] {strides = array<i32>} : memref<8192xf32, #tpu.memory_space<vmem>>, vector<16xf32>,
    tpu.vector_store %arg11[%swap3A_959], %broadcast_in_dim3A_3 {strides = array<i32>} : memref<8192xf32, #tpu.memory_space<vmem>>, vector<16xf32>,
    %swap3A_961 = arith.constant 7664 : index
    %swap3A_962 = tpu.vector_load %arg11[%swap3A_961] {strides = array<i32>} : memref<8192xf32, #tpu.memory_space<vmem>>, vector<16xf32>,
    tpu.vector_store %arg11[%swap3A_961], %broadcast_in_dim3A_3 {strides = array<i32>} : memref<8192xf32, #tpu.memory_space<vmem>>, vector<16xf32>,
    %swap3A_963 = arith.constant 7680 : index
    %swap3A_964 = tpu.vector_load %arg11[%swap3A_963] {strides = array<i32>} : memref<8192xf32, #tpu.memory_space<vmem>>, vector<16xf32>,
    tpu.vector_store %arg11[%swap3A_963], %broadcast_in_dim3A_3 {strides = array<i32>} : memref<8192xf32, #tpu.memory_space<vmem>>, vector<16xf32>,
    %swap3A_965 = arith.constant 7696 : index
    %swap3A_966 = tpu.vector_load %arg11[%swap3A_965] {strides = array<i32>} : memref<8192xf32, #tpu.memory_space<vmem>>, vector<16xf32>,
    tpu.vector_store %arg11[%swap3A_965], %broadcast_in_dim3A_3 {strides = array<i32>} : memref<8192xf32, #tpu.memory_space<vmem>>, vector<16xf32>,
    %swap3A_967 = arith.constant 7712 : index
    %swap3A_968 = tpu.vector_load %arg11[%swap3A_967] {strides = array<i32>} : memref<8192xf32, #tpu.memory_space<vmem>>, vector<16xf32>,
    tpu.vector_store %arg11[%swap3A_967], %broadcast_in_dim3A_3 {strides = array<i32>} : memref<8192xf32, #tpu.memory_space<vmem>>, vector<16xf32>,
    %swap3A_969 = arith.constant 7728 : index
    %swap3A_970 = tpu.vector_load %arg11[%swap3A_969] {strides = array<i32>} : memref<8192xf32, #tpu.memory_space<vmem>>, vector<16xf32>,
    tpu.vector_store %arg11[%swap3A_969], %broadcast_in_dim3A_3 {strides = array<i32>} : memref<8192xf32, #tpu.memory_space<vmem>>, vector<16xf32>,
    %swap3A_971 = arith.constant 7744 : index
    %swap3A_972 = tpu.vector_load %arg11[%swap3A_971] {strides = array<i32>} : memref<8192xf32, #tpu.memory_space<vmem>>, vector<16xf32>,
    tpu.vector_store %arg11[%swap3A_971], %broadcast_in_dim3A_3 {strides = array<i32>} : memref<8192xf32, #tpu.memory_space<vmem>>, vector<16xf32>,
    %swap3A_973 = arith.constant 7760 : index
    %swap3A_974 = tpu.vector_load %arg11[%swap3A_973] {strides = array<i32>} : memref<8192xf32, #tpu.memory_space<vmem>>, vector<16xf32>,
    tpu.vector_store %arg11[%swap3A_973], %broadcast_in_dim3A_3 {strides = array<i32>} : memref<8192xf32, #tpu.memory_space<vmem>>, vector<16xf32>,
    %swap3A_975 = arith.constant 7776 : index
    %swap3A_976 = tpu.vector_load %arg11[%swap3A_975] {strides = array<i32>} : memref<8192xf32, #tpu.memory_space<vmem>>, vector<16xf32>,
    tpu.vector_store %arg11[%swap3A_975], %broadcast_in_dim3A_3 {strides = array<i32>} : memref<8192xf32, #tpu.memory_space<vmem>>, vector<16xf32>,
    %swap3A_977 = arith.constant 7792 : index
    %swap3A_978 = tpu.vector_load %arg11[%swap3A_977] {strides = array<i32>} : memref<8192xf32, #tpu.memory_space<vmem>>, vector<16xf32>,
    tpu.vector_store %arg11[%swap3A_977], %broadcast_in_dim3A_3 {strides = array<i32>} : memref<8192xf32, #tpu.memory_space<vmem>>, vector<16xf32>,
    %swap3A_979 = arith.constant 7808 : index
    %swap3A_980 = tpu.vector_load %arg11[%swap3A_979] {strides = array<i32>} : memref<8192xf32, #tpu.memory_space<vmem>>, vector<16xf32>,
    tpu.vector_store %arg11[%swap3A_979], %broadcast_in_dim3A_3 {strides = array<i32>} : memref<8192xf32, #tpu.memory_space<vmem>>, vector<16xf32>,
    %swap3A_981 = arith.constant 7824 : index
    %swap3A_982 = tpu.vector_load %arg11[%swap3A_981] {strides = array<i32>} : memref<8192xf32, #tpu.memory_space<vmem>>, vector<16xf32>,
    tpu.vector_store %arg11[%swap3A_981], %broadcast_in_dim3A_3 {strides = array<i32>} : memref<8192xf32, #tpu.memory_space<vmem>>, vector<16xf32>,
    %swap3A_983 = arith.constant 7840 : index
    %swap3A_984 = tpu.vector_load %arg11[%swap3A_983] {strides = array<i32>} : memref<8192xf32, #tpu.memory_space<vmem>>, vector<16xf32>,
    tpu.vector_store %arg11[%swap3A_983], %broadcast_in_dim3A_3 {strides = array<i32>} : memref<8192xf32, #tpu.memory_space<vmem>>, vector<16xf32>,
    %swap3A_985 = arith.constant 7856 : index
    %swap3A_986 = tpu.vector_load %arg11[%swap3A_985] {strides = array<i32>} : memref<8192xf32, #tpu.memory_space<vmem>>, vector<16xf32>,
    tpu.vector_store %arg11[%swap3A_985], %broadcast_in_dim3A_3 {strides = array<i32>} : memref<8192xf32, #tpu.memory_space<vmem>>, vector<16xf32>,
    %swap3A_987 = arith.constant 7872 : index
    %swap3A_988 = tpu.vector_load %arg11[%swap3A_987] {strides = array<i32>} : memref<8192xf32, #tpu.memory_space<vmem>>, vector<16xf32>,
    tpu.vector_store %arg11[%swap3A_987], %broadcast_in_dim3A_3 {strides = array<i32>} : memref<8192xf32, #tpu.memory_space<vmem>>, vector<16xf32>,
    %swap3A_989 = arith.constant 7888 : index
    %swap3A_990 = tpu.vector_load %arg11[%swap3A_989] {strides = array<i32>} : memref<8192xf32, #tpu.memory_space<vmem>>, vector<16xf32>,
    tpu.vector_store %arg11[%swap3A_989], %broadcast_in_dim3A_3 {strides = array<i32>} : memref<8192xf32, #tpu.memory_space<vmem>>, vector<16xf32>,
    %swap3A_991 = arith.constant 7904 : index
    %swap3A_992 = tpu.vector_load %arg11[%swap3A_991] {strides = array<i32>} : memref<8192xf32, #tpu.memory_space<vmem>>, vector<16xf32>,
    tpu.vector_store %arg11[%swap3A_991], %broadcast_in_dim3A_3 {strides = array<i32>} : memref<8192xf32, #tpu.memory_space<vmem>>, vector<16xf32>,
    %swap3A_993 = arith.constant 7920 : index
    %swap3A_994 = tpu.vector_load %arg11[%swap3A_993] {strides = array<i32>} : memref<8192xf32, #tpu.memory_space<vmem>>, vector<16xf32>,
    tpu.vector_store %arg11[%swap3A_993], %broadcast_in_dim3A_3 {strides = array<i32>} : memref<8192xf32, #tpu.memory_space<vmem>>, vector<16xf32>,
    %swap3A_995 = arith.constant 7936 : index
    %swap3A_996 = tpu.vector_load %arg11[%swap3A_995] {strides = array<i32>} : memref<8192xf32, #tpu.memory_space<vmem>>, vector<16xf32>,
    tpu.vector_store %arg11[%swap3A_995], %broadcast_in_dim3A_3 {strides = array<i32>} : memref<8192xf32, #tpu.memory_space<vmem>>, vector<16xf32>,
    %swap3A_997 = arith.constant 7952 : index
    %swap3A_998 = tpu.vector_load %arg11[%swap3A_997] {strides = array<i32>} : memref<8192xf32, #tpu.memory_space<vmem>>, vector<16xf32>,
    tpu.vector_store %arg11[%swap3A_997], %broadcast_in_dim3A_3 {strides = array<i32>} : memref<8192xf32, #tpu.memory_space<vmem>>, vector<16xf32>,
    %swap3A_999 = arith.constant 7968 : index
    %swap3A_1000 = tpu.vector_load %arg11[%swap3A_999] {strides = array<i32>} : memref<8192xf32, #tpu.memory_space<vmem>>, vector<16xf32>,
    tpu.vector_store %arg11[%swap3A_999], %broadcast_in_dim3A_3 {strides = array<i32>} : memref<8192xf32, #tpu.memory_space<vmem>>, vector<16xf32>,
    %swap3A_1001 = arith.constant 7984 : index
    %swap3A_1002 = tpu.vector_load %arg11[%swap3A_1001] {strides = array<i32>} : memref<8192xf32, #tpu.memory_space<vmem>>, vector<16xf32>,
    tpu.vector_store %arg11[%swap3A_1001], %broadcast_in_dim3A_3 {strides = array<i32>} : memref<8192xf32, #tpu.memory_space<vmem>>, vector<16xf32>,
    %swap3A_1003 = arith.constant 8000 : index
    %swap3A_1004 = tpu.vector_load %arg11[%swap3A_1003] {strides = array<i32>} : memref<8192xf32, #tpu.memory_space<vmem>>, vector<16xf32>,
    tpu.vector_store %arg11[%swap3A_1003], %broadcast_in_dim3A_3 {strides = array<i32>} : memref<8192xf32, #tpu.memory_space<vmem>>, vector<16xf32>,
    %swap3A_1005 = arith.constant 8016 : index
    %swap3A_1006 = tpu.vector_load %arg11[%swap3A_1005] {strides = array<i32>} : memref<8192xf32, #tpu.memory_space<vmem>>, vector<16xf32>,
    tpu.vector_store %arg11[%swap3A_1005], %broadcast_in_dim3A_3 {strides = array<i32>} : memref<8192xf32, #tpu.memory_space<vmem>>, vector<16xf32>,
    %swap3A_1007 = arith.constant 8032 : index
    %swap3A_1008 = tpu.vector_load %arg11[%swap3A_1007] {strides = array<i32>} : memref<8192xf32, #tpu.memory_space<vmem>>, vector<16xf32>,
    tpu.vector_store %arg11[%swap3A_1007], %broadcast_in_dim3A_3 {strides = array<i32>} : memref<8192xf32, #tpu.memory_space<vmem>>, vector<16xf32>,
    %swap3A_1009 = arith.constant 8048 : index
    %swap3A_1010 = tpu.vector_load %arg11[%swap3A_1009] {strides = array<i32>} : memref<8192xf32, #tpu.memory_space<vmem>>, vector<16xf32>,
    tpu.vector_store %arg11[%swap3A_1009], %broadcast_in_dim3A_3 {strides = array<i32>} : memref<8192xf32, #tpu.memory_space<vmem>>, vector<16xf32>,
    %swap3A_1011 = arith.constant 8064 : index
    %swap3A_1012 = tpu.vector_load %arg11[%swap3A_1011] {strides = array<i32>} : memref<8192xf32, #tpu.memory_space<vmem>>, vector<16xf32>,
    tpu.vector_store %arg11[%swap3A_1011], %broadcast_in_dim3A_3 {strides = array<i32>} : memref<8192xf32, #tpu.memory_space<vmem>>, vector<16xf32>,
    %swap3A_1013 = arith.constant 8080 : index
    %swap3A_1014 = tpu.vector_load %arg11[%swap3A_1013] {strides = array<i32>} : memref<8192xf32, #tpu.memory_space<vmem>>, vector<16xf32>,
    tpu.vector_store %arg11[%swap3A_1013], %broadcast_in_dim3A_3 {strides = array<i32>} : memref<8192xf32, #tpu.memory_space<vmem>>, vector<16xf32>,
    %swap3A_1015 = arith.constant 8096 : index
    %swap3A_1016 = tpu.vector_load %arg11[%swap3A_1015] {strides = array<i32>} : memref<8192xf32, #tpu.memory_space<vmem>>, vector<16xf32>,
    tpu.vector_store %arg11[%swap3A_1015], %broadcast_in_dim3A_3 {strides = array<i32>} : memref<8192xf32, #tpu.memory_space<vmem>>, vector<16xf32>,
    %swap3A_1017 = arith.constant 8112 : index
    %swap3A_1018 = tpu.vector_load %arg11[%swap3A_1017] {strides = array<i32>} : memref<8192xf32, #tpu.memory_space<vmem>>, vector<16xf32>,
    tpu.vector_store %arg11[%swap3A_1017], %broadcast_in_dim3A_3 {strides = array<i32>} : memref<8192xf32, #tpu.memory_space<vmem>>, vector<16xf32>,
    %swap3A_1019 = arith.constant 8128 : index
    %swap3A_1020 = tpu.vector_load %arg11[%swap3A_1019] {strides = array<i32>} : memref<8192xf32, #tpu.memory_space<vmem>>, vector<16xf32>,
    tpu.vector_store %arg11[%swap3A_1019], %broadcast_in_dim3A_3 {strides = array<i32>} : memref<8192xf32, #tpu.memory_space<vmem>>, vector<16xf32>,
    %swap3A_1021 = arith.constant 8144 : index
    %swap3A_1022 = tpu.vector_load %arg11[%swap3A_1021] {strides = array<i32>} : memref<8192xf32, #tpu.memory_space<vmem>>, vector<16xf32>,
    tpu.vector_store %arg11[%swap3A_1021], %broadcast_in_dim3A_3 {strides = array<i32>} : memref<8192xf32, #tpu.memory_space<vmem>>, vector<16xf32>,
    %swap3A_1023 = arith.constant 8160 : index
    %swap3A_1024 = tpu.vector_load %arg11[%swap3A_1023] {strides = array<i32>} : memref<8192xf32, #tpu.memory_space<vmem>>, vector<16xf32>,
    tpu.vector_store %arg11[%swap3A_1023], %broadcast_in_dim3A_3 {strides = array<i32>} : memref<8192xf32, #tpu.memory_space<vmem>>, vector<16xf32>,
    %swap3A_1025 = arith.constant 8176 : index
    %swap3A_1026 = tpu.vector_load %arg11[%swap3A_1025] {strides = array<i32>} : memref<8192xf32, #tpu.memory_space<vmem>>, vector<16xf32>,
    tpu.vector_store %arg11[%swap3A_1025], %broadcast_in_dim3A_3 {strides = array<i32>} : memref<8192xf32, #tpu.memory_space<vmem>>, vector<16xf32>,
    %iota3A = tpu.iota {dimensions = array<i32: 0>} : vector<16xi32>
    %broadcast_in_dim3A_1027 = arith.constant 1.000000e+00 : f32
    %broadcast_in_dim3A_1028 = vector.broadcast %broadcast_in_dim3A_1027 : f32 to vector<16xf32>
    %get3A = arith.constant 0 : index
    %get3A_1029 = tpu.vector_load %arg10[%get3A] {strides = array<i32>} : memref<16xf32, #tpu.memory_space<vmem>>, vector<16xf32>,
    %add3A_1030 = arith.constant 0 : i32
    %add3A_1031 = arith.addi %mul3A_2, %add3A_1030 : i32
    %dma_start3A = tpu.memref_slice %arg2[%add3A_1031] : memref<8388608xf32, #tpu.memory_space<hbm>> -> memref<16384xf32, #tpu.memory_space<hbm>>
    %dma_start3A_1032 = tpu.memref_slice %arg2[%add3A_1031] : memref<8388608xf32, #tpu.memory_space<hbm>> -> memref<16384xf32, #tpu.memory_space<hbm>>
    tpu.enqueue_dma source(%dma_start3A_1032 : memref<16384xf32, #tpu.memory_space<hbm>>) target(%arg6 : memref<16384xf32, #tpu.memory_space<vmem>>) target_semaphore(%arg13 : memref<!tpu.dma_semaphore, #tpu.memory_space<semaphore_mem>>)
    %dma_start3A_1033 = tpu.memref_slice %arg3[%add3A_1031] : memref<8388608xf32, #tpu.memory_space<hbm>> -> memref<16384xf32, #tpu.memory_space<hbm>>
    %dma_start3A_1034 = tpu.memref_slice %arg3[%add3A_1031] : memref<8388608xf32, #tpu.memory_space<hbm>> -> memref<16384xf32, #tpu.memory_space<hbm>>
    tpu.enqueue_dma source(%dma_start3A_1034 : memref<16384xf32, #tpu.memory_space<hbm>>) target(%arg8 : memref<16384xf32, #tpu.memory_space<vmem>>) target_semaphore(%arg14 : memref<!tpu.dma_semaphore, #tpu.memory_space<semaphore_mem>>)
    %add3A_1035 = arith.constant 16384 : i32
    %add3A_1036 = arith.addi %mul3A_2, %add3A_1035 : i32
    %dma_start3A_1037 = tpu.memref_slice %arg2[%add3A_1036] : memref<8388608xf32, #tpu.memory_space<hbm>> -> memref<16384xf32, #tpu.memory_space<hbm>>
    %dma_start3A_1038 = tpu.memref_slice %arg2[%add3A_1036] : memref<8388608xf32, #tpu.memory_space<hbm>> -> memref<16384xf32, #tpu.memory_space<hbm>>
    tpu.enqueue_dma source(%dma_start3A_1038 : memref<16384xf32, #tpu.memory_space<hbm>>) target(%arg7 : memref<16384xf32, #tpu.memory_space<vmem>>) target_semaphore(%arg15 : memref<!tpu.dma_semaphore, #tpu.memory_space<semaphore_mem>>)
    %dma_start3A_1039 = tpu.memref_slice %arg3[%add3A_1036] : memref<8388608xf32, #tpu.memory_space<hbm>> -> memref<16384xf32, #tpu.memory_space<hbm>>
    %dma_start3A_1040 = tpu.memref_slice %arg3[%add3A_1036] : memref<8388608xf32, #tpu.memory_space<hbm>> -> memref<16384xf32, #tpu.memory_space<hbm>>
    tpu.enqueue_dma source(%dma_start3A_1040 : memref<16384xf32, #tpu.memory_space<hbm>>) target(%arg9 : memref<16384xf32, #tpu.memory_space<vmem>>) target_semaphore(%arg16 : memref<!tpu.dma_semaphore, #tpu.memory_space<semaphore_mem>>)
    %scan3A = arith.constant 0 : i32
    %scan3A_1041 = arith.constant 0 : i32
    %scan3A_1042 = arith.constant 8 : i32
    %scan3A_1043 = arith.addi %scan3A_1041, %scan3A_1042 : i32
    %scan3A_1044 = arith.constant 1 : i32
    scf.for %scan3A_2006 = %scan3A_1041 to %scan3A_1043 step %scan3A_1044  : i32 {
      %mul3A_2007 = arith.constant 2 : i32
      %mul3A_2008 = arith.muli %scan3A_2006, %mul3A_2007 : i32
      %dma_wait3A = arith.constant 0 : i32
      %dma_wait3A_2009 = tpu.memref_slice %arg2[%dma_wait3A] : memref<8388608xf32, #tpu.memory_space<hbm>> -> memref<16384xf32, #tpu.memory_space<hbm>>
      %dma_wait3A_2010 = arith.constant 0 : i32
      %dma_wait3A_2011 = tpu.memref_slice %arg2[%dma_wait3A_2010] : memref<8388608xf32, #tpu.memory_space<hbm>> -> memref<16384xf32, #tpu.memory_space<hbm>>
      tpu.wait_dma2 semaphore(%arg13 : memref<!tpu.dma_semaphore, #tpu.memory_space<semaphore_mem>>) src(%dma_wait3A_2011 : memref<16384xf32, #tpu.memory_space<hbm>>) dst(%arg6 : memref<16384xf32, #tpu.memory_space<vmem>>)
      %dma_wait3A_2012 = arith.constant 0 : i32
      %dma_wait3A_2013 = tpu.memref_slice %arg3[%dma_wait3A_2012] : memref<8388608xf32, #tpu.memory_space<hbm>> -> memref<16384xf32, #tpu.memory_space<hbm>>
      %dma_wait3A_2014 = arith.constant 0 : i32
      %dma_wait3A_2015 = tpu.memref_slice %arg3[%dma_wait3A_2014] : memref<8388608xf32, #tpu.memory_space<hbm>> -> memref<16384xf32, #tpu.memory_space<hbm>>
      tpu.wait_dma2 semaphore(%arg14 : memref<!tpu.dma_semaphore, #tpu.memory_space<semaphore_mem>>) src(%dma_wait3A_2015 : memref<16384xf32, #tpu.memory_space<hbm>>) dst(%arg8 : memref<16384xf32, #tpu.memory_space<vmem>>)
      %parallel_loop3A = arith.constant 0 : i32
      %parallel_loop3A_2016 = arith.constant 256 : i32
      %parallel_loop3A_2017 = arith.constant 1 : i32
      scf.for %parallel_loop3A_2044 = %parallel_loop3A to %parallel_loop3A_2016 step %parallel_loop3A_2017  : i32 {
        %parallel_loop3A_2045 = arith.constant 64 : i32
        %parallel_loop3A_2046 = arith.muli %parallel_loop3A_2044, %parallel_loop3A_2045 : i32
        %parallel_loop3A_2047 = arith.constant 0 : i32
        %parallel_loop3A_2048 = arith.addi %parallel_loop3A_2046, %parallel_loop3A_2047 : i32
        %parallel_loop3A_2049 = arith.index_cast %parallel_loop3A_2048 : i32 to index
        %parallel_loop3A_2050 = tpu.vector_load %arg6[%parallel_loop3A_2049] {strides = array<i32>} : memref<16384xf32, #tpu.memory_space<vmem>>, vector<16xf32>,
        %parallel_loop3A_2051 = arith.index_cast %parallel_loop3A_2048 : i32 to index
        %parallel_loop3A_2052 = tpu.vector_load %arg8[%parallel_loop3A_2051] {strides = array<i32>} : memref<16384xf32, #tpu.memory_space<vmem>>, vector<16xf32>,
        %parallel_loop3A_2053 = arith.constant 14.9999857 : f32
        %parallel_loop3A_2054 = vector.broadcast %parallel_loop3A_2053 : f32 to vector<16xf32>
        %parallel_loop3A_2055 = arith.mulf %parallel_loop3A_2050, %parallel_loop3A_2054 : vector<16xf32>
        %parallel_loop3A_2056 = arith.fptosi %parallel_loop3A_2055 : vector<16xf32> to vector<16xi32>
        %parallel_loop3A_2057 = vector.shape_cast %parallel_loop3A_2056 : vector<16xi32> to vector<16x1xi32>
        %parallel_loop3A_2058 = vector.shape_cast %parallel_loop3A_2057 : vector<16x1xi32> to vector<16xi32>
        %parallel_loop3A_2059 = tpu.dynamic_gather %get3A_1029[%parallel_loop3A_2058] in [0] : vector<16xf32>, vector<16xi32> -> vector<16xf32>
        %parallel_loop3A_2060 = arith.cmpf oeq, %parallel_loop3A_2050, %parallel_loop3A_2059 : vector<16xf32>
        %parallel_loop3A_2061 = arith.constant 9 : i32
        %parallel_loop3A_2062 = vector.broadcast %parallel_loop3A_2061 : i32 to vector<16xi32>
        %parallel_loop3A_2063 = arith.shli %parallel_loop3A_2056, %parallel_loop3A_2062 : vector<16xi32>
        %parallel_loop3A_2064 = arith.ori %parallel_loop3A_2063, %iota3A : vector<16xi32>
        %parallel_loop3A_2065 = arith.cmpf oge, %parallel_loop3A_2050, %parallel_loop3A_2059 : vector<16xf32>
        %parallel_loop3A_2066 = arith.constant 512 : i32
        %parallel_loop3A_2067 = arith.constant 0 : i32
        %parallel_loop3A_2068 = vector.broadcast %parallel_loop3A_2066 : i32 to vector<16xi32>
        %parallel_loop3A_2069 = vector.broadcast %parallel_loop3A_2067 : i32 to vector<16xi32>
        %parallel_loop3A_2070 = arith.select %parallel_loop3A_2065, %parallel_loop3A_2068, %parallel_loop3A_2069 : vector<16xi1>, vector<16xi32>
        %parallel_loop3A_2071 = arith.addi %parallel_loop3A_2064, %parallel_loop3A_2070 : vector<16xi32>
        %parallel_loop3A_2072 = arith.constant 0 : i32
        %parallel_loop3A_2073 = vector.broadcast %parallel_loop3A_2072 : i32 to vector<16xi32>
        %parallel_loop3A_2074 = arith.addi %parallel_loop3A_2071, %parallel_loop3A_2073 : vector<16xi32>
        tpu.vector_store_idx %arg11[%parallel_loop3A_2074], %broadcast_in_dim3A_1028 {add = true} : memref<8192xf32, #tpu.memory_space<vmem>>[vector<16xi32>], vector<16xf32>,
        %parallel_loop3A_2075 = arith.constant 16 : i32
        %parallel_loop3A_2076 = vector.broadcast %parallel_loop3A_2075 : i32 to vector<16xi32>
        %parallel_loop3A_2077 = arith.addi %parallel_loop3A_2071, %parallel_loop3A_2076 : vector<16xi32>
        tpu.vector_store_idx %arg11[%parallel_loop3A_2077], %parallel_loop3A_2050 {add = true} : memref<8192xf32, #tpu.memory_space<vmem>>[vector<16xi32>], vector<16xf32>,
        %parallel_loop3A_2078 = arith.constant 32 : i32
        %parallel_loop3A_2079 = vector.broadcast %parallel_loop3A_2078 : i32 to vector<16xi32>
        %parallel_loop3A_2080 = arith.addi %parallel_loop3A_2071, %parallel_loop3A_2079 : vector<16xi32>
        tpu.vector_store_idx %arg11[%parallel_loop3A_2080], %parallel_loop3A_2052 {add = true} : memref<8192xf32, #tpu.memory_space<vmem>>[vector<16xi32>], vector<16xf32>,
        %parallel_loop3A_2081 = arith.constant 48 : i32
        %parallel_loop3A_2082 = vector.broadcast %parallel_loop3A_2081 : i32 to vector<16xi32>
        %parallel_loop3A_2083 = arith.addi %parallel_loop3A_2064, %parallel_loop3A_2082 : vector<16xi32>
        %parallel_loop3A_2084 = arith.constant 0x49800000 : f32
        %parallel_loop3A_2085 = vector.broadcast %parallel_loop3A_2084 : f32 to vector<16xf32>
        %parallel_loop3A_2086 = arith.addf %parallel_loop3A_2052, %parallel_loop3A_2085 : vector<16xf32>
        tpu.vector_store_idx %arg11[%parallel_loop3A_2083], %parallel_loop3A_2086 masked %parallel_loop3A_2060 {add = true} : memref<8192xf32, #tpu.memory_space<vmem>>[vector<16xi32>], vector<16xf32>, vector<16xi1>
        %parallel_loop3A_2087 = arith.constant 64 : i32
        %parallel_loop3A_2088 = arith.muli %parallel_loop3A_2044, %parallel_loop3A_2087 : i32
        %parallel_loop3A_2089 = arith.constant 16 : i32
        %parallel_loop3A_2090 = arith.addi %parallel_loop3A_2088, %parallel_loop3A_2089 : i32
        %parallel_loop3A_2091 = arith.index_cast %parallel_loop3A_2090 : i32 to index
        %parallel_loop3A_2092 = tpu.vector_load %arg6[%parallel_loop3A_2091] {strides = array<i32>} : memref<16384xf32, #tpu.memory_space<vmem>>, vector<16xf32>,
        %parallel_loop3A_2093 = arith.index_cast %parallel_loop3A_2090 : i32 to index
        %parallel_loop3A_2094 = tpu.vector_load %arg8[%parallel_loop3A_2093] {strides = array<i32>} : memref<16384xf32, #tpu.memory_space<vmem>>, vector<16xf32>,
        %parallel_loop3A_2095 = arith.constant 14.9999857 : f32
        %parallel_loop3A_2096 = vector.broadcast %parallel_loop3A_2095 : f32 to vector<16xf32>
        %parallel_loop3A_2097 = arith.mulf %parallel_loop3A_2092, %parallel_loop3A_2096 : vector<16xf32>
        %parallel_loop3A_2098 = arith.fptosi %parallel_loop3A_2097 : vector<16xf32> to vector<16xi32>
        %parallel_loop3A_2099 = vector.shape_cast %parallel_loop3A_2098 : vector<16xi32> to vector<16x1xi32>
        %parallel_loop3A_2100 = vector.shape_cast %parallel_loop3A_2099 : vector<16x1xi32> to vector<16xi32>
        %parallel_loop3A_2101 = tpu.dynamic_gather %get3A_1029[%parallel_loop3A_2100] in [0] : vector<16xf32>, vector<16xi32> -> vector<16xf32>
        %parallel_loop3A_2102 = arith.cmpf oeq, %parallel_loop3A_2092, %parallel_loop3A_2101 : vector<16xf32>
        %parallel_loop3A_2103 = arith.constant 9 : i32
        %parallel_loop3A_2104 = vector.broadcast %parallel_loop3A_2103 : i32 to vector<16xi32>
        %parallel_loop3A_2105 = arith.shli %parallel_loop3A_2098, %parallel_loop3A_2104 : vector<16xi32>
        %parallel_loop3A_2106 = arith.ori %parallel_loop3A_2105, %iota3A : vector<16xi32>
        %parallel_loop3A_2107 = arith.cmpf oge, %parallel_loop3A_2092, %parallel_loop3A_2101 : vector<16xf32>
        %parallel_loop3A_2108 = arith.constant 512 : i32
        %parallel_loop3A_2109 = arith.constant 0 : i32
        %parallel_loop3A_2110 = vector.broadcast %parallel_loop3A_2108 : i32 to vector<16xi32>
        %parallel_loop3A_2111 = vector.broadcast %parallel_loop3A_2109 : i32 to vector<16xi32>
        %parallel_loop3A_2112 = arith.select %parallel_loop3A_2107, %parallel_loop3A_2110, %parallel_loop3A_2111 : vector<16xi1>, vector<16xi32>
        %parallel_loop3A_2113 = arith.addi %parallel_loop3A_2106, %parallel_loop3A_2112 : vector<16xi32>
        %parallel_loop3A_2114 = arith.constant 64 : i32
        %parallel_loop3A_2115 = vector.broadcast %parallel_loop3A_2114 : i32 to vector<16xi32>
        %parallel_loop3A_2116 = arith.addi %parallel_loop3A_2113, %parallel_loop3A_2115 : vector<16xi32>
        tpu.vector_store_idx %arg11[%parallel_loop3A_2116], %broadcast_in_dim3A_1028 {add = true} : memref<8192xf32, #tpu.memory_space<vmem>>[vector<16xi32>], vector<16xf32>,
        %parallel_loop3A_2117 = arith.constant 80 : i32
        %parallel_loop3A_2118 = vector.broadcast %parallel_loop3A_2117 : i32 to vector<16xi32>
        %parallel_loop3A_2119 = arith.addi %parallel_loop3A_2113, %parallel_loop3A_2118 : vector<16xi32>
        tpu.vector_store_idx %arg11[%parallel_loop3A_2119], %parallel_loop3A_2092 {add = true} : memref<8192xf32, #tpu.memory_space<vmem>>[vector<16xi32>], vector<16xf32>,
        %parallel_loop3A_2120 = arith.constant 96 : i32
        %parallel_loop3A_2121 = vector.broadcast %parallel_loop3A_2120 : i32 to vector<16xi32>
        %parallel_loop3A_2122 = arith.addi %parallel_loop3A_2113, %parallel_loop3A_2121 : vector<16xi32>
        tpu.vector_store_idx %arg11[%parallel_loop3A_2122], %parallel_loop3A_2094 {add = true} : memref<8192xf32, #tpu.memory_space<vmem>>[vector<16xi32>], vector<16xf32>,
        %parallel_loop3A_2123 = arith.constant 112 : i32
        %parallel_loop3A_2124 = vector.broadcast %parallel_loop3A_2123 : i32 to vector<16xi32>
        %parallel_loop3A_2125 = arith.addi %parallel_loop3A_2106, %parallel_loop3A_2124 : vector<16xi32>
        %parallel_loop3A_2126 = arith.constant 0x49800000 : f32
        %parallel_loop3A_2127 = vector.broadcast %parallel_loop3A_2126 : f32 to vector<16xf32>
        %parallel_loop3A_2128 = arith.addf %parallel_loop3A_2094, %parallel_loop3A_2127 : vector<16xf32>
        tpu.vector_store_idx %arg11[%parallel_loop3A_2125], %parallel_loop3A_2128 masked %parallel_loop3A_2102 {add = true} : memref<8192xf32, #tpu.memory_space<vmem>>[vector<16xi32>], vector<16xf32>, vector<16xi1>
        %parallel_loop3A_2129 = arith.constant 64 : i32
        %parallel_loop3A_2130 = arith.muli %parallel_loop3A_2044, %parallel_loop3A_2129 : i32
        %parallel_loop3A_2131 = arith.constant 32 : i32
        %parallel_loop3A_2132 = arith.addi %parallel_loop3A_2130, %parallel_loop3A_2131 : i32
        %parallel_loop3A_2133 = arith.index_cast %parallel_loop3A_2132 : i32 to index
        %parallel_loop3A_2134 = tpu.vector_load %arg6[%parallel_loop3A_2133] {strides = array<i32>} : memref<16384xf32, #tpu.memory_space<vmem>>, vector<16xf32>,
        %parallel_loop3A_2135 = arith.index_cast %parallel_loop3A_2132 : i32 to index
        %parallel_loop3A_2136 = tpu.vector_load %arg8[%parallel_loop3A_2135] {strides = array<i32>} : memref<16384xf32, #tpu.memory_space<vmem>>, vector<16xf32>,
        %parallel_loop3A_2137 = arith.constant 14.9999857 : f32
        %parallel_loop3A_2138 = vector.broadcast %parallel_loop3A_2137 : f32 to vector<16xf32>
        %parallel_loop3A_2139 = arith.mulf %parallel_loop3A_2134, %parallel_loop3A_2138 : vector<16xf32>
        %parallel_loop3A_2140 = arith.fptosi %parallel_loop3A_2139 : vector<16xf32> to vector<16xi32>
        %parallel_loop3A_2141 = vector.shape_cast %parallel_loop3A_2140 : vector<16xi32> to vector<16x1xi32>
        %parallel_loop3A_2142 = vector.shape_cast %parallel_loop3A_2141 : vector<16x1xi32> to vector<16xi32>
        %parallel_loop3A_2143 = tpu.dynamic_gather %get3A_1029[%parallel_loop3A_2142] in [0] : vector<16xf32>, vector<16xi32> -> vector<16xf32>
        %parallel_loop3A_2144 = arith.cmpf oeq, %parallel_loop3A_2134, %parallel_loop3A_2143 : vector<16xf32>
        %parallel_loop3A_2145 = arith.constant 9 : i32
        %parallel_loop3A_2146 = vector.broadcast %parallel_loop3A_2145 : i32 to vector<16xi32>
        %parallel_loop3A_2147 = arith.shli %parallel_loop3A_2140, %parallel_loop3A_2146 : vector<16xi32>
        %parallel_loop3A_2148 = arith.ori %parallel_loop3A_2147, %iota3A : vector<16xi32>
        %parallel_loop3A_2149 = arith.cmpf oge, %parallel_loop3A_2134, %parallel_loop3A_2143 : vector<16xf32>
        %parallel_loop3A_2150 = arith.constant 512 : i32
        %parallel_loop3A_2151 = arith.constant 0 : i32
        %parallel_loop3A_2152 = vector.broadcast %parallel_loop3A_2150 : i32 to vector<16xi32>
        %parallel_loop3A_2153 = vector.broadcast %parallel_loop3A_2151 : i32 to vector<16xi32>
        %parallel_loop3A_2154 = arith.select %parallel_loop3A_2149, %parallel_loop3A_2152, %parallel_loop3A_2153 : vector<16xi1>, vector<16xi32>
        %parallel_loop3A_2155 = arith.addi %parallel_loop3A_2148, %parallel_loop3A_2154 : vector<16xi32>
        %parallel_loop3A_2156 = arith.constant 128 : i32
        %parallel_loop3A_2157 = vector.broadcast %parallel_loop3A_2156 : i32 to vector<16xi32>
        %parallel_loop3A_2158 = arith.addi %parallel_loop3A_2155, %parallel_loop3A_2157 : vector<16xi32>
        tpu.vector_store_idx %arg11[%parallel_loop3A_2158], %broadcast_in_dim3A_1028 {add = true} : memref<8192xf32, #tpu.memory_space<vmem>>[vector<16xi32>], vector<16xf32>,
        %parallel_loop3A_2159 = arith.constant 144 : i32
        %parallel_loop3A_2160 = vector.broadcast %parallel_loop3A_2159 : i32 to vector<16xi32>
        %parallel_loop3A_2161 = arith.addi %parallel_loop3A_2155, %parallel_loop3A_2160 : vector<16xi32>
        tpu.vector_store_idx %arg11[%parallel_loop3A_2161], %parallel_loop3A_2134 {add = true} : memref<8192xf32, #tpu.memory_space<vmem>>[vector<16xi32>], vector<16xf32>,
        %parallel_loop3A_2162 = arith.constant 160 : i32
        %parallel_loop3A_2163 = vector.broadcast %parallel_loop3A_2162 : i32 to vector<16xi32>
        %parallel_loop3A_2164 = arith.addi %parallel_loop3A_2155, %parallel_loop3A_2163 : vector<16xi32>
        tpu.vector_store_idx %arg11[%parallel_loop3A_2164], %parallel_loop3A_2136 {add = true} : memref<8192xf32, #tpu.memory_space<vmem>>[vector<16xi32>], vector<16xf32>,
        %parallel_loop3A_2165 = arith.constant 176 : i32
        %parallel_loop3A_2166 = vector.broadcast %parallel_loop3A_2165 : i32 to vector<16xi32>
        %parallel_loop3A_2167 = arith.addi %parallel_loop3A_2148, %parallel_loop3A_2166 : vector<16xi32>
        %parallel_loop3A_2168 = arith.constant 0x49800000 : f32
        %parallel_loop3A_2169 = vector.broadcast %parallel_loop3A_2168 : f32 to vector<16xf32>
        %parallel_loop3A_2170 = arith.addf %parallel_loop3A_2136, %parallel_loop3A_2169 : vector<16xf32>
        tpu.vector_store_idx %arg11[%parallel_loop3A_2167], %parallel_loop3A_2170 masked %parallel_loop3A_2144 {add = true} : memref<8192xf32, #tpu.memory_space<vmem>>[vector<16xi32>], vector<16xf32>, vector<16xi1>
        %parallel_loop3A_2171 = arith.constant 64 : i32
        %parallel_loop3A_2172 = arith.muli %parallel_loop3A_2044, %parallel_loop3A_2171 : i32
        %parallel_loop3A_2173 = arith.constant 48 : i32
        %parallel_loop3A_2174 = arith.addi %parallel_loop3A_2172, %parallel_loop3A_2173 : i32
        %parallel_loop3A_2175 = arith.index_cast %parallel_loop3A_2174 : i32 to index
        %parallel_loop3A_2176 = tpu.vector_load %arg6[%parallel_loop3A_2175] {strides = array<i32>} : memref<16384xf32, #tpu.memory_space<vmem>>, vector<16xf32>,
        %parallel_loop3A_2177 = arith.index_cast %parallel_loop3A_2174 : i32 to index
        %parallel_loop3A_2178 = tpu.vector_load %arg8[%parallel_loop3A_2177] {strides = array<i32>} : memref<16384xf32, #tpu.memory_space<vmem>>, vector<16xf32>,
        %parallel_loop3A_2179 = arith.constant 14.9999857 : f32
        %parallel_loop3A_2180 = vector.broadcast %parallel_loop3A_2179 : f32 to vector<16xf32>
        %parallel_loop3A_2181 = arith.mulf %parallel_loop3A_2176, %parallel_loop3A_2180 : vector<16xf32>
        %parallel_loop3A_2182 = arith.fptosi %parallel_loop3A_2181 : vector<16xf32> to vector<16xi32>
        %parallel_loop3A_2183 = vector.shape_cast %parallel_loop3A_2182 : vector<16xi32> to vector<16x1xi32>
        %parallel_loop3A_2184 = vector.shape_cast %parallel_loop3A_2183 : vector<16x1xi32> to vector<16xi32>
        %parallel_loop3A_2185 = tpu.dynamic_gather %get3A_1029[%parallel_loop3A_2184] in [0] : vector<16xf32>, vector<16xi32> -> vector<16xf32>
        %parallel_loop3A_2186 = arith.cmpf oeq, %parallel_loop3A_2176, %parallel_loop3A_2185 : vector<16xf32>
        %parallel_loop3A_2187 = arith.constant 9 : i32
        %parallel_loop3A_2188 = vector.broadcast %parallel_loop3A_2187 : i32 to vector<16xi32>
        %parallel_loop3A_2189 = arith.shli %parallel_loop3A_2182, %parallel_loop3A_2188 : vector<16xi32>
        %parallel_loop3A_2190 = arith.ori %parallel_loop3A_2189, %iota3A : vector<16xi32>
        %parallel_loop3A_2191 = arith.cmpf oge, %parallel_loop3A_2176, %parallel_loop3A_2185 : vector<16xf32>
        %parallel_loop3A_2192 = arith.constant 512 : i32
        %parallel_loop3A_2193 = arith.constant 0 : i32
        %parallel_loop3A_2194 = vector.broadcast %parallel_loop3A_2192 : i32 to vector<16xi32>
        %parallel_loop3A_2195 = vector.broadcast %parallel_loop3A_2193 : i32 to vector<16xi32>
        %parallel_loop3A_2196 = arith.select %parallel_loop3A_2191, %parallel_loop3A_2194, %parallel_loop3A_2195 : vector<16xi1>, vector<16xi32>
        %parallel_loop3A_2197 = arith.addi %parallel_loop3A_2190, %parallel_loop3A_2196 : vector<16xi32>
        %parallel_loop3A_2198 = arith.constant 192 : i32
        %parallel_loop3A_2199 = vector.broadcast %parallel_loop3A_2198 : i32 to vector<16xi32>
        %parallel_loop3A_2200 = arith.addi %parallel_loop3A_2197, %parallel_loop3A_2199 : vector<16xi32>
        tpu.vector_store_idx %arg11[%parallel_loop3A_2200], %broadcast_in_dim3A_1028 {add = true} : memref<8192xf32, #tpu.memory_space<vmem>>[vector<16xi32>], vector<16xf32>,
        %parallel_loop3A_2201 = arith.constant 208 : i32
        %parallel_loop3A_2202 = vector.broadcast %parallel_loop3A_2201 : i32 to vector<16xi32>
        %parallel_loop3A_2203 = arith.addi %parallel_loop3A_2197, %parallel_loop3A_2202 : vector<16xi32>
        tpu.vector_store_idx %arg11[%parallel_loop3A_2203], %parallel_loop3A_2176 {add = true} : memref<8192xf32, #tpu.memory_space<vmem>>[vector<16xi32>], vector<16xf32>,
        %parallel_loop3A_2204 = arith.constant 224 : i32
        %parallel_loop3A_2205 = vector.broadcast %parallel_loop3A_2204 : i32 to vector<16xi32>
        %parallel_loop3A_2206 = arith.addi %parallel_loop3A_2197, %parallel_loop3A_2205 : vector<16xi32>
        tpu.vector_store_idx %arg11[%parallel_loop3A_2206], %parallel_loop3A_2178 {add = true} : memref<8192xf32, #tpu.memory_space<vmem>>[vector<16xi32>], vector<16xf32>,
        %parallel_loop3A_2207 = arith.constant 240 : i32
        %parallel_loop3A_2208 = vector.broadcast %parallel_loop3A_2207 : i32 to vector<16xi32>
        %parallel_loop3A_2209 = arith.addi %parallel_loop3A_2190, %parallel_loop3A_2208 : vector<16xi32>
        %parallel_loop3A_2210 = arith.constant 0x49800000 : f32
        %parallel_loop3A_2211 = vector.broadcast %parallel_loop3A_2210 : f32 to vector<16xf32>
        %parallel_loop3A_2212 = arith.addf %parallel_loop3A_2178, %parallel_loop3A_2211 : vector<16xf32>
        tpu.vector_store_idx %arg11[%parallel_loop3A_2209], %parallel_loop3A_2212 masked %parallel_loop3A_2186 {add = true} : memref<8192xf32, #tpu.memory_space<vmem>>[vector<16xi32>], vector<16xf32>, vector<16xi1>
      } {sc.loop_unroll_factor = 2 : i64, sc.parallel_access}
      %add3A_2018 = arith.constant 0 : i32
      %add3A_2019 = arith.addi %mul3A_2008, %add3A_2018 : i32
      %add3A_2020 = arith.constant 2 : i32
      %add3A_2021 = arith.addi %add3A_2019, %add3A_2020 : i32
      %lt3A = arith.constant 16 : i32
      %lt3A_2022 = arith.cmpi slt, %add3A_2021, %lt3A : i32
      %convert_element_type3A = arith.extui %lt3A_2022 : i1 to i32
      %cond3A = arith.constant 0 : i32
      %cond3A_2023 = arith.cmpi ne, %convert_element_type3A, %cond3A : i32
      scf.if %cond3A_2023 {
        %add3A_2044 = arith.constant 0 : i32
        %add3A_2045 = arith.addi %mul3A_2008, %add3A_2044 : i32
        %add3A_2046 = arith.constant 2 : i32
        %add3A_2047 = arith.addi %add3A_2045, %add3A_2046 : i32
        %mul3A_2048 = arith.constant 16384 : i32
        %mul3A_2049 = arith.muli %add3A_2047, %mul3A_2048 : i32
        %add3A_2050 = arith.addi %mul3A_2, %mul3A_2049 : i32
        %dma_start3A_2051 = tpu.memref_slice %arg2[%add3A_2050] : memref<8388608xf32, #tpu.memory_space<hbm>> -> memref<16384xf32, #tpu.memory_space<hbm>>
        %dma_start3A_2052 = tpu.memref_slice %arg2[%add3A_2050] : memref<8388608xf32, #tpu.memory_space<hbm>> -> memref<16384xf32, #tpu.memory_space<hbm>>
        tpu.enqueue_dma source(%dma_start3A_2052 : memref<16384xf32, #tpu.memory_space<hbm>>) target(%arg6 : memref<16384xf32, #tpu.memory_space<vmem>>) target_semaphore(%arg13 : memref<!tpu.dma_semaphore, #tpu.memory_space<semaphore_mem>>)
        %dma_start3A_2053 = tpu.memref_slice %arg3[%add3A_2050] : memref<8388608xf32, #tpu.memory_space<hbm>> -> memref<16384xf32, #tpu.memory_space<hbm>>
        %dma_start3A_2054 = tpu.memref_slice %arg3[%add3A_2050] : memref<8388608xf32, #tpu.memory_space<hbm>> -> memref<16384xf32, #tpu.memory_space<hbm>>
        tpu.enqueue_dma source(%dma_start3A_2054 : memref<16384xf32, #tpu.memory_space<hbm>>) target(%arg8 : memref<16384xf32, #tpu.memory_space<vmem>>) target_semaphore(%arg14 : memref<!tpu.dma_semaphore, #tpu.memory_space<semaphore_mem>>)
      } else {
      }
      %dma_wait3A_2024 = arith.constant 0 : i32
      %dma_wait3A_2025 = tpu.memref_slice %arg2[%dma_wait3A_2024] : memref<8388608xf32, #tpu.memory_space<hbm>> -> memref<16384xf32, #tpu.memory_space<hbm>>
      %dma_wait3A_2026 = arith.constant 0 : i32
      %dma_wait3A_2027 = tpu.memref_slice %arg2[%dma_wait3A_2026] : memref<8388608xf32, #tpu.memory_space<hbm>> -> memref<16384xf32, #tpu.memory_space<hbm>>
      tpu.wait_dma2 semaphore(%arg15 : memref<!tpu.dma_semaphore, #tpu.memory_space<semaphore_mem>>) src(%dma_wait3A_2027 : memref<16384xf32, #tpu.memory_space<hbm>>) dst(%arg7 : memref<16384xf32, #tpu.memory_space<vmem>>)
      %dma_wait3A_2028 = arith.constant 0 : i32
      %dma_wait3A_2029 = tpu.memref_slice %arg3[%dma_wait3A_2028] : memref<8388608xf32, #tpu.memory_space<hbm>> -> memref<16384xf32, #tpu.memory_space<hbm>>
      %dma_wait3A_2030 = arith.constant 0 : i32
      %dma_wait3A_2031 = tpu.memref_slice %arg3[%dma_wait3A_2030] : memref<8388608xf32, #tpu.memory_space<hbm>> -> memref<16384xf32, #tpu.memory_space<hbm>>
      tpu.wait_dma2 semaphore(%arg16 : memref<!tpu.dma_semaphore, #tpu.memory_space<semaphore_mem>>) src(%dma_wait3A_2031 : memref<16384xf32, #tpu.memory_space<hbm>>) dst(%arg9 : memref<16384xf32, #tpu.memory_space<vmem>>)
      %parallel_loop3A_2032 = arith.constant 0 : i32
      %parallel_loop3A_2033 = arith.constant 256 : i32
      %parallel_loop3A_2034 = arith.constant 1 : i32
      scf.for %parallel_loop3A_2044 = %parallel_loop3A_2032 to %parallel_loop3A_2033 step %parallel_loop3A_2034  : i32 {
        %parallel_loop3A_2045 = arith.constant 64 : i32
        %parallel_loop3A_2046 = arith.muli %parallel_loop3A_2044, %parallel_loop3A_2045 : i32
        %parallel_loop3A_2047 = arith.constant 0 : i32
        %parallel_loop3A_2048 = arith.addi %parallel_loop3A_2046, %parallel_loop3A_2047 : i32
        %parallel_loop3A_2049 = arith.index_cast %parallel_loop3A_2048 : i32 to index
        %parallel_loop3A_2050 = tpu.vector_load %arg7[%parallel_loop3A_2049] {strides = array<i32>} : memref<16384xf32, #tpu.memory_space<vmem>>, vector<16xf32>,
        %parallel_loop3A_2051 = arith.index_cast %parallel_loop3A_2048 : i32 to index
        %parallel_loop3A_2052 = tpu.vector_load %arg9[%parallel_loop3A_2051] {strides = array<i32>} : memref<16384xf32, #tpu.memory_space<vmem>>, vector<16xf32>,
        %parallel_loop3A_2053 = arith.constant 14.9999857 : f32
        %parallel_loop3A_2054 = vector.broadcast %parallel_loop3A_2053 : f32 to vector<16xf32>
        %parallel_loop3A_2055 = arith.mulf %parallel_loop3A_2050, %parallel_loop3A_2054 : vector<16xf32>
        %parallel_loop3A_2056 = arith.fptosi %parallel_loop3A_2055 : vector<16xf32> to vector<16xi32>
        %parallel_loop3A_2057 = vector.shape_cast %parallel_loop3A_2056 : vector<16xi32> to vector<16x1xi32>
        %parallel_loop3A_2058 = vector.shape_cast %parallel_loop3A_2057 : vector<16x1xi32> to vector<16xi32>
        %parallel_loop3A_2059 = tpu.dynamic_gather %get3A_1029[%parallel_loop3A_2058] in [0] : vector<16xf32>, vector<16xi32> -> vector<16xf32>
        %parallel_loop3A_2060 = arith.cmpf oeq, %parallel_loop3A_2050, %parallel_loop3A_2059 : vector<16xf32>
        %parallel_loop3A_2061 = arith.constant 9 : i32
        %parallel_loop3A_2062 = vector.broadcast %parallel_loop3A_2061 : i32 to vector<16xi32>
        %parallel_loop3A_2063 = arith.shli %parallel_loop3A_2056, %parallel_loop3A_2062 : vector<16xi32>
        %parallel_loop3A_2064 = arith.ori %parallel_loop3A_2063, %iota3A : vector<16xi32>
        %parallel_loop3A_2065 = arith.cmpf oge, %parallel_loop3A_2050, %parallel_loop3A_2059 : vector<16xf32>
        %parallel_loop3A_2066 = arith.constant 512 : i32
        %parallel_loop3A_2067 = arith.constant 0 : i32
        %parallel_loop3A_2068 = vector.broadcast %parallel_loop3A_2066 : i32 to vector<16xi32>
        %parallel_loop3A_2069 = vector.broadcast %parallel_loop3A_2067 : i32 to vector<16xi32>
        %parallel_loop3A_2070 = arith.select %parallel_loop3A_2065, %parallel_loop3A_2068, %parallel_loop3A_2069 : vector<16xi1>, vector<16xi32>
        %parallel_loop3A_2071 = arith.addi %parallel_loop3A_2064, %parallel_loop3A_2070 : vector<16xi32>
        %parallel_loop3A_2072 = arith.constant 0 : i32
        %parallel_loop3A_2073 = vector.broadcast %parallel_loop3A_2072 : i32 to vector<16xi32>
        %parallel_loop3A_2074 = arith.addi %parallel_loop3A_2071, %parallel_loop3A_2073 : vector<16xi32>
        tpu.vector_store_idx %arg11[%parallel_loop3A_2074], %broadcast_in_dim3A_1028 {add = true} : memref<8192xf32, #tpu.memory_space<vmem>>[vector<16xi32>], vector<16xf32>,
        %parallel_loop3A_2075 = arith.constant 16 : i32
        %parallel_loop3A_2076 = vector.broadcast %parallel_loop3A_2075 : i32 to vector<16xi32>
        %parallel_loop3A_2077 = arith.addi %parallel_loop3A_2071, %parallel_loop3A_2076 : vector<16xi32>
        tpu.vector_store_idx %arg11[%parallel_loop3A_2077], %parallel_loop3A_2050 {add = true} : memref<8192xf32, #tpu.memory_space<vmem>>[vector<16xi32>], vector<16xf32>,
        %parallel_loop3A_2078 = arith.constant 32 : i32
        %parallel_loop3A_2079 = vector.broadcast %parallel_loop3A_2078 : i32 to vector<16xi32>
        %parallel_loop3A_2080 = arith.addi %parallel_loop3A_2071, %parallel_loop3A_2079 : vector<16xi32>
        tpu.vector_store_idx %arg11[%parallel_loop3A_2080], %parallel_loop3A_2052 {add = true} : memref<8192xf32, #tpu.memory_space<vmem>>[vector<16xi32>], vector<16xf32>,
        %parallel_loop3A_2081 = arith.constant 48 : i32
        %parallel_loop3A_2082 = vector.broadcast %parallel_loop3A_2081 : i32 to vector<16xi32>
        %parallel_loop3A_2083 = arith.addi %parallel_loop3A_2064, %parallel_loop3A_2082 : vector<16xi32>
        %parallel_loop3A_2084 = arith.constant 0x49800000 : f32
        %parallel_loop3A_2085 = vector.broadcast %parallel_loop3A_2084 : f32 to vector<16xf32>
        %parallel_loop3A_2086 = arith.addf %parallel_loop3A_2052, %parallel_loop3A_2085 : vector<16xf32>
        tpu.vector_store_idx %arg11[%parallel_loop3A_2083], %parallel_loop3A_2086 masked %parallel_loop3A_2060 {add = true} : memref<8192xf32, #tpu.memory_space<vmem>>[vector<16xi32>], vector<16xf32>, vector<16xi1>
        %parallel_loop3A_2087 = arith.constant 64 : i32
        %parallel_loop3A_2088 = arith.muli %parallel_loop3A_2044, %parallel_loop3A_2087 : i32
        %parallel_loop3A_2089 = arith.constant 16 : i32
        %parallel_loop3A_2090 = arith.addi %parallel_loop3A_2088, %parallel_loop3A_2089 : i32
        %parallel_loop3A_2091 = arith.index_cast %parallel_loop3A_2090 : i32 to index
        %parallel_loop3A_2092 = tpu.vector_load %arg7[%parallel_loop3A_2091] {strides = array<i32>} : memref<16384xf32, #tpu.memory_space<vmem>>, vector<16xf32>,
        %parallel_loop3A_2093 = arith.index_cast %parallel_loop3A_2090 : i32 to index
        %parallel_loop3A_2094 = tpu.vector_load %arg9[%parallel_loop3A_2093] {strides = array<i32>} : memref<16384xf32, #tpu.memory_space<vmem>>, vector<16xf32>,
        %parallel_loop3A_2095 = arith.constant 14.9999857 : f32
        %parallel_loop3A_2096 = vector.broadcast %parallel_loop3A_2095 : f32 to vector<16xf32>
        %parallel_loop3A_2097 = arith.mulf %parallel_loop3A_2092, %parallel_loop3A_2096 : vector<16xf32>
        %parallel_loop3A_2098 = arith.fptosi %parallel_loop3A_2097 : vector<16xf32> to vector<16xi32>
        %parallel_loop3A_2099 = vector.shape_cast %parallel_loop3A_2098 : vector<16xi32> to vector<16x1xi32>
        %parallel_loop3A_2100 = vector.shape_cast %parallel_loop3A_2099 : vector<16x1xi32> to vector<16xi32>
        %parallel_loop3A_2101 = tpu.dynamic_gather %get3A_1029[%parallel_loop3A_2100] in [0] : vector<16xf32>, vector<16xi32> -> vector<16xf32>
        %parallel_loop3A_2102 = arith.cmpf oeq, %parallel_loop3A_2092, %parallel_loop3A_2101 : vector<16xf32>
        %parallel_loop3A_2103 = arith.constant 9 : i32
        %parallel_loop3A_2104 = vector.broadcast %parallel_loop3A_2103 : i32 to vector<16xi32>
        %parallel_loop3A_2105 = arith.shli %parallel_loop3A_2098, %parallel_loop3A_2104 : vector<16xi32>
        %parallel_loop3A_2106 = arith.ori %parallel_loop3A_2105, %iota3A : vector<16xi32>
        %parallel_loop3A_2107 = arith.cmpf oge, %parallel_loop3A_2092, %parallel_loop3A_2101 : vector<16xf32>
        %parallel_loop3A_2108 = arith.constant 512 : i32
        %parallel_loop3A_2109 = arith.constant 0 : i32
        %parallel_loop3A_2110 = vector.broadcast %parallel_loop3A_2108 : i32 to vector<16xi32>
        %parallel_loop3A_2111 = vector.broadcast %parallel_loop3A_2109 : i32 to vector<16xi32>
        %parallel_loop3A_2112 = arith.select %parallel_loop3A_2107, %parallel_loop3A_2110, %parallel_loop3A_2111 : vector<16xi1>, vector<16xi32>
        %parallel_loop3A_2113 = arith.addi %parallel_loop3A_2106, %parallel_loop3A_2112 : vector<16xi32>
        %parallel_loop3A_2114 = arith.constant 64 : i32
        %parallel_loop3A_2115 = vector.broadcast %parallel_loop3A_2114 : i32 to vector<16xi32>
        %parallel_loop3A_2116 = arith.addi %parallel_loop3A_2113, %parallel_loop3A_2115 : vector<16xi32>
        tpu.vector_store_idx %arg11[%parallel_loop3A_2116], %broadcast_in_dim3A_1028 {add = true} : memref<8192xf32, #tpu.memory_space<vmem>>[vector<16xi32>], vector<16xf32>,
        %parallel_loop3A_2117 = arith.constant 80 : i32
        %parallel_loop3A_2118 = vector.broadcast %parallel_loop3A_2117 : i32 to vector<16xi32>
        %parallel_loop3A_2119 = arith.addi %parallel_loop3A_2113, %parallel_loop3A_2118 : vector<16xi32>
        tpu.vector_store_idx %arg11[%parallel_loop3A_2119], %parallel_loop3A_2092 {add = true} : memref<8192xf32, #tpu.memory_space<vmem>>[vector<16xi32>], vector<16xf32>,
        %parallel_loop3A_2120 = arith.constant 96 : i32
        %parallel_loop3A_2121 = vector.broadcast %parallel_loop3A_2120 : i32 to vector<16xi32>
        %parallel_loop3A_2122 = arith.addi %parallel_loop3A_2113, %parallel_loop3A_2121 : vector<16xi32>
        tpu.vector_store_idx %arg11[%parallel_loop3A_2122], %parallel_loop3A_2094 {add = true} : memref<8192xf32, #tpu.memory_space<vmem>>[vector<16xi32>], vector<16xf32>,
        %parallel_loop3A_2123 = arith.constant 112 : i32
        %parallel_loop3A_2124 = vector.broadcast %parallel_loop3A_2123 : i32 to vector<16xi32>
        %parallel_loop3A_2125 = arith.addi %parallel_loop3A_2106, %parallel_loop3A_2124 : vector<16xi32>
        %parallel_loop3A_2126 = arith.constant 0x49800000 : f32
        %parallel_loop3A_2127 = vector.broadcast %parallel_loop3A_2126 : f32 to vector<16xf32>
        %parallel_loop3A_2128 = arith.addf %parallel_loop3A_2094, %parallel_loop3A_2127 : vector<16xf32>
        tpu.vector_store_idx %arg11[%parallel_loop3A_2125], %parallel_loop3A_2128 masked %parallel_loop3A_2102 {add = true} : memref<8192xf32, #tpu.memory_space<vmem>>[vector<16xi32>], vector<16xf32>, vector<16xi1>
        %parallel_loop3A_2129 = arith.constant 64 : i32
        %parallel_loop3A_2130 = arith.muli %parallel_loop3A_2044, %parallel_loop3A_2129 : i32
        %parallel_loop3A_2131 = arith.constant 32 : i32
        %parallel_loop3A_2132 = arith.addi %parallel_loop3A_2130, %parallel_loop3A_2131 : i32
        %parallel_loop3A_2133 = arith.index_cast %parallel_loop3A_2132 : i32 to index
        %parallel_loop3A_2134 = tpu.vector_load %arg7[%parallel_loop3A_2133] {strides = array<i32>} : memref<16384xf32, #tpu.memory_space<vmem>>, vector<16xf32>,
        %parallel_loop3A_2135 = arith.index_cast %parallel_loop3A_2132 : i32 to index
        %parallel_loop3A_2136 = tpu.vector_load %arg9[%parallel_loop3A_2135] {strides = array<i32>} : memref<16384xf32, #tpu.memory_space<vmem>>, vector<16xf32>,
        %parallel_loop3A_2137 = arith.constant 14.9999857 : f32
        %parallel_loop3A_2138 = vector.broadcast %parallel_loop3A_2137 : f32 to vector<16xf32>
        %parallel_loop3A_2139 = arith.mulf %parallel_loop3A_2134, %parallel_loop3A_2138 : vector<16xf32>
        %parallel_loop3A_2140 = arith.fptosi %parallel_loop3A_2139 : vector<16xf32> to vector<16xi32>
        %parallel_loop3A_2141 = vector.shape_cast %parallel_loop3A_2140 : vector<16xi32> to vector<16x1xi32>
        %parallel_loop3A_2142 = vector.shape_cast %parallel_loop3A_2141 : vector<16x1xi32> to vector<16xi32>
        %parallel_loop3A_2143 = tpu.dynamic_gather %get3A_1029[%parallel_loop3A_2142] in [0] : vector<16xf32>, vector<16xi32> -> vector<16xf32>
        %parallel_loop3A_2144 = arith.cmpf oeq, %parallel_loop3A_2134, %parallel_loop3A_2143 : vector<16xf32>
        %parallel_loop3A_2145 = arith.constant 9 : i32
        %parallel_loop3A_2146 = vector.broadcast %parallel_loop3A_2145 : i32 to vector<16xi32>
        %parallel_loop3A_2147 = arith.shli %parallel_loop3A_2140, %parallel_loop3A_2146 : vector<16xi32>
        %parallel_loop3A_2148 = arith.ori %parallel_loop3A_2147, %iota3A : vector<16xi32>
        %parallel_loop3A_2149 = arith.cmpf oge, %parallel_loop3A_2134, %parallel_loop3A_2143 : vector<16xf32>
        %parallel_loop3A_2150 = arith.constant 512 : i32
        %parallel_loop3A_2151 = arith.constant 0 : i32
        %parallel_loop3A_2152 = vector.broadcast %parallel_loop3A_2150 : i32 to vector<16xi32>
        %parallel_loop3A_2153 = vector.broadcast %parallel_loop3A_2151 : i32 to vector<16xi32>
        %parallel_loop3A_2154 = arith.select %parallel_loop3A_2149, %parallel_loop3A_2152, %parallel_loop3A_2153 : vector<16xi1>, vector<16xi32>
        %parallel_loop3A_2155 = arith.addi %parallel_loop3A_2148, %parallel_loop3A_2154 : vector<16xi32>
        %parallel_loop3A_2156 = arith.constant 128 : i32
        %parallel_loop3A_2157 = vector.broadcast %parallel_loop3A_2156 : i32 to vector<16xi32>
        %parallel_loop3A_2158 = arith.addi %parallel_loop3A_2155, %parallel_loop3A_2157 : vector<16xi32>
        tpu.vector_store_idx %arg11[%parallel_loop3A_2158], %broadcast_in_dim3A_1028 {add = true} : memref<8192xf32, #tpu.memory_space<vmem>>[vector<16xi32>], vector<16xf32>,
        %parallel_loop3A_2159 = arith.constant 144 : i32
        %parallel_loop3A_2160 = vector.broadcast %parallel_loop3A_2159 : i32 to vector<16xi32>
        %parallel_loop3A_2161 = arith.addi %parallel_loop3A_2155, %parallel_loop3A_2160 : vector<16xi32>
        tpu.vector_store_idx %arg11[%parallel_loop3A_2161], %parallel_loop3A_2134 {add = true} : memref<8192xf32, #tpu.memory_space<vmem>>[vector<16xi32>], vector<16xf32>,
        %parallel_loop3A_2162 = arith.constant 160 : i32
        %parallel_loop3A_2163 = vector.broadcast %parallel_loop3A_2162 : i32 to vector<16xi32>
        %parallel_loop3A_2164 = arith.addi %parallel_loop3A_2155, %parallel_loop3A_2163 : vector<16xi32>
        tpu.vector_store_idx %arg11[%parallel_loop3A_2164], %parallel_loop3A_2136 {add = true} : memref<8192xf32, #tpu.memory_space<vmem>>[vector<16xi32>], vector<16xf32>,
        %parallel_loop3A_2165 = arith.constant 176 : i32
        %parallel_loop3A_2166 = vector.broadcast %parallel_loop3A_2165 : i32 to vector<16xi32>
        %parallel_loop3A_2167 = arith.addi %parallel_loop3A_2148, %parallel_loop3A_2166 : vector<16xi32>
        %parallel_loop3A_2168 = arith.constant 0x49800000 : f32
        %parallel_loop3A_2169 = vector.broadcast %parallel_loop3A_2168 : f32 to vector<16xf32>
        %parallel_loop3A_2170 = arith.addf %parallel_loop3A_2136, %parallel_loop3A_2169 : vector<16xf32>
        tpu.vector_store_idx %arg11[%parallel_loop3A_2167], %parallel_loop3A_2170 masked %parallel_loop3A_2144 {add = true} : memref<8192xf32, #tpu.memory_space<vmem>>[vector<16xi32>], vector<16xf32>, vector<16xi1>
        %parallel_loop3A_2171 = arith.constant 64 : i32
        %parallel_loop3A_2172 = arith.muli %parallel_loop3A_2044, %parallel_loop3A_2171 : i32
        %parallel_loop3A_2173 = arith.constant 48 : i32
        %parallel_loop3A_2174 = arith.addi %parallel_loop3A_2172, %parallel_loop3A_2173 : i32
        %parallel_loop3A_2175 = arith.index_cast %parallel_loop3A_2174 : i32 to index
        %parallel_loop3A_2176 = tpu.vector_load %arg7[%parallel_loop3A_2175] {strides = array<i32>} : memref<16384xf32, #tpu.memory_space<vmem>>, vector<16xf32>,
        %parallel_loop3A_2177 = arith.index_cast %parallel_loop3A_2174 : i32 to index
        %parallel_loop3A_2178 = tpu.vector_load %arg9[%parallel_loop3A_2177] {strides = array<i32>} : memref<16384xf32, #tpu.memory_space<vmem>>, vector<16xf32>,
        %parallel_loop3A_2179 = arith.constant 14.9999857 : f32
        %parallel_loop3A_2180 = vector.broadcast %parallel_loop3A_2179 : f32 to vector<16xf32>
        %parallel_loop3A_2181 = arith.mulf %parallel_loop3A_2176, %parallel_loop3A_2180 : vector<16xf32>
        %parallel_loop3A_2182 = arith.fptosi %parallel_loop3A_2181 : vector<16xf32> to vector<16xi32>
        %parallel_loop3A_2183 = vector.shape_cast %parallel_loop3A_2182 : vector<16xi32> to vector<16x1xi32>
        %parallel_loop3A_2184 = vector.shape_cast %parallel_loop3A_2183 : vector<16x1xi32> to vector<16xi32>
        %parallel_loop3A_2185 = tpu.dynamic_gather %get3A_1029[%parallel_loop3A_2184] in [0] : vector<16xf32>, vector<16xi32> -> vector<16xf32>
        %parallel_loop3A_2186 = arith.cmpf oeq, %parallel_loop3A_2176, %parallel_loop3A_2185 : vector<16xf32>
        %parallel_loop3A_2187 = arith.constant 9 : i32
        %parallel_loop3A_2188 = vector.broadcast %parallel_loop3A_2187 : i32 to vector<16xi32>
        %parallel_loop3A_2189 = arith.shli %parallel_loop3A_2182, %parallel_loop3A_2188 : vector<16xi32>
        %parallel_loop3A_2190 = arith.ori %parallel_loop3A_2189, %iota3A : vector<16xi32>
        %parallel_loop3A_2191 = arith.cmpf oge, %parallel_loop3A_2176, %parallel_loop3A_2185 : vector<16xf32>
        %parallel_loop3A_2192 = arith.constant 512 : i32
        %parallel_loop3A_2193 = arith.constant 0 : i32
        %parallel_loop3A_2194 = vector.broadcast %parallel_loop3A_2192 : i32 to vector<16xi32>
        %parallel_loop3A_2195 = vector.broadcast %parallel_loop3A_2193 : i32 to vector<16xi32>
        %parallel_loop3A_2196 = arith.select %parallel_loop3A_2191, %parallel_loop3A_2194, %parallel_loop3A_2195 : vector<16xi1>, vector<16xi32>
        %parallel_loop3A_2197 = arith.addi %parallel_loop3A_2190, %parallel_loop3A_2196 : vector<16xi32>
        %parallel_loop3A_2198 = arith.constant 192 : i32
        %parallel_loop3A_2199 = vector.broadcast %parallel_loop3A_2198 : i32 to vector<16xi32>
        %parallel_loop3A_2200 = arith.addi %parallel_loop3A_2197, %parallel_loop3A_2199 : vector<16xi32>
        tpu.vector_store_idx %arg11[%parallel_loop3A_2200], %broadcast_in_dim3A_1028 {add = true} : memref<8192xf32, #tpu.memory_space<vmem>>[vector<16xi32>], vector<16xf32>,
        %parallel_loop3A_2201 = arith.constant 208 : i32
        %parallel_loop3A_2202 = vector.broadcast %parallel_loop3A_2201 : i32 to vector<16xi32>
        %parallel_loop3A_2203 = arith.addi %parallel_loop3A_2197, %parallel_loop3A_2202 : vector<16xi32>
        tpu.vector_store_idx %arg11[%parallel_loop3A_2203], %parallel_loop3A_2176 {add = true} : memref<8192xf32, #tpu.memory_space<vmem>>[vector<16xi32>], vector<16xf32>,
        %parallel_loop3A_2204 = arith.constant 224 : i32
        %parallel_loop3A_2205 = vector.broadcast %parallel_loop3A_2204 : i32 to vector<16xi32>
        %parallel_loop3A_2206 = arith.addi %parallel_loop3A_2197, %parallel_loop3A_2205 : vector<16xi32>
        tpu.vector_store_idx %arg11[%parallel_loop3A_2206], %parallel_loop3A_2178 {add = true} : memref<8192xf32, #tpu.memory_space<vmem>>[vector<16xi32>], vector<16xf32>,
        %parallel_loop3A_2207 = arith.constant 240 : i32
        %parallel_loop3A_2208 = vector.broadcast %parallel_loop3A_2207 : i32 to vector<16xi32>
        %parallel_loop3A_2209 = arith.addi %parallel_loop3A_2190, %parallel_loop3A_2208 : vector<16xi32>
        %parallel_loop3A_2210 = arith.constant 0x49800000 : f32
        %parallel_loop3A_2211 = vector.broadcast %parallel_loop3A_2210 : f32 to vector<16xf32>
        %parallel_loop3A_2212 = arith.addf %parallel_loop3A_2178, %parallel_loop3A_2211 : vector<16xf32>
        tpu.vector_store_idx %arg11[%parallel_loop3A_2209], %parallel_loop3A_2212 masked %parallel_loop3A_2186 {add = true} : memref<8192xf32, #tpu.memory_space<vmem>>[vector<16xi32>], vector<16xf32>, vector<16xi1>
      } {sc.loop_unroll_factor = 2 : i64, sc.parallel_access}
      %add3A_2035 = arith.constant 1 : i32
      %add3A_2036 = arith.addi %mul3A_2008, %add3A_2035 : i32
      %add3A_2037 = arith.constant 2 : i32
      %add3A_2038 = arith.addi %add3A_2036, %add3A_2037 : i32
      %lt3A_2039 = arith.constant 16 : i32
      %lt3A_2040 = arith.cmpi slt, %add3A_2038, %lt3A_2039 : i32
      %convert_element_type3A_2041 = arith.extui %lt3A_2040 : i1 to i32
      %cond3A_2042 = arith.constant 0 : i32
      %cond3A_2043 = arith.cmpi ne, %convert_element_type3A_2041, %cond3A_2042 : i32
      scf.if %cond3A_2043 {
        %add3A_2044 = arith.constant 1 : i32
        %add3A_2045 = arith.addi %mul3A_2008, %add3A_2044 : i32
        %add3A_2046 = arith.constant 2 : i32
        %add3A_2047 = arith.addi %add3A_2045, %add3A_2046 : i32
        %mul3A_2048 = arith.constant 16384 : i32
        %mul3A_2049 = arith.muli %add3A_2047, %mul3A_2048 : i32
        %add3A_2050 = arith.addi %mul3A_2, %mul3A_2049 : i32
        %dma_start3A_2051 = tpu.memref_slice %arg2[%add3A_2050] : memref<8388608xf32, #tpu.memory_space<hbm>> -> memref<16384xf32, #tpu.memory_space<hbm>>
        %dma_start3A_2052 = tpu.memref_slice %arg2[%add3A_2050] : memref<8388608xf32, #tpu.memory_space<hbm>> -> memref<16384xf32, #tpu.memory_space<hbm>>
        tpu.enqueue_dma source(%dma_start3A_2052 : memref<16384xf32, #tpu.memory_space<hbm>>) target(%arg7 : memref<16384xf32, #tpu.memory_space<vmem>>) target_semaphore(%arg15 : memref<!tpu.dma_semaphore, #tpu.memory_space<semaphore_mem>>)
        %dma_start3A_2053 = tpu.memref_slice %arg3[%add3A_2050] : memref<8388608xf32, #tpu.memory_space<hbm>> -> memref<16384xf32, #tpu.memory_space<hbm>>
        %dma_start3A_2054 = tpu.memref_slice %arg3[%add3A_2050] : memref<8388608xf32, #tpu.memory_space<hbm>> -> memref<16384xf32, #tpu.memory_space<hbm>>
        tpu.enqueue_dma source(%dma_start3A_2054 : memref<16384xf32, #tpu.memory_space<hbm>>) target(%arg9 : memref<16384xf32, #tpu.memory_space<vmem>>) target_semaphore(%arg16 : memref<!tpu.dma_semaphore, #tpu.memory_space<semaphore_mem>>)
      } else {
      }
    }
    %scan3A_1045 = arith.constant 8 : i32
    %get3A_1046 = arith.constant 0 : index
    %get3A_1047 = tpu.vector_load %arg11[%get3A_1046] {strides = array<i32>} : memref<8192xf32, #tpu.memory_space<vmem>>, vector<16xf32>,
    %get3A_1048 = arith.constant 64 : index
    %get3A_1049 = tpu.vector_load %arg11[%get3A_1048] {strides = array<i32>} : memref<8192xf32, #tpu.memory_space<vmem>>, vector<16xf32>,
    %add3A_1050 = arith.addf %get3A_1047, %get3A_1049 : vector<16xf32>
    %get3A_1051 = arith.constant 128 : index
    %get3A_1052 = tpu.vector_load %arg11[%get3A_1051] {strides = array<i32>} : memref<8192xf32, #tpu.memory_space<vmem>>, vector<16xf32>,
    %add3A_1053 = arith.addf %add3A_1050, %get3A_1052 : vector<16xf32>
    %get3A_1054 = arith.constant 192 : index
    %get3A_1055 = tpu.vector_load %arg11[%get3A_1054] {strides = array<i32>} : memref<8192xf32, #tpu.memory_space<vmem>>, vector<16xf32>,
    %add3A_1056 = arith.addf %add3A_1053, %get3A_1055 : vector<16xf32>
    %swap3A_1057 = arith.constant 0 : i32
    %swap3A_1058 = arith.index_cast %swap3A_1057 : i32 to index
    %swap3A_1059 = arith.constant 0 : index
    %swap3A_1060 = tpu.vector_load %arg12[%swap3A_1058, %swap3A_1059] {strides = array<i32>} : memref<16x64xf32, #tpu.memory_space<vmem>>, vector<16xf32>,
    tpu.vector_store %arg12[%swap3A_1058, %swap3A_1059], %add3A_1056 {strides = array<i32>} : memref<16x64xf32, #tpu.memory_space<vmem>>, vector<16xf32>,
    %get3A_1061 = arith.constant 16 : index
    %get3A_1062 = tpu.vector_load %arg11[%get3A_1061] {strides = array<i32>} : memref<8192xf32, #tpu.memory_space<vmem>>, vector<16xf32>,
    %get3A_1063 = arith.constant 80 : index
    %get3A_1064 = tpu.vector_load %arg11[%get3A_1063] {strides = array<i32>} : memref<8192xf32, #tpu.memory_space<vmem>>, vector<16xf32>,
    %add3A_1065 = arith.addf %get3A_1062, %get3A_1064 : vector<16xf32>
    %get3A_1066 = arith.constant 144 : index
    %get3A_1067 = tpu.vector_load %arg11[%get3A_1066] {strides = array<i32>} : memref<8192xf32, #tpu.memory_space<vmem>>, vector<16xf32>,
    %add3A_1068 = arith.addf %add3A_1065, %get3A_1067 : vector<16xf32>
    %get3A_1069 = arith.constant 208 : index
    %get3A_1070 = tpu.vector_load %arg11[%get3A_1069] {strides = array<i32>} : memref<8192xf32, #tpu.memory_space<vmem>>, vector<16xf32>,
    %add3A_1071 = arith.addf %add3A_1068, %get3A_1070 : vector<16xf32>
    %swap3A_1072 = arith.constant 0 : i32
    %swap3A_1073 = arith.index_cast %swap3A_1072 : i32 to index
    %swap3A_1074 = arith.constant 16 : index
    %swap3A_1075 = tpu.vector_load %arg12[%swap3A_1073, %swap3A_1074] {strides = array<i32>} : memref<16x64xf32, #tpu.memory_space<vmem>>, vector<16xf32>,
    tpu.vector_store %arg12[%swap3A_1073, %swap3A_1074], %add3A_1071 {strides = array<i32>} : memref<16x64xf32, #tpu.memory_space<vmem>>, vector<16xf32>,
    %get3A_1076 = arith.constant 32 : index
    %get3A_1077 = tpu.vector_load %arg11[%get3A_1076] {strides = array<i32>} : memref<8192xf32, #tpu.memory_space<vmem>>, vector<16xf32>,
    %get3A_1078 = arith.constant 96 : index
    %get3A_1079 = tpu.vector_load %arg11[%get3A_1078] {strides = array<i32>} : memref<8192xf32, #tpu.memory_space<vmem>>, vector<16xf32>,
    %add3A_1080 = arith.addf %get3A_1077, %get3A_1079 : vector<16xf32>
    %get3A_1081 = arith.constant 160 : index
    %get3A_1082 = tpu.vector_load %arg11[%get3A_1081] {strides = array<i32>} : memref<8192xf32, #tpu.memory_space<vmem>>, vector<16xf32>,
    %add3A_1083 = arith.addf %add3A_1080, %get3A_1082 : vector<16xf32>
    %get3A_1084 = arith.constant 224 : index
    %get3A_1085 = tpu.vector_load %arg11[%get3A_1084] {strides = array<i32>} : memref<8192xf32, #tpu.memory_space<vmem>>, vector<16xf32>,
    %add3A_1086 = arith.addf %add3A_1083, %get3A_1085 : vector<16xf32>
    %swap3A_1087 = arith.constant 0 : i32
    %swap3A_1088 = arith.index_cast %swap3A_1087 : i32 to index
    %swap3A_1089 = arith.constant 32 : index
    %swap3A_1090 = tpu.vector_load %arg12[%swap3A_1088, %swap3A_1089] {strides = array<i32>} : memref<16x64xf32, #tpu.memory_space<vmem>>, vector<16xf32>,
    tpu.vector_store %arg12[%swap3A_1088, %swap3A_1089], %add3A_1086 {strides = array<i32>} : memref<16x64xf32, #tpu.memory_space<vmem>>, vector<16xf32>,
    %get3A_1091 = arith.constant 48 : index
    %get3A_1092 = tpu.vector_load %arg11[%get3A_1091] {strides = array<i32>} : memref<8192xf32, #tpu.memory_space<vmem>>, vector<16xf32>,
    %get3A_1093 = arith.constant 112 : index
    %get3A_1094 = tpu.vector_load %arg11[%get3A_1093] {strides = array<i32>} : memref<8192xf32, #tpu.memory_space<vmem>>, vector<16xf32>,
    %add3A_1095 = arith.addf %get3A_1092, %get3A_1094 : vector<16xf32>
    %get3A_1096 = arith.constant 176 : index
    %get3A_1097 = tpu.vector_load %arg11[%get3A_1096] {strides = array<i32>} : memref<8192xf32, #tpu.memory_space<vmem>>, vector<16xf32>,
    %add3A_1098 = arith.addf %add3A_1095, %get3A_1097 : vector<16xf32>
    %get3A_1099 = arith.constant 240 : index
    %get3A_1100 = tpu.vector_load %arg11[%get3A_1099] {strides = array<i32>} : memref<8192xf32, #tpu.memory_space<vmem>>, vector<16xf32>,
    %add3A_1101 = arith.addf %add3A_1098, %get3A_1100 : vector<16xf32>
    %swap3A_1102 = arith.constant 0 : i32
    %swap3A_1103 = arith.index_cast %swap3A_1102 : i32 to index
    %swap3A_1104 = arith.constant 48 : index
    %swap3A_1105 = tpu.vector_load %arg12[%swap3A_1103, %swap3A_1104] {strides = array<i32>} : memref<16x64xf32, #tpu.memory_space<vmem>>, vector<16xf32>,
    tpu.vector_store %arg12[%swap3A_1103, %swap3A_1104], %add3A_1101 {strides = array<i32>} : memref<16x64xf32, #tpu.memory_space<vmem>>, vector<16xf32>,
    %get3A_1106 = arith.constant 512 : index
    %get3A_1107 = tpu.vector_load %arg11[%get3A_1106] {strides = array<i32>} : memref<8192xf32, #tpu.memory_space<vmem>>, vector<16xf32>,
    %get3A_1108 = arith.constant 576 : index
    %get3A_1109 = tpu.vector_load %arg11[%get3A_1108] {strides = array<i32>} : memref<8192xf32, #tpu.memory_space<vmem>>, vector<16xf32>,
    %add3A_1110 = arith.addf %get3A_1107, %get3A_1109 : vector<16xf32>
    %get3A_1111 = arith.constant 640 : index
    %get3A_1112 = tpu.vector_load %arg11[%get3A_1111] {strides = array<i32>} : memref<8192xf32, #tpu.memory_space<vmem>>, vector<16xf32>,
    %add3A_1113 = arith.addf %add3A_1110, %get3A_1112 : vector<16xf32>
    %get3A_1114 = arith.constant 704 : index
    %get3A_1115 = tpu.vector_load %arg11[%get3A_1114] {strides = array<i32>} : memref<8192xf32, #tpu.memory_space<vmem>>, vector<16xf32>,
    %add3A_1116 = arith.addf %add3A_1113, %get3A_1115 : vector<16xf32>
    %swap3A_1117 = arith.constant 1 : i32
    %swap3A_1118 = arith.index_cast %swap3A_1117 : i32 to index
    %swap3A_1119 = arith.constant 0 : index
    %swap3A_1120 = tpu.vector_load %arg12[%swap3A_1118, %swap3A_1119] {strides = array<i32>} : memref<16x64xf32, #tpu.memory_space<vmem>>, vector<16xf32>,
    tpu.vector_store %arg12[%swap3A_1118, %swap3A_1119], %add3A_1116 {strides = array<i32>} : memref<16x64xf32, #tpu.memory_space<vmem>>, vector<16xf32>,
    %get3A_1121 = arith.constant 528 : index
    %get3A_1122 = tpu.vector_load %arg11[%get3A_1121] {strides = array<i32>} : memref<8192xf32, #tpu.memory_space<vmem>>, vector<16xf32>,
    %get3A_1123 = arith.constant 592 : index
    %get3A_1124 = tpu.vector_load %arg11[%get3A_1123] {strides = array<i32>} : memref<8192xf32, #tpu.memory_space<vmem>>, vector<16xf32>,
    %add3A_1125 = arith.addf %get3A_1122, %get3A_1124 : vector<16xf32>
    %get3A_1126 = arith.constant 656 : index
    %get3A_1127 = tpu.vector_load %arg11[%get3A_1126] {strides = array<i32>} : memref<8192xf32, #tpu.memory_space<vmem>>, vector<16xf32>,
    %add3A_1128 = arith.addf %add3A_1125, %get3A_1127 : vector<16xf32>
    %get3A_1129 = arith.constant 720 : index
    %get3A_1130 = tpu.vector_load %arg11[%get3A_1129] {strides = array<i32>} : memref<8192xf32, #tpu.memory_space<vmem>>, vector<16xf32>,
    %add3A_1131 = arith.addf %add3A_1128, %get3A_1130 : vector<16xf32>
    %swap3A_1132 = arith.constant 1 : i32
    %swap3A_1133 = arith.index_cast %swap3A_1132 : i32 to index
    %swap3A_1134 = arith.constant 16 : index
    %swap3A_1135 = tpu.vector_load %arg12[%swap3A_1133, %swap3A_1134] {strides = array<i32>} : memref<16x64xf32, #tpu.memory_space<vmem>>, vector<16xf32>,
    tpu.vector_store %arg12[%swap3A_1133, %swap3A_1134], %add3A_1131 {strides = array<i32>} : memref<16x64xf32, #tpu.memory_space<vmem>>, vector<16xf32>,
    %get3A_1136 = arith.constant 544 : index
    %get3A_1137 = tpu.vector_load %arg11[%get3A_1136] {strides = array<i32>} : memref<8192xf32, #tpu.memory_space<vmem>>, vector<16xf32>,
    %get3A_1138 = arith.constant 608 : index
    %get3A_1139 = tpu.vector_load %arg11[%get3A_1138] {strides = array<i32>} : memref<8192xf32, #tpu.memory_space<vmem>>, vector<16xf32>,
    %add3A_1140 = arith.addf %get3A_1137, %get3A_1139 : vector<16xf32>
    %get3A_1141 = arith.constant 672 : index
    %get3A_1142 = tpu.vector_load %arg11[%get3A_1141] {strides = array<i32>} : memref<8192xf32, #tpu.memory_space<vmem>>, vector<16xf32>,
    %add3A_1143 = arith.addf %add3A_1140, %get3A_1142 : vector<16xf32>
    %get3A_1144 = arith.constant 736 : index
    %get3A_1145 = tpu.vector_load %arg11[%get3A_1144] {strides = array<i32>} : memref<8192xf32, #tpu.memory_space<vmem>>, vector<16xf32>,
    %add3A_1146 = arith.addf %add3A_1143, %get3A_1145 : vector<16xf32>
    %swap3A_1147 = arith.constant 1 : i32
    %swap3A_1148 = arith.index_cast %swap3A_1147 : i32 to index
    %swap3A_1149 = arith.constant 32 : index
    %swap3A_1150 = tpu.vector_load %arg12[%swap3A_1148, %swap3A_1149] {strides = array<i32>} : memref<16x64xf32, #tpu.memory_space<vmem>>, vector<16xf32>,
    tpu.vector_store %arg12[%swap3A_1148, %swap3A_1149], %add3A_1146 {strides = array<i32>} : memref<16x64xf32, #tpu.memory_space<vmem>>, vector<16xf32>,
    %get3A_1151 = arith.constant 560 : index
    %get3A_1152 = tpu.vector_load %arg11[%get3A_1151] {strides = array<i32>} : memref<8192xf32, #tpu.memory_space<vmem>>, vector<16xf32>,
    %get3A_1153 = arith.constant 624 : index
    %get3A_1154 = tpu.vector_load %arg11[%get3A_1153] {strides = array<i32>} : memref<8192xf32, #tpu.memory_space<vmem>>, vector<16xf32>,
    %add3A_1155 = arith.addf %get3A_1152, %get3A_1154 : vector<16xf32>
    %get3A_1156 = arith.constant 688 : index
    %get3A_1157 = tpu.vector_load %arg11[%get3A_1156] {strides = array<i32>} : memref<8192xf32, #tpu.memory_space<vmem>>, vector<16xf32>,
    %add3A_1158 = arith.addf %add3A_1155, %get3A_1157 : vector<16xf32>
    %get3A_1159 = arith.constant 752 : index
    %get3A_1160 = tpu.vector_load %arg11[%get3A_1159] {strides = array<i32>} : memref<8192xf32, #tpu.memory_space<vmem>>, vector<16xf32>,
    %add3A_1161 = arith.addf %add3A_1158, %get3A_1160 : vector<16xf32>
    %swap3A_1162 = arith.constant 1 : i32
    %swap3A_1163 = arith.index_cast %swap3A_1162 : i32 to index
    %swap3A_1164 = arith.constant 48 : index
    %swap3A_1165 = tpu.vector_load %arg12[%swap3A_1163, %swap3A_1164] {strides = array<i32>} : memref<16x64xf32, #tpu.memory_space<vmem>>, vector<16xf32>,
    tpu.vector_store %arg12[%swap3A_1163, %swap3A_1164], %add3A_1161 {strides = array<i32>} : memref<16x64xf32, #tpu.memory_space<vmem>>, vector<16xf32>,
    %get3A_1166 = arith.constant 1024 : index
    %get3A_1167 = tpu.vector_load %arg11[%get3A_1166] {strides = array<i32>} : memref<8192xf32, #tpu.memory_space<vmem>>, vector<16xf32>,
    %get3A_1168 = arith.constant 1088 : index
    %get3A_1169 = tpu.vector_load %arg11[%get3A_1168] {strides = array<i32>} : memref<8192xf32, #tpu.memory_space<vmem>>, vector<16xf32>,
    %add3A_1170 = arith.addf %get3A_1167, %get3A_1169 : vector<16xf32>
    %get3A_1171 = arith.constant 1152 : index
    %get3A_1172 = tpu.vector_load %arg11[%get3A_1171] {strides = array<i32>} : memref<8192xf32, #tpu.memory_space<vmem>>, vector<16xf32>,
    %add3A_1173 = arith.addf %add3A_1170, %get3A_1172 : vector<16xf32>
    %get3A_1174 = arith.constant 1216 : index
    %get3A_1175 = tpu.vector_load %arg11[%get3A_1174] {strides = array<i32>} : memref<8192xf32, #tpu.memory_space<vmem>>, vector<16xf32>,
    %add3A_1176 = arith.addf %add3A_1173, %get3A_1175 : vector<16xf32>
    %swap3A_1177 = arith.constant 2 : i32
    %swap3A_1178 = arith.index_cast %swap3A_1177 : i32 to index
    %swap3A_1179 = arith.constant 0 : index
    %swap3A_1180 = tpu.vector_load %arg12[%swap3A_1178, %swap3A_1179] {strides = array<i32>} : memref<16x64xf32, #tpu.memory_space<vmem>>, vector<16xf32>,
    tpu.vector_store %arg12[%swap3A_1178, %swap3A_1179], %add3A_1176 {strides = array<i32>} : memref<16x64xf32, #tpu.memory_space<vmem>>, vector<16xf32>,
    %get3A_1181 = arith.constant 1040 : index
    %get3A_1182 = tpu.vector_load %arg11[%get3A_1181] {strides = array<i32>} : memref<8192xf32, #tpu.memory_space<vmem>>, vector<16xf32>,
    %get3A_1183 = arith.constant 1104 : index
    %get3A_1184 = tpu.vector_load %arg11[%get3A_1183] {strides = array<i32>} : memref<8192xf32, #tpu.memory_space<vmem>>, vector<16xf32>,
    %add3A_1185 = arith.addf %get3A_1182, %get3A_1184 : vector<16xf32>
    %get3A_1186 = arith.constant 1168 : index
    %get3A_1187 = tpu.vector_load %arg11[%get3A_1186] {strides = array<i32>} : memref<8192xf32, #tpu.memory_space<vmem>>, vector<16xf32>,
    %add3A_1188 = arith.addf %add3A_1185, %get3A_1187 : vector<16xf32>
    %get3A_1189 = arith.constant 1232 : index
    %get3A_1190 = tpu.vector_load %arg11[%get3A_1189] {strides = array<i32>} : memref<8192xf32, #tpu.memory_space<vmem>>, vector<16xf32>,
    %add3A_1191 = arith.addf %add3A_1188, %get3A_1190 : vector<16xf32>
    %swap3A_1192 = arith.constant 2 : i32
    %swap3A_1193 = arith.index_cast %swap3A_1192 : i32 to index
    %swap3A_1194 = arith.constant 16 : index
    %swap3A_1195 = tpu.vector_load %arg12[%swap3A_1193, %swap3A_1194] {strides = array<i32>} : memref<16x64xf32, #tpu.memory_space<vmem>>, vector<16xf32>,
    tpu.vector_store %arg12[%swap3A_1193, %swap3A_1194], %add3A_1191 {strides = array<i32>} : memref<16x64xf32, #tpu.memory_space<vmem>>, vector<16xf32>,
    %get3A_1196 = arith.constant 1056 : index
    %get3A_1197 = tpu.vector_load %arg11[%get3A_1196] {strides = array<i32>} : memref<8192xf32, #tpu.memory_space<vmem>>, vector<16xf32>,
    %get3A_1198 = arith.constant 1120 : index
    %get3A_1199 = tpu.vector_load %arg11[%get3A_1198] {strides = array<i32>} : memref<8192xf32, #tpu.memory_space<vmem>>, vector<16xf32>,
    %add3A_1200 = arith.addf %get3A_1197, %get3A_1199 : vector<16xf32>
    %get3A_1201 = arith.constant 1184 : index
    %get3A_1202 = tpu.vector_load %arg11[%get3A_1201] {strides = array<i32>} : memref<8192xf32, #tpu.memory_space<vmem>>, vector<16xf32>,
    %add3A_1203 = arith.addf %add3A_1200, %get3A_1202 : vector<16xf32>
    %get3A_1204 = arith.constant 1248 : index
    %get3A_1205 = tpu.vector_load %arg11[%get3A_1204] {strides = array<i32>} : memref<8192xf32, #tpu.memory_space<vmem>>, vector<16xf32>,
    %add3A_1206 = arith.addf %add3A_1203, %get3A_1205 : vector<16xf32>
    %swap3A_1207 = arith.constant 2 : i32
    %swap3A_1208 = arith.index_cast %swap3A_1207 : i32 to index
    %swap3A_1209 = arith.constant 32 : index
    %swap3A_1210 = tpu.vector_load %arg12[%swap3A_1208, %swap3A_1209] {strides = array<i32>} : memref<16x64xf32, #tpu.memory_space<vmem>>, vector<16xf32>,
    tpu.vector_store %arg12[%swap3A_1208, %swap3A_1209], %add3A_1206 {strides = array<i32>} : memref<16x64xf32, #tpu.memory_space<vmem>>, vector<16xf32>,
    %get3A_1211 = arith.constant 1072 : index
    %get3A_1212 = tpu.vector_load %arg11[%get3A_1211] {strides = array<i32>} : memref<8192xf32, #tpu.memory_space<vmem>>, vector<16xf32>,
    %get3A_1213 = arith.constant 1136 : index
    %get3A_1214 = tpu.vector_load %arg11[%get3A_1213] {strides = array<i32>} : memref<8192xf32, #tpu.memory_space<vmem>>, vector<16xf32>,
    %add3A_1215 = arith.addf %get3A_1212, %get3A_1214 : vector<16xf32>
    %get3A_1216 = arith.constant 1200 : index
    %get3A_1217 = tpu.vector_load %arg11[%get3A_1216] {strides = array<i32>} : memref<8192xf32, #tpu.memory_space<vmem>>, vector<16xf32>,
    %add3A_1218 = arith.addf %add3A_1215, %get3A_1217 : vector<16xf32>
    %get3A_1219 = arith.constant 1264 : index
    %get3A_1220 = tpu.vector_load %arg11[%get3A_1219] {strides = array<i32>} : memref<8192xf32, #tpu.memory_space<vmem>>, vector<16xf32>,
    %add3A_1221 = arith.addf %add3A_1218, %get3A_1220 : vector<16xf32>
    %swap3A_1222 = arith.constant 2 : i32
    %swap3A_1223 = arith.index_cast %swap3A_1222 : i32 to index
    %swap3A_1224 = arith.constant 48 : index
    %swap3A_1225 = tpu.vector_load %arg12[%swap3A_1223, %swap3A_1224] {strides = array<i32>} : memref<16x64xf32, #tpu.memory_space<vmem>>, vector<16xf32>,
    tpu.vector_store %arg12[%swap3A_1223, %swap3A_1224], %add3A_1221 {strides = array<i32>} : memref<16x64xf32, #tpu.memory_space<vmem>>, vector<16xf32>,
    %get3A_1226 = arith.constant 1536 : index
    %get3A_1227 = tpu.vector_load %arg11[%get3A_1226] {strides = array<i32>} : memref<8192xf32, #tpu.memory_space<vmem>>, vector<16xf32>,
    %get3A_1228 = arith.constant 1600 : index
    %get3A_1229 = tpu.vector_load %arg11[%get3A_1228] {strides = array<i32>} : memref<8192xf32, #tpu.memory_space<vmem>>, vector<16xf32>,
    %add3A_1230 = arith.addf %get3A_1227, %get3A_1229 : vector<16xf32>
    %get3A_1231 = arith.constant 1664 : index
    %get3A_1232 = tpu.vector_load %arg11[%get3A_1231] {strides = array<i32>} : memref<8192xf32, #tpu.memory_space<vmem>>, vector<16xf32>,
    %add3A_1233 = arith.addf %add3A_1230, %get3A_1232 : vector<16xf32>
    %get3A_1234 = arith.constant 1728 : index
    %get3A_1235 = tpu.vector_load %arg11[%get3A_1234] {strides = array<i32>} : memref<8192xf32, #tpu.memory_space<vmem>>, vector<16xf32>,
    %add3A_1236 = arith.addf %add3A_1233, %get3A_1235 : vector<16xf32>
    %swap3A_1237 = arith.constant 3 : i32
    %swap3A_1238 = arith.index_cast %swap3A_1237 : i32 to index
    %swap3A_1239 = arith.constant 0 : index
    %swap3A_1240 = tpu.vector_load %arg12[%swap3A_1238, %swap3A_1239] {strides = array<i32>} : memref<16x64xf32, #tpu.memory_space<vmem>>, vector<16xf32>,
    tpu.vector_store %arg12[%swap3A_1238, %swap3A_1239], %add3A_1236 {strides = array<i32>} : memref<16x64xf32, #tpu.memory_space<vmem>>, vector<16xf32>,
    %get3A_1241 = arith.constant 1552 : index
    %get3A_1242 = tpu.vector_load %arg11[%get3A_1241] {strides = array<i32>} : memref<8192xf32, #tpu.memory_space<vmem>>, vector<16xf32>,
    %get3A_1243 = arith.constant 1616 : index
    %get3A_1244 = tpu.vector_load %arg11[%get3A_1243] {strides = array<i32>} : memref<8192xf32, #tpu.memory_space<vmem>>, vector<16xf32>,
    %add3A_1245 = arith.addf %get3A_1242, %get3A_1244 : vector<16xf32>
    %get3A_1246 = arith.constant 1680 : index
    %get3A_1247 = tpu.vector_load %arg11[%get3A_1246] {strides = array<i32>} : memref<8192xf32, #tpu.memory_space<vmem>>, vector<16xf32>,
    %add3A_1248 = arith.addf %add3A_1245, %get3A_1247 : vector<16xf32>
    %get3A_1249 = arith.constant 1744 : index
    %get3A_1250 = tpu.vector_load %arg11[%get3A_1249] {strides = array<i32>} : memref<8192xf32, #tpu.memory_space<vmem>>, vector<16xf32>,
    %add3A_1251 = arith.addf %add3A_1248, %get3A_1250 : vector<16xf32>
    %swap3A_1252 = arith.constant 3 : i32
    %swap3A_1253 = arith.index_cast %swap3A_1252 : i32 to index
    %swap3A_1254 = arith.constant 16 : index
    %swap3A_1255 = tpu.vector_load %arg12[%swap3A_1253, %swap3A_1254] {strides = array<i32>} : memref<16x64xf32, #tpu.memory_space<vmem>>, vector<16xf32>,
    tpu.vector_store %arg12[%swap3A_1253, %swap3A_1254], %add3A_1251 {strides = array<i32>} : memref<16x64xf32, #tpu.memory_space<vmem>>, vector<16xf32>,
    %get3A_1256 = arith.constant 1568 : index
    %get3A_1257 = tpu.vector_load %arg11[%get3A_1256] {strides = array<i32>} : memref<8192xf32, #tpu.memory_space<vmem>>, vector<16xf32>,
    %get3A_1258 = arith.constant 1632 : index
    %get3A_1259 = tpu.vector_load %arg11[%get3A_1258] {strides = array<i32>} : memref<8192xf32, #tpu.memory_space<vmem>>, vector<16xf32>,
    %add3A_1260 = arith.addf %get3A_1257, %get3A_1259 : vector<16xf32>
    %get3A_1261 = arith.constant 1696 : index
    %get3A_1262 = tpu.vector_load %arg11[%get3A_1261] {strides = array<i32>} : memref<8192xf32, #tpu.memory_space<vmem>>, vector<16xf32>,
    %add3A_1263 = arith.addf %add3A_1260, %get3A_1262 : vector<16xf32>
    %get3A_1264 = arith.constant 1760 : index
    %get3A_1265 = tpu.vector_load %arg11[%get3A_1264] {strides = array<i32>} : memref<8192xf32, #tpu.memory_space<vmem>>, vector<16xf32>,
    %add3A_1266 = arith.addf %add3A_1263, %get3A_1265 : vector<16xf32>
    %swap3A_1267 = arith.constant 3 : i32
    %swap3A_1268 = arith.index_cast %swap3A_1267 : i32 to index
    %swap3A_1269 = arith.constant 32 : index
    %swap3A_1270 = tpu.vector_load %arg12[%swap3A_1268, %swap3A_1269] {strides = array<i32>} : memref<16x64xf32, #tpu.memory_space<vmem>>, vector<16xf32>,
    tpu.vector_store %arg12[%swap3A_1268, %swap3A_1269], %add3A_1266 {strides = array<i32>} : memref<16x64xf32, #tpu.memory_space<vmem>>, vector<16xf32>,
    %get3A_1271 = arith.constant 1584 : index
    %get3A_1272 = tpu.vector_load %arg11[%get3A_1271] {strides = array<i32>} : memref<8192xf32, #tpu.memory_space<vmem>>, vector<16xf32>,
    %get3A_1273 = arith.constant 1648 : index
    %get3A_1274 = tpu.vector_load %arg11[%get3A_1273] {strides = array<i32>} : memref<8192xf32, #tpu.memory_space<vmem>>, vector<16xf32>,
    %add3A_1275 = arith.addf %get3A_1272, %get3A_1274 : vector<16xf32>
    %get3A_1276 = arith.constant 1712 : index
    %get3A_1277 = tpu.vector_load %arg11[%get3A_1276] {strides = array<i32>} : memref<8192xf32, #tpu.memory_space<vmem>>, vector<16xf32>,
    %add3A_1278 = arith.addf %add3A_1275, %get3A_1277 : vector<16xf32>
    %get3A_1279 = arith.constant 1776 : index
    %get3A_1280 = tpu.vector_load %arg11[%get3A_1279] {strides = array<i32>} : memref<8192xf32, #tpu.memory_space<vmem>>, vector<16xf32>,
    %add3A_1281 = arith.addf %add3A_1278, %get3A_1280 : vector<16xf32>
    %swap3A_1282 = arith.constant 3 : i32
    %swap3A_1283 = arith.index_cast %swap3A_1282 : i32 to index
    %swap3A_1284 = arith.constant 48 : index
    %swap3A_1285 = tpu.vector_load %arg12[%swap3A_1283, %swap3A_1284] {strides = array<i32>} : memref<16x64xf32, #tpu.memory_space<vmem>>, vector<16xf32>,
    tpu.vector_store %arg12[%swap3A_1283, %swap3A_1284], %add3A_1281 {strides = array<i32>} : memref<16x64xf32, #tpu.memory_space<vmem>>, vector<16xf32>,
    %get3A_1286 = arith.constant 2048 : index
    %get3A_1287 = tpu.vector_load %arg11[%get3A_1286] {strides = array<i32>} : memref<8192xf32, #tpu.memory_space<vmem>>, vector<16xf32>,
    %get3A_1288 = arith.constant 2112 : index
    %get3A_1289 = tpu.vector_load %arg11[%get3A_1288] {strides = array<i32>} : memref<8192xf32, #tpu.memory_space<vmem>>, vector<16xf32>,
    %add3A_1290 = arith.addf %get3A_1287, %get3A_1289 : vector<16xf32>
    %get3A_1291 = arith.constant 2176 : index
    %get3A_1292 = tpu.vector_load %arg11[%get3A_1291] {strides = array<i32>} : memref<8192xf32, #tpu.memory_space<vmem>>, vector<16xf32>,
    %add3A_1293 = arith.addf %add3A_1290, %get3A_1292 : vector<16xf32>
    %get3A_1294 = arith.constant 2240 : index
    %get3A_1295 = tpu.vector_load %arg11[%get3A_1294] {strides = array<i32>} : memref<8192xf32, #tpu.memory_space<vmem>>, vector<16xf32>,
    %add3A_1296 = arith.addf %add3A_1293, %get3A_1295 : vector<16xf32>
    %swap3A_1297 = arith.constant 4 : i32
    %swap3A_1298 = arith.index_cast %swap3A_1297 : i32 to index
    %swap3A_1299 = arith.constant 0 : index
    %swap3A_1300 = tpu.vector_load %arg12[%swap3A_1298, %swap3A_1299] {strides = array<i32>} : memref<16x64xf32, #tpu.memory_space<vmem>>, vector<16xf32>,
    tpu.vector_store %arg12[%swap3A_1298, %swap3A_1299], %add3A_1296 {strides = array<i32>} : memref<16x64xf32, #tpu.memory_space<vmem>>, vector<16xf32>,
    %get3A_1301 = arith.constant 2064 : index
    %get3A_1302 = tpu.vector_load %arg11[%get3A_1301] {strides = array<i32>} : memref<8192xf32, #tpu.memory_space<vmem>>, vector<16xf32>,
    %get3A_1303 = arith.constant 2128 : index
    %get3A_1304 = tpu.vector_load %arg11[%get3A_1303] {strides = array<i32>} : memref<8192xf32, #tpu.memory_space<vmem>>, vector<16xf32>,
    %add3A_1305 = arith.addf %get3A_1302, %get3A_1304 : vector<16xf32>
    %get3A_1306 = arith.constant 2192 : index
    %get3A_1307 = tpu.vector_load %arg11[%get3A_1306] {strides = array<i32>} : memref<8192xf32, #tpu.memory_space<vmem>>, vector<16xf32>,
    %add3A_1308 = arith.addf %add3A_1305, %get3A_1307 : vector<16xf32>
    %get3A_1309 = arith.constant 2256 : index
    %get3A_1310 = tpu.vector_load %arg11[%get3A_1309] {strides = array<i32>} : memref<8192xf32, #tpu.memory_space<vmem>>, vector<16xf32>,
    %add3A_1311 = arith.addf %add3A_1308, %get3A_1310 : vector<16xf32>
    %swap3A_1312 = arith.constant 4 : i32
    %swap3A_1313 = arith.index_cast %swap3A_1312 : i32 to index
    %swap3A_1314 = arith.constant 16 : index
    %swap3A_1315 = tpu.vector_load %arg12[%swap3A_1313, %swap3A_1314] {strides = array<i32>} : memref<16x64xf32, #tpu.memory_space<vmem>>, vector<16xf32>,
    tpu.vector_store %arg12[%swap3A_1313, %swap3A_1314], %add3A_1311 {strides = array<i32>} : memref<16x64xf32, #tpu.memory_space<vmem>>, vector<16xf32>,
    %get3A_1316 = arith.constant 2080 : index
    %get3A_1317 = tpu.vector_load %arg11[%get3A_1316] {strides = array<i32>} : memref<8192xf32, #tpu.memory_space<vmem>>, vector<16xf32>,
    %get3A_1318 = arith.constant 2144 : index
    %get3A_1319 = tpu.vector_load %arg11[%get3A_1318] {strides = array<i32>} : memref<8192xf32, #tpu.memory_space<vmem>>, vector<16xf32>,
    %add3A_1320 = arith.addf %get3A_1317, %get3A_1319 : vector<16xf32>
    %get3A_1321 = arith.constant 2208 : index
    %get3A_1322 = tpu.vector_load %arg11[%get3A_1321] {strides = array<i32>} : memref<8192xf32, #tpu.memory_space<vmem>>, vector<16xf32>,
    %add3A_1323 = arith.addf %add3A_1320, %get3A_1322 : vector<16xf32>
    %get3A_1324 = arith.constant 2272 : index
    %get3A_1325 = tpu.vector_load %arg11[%get3A_1324] {strides = array<i32>} : memref<8192xf32, #tpu.memory_space<vmem>>, vector<16xf32>,
    %add3A_1326 = arith.addf %add3A_1323, %get3A_1325 : vector<16xf32>
    %swap3A_1327 = arith.constant 4 : i32
    %swap3A_1328 = arith.index_cast %swap3A_1327 : i32 to index
    %swap3A_1329 = arith.constant 32 : index
    %swap3A_1330 = tpu.vector_load %arg12[%swap3A_1328, %swap3A_1329] {strides = array<i32>} : memref<16x64xf32, #tpu.memory_space<vmem>>, vector<16xf32>,
    tpu.vector_store %arg12[%swap3A_1328, %swap3A_1329], %add3A_1326 {strides = array<i32>} : memref<16x64xf32, #tpu.memory_space<vmem>>, vector<16xf32>,
    %get3A_1331 = arith.constant 2096 : index
    %get3A_1332 = tpu.vector_load %arg11[%get3A_1331] {strides = array<i32>} : memref<8192xf32, #tpu.memory_space<vmem>>, vector<16xf32>,
    %get3A_1333 = arith.constant 2160 : index
    %get3A_1334 = tpu.vector_load %arg11[%get3A_1333] {strides = array<i32>} : memref<8192xf32, #tpu.memory_space<vmem>>, vector<16xf32>,
    %add3A_1335 = arith.addf %get3A_1332, %get3A_1334 : vector<16xf32>
    %get3A_1336 = arith.constant 2224 : index
    %get3A_1337 = tpu.vector_load %arg11[%get3A_1336] {strides = array<i32>} : memref<8192xf32, #tpu.memory_space<vmem>>, vector<16xf32>,
    %add3A_1338 = arith.addf %add3A_1335, %get3A_1337 : vector<16xf32>
    %get3A_1339 = arith.constant 2288 : index
    %get3A_1340 = tpu.vector_load %arg11[%get3A_1339] {strides = array<i32>} : memref<8192xf32, #tpu.memory_space<vmem>>, vector<16xf32>,
    %add3A_1341 = arith.addf %add3A_1338, %get3A_1340 : vector<16xf32>
    %swap3A_1342 = arith.constant 4 : i32
    %swap3A_1343 = arith.index_cast %swap3A_1342 : i32 to index
    %swap3A_1344 = arith.constant 48 : index
    %swap3A_1345 = tpu.vector_load %arg12[%swap3A_1343, %swap3A_1344] {strides = array<i32>} : memref<16x64xf32, #tpu.memory_space<vmem>>, vector<16xf32>,
    tpu.vector_store %arg12[%swap3A_1343, %swap3A_1344], %add3A_1341 {strides = array<i32>} : memref<16x64xf32, #tpu.memory_space<vmem>>, vector<16xf32>,
    %get3A_1346 = arith.constant 2560 : index
    %get3A_1347 = tpu.vector_load %arg11[%get3A_1346] {strides = array<i32>} : memref<8192xf32, #tpu.memory_space<vmem>>, vector<16xf32>,
    %get3A_1348 = arith.constant 2624 : index
    %get3A_1349 = tpu.vector_load %arg11[%get3A_1348] {strides = array<i32>} : memref<8192xf32, #tpu.memory_space<vmem>>, vector<16xf32>,
    %add3A_1350 = arith.addf %get3A_1347, %get3A_1349 : vector<16xf32>
    %get3A_1351 = arith.constant 2688 : index
    %get3A_1352 = tpu.vector_load %arg11[%get3A_1351] {strides = array<i32>} : memref<8192xf32, #tpu.memory_space<vmem>>, vector<16xf32>,
    %add3A_1353 = arith.addf %add3A_1350, %get3A_1352 : vector<16xf32>
    %get3A_1354 = arith.constant 2752 : index
    %get3A_1355 = tpu.vector_load %arg11[%get3A_1354] {strides = array<i32>} : memref<8192xf32, #tpu.memory_space<vmem>>, vector<16xf32>,
    %add3A_1356 = arith.addf %add3A_1353, %get3A_1355 : vector<16xf32>
    %swap3A_1357 = arith.constant 5 : i32
    %swap3A_1358 = arith.index_cast %swap3A_1357 : i32 to index
    %swap3A_1359 = arith.constant 0 : index
    %swap3A_1360 = tpu.vector_load %arg12[%swap3A_1358, %swap3A_1359] {strides = array<i32>} : memref<16x64xf32, #tpu.memory_space<vmem>>, vector<16xf32>,
    tpu.vector_store %arg12[%swap3A_1358, %swap3A_1359], %add3A_1356 {strides = array<i32>} : memref<16x64xf32, #tpu.memory_space<vmem>>, vector<16xf32>,
    %get3A_1361 = arith.constant 2576 : index
    %get3A_1362 = tpu.vector_load %arg11[%get3A_1361] {strides = array<i32>} : memref<8192xf32, #tpu.memory_space<vmem>>, vector<16xf32>,
    %get3A_1363 = arith.constant 2640 : index
    %get3A_1364 = tpu.vector_load %arg11[%get3A_1363] {strides = array<i32>} : memref<8192xf32, #tpu.memory_space<vmem>>, vector<16xf32>,
    %add3A_1365 = arith.addf %get3A_1362, %get3A_1364 : vector<16xf32>
    %get3A_1366 = arith.constant 2704 : index
    %get3A_1367 = tpu.vector_load %arg11[%get3A_1366] {strides = array<i32>} : memref<8192xf32, #tpu.memory_space<vmem>>, vector<16xf32>,
    %add3A_1368 = arith.addf %add3A_1365, %get3A_1367 : vector<16xf32>
    %get3A_1369 = arith.constant 2768 : index
    %get3A_1370 = tpu.vector_load %arg11[%get3A_1369] {strides = array<i32>} : memref<8192xf32, #tpu.memory_space<vmem>>, vector<16xf32>,
    %add3A_1371 = arith.addf %add3A_1368, %get3A_1370 : vector<16xf32>
    %swap3A_1372 = arith.constant 5 : i32
    %swap3A_1373 = arith.index_cast %swap3A_1372 : i32 to index
    %swap3A_1374 = arith.constant 16 : index
    %swap3A_1375 = tpu.vector_load %arg12[%swap3A_1373, %swap3A_1374] {strides = array<i32>} : memref<16x64xf32, #tpu.memory_space<vmem>>, vector<16xf32>,
    tpu.vector_store %arg12[%swap3A_1373, %swap3A_1374], %add3A_1371 {strides = array<i32>} : memref<16x64xf32, #tpu.memory_space<vmem>>, vector<16xf32>,
    %get3A_1376 = arith.constant 2592 : index
    %get3A_1377 = tpu.vector_load %arg11[%get3A_1376] {strides = array<i32>} : memref<8192xf32, #tpu.memory_space<vmem>>, vector<16xf32>,
    %get3A_1378 = arith.constant 2656 : index
    %get3A_1379 = tpu.vector_load %arg11[%get3A_1378] {strides = array<i32>} : memref<8192xf32, #tpu.memory_space<vmem>>, vector<16xf32>,
    %add3A_1380 = arith.addf %get3A_1377, %get3A_1379 : vector<16xf32>
    %get3A_1381 = arith.constant 2720 : index
    %get3A_1382 = tpu.vector_load %arg11[%get3A_1381] {strides = array<i32>} : memref<8192xf32, #tpu.memory_space<vmem>>, vector<16xf32>,
    %add3A_1383 = arith.addf %add3A_1380, %get3A_1382 : vector<16xf32>
    %get3A_1384 = arith.constant 2784 : index
    %get3A_1385 = tpu.vector_load %arg11[%get3A_1384] {strides = array<i32>} : memref<8192xf32, #tpu.memory_space<vmem>>, vector<16xf32>,
    %add3A_1386 = arith.addf %add3A_1383, %get3A_1385 : vector<16xf32>
    %swap3A_1387 = arith.constant 5 : i32
    %swap3A_1388 = arith.index_cast %swap3A_1387 : i32 to index
    %swap3A_1389 = arith.constant 32 : index
    %swap3A_1390 = tpu.vector_load %arg12[%swap3A_1388, %swap3A_1389] {strides = array<i32>} : memref<16x64xf32, #tpu.memory_space<vmem>>, vector<16xf32>,
    tpu.vector_store %arg12[%swap3A_1388, %swap3A_1389], %add3A_1386 {strides = array<i32>} : memref<16x64xf32, #tpu.memory_space<vmem>>, vector<16xf32>,
    %get3A_1391 = arith.constant 2608 : index
    %get3A_1392 = tpu.vector_load %arg11[%get3A_1391] {strides = array<i32>} : memref<8192xf32, #tpu.memory_space<vmem>>, vector<16xf32>,
    %get3A_1393 = arith.constant 2672 : index
    %get3A_1394 = tpu.vector_load %arg11[%get3A_1393] {strides = array<i32>} : memref<8192xf32, #tpu.memory_space<vmem>>, vector<16xf32>,
    %add3A_1395 = arith.addf %get3A_1392, %get3A_1394 : vector<16xf32>
    %get3A_1396 = arith.constant 2736 : index
    %get3A_1397 = tpu.vector_load %arg11[%get3A_1396] {strides = array<i32>} : memref<8192xf32, #tpu.memory_space<vmem>>, vector<16xf32>,
    %add3A_1398 = arith.addf %add3A_1395, %get3A_1397 : vector<16xf32>
    %get3A_1399 = arith.constant 2800 : index
    %get3A_1400 = tpu.vector_load %arg11[%get3A_1399] {strides = array<i32>} : memref<8192xf32, #tpu.memory_space<vmem>>, vector<16xf32>,
    %add3A_1401 = arith.addf %add3A_1398, %get3A_1400 : vector<16xf32>
    %swap3A_1402 = arith.constant 5 : i32
    %swap3A_1403 = arith.index_cast %swap3A_1402 : i32 to index
    %swap3A_1404 = arith.constant 48 : index
    %swap3A_1405 = tpu.vector_load %arg12[%swap3A_1403, %swap3A_1404] {strides = array<i32>} : memref<16x64xf32, #tpu.memory_space<vmem>>, vector<16xf32>,
    tpu.vector_store %arg12[%swap3A_1403, %swap3A_1404], %add3A_1401 {strides = array<i32>} : memref<16x64xf32, #tpu.memory_space<vmem>>, vector<16xf32>,
    %get3A_1406 = arith.constant 3072 : index
    %get3A_1407 = tpu.vector_load %arg11[%get3A_1406] {strides = array<i32>} : memref<8192xf32, #tpu.memory_space<vmem>>, vector<16xf32>,
    %get3A_1408 = arith.constant 3136 : index
    %get3A_1409 = tpu.vector_load %arg11[%get3A_1408] {strides = array<i32>} : memref<8192xf32, #tpu.memory_space<vmem>>, vector<16xf32>,
    %add3A_1410 = arith.addf %get3A_1407, %get3A_1409 : vector<16xf32>
    %get3A_1411 = arith.constant 3200 : index
    %get3A_1412 = tpu.vector_load %arg11[%get3A_1411] {strides = array<i32>} : memref<8192xf32, #tpu.memory_space<vmem>>, vector<16xf32>,
    %add3A_1413 = arith.addf %add3A_1410, %get3A_1412 : vector<16xf32>
    %get3A_1414 = arith.constant 3264 : index
    %get3A_1415 = tpu.vector_load %arg11[%get3A_1414] {strides = array<i32>} : memref<8192xf32, #tpu.memory_space<vmem>>, vector<16xf32>,
    %add3A_1416 = arith.addf %add3A_1413, %get3A_1415 : vector<16xf32>
    %swap3A_1417 = arith.constant 6 : i32
    %swap3A_1418 = arith.index_cast %swap3A_1417 : i32 to index
    %swap3A_1419 = arith.constant 0 : index
    %swap3A_1420 = tpu.vector_load %arg12[%swap3A_1418, %swap3A_1419] {strides = array<i32>} : memref<16x64xf32, #tpu.memory_space<vmem>>, vector<16xf32>,
    tpu.vector_store %arg12[%swap3A_1418, %swap3A_1419], %add3A_1416 {strides = array<i32>} : memref<16x64xf32, #tpu.memory_space<vmem>>, vector<16xf32>,
    %get3A_1421 = arith.constant 3088 : index
    %get3A_1422 = tpu.vector_load %arg11[%get3A_1421] {strides = array<i32>} : memref<8192xf32, #tpu.memory_space<vmem>>, vector<16xf32>,
    %get3A_1423 = arith.constant 3152 : index
    %get3A_1424 = tpu.vector_load %arg11[%get3A_1423] {strides = array<i32>} : memref<8192xf32, #tpu.memory_space<vmem>>, vector<16xf32>,
    %add3A_1425 = arith.addf %get3A_1422, %get3A_1424 : vector<16xf32>
    %get3A_1426 = arith.constant 3216 : index
    %get3A_1427 = tpu.vector_load %arg11[%get3A_1426] {strides = array<i32>} : memref<8192xf32, #tpu.memory_space<vmem>>, vector<16xf32>,
    %add3A_1428 = arith.addf %add3A_1425, %get3A_1427 : vector<16xf32>
    %get3A_1429 = arith.constant 3280 : index
    %get3A_1430 = tpu.vector_load %arg11[%get3A_1429] {strides = array<i32>} : memref<8192xf32, #tpu.memory_space<vmem>>, vector<16xf32>,
    %add3A_1431 = arith.addf %add3A_1428, %get3A_1430 : vector<16xf32>
    %swap3A_1432 = arith.constant 6 : i32
    %swap3A_1433 = arith.index_cast %swap3A_1432 : i32 to index
    %swap3A_1434 = arith.constant 16 : index
    %swap3A_1435 = tpu.vector_load %arg12[%swap3A_1433, %swap3A_1434] {strides = array<i32>} : memref<16x64xf32, #tpu.memory_space<vmem>>, vector<16xf32>,
    tpu.vector_store %arg12[%swap3A_1433, %swap3A_1434], %add3A_1431 {strides = array<i32>} : memref<16x64xf32, #tpu.memory_space<vmem>>, vector<16xf32>,
    %get3A_1436 = arith.constant 3104 : index
    %get3A_1437 = tpu.vector_load %arg11[%get3A_1436] {strides = array<i32>} : memref<8192xf32, #tpu.memory_space<vmem>>, vector<16xf32>,
    %get3A_1438 = arith.constant 3168 : index
    %get3A_1439 = tpu.vector_load %arg11[%get3A_1438] {strides = array<i32>} : memref<8192xf32, #tpu.memory_space<vmem>>, vector<16xf32>,
    %add3A_1440 = arith.addf %get3A_1437, %get3A_1439 : vector<16xf32>
    %get3A_1441 = arith.constant 3232 : index
    %get3A_1442 = tpu.vector_load %arg11[%get3A_1441] {strides = array<i32>} : memref<8192xf32, #tpu.memory_space<vmem>>, vector<16xf32>,
    %add3A_1443 = arith.addf %add3A_1440, %get3A_1442 : vector<16xf32>
    %get3A_1444 = arith.constant 3296 : index
    %get3A_1445 = tpu.vector_load %arg11[%get3A_1444] {strides = array<i32>} : memref<8192xf32, #tpu.memory_space<vmem>>, vector<16xf32>,
    %add3A_1446 = arith.addf %add3A_1443, %get3A_1445 : vector<16xf32>
    %swap3A_1447 = arith.constant 6 : i32
    %swap3A_1448 = arith.index_cast %swap3A_1447 : i32 to index
    %swap3A_1449 = arith.constant 32 : index
    %swap3A_1450 = tpu.vector_load %arg12[%swap3A_1448, %swap3A_1449] {strides = array<i32>} : memref<16x64xf32, #tpu.memory_space<vmem>>, vector<16xf32>,
    tpu.vector_store %arg12[%swap3A_1448, %swap3A_1449], %add3A_1446 {strides = array<i32>} : memref<16x64xf32, #tpu.memory_space<vmem>>, vector<16xf32>,
    %get3A_1451 = arith.constant 3120 : index
    %get3A_1452 = tpu.vector_load %arg11[%get3A_1451] {strides = array<i32>} : memref<8192xf32, #tpu.memory_space<vmem>>, vector<16xf32>,
    %get3A_1453 = arith.constant 3184 : index
    %get3A_1454 = tpu.vector_load %arg11[%get3A_1453] {strides = array<i32>} : memref<8192xf32, #tpu.memory_space<vmem>>, vector<16xf32>,
    %add3A_1455 = arith.addf %get3A_1452, %get3A_1454 : vector<16xf32>
    %get3A_1456 = arith.constant 3248 : index
    %get3A_1457 = tpu.vector_load %arg11[%get3A_1456] {strides = array<i32>} : memref<8192xf32, #tpu.memory_space<vmem>>, vector<16xf32>,
    %add3A_1458 = arith.addf %add3A_1455, %get3A_1457 : vector<16xf32>
    %get3A_1459 = arith.constant 3312 : index
    %get3A_1460 = tpu.vector_load %arg11[%get3A_1459] {strides = array<i32>} : memref<8192xf32, #tpu.memory_space<vmem>>, vector<16xf32>,
    %add3A_1461 = arith.addf %add3A_1458, %get3A_1460 : vector<16xf32>
    %swap3A_1462 = arith.constant 6 : i32
    %swap3A_1463 = arith.index_cast %swap3A_1462 : i32 to index
    %swap3A_1464 = arith.constant 48 : index
    %swap3A_1465 = tpu.vector_load %arg12[%swap3A_1463, %swap3A_1464] {strides = array<i32>} : memref<16x64xf32, #tpu.memory_space<vmem>>, vector<16xf32>,
    tpu.vector_store %arg12[%swap3A_1463, %swap3A_1464], %add3A_1461 {strides = array<i32>} : memref<16x64xf32, #tpu.memory_space<vmem>>, vector<16xf32>,
    %get3A_1466 = arith.constant 3584 : index
    %get3A_1467 = tpu.vector_load %arg11[%get3A_1466] {strides = array<i32>} : memref<8192xf32, #tpu.memory_space<vmem>>, vector<16xf32>,
    %get3A_1468 = arith.constant 3648 : index
    %get3A_1469 = tpu.vector_load %arg11[%get3A_1468] {strides = array<i32>} : memref<8192xf32, #tpu.memory_space<vmem>>, vector<16xf32>,
    %add3A_1470 = arith.addf %get3A_1467, %get3A_1469 : vector<16xf32>
    %get3A_1471 = arith.constant 3712 : index
    %get3A_1472 = tpu.vector_load %arg11[%get3A_1471] {strides = array<i32>} : memref<8192xf32, #tpu.memory_space<vmem>>, vector<16xf32>,
    %add3A_1473 = arith.addf %add3A_1470, %get3A_1472 : vector<16xf32>
    %get3A_1474 = arith.constant 3776 : index
    %get3A_1475 = tpu.vector_load %arg11[%get3A_1474] {strides = array<i32>} : memref<8192xf32, #tpu.memory_space<vmem>>, vector<16xf32>,
    %add3A_1476 = arith.addf %add3A_1473, %get3A_1475 : vector<16xf32>
    %swap3A_1477 = arith.constant 7 : i32
    %swap3A_1478 = arith.index_cast %swap3A_1477 : i32 to index
    %swap3A_1479 = arith.constant 0 : index
    %swap3A_1480 = tpu.vector_load %arg12[%swap3A_1478, %swap3A_1479] {strides = array<i32>} : memref<16x64xf32, #tpu.memory_space<vmem>>, vector<16xf32>,
    tpu.vector_store %arg12[%swap3A_1478, %swap3A_1479], %add3A_1476 {strides = array<i32>} : memref<16x64xf32, #tpu.memory_space<vmem>>, vector<16xf32>,
    %get3A_1481 = arith.constant 3600 : index
    %get3A_1482 = tpu.vector_load %arg11[%get3A_1481] {strides = array<i32>} : memref<8192xf32, #tpu.memory_space<vmem>>, vector<16xf32>,
    %get3A_1483 = arith.constant 3664 : index
    %get3A_1484 = tpu.vector_load %arg11[%get3A_1483] {strides = array<i32>} : memref<8192xf32, #tpu.memory_space<vmem>>, vector<16xf32>,
    %add3A_1485 = arith.addf %get3A_1482, %get3A_1484 : vector<16xf32>
    %get3A_1486 = arith.constant 3728 : index
    %get3A_1487 = tpu.vector_load %arg11[%get3A_1486] {strides = array<i32>} : memref<8192xf32, #tpu.memory_space<vmem>>, vector<16xf32>,
    %add3A_1488 = arith.addf %add3A_1485, %get3A_1487 : vector<16xf32>
    %get3A_1489 = arith.constant 3792 : index
    %get3A_1490 = tpu.vector_load %arg11[%get3A_1489] {strides = array<i32>} : memref<8192xf32, #tpu.memory_space<vmem>>, vector<16xf32>,
    %add3A_1491 = arith.addf %add3A_1488, %get3A_1490 : vector<16xf32>
    %swap3A_1492 = arith.constant 7 : i32
    %swap3A_1493 = arith.index_cast %swap3A_1492 : i32 to index
    %swap3A_1494 = arith.constant 16 : index
    %swap3A_1495 = tpu.vector_load %arg12[%swap3A_1493, %swap3A_1494] {strides = array<i32>} : memref<16x64xf32, #tpu.memory_space<vmem>>, vector<16xf32>,
    tpu.vector_store %arg12[%swap3A_1493, %swap3A_1494], %add3A_1491 {strides = array<i32>} : memref<16x64xf32, #tpu.memory_space<vmem>>, vector<16xf32>,
    %get3A_1496 = arith.constant 3616 : index
    %get3A_1497 = tpu.vector_load %arg11[%get3A_1496] {strides = array<i32>} : memref<8192xf32, #tpu.memory_space<vmem>>, vector<16xf32>,
    %get3A_1498 = arith.constant 3680 : index
    %get3A_1499 = tpu.vector_load %arg11[%get3A_1498] {strides = array<i32>} : memref<8192xf32, #tpu.memory_space<vmem>>, vector<16xf32>,
    %add3A_1500 = arith.addf %get3A_1497, %get3A_1499 : vector<16xf32>
    %get3A_1501 = arith.constant 3744 : index
    %get3A_1502 = tpu.vector_load %arg11[%get3A_1501] {strides = array<i32>} : memref<8192xf32, #tpu.memory_space<vmem>>, vector<16xf32>,
    %add3A_1503 = arith.addf %add3A_1500, %get3A_1502 : vector<16xf32>
    %get3A_1504 = arith.constant 3808 : index
    %get3A_1505 = tpu.vector_load %arg11[%get3A_1504] {strides = array<i32>} : memref<8192xf32, #tpu.memory_space<vmem>>, vector<16xf32>,
    %add3A_1506 = arith.addf %add3A_1503, %get3A_1505 : vector<16xf32>
    %swap3A_1507 = arith.constant 7 : i32
    %swap3A_1508 = arith.index_cast %swap3A_1507 : i32 to index
    %swap3A_1509 = arith.constant 32 : index
    %swap3A_1510 = tpu.vector_load %arg12[%swap3A_1508, %swap3A_1509] {strides = array<i32>} : memref<16x64xf32, #tpu.memory_space<vmem>>, vector<16xf32>,
    tpu.vector_store %arg12[%swap3A_1508, %swap3A_1509], %add3A_1506 {strides = array<i32>} : memref<16x64xf32, #tpu.memory_space<vmem>>, vector<16xf32>,
    %get3A_1511 = arith.constant 3632 : index
    %get3A_1512 = tpu.vector_load %arg11[%get3A_1511] {strides = array<i32>} : memref<8192xf32, #tpu.memory_space<vmem>>, vector<16xf32>,
    %get3A_1513 = arith.constant 3696 : index
    %get3A_1514 = tpu.vector_load %arg11[%get3A_1513] {strides = array<i32>} : memref<8192xf32, #tpu.memory_space<vmem>>, vector<16xf32>,
    %add3A_1515 = arith.addf %get3A_1512, %get3A_1514 : vector<16xf32>
    %get3A_1516 = arith.constant 3760 : index
    %get3A_1517 = tpu.vector_load %arg11[%get3A_1516] {strides = array<i32>} : memref<8192xf32, #tpu.memory_space<vmem>>, vector<16xf32>,
    %add3A_1518 = arith.addf %add3A_1515, %get3A_1517 : vector<16xf32>
    %get3A_1519 = arith.constant 3824 : index
    %get3A_1520 = tpu.vector_load %arg11[%get3A_1519] {strides = array<i32>} : memref<8192xf32, #tpu.memory_space<vmem>>, vector<16xf32>,
    %add3A_1521 = arith.addf %add3A_1518, %get3A_1520 : vector<16xf32>
    %swap3A_1522 = arith.constant 7 : i32
    %swap3A_1523 = arith.index_cast %swap3A_1522 : i32 to index
    %swap3A_1524 = arith.constant 48 : index
    %swap3A_1525 = tpu.vector_load %arg12[%swap3A_1523, %swap3A_1524] {strides = array<i32>} : memref<16x64xf32, #tpu.memory_space<vmem>>, vector<16xf32>,
    tpu.vector_store %arg12[%swap3A_1523, %swap3A_1524], %add3A_1521 {strides = array<i32>} : memref<16x64xf32, #tpu.memory_space<vmem>>, vector<16xf32>,
    %get3A_1526 = arith.constant 4096 : index
    %get3A_1527 = tpu.vector_load %arg11[%get3A_1526] {strides = array<i32>} : memref<8192xf32, #tpu.memory_space<vmem>>, vector<16xf32>,
    %get3A_1528 = arith.constant 4160 : index
    %get3A_1529 = tpu.vector_load %arg11[%get3A_1528] {strides = array<i32>} : memref<8192xf32, #tpu.memory_space<vmem>>, vector<16xf32>,
    %add3A_1530 = arith.addf %get3A_1527, %get3A_1529 : vector<16xf32>
    %get3A_1531 = arith.constant 4224 : index
    %get3A_1532 = tpu.vector_load %arg11[%get3A_1531] {strides = array<i32>} : memref<8192xf32, #tpu.memory_space<vmem>>, vector<16xf32>,
    %add3A_1533 = arith.addf %add3A_1530, %get3A_1532 : vector<16xf32>
    %get3A_1534 = arith.constant 4288 : index
    %get3A_1535 = tpu.vector_load %arg11[%get3A_1534] {strides = array<i32>} : memref<8192xf32, #tpu.memory_space<vmem>>, vector<16xf32>,
    %add3A_1536 = arith.addf %add3A_1533, %get3A_1535 : vector<16xf32>
    %swap3A_1537 = arith.constant 8 : i32
    %swap3A_1538 = arith.index_cast %swap3A_1537 : i32 to index
    %swap3A_1539 = arith.constant 0 : index
    %swap3A_1540 = tpu.vector_load %arg12[%swap3A_1538, %swap3A_1539] {strides = array<i32>} : memref<16x64xf32, #tpu.memory_space<vmem>>, vector<16xf32>,
    tpu.vector_store %arg12[%swap3A_1538, %swap3A_1539], %add3A_1536 {strides = array<i32>} : memref<16x64xf32, #tpu.memory_space<vmem>>, vector<16xf32>,
    %get3A_1541 = arith.constant 4112 : index
    %get3A_1542 = tpu.vector_load %arg11[%get3A_1541] {strides = array<i32>} : memref<8192xf32, #tpu.memory_space<vmem>>, vector<16xf32>,
    %get3A_1543 = arith.constant 4176 : index
    %get3A_1544 = tpu.vector_load %arg11[%get3A_1543] {strides = array<i32>} : memref<8192xf32, #tpu.memory_space<vmem>>, vector<16xf32>,
    %add3A_1545 = arith.addf %get3A_1542, %get3A_1544 : vector<16xf32>
    %get3A_1546 = arith.constant 4240 : index
    %get3A_1547 = tpu.vector_load %arg11[%get3A_1546] {strides = array<i32>} : memref<8192xf32, #tpu.memory_space<vmem>>, vector<16xf32>,
    %add3A_1548 = arith.addf %add3A_1545, %get3A_1547 : vector<16xf32>
    %get3A_1549 = arith.constant 4304 : index
    %get3A_1550 = tpu.vector_load %arg11[%get3A_1549] {strides = array<i32>} : memref<8192xf32, #tpu.memory_space<vmem>>, vector<16xf32>,
    %add3A_1551 = arith.addf %add3A_1548, %get3A_1550 : vector<16xf32>
    %swap3A_1552 = arith.constant 8 : i32
    %swap3A_1553 = arith.index_cast %swap3A_1552 : i32 to index
    %swap3A_1554 = arith.constant 16 : index
    %swap3A_1555 = tpu.vector_load %arg12[%swap3A_1553, %swap3A_1554] {strides = array<i32>} : memref<16x64xf32, #tpu.memory_space<vmem>>, vector<16xf32>,
    tpu.vector_store %arg12[%swap3A_1553, %swap3A_1554], %add3A_1551 {strides = array<i32>} : memref<16x64xf32, #tpu.memory_space<vmem>>, vector<16xf32>,
    %get3A_1556 = arith.constant 4128 : index
    %get3A_1557 = tpu.vector_load %arg11[%get3A_1556] {strides = array<i32>} : memref<8192xf32, #tpu.memory_space<vmem>>, vector<16xf32>,
    %get3A_1558 = arith.constant 4192 : index
    %get3A_1559 = tpu.vector_load %arg11[%get3A_1558] {strides = array<i32>} : memref<8192xf32, #tpu.memory_space<vmem>>, vector<16xf32>,
    %add3A_1560 = arith.addf %get3A_1557, %get3A_1559 : vector<16xf32>
    %get3A_1561 = arith.constant 4256 : index
    %get3A_1562 = tpu.vector_load %arg11[%get3A_1561] {strides = array<i32>} : memref<8192xf32, #tpu.memory_space<vmem>>, vector<16xf32>,
    %add3A_1563 = arith.addf %add3A_1560, %get3A_1562 : vector<16xf32>
    %get3A_1564 = arith.constant 4320 : index
    %get3A_1565 = tpu.vector_load %arg11[%get3A_1564] {strides = array<i32>} : memref<8192xf32, #tpu.memory_space<vmem>>, vector<16xf32>,
    %add3A_1566 = arith.addf %add3A_1563, %get3A_1565 : vector<16xf32>
    %swap3A_1567 = arith.constant 8 : i32
    %swap3A_1568 = arith.index_cast %swap3A_1567 : i32 to index
    %swap3A_1569 = arith.constant 32 : index
    %swap3A_1570 = tpu.vector_load %arg12[%swap3A_1568, %swap3A_1569] {strides = array<i32>} : memref<16x64xf32, #tpu.memory_space<vmem>>, vector<16xf32>,
    tpu.vector_store %arg12[%swap3A_1568, %swap3A_1569], %add3A_1566 {strides = array<i32>} : memref<16x64xf32, #tpu.memory_space<vmem>>, vector<16xf32>,
    %get3A_1571 = arith.constant 4144 : index
    %get3A_1572 = tpu.vector_load %arg11[%get3A_1571] {strides = array<i32>} : memref<8192xf32, #tpu.memory_space<vmem>>, vector<16xf32>,
    %get3A_1573 = arith.constant 4208 : index
    %get3A_1574 = tpu.vector_load %arg11[%get3A_1573] {strides = array<i32>} : memref<8192xf32, #tpu.memory_space<vmem>>, vector<16xf32>,
    %add3A_1575 = arith.addf %get3A_1572, %get3A_1574 : vector<16xf32>
    %get3A_1576 = arith.constant 4272 : index
    %get3A_1577 = tpu.vector_load %arg11[%get3A_1576] {strides = array<i32>} : memref<8192xf32, #tpu.memory_space<vmem>>, vector<16xf32>,
    %add3A_1578 = arith.addf %add3A_1575, %get3A_1577 : vector<16xf32>
    %get3A_1579 = arith.constant 4336 : index
    %get3A_1580 = tpu.vector_load %arg11[%get3A_1579] {strides = array<i32>} : memref<8192xf32, #tpu.memory_space<vmem>>, vector<16xf32>,
    %add3A_1581 = arith.addf %add3A_1578, %get3A_1580 : vector<16xf32>
    %swap3A_1582 = arith.constant 8 : i32
    %swap3A_1583 = arith.index_cast %swap3A_1582 : i32 to index
    %swap3A_1584 = arith.constant 48 : index
    %swap3A_1585 = tpu.vector_load %arg12[%swap3A_1583, %swap3A_1584] {strides = array<i32>} : memref<16x64xf32, #tpu.memory_space<vmem>>, vector<16xf32>,
    tpu.vector_store %arg12[%swap3A_1583, %swap3A_1584], %add3A_1581 {strides = array<i32>} : memref<16x64xf32, #tpu.memory_space<vmem>>, vector<16xf32>,
    %get3A_1586 = arith.constant 4608 : index
    %get3A_1587 = tpu.vector_load %arg11[%get3A_1586] {strides = array<i32>} : memref<8192xf32, #tpu.memory_space<vmem>>, vector<16xf32>,
    %get3A_1588 = arith.constant 4672 : index
    %get3A_1589 = tpu.vector_load %arg11[%get3A_1588] {strides = array<i32>} : memref<8192xf32, #tpu.memory_space<vmem>>, vector<16xf32>,
    %add3A_1590 = arith.addf %get3A_1587, %get3A_1589 : vector<16xf32>
    %get3A_1591 = arith.constant 4736 : index
    %get3A_1592 = tpu.vector_load %arg11[%get3A_1591] {strides = array<i32>} : memref<8192xf32, #tpu.memory_space<vmem>>, vector<16xf32>,
    %add3A_1593 = arith.addf %add3A_1590, %get3A_1592 : vector<16xf32>
    %get3A_1594 = arith.constant 4800 : index
    %get3A_1595 = tpu.vector_load %arg11[%get3A_1594] {strides = array<i32>} : memref<8192xf32, #tpu.memory_space<vmem>>, vector<16xf32>,
    %add3A_1596 = arith.addf %add3A_1593, %get3A_1595 : vector<16xf32>
    %swap3A_1597 = arith.constant 9 : i32
    %swap3A_1598 = arith.index_cast %swap3A_1597 : i32 to index
    %swap3A_1599 = arith.constant 0 : index
    %swap3A_1600 = tpu.vector_load %arg12[%swap3A_1598, %swap3A_1599] {strides = array<i32>} : memref<16x64xf32, #tpu.memory_space<vmem>>, vector<16xf32>,
    tpu.vector_store %arg12[%swap3A_1598, %swap3A_1599], %add3A_1596 {strides = array<i32>} : memref<16x64xf32, #tpu.memory_space<vmem>>, vector<16xf32>,
    %get3A_1601 = arith.constant 4624 : index
    %get3A_1602 = tpu.vector_load %arg11[%get3A_1601] {strides = array<i32>} : memref<8192xf32, #tpu.memory_space<vmem>>, vector<16xf32>,
    %get3A_1603 = arith.constant 4688 : index
    %get3A_1604 = tpu.vector_load %arg11[%get3A_1603] {strides = array<i32>} : memref<8192xf32, #tpu.memory_space<vmem>>, vector<16xf32>,
    %add3A_1605 = arith.addf %get3A_1602, %get3A_1604 : vector<16xf32>
    %get3A_1606 = arith.constant 4752 : index
    %get3A_1607 = tpu.vector_load %arg11[%get3A_1606] {strides = array<i32>} : memref<8192xf32, #tpu.memory_space<vmem>>, vector<16xf32>,
    %add3A_1608 = arith.addf %add3A_1605, %get3A_1607 : vector<16xf32>
    %get3A_1609 = arith.constant 4816 : index
    %get3A_1610 = tpu.vector_load %arg11[%get3A_1609] {strides = array<i32>} : memref<8192xf32, #tpu.memory_space<vmem>>, vector<16xf32>,
    %add3A_1611 = arith.addf %add3A_1608, %get3A_1610 : vector<16xf32>
    %swap3A_1612 = arith.constant 9 : i32
    %swap3A_1613 = arith.index_cast %swap3A_1612 : i32 to index
    %swap3A_1614 = arith.constant 16 : index
    %swap3A_1615 = tpu.vector_load %arg12[%swap3A_1613, %swap3A_1614] {strides = array<i32>} : memref<16x64xf32, #tpu.memory_space<vmem>>, vector<16xf32>,
    tpu.vector_store %arg12[%swap3A_1613, %swap3A_1614], %add3A_1611 {strides = array<i32>} : memref<16x64xf32, #tpu.memory_space<vmem>>, vector<16xf32>,
    %get3A_1616 = arith.constant 4640 : index
    %get3A_1617 = tpu.vector_load %arg11[%get3A_1616] {strides = array<i32>} : memref<8192xf32, #tpu.memory_space<vmem>>, vector<16xf32>,
    %get3A_1618 = arith.constant 4704 : index
    %get3A_1619 = tpu.vector_load %arg11[%get3A_1618] {strides = array<i32>} : memref<8192xf32, #tpu.memory_space<vmem>>, vector<16xf32>,
    %add3A_1620 = arith.addf %get3A_1617, %get3A_1619 : vector<16xf32>
    %get3A_1621 = arith.constant 4768 : index
    %get3A_1622 = tpu.vector_load %arg11[%get3A_1621] {strides = array<i32>} : memref<8192xf32, #tpu.memory_space<vmem>>, vector<16xf32>,
    %add3A_1623 = arith.addf %add3A_1620, %get3A_1622 : vector<16xf32>
    %get3A_1624 = arith.constant 4832 : index
    %get3A_1625 = tpu.vector_load %arg11[%get3A_1624] {strides = array<i32>} : memref<8192xf32, #tpu.memory_space<vmem>>, vector<16xf32>,
    %add3A_1626 = arith.addf %add3A_1623, %get3A_1625 : vector<16xf32>
    %swap3A_1627 = arith.constant 9 : i32
    %swap3A_1628 = arith.index_cast %swap3A_1627 : i32 to index
    %swap3A_1629 = arith.constant 32 : index
    %swap3A_1630 = tpu.vector_load %arg12[%swap3A_1628, %swap3A_1629] {strides = array<i32>} : memref<16x64xf32, #tpu.memory_space<vmem>>, vector<16xf32>,
    tpu.vector_store %arg12[%swap3A_1628, %swap3A_1629], %add3A_1626 {strides = array<i32>} : memref<16x64xf32, #tpu.memory_space<vmem>>, vector<16xf32>,
    %get3A_1631 = arith.constant 4656 : index
    %get3A_1632 = tpu.vector_load %arg11[%get3A_1631] {strides = array<i32>} : memref<8192xf32, #tpu.memory_space<vmem>>, vector<16xf32>,
    %get3A_1633 = arith.constant 4720 : index
    %get3A_1634 = tpu.vector_load %arg11[%get3A_1633] {strides = array<i32>} : memref<8192xf32, #tpu.memory_space<vmem>>, vector<16xf32>,
    %add3A_1635 = arith.addf %get3A_1632, %get3A_1634 : vector<16xf32>
    %get3A_1636 = arith.constant 4784 : index
    %get3A_1637 = tpu.vector_load %arg11[%get3A_1636] {strides = array<i32>} : memref<8192xf32, #tpu.memory_space<vmem>>, vector<16xf32>,
    %add3A_1638 = arith.addf %add3A_1635, %get3A_1637 : vector<16xf32>
    %get3A_1639 = arith.constant 4848 : index
    %get3A_1640 = tpu.vector_load %arg11[%get3A_1639] {strides = array<i32>} : memref<8192xf32, #tpu.memory_space<vmem>>, vector<16xf32>,
    %add3A_1641 = arith.addf %add3A_1638, %get3A_1640 : vector<16xf32>
    %swap3A_1642 = arith.constant 9 : i32
    %swap3A_1643 = arith.index_cast %swap3A_1642 : i32 to index
    %swap3A_1644 = arith.constant 48 : index
    %swap3A_1645 = tpu.vector_load %arg12[%swap3A_1643, %swap3A_1644] {strides = array<i32>} : memref<16x64xf32, #tpu.memory_space<vmem>>, vector<16xf32>,
    tpu.vector_store %arg12[%swap3A_1643, %swap3A_1644], %add3A_1641 {strides = array<i32>} : memref<16x64xf32, #tpu.memory_space<vmem>>, vector<16xf32>,
    %get3A_1646 = arith.constant 5120 : index
    %get3A_1647 = tpu.vector_load %arg11[%get3A_1646] {strides = array<i32>} : memref<8192xf32, #tpu.memory_space<vmem>>, vector<16xf32>,
    %get3A_1648 = arith.constant 5184 : index
    %get3A_1649 = tpu.vector_load %arg11[%get3A_1648] {strides = array<i32>} : memref<8192xf32, #tpu.memory_space<vmem>>, vector<16xf32>,
    %add3A_1650 = arith.addf %get3A_1647, %get3A_1649 : vector<16xf32>
    %get3A_1651 = arith.constant 5248 : index
    %get3A_1652 = tpu.vector_load %arg11[%get3A_1651] {strides = array<i32>} : memref<8192xf32, #tpu.memory_space<vmem>>, vector<16xf32>,
    %add3A_1653 = arith.addf %add3A_1650, %get3A_1652 : vector<16xf32>
    %get3A_1654 = arith.constant 5312 : index
    %get3A_1655 = tpu.vector_load %arg11[%get3A_1654] {strides = array<i32>} : memref<8192xf32, #tpu.memory_space<vmem>>, vector<16xf32>,
    %add3A_1656 = arith.addf %add3A_1653, %get3A_1655 : vector<16xf32>
    %swap3A_1657 = arith.constant 10 : i32
    %swap3A_1658 = arith.index_cast %swap3A_1657 : i32 to index
    %swap3A_1659 = arith.constant 0 : index
    %swap3A_1660 = tpu.vector_load %arg12[%swap3A_1658, %swap3A_1659] {strides = array<i32>} : memref<16x64xf32, #tpu.memory_space<vmem>>, vector<16xf32>,
    tpu.vector_store %arg12[%swap3A_1658, %swap3A_1659], %add3A_1656 {strides = array<i32>} : memref<16x64xf32, #tpu.memory_space<vmem>>, vector<16xf32>,
    %get3A_1661 = arith.constant 5136 : index
    %get3A_1662 = tpu.vector_load %arg11[%get3A_1661] {strides = array<i32>} : memref<8192xf32, #tpu.memory_space<vmem>>, vector<16xf32>,
    %get3A_1663 = arith.constant 5200 : index
    %get3A_1664 = tpu.vector_load %arg11[%get3A_1663] {strides = array<i32>} : memref<8192xf32, #tpu.memory_space<vmem>>, vector<16xf32>,
    %add3A_1665 = arith.addf %get3A_1662, %get3A_1664 : vector<16xf32>
    %get3A_1666 = arith.constant 5264 : index
    %get3A_1667 = tpu.vector_load %arg11[%get3A_1666] {strides = array<i32>} : memref<8192xf32, #tpu.memory_space<vmem>>, vector<16xf32>,
    %add3A_1668 = arith.addf %add3A_1665, %get3A_1667 : vector<16xf32>
    %get3A_1669 = arith.constant 5328 : index
    %get3A_1670 = tpu.vector_load %arg11[%get3A_1669] {strides = array<i32>} : memref<8192xf32, #tpu.memory_space<vmem>>, vector<16xf32>,
    %add3A_1671 = arith.addf %add3A_1668, %get3A_1670 : vector<16xf32>
    %swap3A_1672 = arith.constant 10 : i32
    %swap3A_1673 = arith.index_cast %swap3A_1672 : i32 to index
    %swap3A_1674 = arith.constant 16 : index
    %swap3A_1675 = tpu.vector_load %arg12[%swap3A_1673, %swap3A_1674] {strides = array<i32>} : memref<16x64xf32, #tpu.memory_space<vmem>>, vector<16xf32>,
    tpu.vector_store %arg12[%swap3A_1673, %swap3A_1674], %add3A_1671 {strides = array<i32>} : memref<16x64xf32, #tpu.memory_space<vmem>>, vector<16xf32>,
    %get3A_1676 = arith.constant 5152 : index
    %get3A_1677 = tpu.vector_load %arg11[%get3A_1676] {strides = array<i32>} : memref<8192xf32, #tpu.memory_space<vmem>>, vector<16xf32>,
    %get3A_1678 = arith.constant 5216 : index
    %get3A_1679 = tpu.vector_load %arg11[%get3A_1678] {strides = array<i32>} : memref<8192xf32, #tpu.memory_space<vmem>>, vector<16xf32>,
    %add3A_1680 = arith.addf %get3A_1677, %get3A_1679 : vector<16xf32>
    %get3A_1681 = arith.constant 5280 : index
    %get3A_1682 = tpu.vector_load %arg11[%get3A_1681] {strides = array<i32>} : memref<8192xf32, #tpu.memory_space<vmem>>, vector<16xf32>,
    %add3A_1683 = arith.addf %add3A_1680, %get3A_1682 : vector<16xf32>
    %get3A_1684 = arith.constant 5344 : index
    %get3A_1685 = tpu.vector_load %arg11[%get3A_1684] {strides = array<i32>} : memref<8192xf32, #tpu.memory_space<vmem>>, vector<16xf32>,
    %add3A_1686 = arith.addf %add3A_1683, %get3A_1685 : vector<16xf32>
    %swap3A_1687 = arith.constant 10 : i32
    %swap3A_1688 = arith.index_cast %swap3A_1687 : i32 to index
    %swap3A_1689 = arith.constant 32 : index
    %swap3A_1690 = tpu.vector_load %arg12[%swap3A_1688, %swap3A_1689] {strides = array<i32>} : memref<16x64xf32, #tpu.memory_space<vmem>>, vector<16xf32>,
    tpu.vector_store %arg12[%swap3A_1688, %swap3A_1689], %add3A_1686 {strides = array<i32>} : memref<16x64xf32, #tpu.memory_space<vmem>>, vector<16xf32>,
    %get3A_1691 = arith.constant 5168 : index
    %get3A_1692 = tpu.vector_load %arg11[%get3A_1691] {strides = array<i32>} : memref<8192xf32, #tpu.memory_space<vmem>>, vector<16xf32>,
    %get3A_1693 = arith.constant 5232 : index
    %get3A_1694 = tpu.vector_load %arg11[%get3A_1693] {strides = array<i32>} : memref<8192xf32, #tpu.memory_space<vmem>>, vector<16xf32>,
    %add3A_1695 = arith.addf %get3A_1692, %get3A_1694 : vector<16xf32>
    %get3A_1696 = arith.constant 5296 : index
    %get3A_1697 = tpu.vector_load %arg11[%get3A_1696] {strides = array<i32>} : memref<8192xf32, #tpu.memory_space<vmem>>, vector<16xf32>,
    %add3A_1698 = arith.addf %add3A_1695, %get3A_1697 : vector<16xf32>
    %get3A_1699 = arith.constant 5360 : index
    %get3A_1700 = tpu.vector_load %arg11[%get3A_1699] {strides = array<i32>} : memref<8192xf32, #tpu.memory_space<vmem>>, vector<16xf32>,
    %add3A_1701 = arith.addf %add3A_1698, %get3A_1700 : vector<16xf32>
    %swap3A_1702 = arith.constant 10 : i32
    %swap3A_1703 = arith.index_cast %swap3A_1702 : i32 to index
    %swap3A_1704 = arith.constant 48 : index
    %swap3A_1705 = tpu.vector_load %arg12[%swap3A_1703, %swap3A_1704] {strides = array<i32>} : memref<16x64xf32, #tpu.memory_space<vmem>>, vector<16xf32>,
    tpu.vector_store %arg12[%swap3A_1703, %swap3A_1704], %add3A_1701 {strides = array<i32>} : memref<16x64xf32, #tpu.memory_space<vmem>>, vector<16xf32>,
    %get3A_1706 = arith.constant 5632 : index
    %get3A_1707 = tpu.vector_load %arg11[%get3A_1706] {strides = array<i32>} : memref<8192xf32, #tpu.memory_space<vmem>>, vector<16xf32>,
    %get3A_1708 = arith.constant 5696 : index
    %get3A_1709 = tpu.vector_load %arg11[%get3A_1708] {strides = array<i32>} : memref<8192xf32, #tpu.memory_space<vmem>>, vector<16xf32>,
    %add3A_1710 = arith.addf %get3A_1707, %get3A_1709 : vector<16xf32>
    %get3A_1711 = arith.constant 5760 : index
    %get3A_1712 = tpu.vector_load %arg11[%get3A_1711] {strides = array<i32>} : memref<8192xf32, #tpu.memory_space<vmem>>, vector<16xf32>,
    %add3A_1713 = arith.addf %add3A_1710, %get3A_1712 : vector<16xf32>
    %get3A_1714 = arith.constant 5824 : index
    %get3A_1715 = tpu.vector_load %arg11[%get3A_1714] {strides = array<i32>} : memref<8192xf32, #tpu.memory_space<vmem>>, vector<16xf32>,
    %add3A_1716 = arith.addf %add3A_1713, %get3A_1715 : vector<16xf32>
    %swap3A_1717 = arith.constant 11 : i32
    %swap3A_1718 = arith.index_cast %swap3A_1717 : i32 to index
    %swap3A_1719 = arith.constant 0 : index
    %swap3A_1720 = tpu.vector_load %arg12[%swap3A_1718, %swap3A_1719] {strides = array<i32>} : memref<16x64xf32, #tpu.memory_space<vmem>>, vector<16xf32>,
    tpu.vector_store %arg12[%swap3A_1718, %swap3A_1719], %add3A_1716 {strides = array<i32>} : memref<16x64xf32, #tpu.memory_space<vmem>>, vector<16xf32>,
    %get3A_1721 = arith.constant 5648 : index
    %get3A_1722 = tpu.vector_load %arg11[%get3A_1721] {strides = array<i32>} : memref<8192xf32, #tpu.memory_space<vmem>>, vector<16xf32>,
    %get3A_1723 = arith.constant 5712 : index
    %get3A_1724 = tpu.vector_load %arg11[%get3A_1723] {strides = array<i32>} : memref<8192xf32, #tpu.memory_space<vmem>>, vector<16xf32>,
    %add3A_1725 = arith.addf %get3A_1722, %get3A_1724 : vector<16xf32>
    %get3A_1726 = arith.constant 5776 : index
    %get3A_1727 = tpu.vector_load %arg11[%get3A_1726] {strides = array<i32>} : memref<8192xf32, #tpu.memory_space<vmem>>, vector<16xf32>,
    %add3A_1728 = arith.addf %add3A_1725, %get3A_1727 : vector<16xf32>
    %get3A_1729 = arith.constant 5840 : index
    %get3A_1730 = tpu.vector_load %arg11[%get3A_1729] {strides = array<i32>} : memref<8192xf32, #tpu.memory_space<vmem>>, vector<16xf32>,
    %add3A_1731 = arith.addf %add3A_1728, %get3A_1730 : vector<16xf32>
    %swap3A_1732 = arith.constant 11 : i32
    %swap3A_1733 = arith.index_cast %swap3A_1732 : i32 to index
    %swap3A_1734 = arith.constant 16 : index
    %swap3A_1735 = tpu.vector_load %arg12[%swap3A_1733, %swap3A_1734] {strides = array<i32>} : memref<16x64xf32, #tpu.memory_space<vmem>>, vector<16xf32>,
    tpu.vector_store %arg12[%swap3A_1733, %swap3A_1734], %add3A_1731 {strides = array<i32>} : memref<16x64xf32, #tpu.memory_space<vmem>>, vector<16xf32>,
    %get3A_1736 = arith.constant 5664 : index
    %get3A_1737 = tpu.vector_load %arg11[%get3A_1736] {strides = array<i32>} : memref<8192xf32, #tpu.memory_space<vmem>>, vector<16xf32>,
    %get3A_1738 = arith.constant 5728 : index
    %get3A_1739 = tpu.vector_load %arg11[%get3A_1738] {strides = array<i32>} : memref<8192xf32, #tpu.memory_space<vmem>>, vector<16xf32>,
    %add3A_1740 = arith.addf %get3A_1737, %get3A_1739 : vector<16xf32>
    %get3A_1741 = arith.constant 5792 : index
    %get3A_1742 = tpu.vector_load %arg11[%get3A_1741] {strides = array<i32>} : memref<8192xf32, #tpu.memory_space<vmem>>, vector<16xf32>,
    %add3A_1743 = arith.addf %add3A_1740, %get3A_1742 : vector<16xf32>
    %get3A_1744 = arith.constant 5856 : index
    %get3A_1745 = tpu.vector_load %arg11[%get3A_1744] {strides = array<i32>} : memref<8192xf32, #tpu.memory_space<vmem>>, vector<16xf32>,
    %add3A_1746 = arith.addf %add3A_1743, %get3A_1745 : vector<16xf32>
    %swap3A_1747 = arith.constant 11 : i32
    %swap3A_1748 = arith.index_cast %swap3A_1747 : i32 to index
    %swap3A_1749 = arith.constant 32 : index
    %swap3A_1750 = tpu.vector_load %arg12[%swap3A_1748, %swap3A_1749] {strides = array<i32>} : memref<16x64xf32, #tpu.memory_space<vmem>>, vector<16xf32>,
    tpu.vector_store %arg12[%swap3A_1748, %swap3A_1749], %add3A_1746 {strides = array<i32>} : memref<16x64xf32, #tpu.memory_space<vmem>>, vector<16xf32>,
    %get3A_1751 = arith.constant 5680 : index
    %get3A_1752 = tpu.vector_load %arg11[%get3A_1751] {strides = array<i32>} : memref<8192xf32, #tpu.memory_space<vmem>>, vector<16xf32>,
    %get3A_1753 = arith.constant 5744 : index
    %get3A_1754 = tpu.vector_load %arg11[%get3A_1753] {strides = array<i32>} : memref<8192xf32, #tpu.memory_space<vmem>>, vector<16xf32>,
    %add3A_1755 = arith.addf %get3A_1752, %get3A_1754 : vector<16xf32>
    %get3A_1756 = arith.constant 5808 : index
    %get3A_1757 = tpu.vector_load %arg11[%get3A_1756] {strides = array<i32>} : memref<8192xf32, #tpu.memory_space<vmem>>, vector<16xf32>,
    %add3A_1758 = arith.addf %add3A_1755, %get3A_1757 : vector<16xf32>
    %get3A_1759 = arith.constant 5872 : index
    %get3A_1760 = tpu.vector_load %arg11[%get3A_1759] {strides = array<i32>} : memref<8192xf32, #tpu.memory_space<vmem>>, vector<16xf32>,
    %add3A_1761 = arith.addf %add3A_1758, %get3A_1760 : vector<16xf32>
    %swap3A_1762 = arith.constant 11 : i32
    %swap3A_1763 = arith.index_cast %swap3A_1762 : i32 to index
    %swap3A_1764 = arith.constant 48 : index
    %swap3A_1765 = tpu.vector_load %arg12[%swap3A_1763, %swap3A_1764] {strides = array<i32>} : memref<16x64xf32, #tpu.memory_space<vmem>>, vector<16xf32>,
    tpu.vector_store %arg12[%swap3A_1763, %swap3A_1764], %add3A_1761 {strides = array<i32>} : memref<16x64xf32, #tpu.memory_space<vmem>>, vector<16xf32>,
    %get3A_1766 = arith.constant 6144 : index
    %get3A_1767 = tpu.vector_load %arg11[%get3A_1766] {strides = array<i32>} : memref<8192xf32, #tpu.memory_space<vmem>>, vector<16xf32>,
    %get3A_1768 = arith.constant 6208 : index
    %get3A_1769 = tpu.vector_load %arg11[%get3A_1768] {strides = array<i32>} : memref<8192xf32, #tpu.memory_space<vmem>>, vector<16xf32>,
    %add3A_1770 = arith.addf %get3A_1767, %get3A_1769 : vector<16xf32>
    %get3A_1771 = arith.constant 6272 : index
    %get3A_1772 = tpu.vector_load %arg11[%get3A_1771] {strides = array<i32>} : memref<8192xf32, #tpu.memory_space<vmem>>, vector<16xf32>,
    %add3A_1773 = arith.addf %add3A_1770, %get3A_1772 : vector<16xf32>
    %get3A_1774 = arith.constant 6336 : index
    %get3A_1775 = tpu.vector_load %arg11[%get3A_1774] {strides = array<i32>} : memref<8192xf32, #tpu.memory_space<vmem>>, vector<16xf32>,
    %add3A_1776 = arith.addf %add3A_1773, %get3A_1775 : vector<16xf32>
    %swap3A_1777 = arith.constant 12 : i32
    %swap3A_1778 = arith.index_cast %swap3A_1777 : i32 to index
    %swap3A_1779 = arith.constant 0 : index
    %swap3A_1780 = tpu.vector_load %arg12[%swap3A_1778, %swap3A_1779] {strides = array<i32>} : memref<16x64xf32, #tpu.memory_space<vmem>>, vector<16xf32>,
    tpu.vector_store %arg12[%swap3A_1778, %swap3A_1779], %add3A_1776 {strides = array<i32>} : memref<16x64xf32, #tpu.memory_space<vmem>>, vector<16xf32>,
    %get3A_1781 = arith.constant 6160 : index
    %get3A_1782 = tpu.vector_load %arg11[%get3A_1781] {strides = array<i32>} : memref<8192xf32, #tpu.memory_space<vmem>>, vector<16xf32>,
    %get3A_1783 = arith.constant 6224 : index
    %get3A_1784 = tpu.vector_load %arg11[%get3A_1783] {strides = array<i32>} : memref<8192xf32, #tpu.memory_space<vmem>>, vector<16xf32>,
    %add3A_1785 = arith.addf %get3A_1782, %get3A_1784 : vector<16xf32>
    %get3A_1786 = arith.constant 6288 : index
    %get3A_1787 = tpu.vector_load %arg11[%get3A_1786] {strides = array<i32>} : memref<8192xf32, #tpu.memory_space<vmem>>, vector<16xf32>,
    %add3A_1788 = arith.addf %add3A_1785, %get3A_1787 : vector<16xf32>
    %get3A_1789 = arith.constant 6352 : index
    %get3A_1790 = tpu.vector_load %arg11[%get3A_1789] {strides = array<i32>} : memref<8192xf32, #tpu.memory_space<vmem>>, vector<16xf32>,
    %add3A_1791 = arith.addf %add3A_1788, %get3A_1790 : vector<16xf32>
    %swap3A_1792 = arith.constant 12 : i32
    %swap3A_1793 = arith.index_cast %swap3A_1792 : i32 to index
    %swap3A_1794 = arith.constant 16 : index
    %swap3A_1795 = tpu.vector_load %arg12[%swap3A_1793, %swap3A_1794] {strides = array<i32>} : memref<16x64xf32, #tpu.memory_space<vmem>>, vector<16xf32>,
    tpu.vector_store %arg12[%swap3A_1793, %swap3A_1794], %add3A_1791 {strides = array<i32>} : memref<16x64xf32, #tpu.memory_space<vmem>>, vector<16xf32>,
    %get3A_1796 = arith.constant 6176 : index
    %get3A_1797 = tpu.vector_load %arg11[%get3A_1796] {strides = array<i32>} : memref<8192xf32, #tpu.memory_space<vmem>>, vector<16xf32>,
    %get3A_1798 = arith.constant 6240 : index
    %get3A_1799 = tpu.vector_load %arg11[%get3A_1798] {strides = array<i32>} : memref<8192xf32, #tpu.memory_space<vmem>>, vector<16xf32>,
    %add3A_1800 = arith.addf %get3A_1797, %get3A_1799 : vector<16xf32>
    %get3A_1801 = arith.constant 6304 : index
    %get3A_1802 = tpu.vector_load %arg11[%get3A_1801] {strides = array<i32>} : memref<8192xf32, #tpu.memory_space<vmem>>, vector<16xf32>,
    %add3A_1803 = arith.addf %add3A_1800, %get3A_1802 : vector<16xf32>
    %get3A_1804 = arith.constant 6368 : index
    %get3A_1805 = tpu.vector_load %arg11[%get3A_1804] {strides = array<i32>} : memref<8192xf32, #tpu.memory_space<vmem>>, vector<16xf32>,
    %add3A_1806 = arith.addf %add3A_1803, %get3A_1805 : vector<16xf32>
    %swap3A_1807 = arith.constant 12 : i32
    %swap3A_1808 = arith.index_cast %swap3A_1807 : i32 to index
    %swap3A_1809 = arith.constant 32 : index
    %swap3A_1810 = tpu.vector_load %arg12[%swap3A_1808, %swap3A_1809] {strides = array<i32>} : memref<16x64xf32, #tpu.memory_space<vmem>>, vector<16xf32>,
    tpu.vector_store %arg12[%swap3A_1808, %swap3A_1809], %add3A_1806 {strides = array<i32>} : memref<16x64xf32, #tpu.memory_space<vmem>>, vector<16xf32>,
    %get3A_1811 = arith.constant 6192 : index
    %get3A_1812 = tpu.vector_load %arg11[%get3A_1811] {strides = array<i32>} : memref<8192xf32, #tpu.memory_space<vmem>>, vector<16xf32>,
    %get3A_1813 = arith.constant 6256 : index
    %get3A_1814 = tpu.vector_load %arg11[%get3A_1813] {strides = array<i32>} : memref<8192xf32, #tpu.memory_space<vmem>>, vector<16xf32>,
    %add3A_1815 = arith.addf %get3A_1812, %get3A_1814 : vector<16xf32>
    %get3A_1816 = arith.constant 6320 : index
    %get3A_1817 = tpu.vector_load %arg11[%get3A_1816] {strides = array<i32>} : memref<8192xf32, #tpu.memory_space<vmem>>, vector<16xf32>,
    %add3A_1818 = arith.addf %add3A_1815, %get3A_1817 : vector<16xf32>
    %get3A_1819 = arith.constant 6384 : index
    %get3A_1820 = tpu.vector_load %arg11[%get3A_1819] {strides = array<i32>} : memref<8192xf32, #tpu.memory_space<vmem>>, vector<16xf32>,
    %add3A_1821 = arith.addf %add3A_1818, %get3A_1820 : vector<16xf32>
    %swap3A_1822 = arith.constant 12 : i32
    %swap3A_1823 = arith.index_cast %swap3A_1822 : i32 to index
    %swap3A_1824 = arith.constant 48 : index
    %swap3A_1825 = tpu.vector_load %arg12[%swap3A_1823, %swap3A_1824] {strides = array<i32>} : memref<16x64xf32, #tpu.memory_space<vmem>>, vector<16xf32>,
    tpu.vector_store %arg12[%swap3A_1823, %swap3A_1824], %add3A_1821 {strides = array<i32>} : memref<16x64xf32, #tpu.memory_space<vmem>>, vector<16xf32>,
    %get3A_1826 = arith.constant 6656 : index
    %get3A_1827 = tpu.vector_load %arg11[%get3A_1826] {strides = array<i32>} : memref<8192xf32, #tpu.memory_space<vmem>>, vector<16xf32>,
    %get3A_1828 = arith.constant 6720 : index
    %get3A_1829 = tpu.vector_load %arg11[%get3A_1828] {strides = array<i32>} : memref<8192xf32, #tpu.memory_space<vmem>>, vector<16xf32>,
    %add3A_1830 = arith.addf %get3A_1827, %get3A_1829 : vector<16xf32>
    %get3A_1831 = arith.constant 6784 : index
    %get3A_1832 = tpu.vector_load %arg11[%get3A_1831] {strides = array<i32>} : memref<8192xf32, #tpu.memory_space<vmem>>, vector<16xf32>,
    %add3A_1833 = arith.addf %add3A_1830, %get3A_1832 : vector<16xf32>
    %get3A_1834 = arith.constant 6848 : index
    %get3A_1835 = tpu.vector_load %arg11[%get3A_1834] {strides = array<i32>} : memref<8192xf32, #tpu.memory_space<vmem>>, vector<16xf32>,
    %add3A_1836 = arith.addf %add3A_1833, %get3A_1835 : vector<16xf32>
    %swap3A_1837 = arith.constant 13 : i32
    %swap3A_1838 = arith.index_cast %swap3A_1837 : i32 to index
    %swap3A_1839 = arith.constant 0 : index
    %swap3A_1840 = tpu.vector_load %arg12[%swap3A_1838, %swap3A_1839] {strides = array<i32>} : memref<16x64xf32, #tpu.memory_space<vmem>>, vector<16xf32>,
    tpu.vector_store %arg12[%swap3A_1838, %swap3A_1839], %add3A_1836 {strides = array<i32>} : memref<16x64xf32, #tpu.memory_space<vmem>>, vector<16xf32>,
    %get3A_1841 = arith.constant 6672 : index
    %get3A_1842 = tpu.vector_load %arg11[%get3A_1841] {strides = array<i32>} : memref<8192xf32, #tpu.memory_space<vmem>>, vector<16xf32>,
    %get3A_1843 = arith.constant 6736 : index
    %get3A_1844 = tpu.vector_load %arg11[%get3A_1843] {strides = array<i32>} : memref<8192xf32, #tpu.memory_space<vmem>>, vector<16xf32>,
    %add3A_1845 = arith.addf %get3A_1842, %get3A_1844 : vector<16xf32>
    %get3A_1846 = arith.constant 6800 : index
    %get3A_1847 = tpu.vector_load %arg11[%get3A_1846] {strides = array<i32>} : memref<8192xf32, #tpu.memory_space<vmem>>, vector<16xf32>,
    %add3A_1848 = arith.addf %add3A_1845, %get3A_1847 : vector<16xf32>
    %get3A_1849 = arith.constant 6864 : index
    %get3A_1850 = tpu.vector_load %arg11[%get3A_1849] {strides = array<i32>} : memref<8192xf32, #tpu.memory_space<vmem>>, vector<16xf32>,
    %add3A_1851 = arith.addf %add3A_1848, %get3A_1850 : vector<16xf32>
    %swap3A_1852 = arith.constant 13 : i32
    %swap3A_1853 = arith.index_cast %swap3A_1852 : i32 to index
    %swap3A_1854 = arith.constant 16 : index
    %swap3A_1855 = tpu.vector_load %arg12[%swap3A_1853, %swap3A_1854] {strides = array<i32>} : memref<16x64xf32, #tpu.memory_space<vmem>>, vector<16xf32>,
    tpu.vector_store %arg12[%swap3A_1853, %swap3A_1854], %add3A_1851 {strides = array<i32>} : memref<16x64xf32, #tpu.memory_space<vmem>>, vector<16xf32>,
    %get3A_1856 = arith.constant 6688 : index
    %get3A_1857 = tpu.vector_load %arg11[%get3A_1856] {strides = array<i32>} : memref<8192xf32, #tpu.memory_space<vmem>>, vector<16xf32>,
    %get3A_1858 = arith.constant 6752 : index
    %get3A_1859 = tpu.vector_load %arg11[%get3A_1858] {strides = array<i32>} : memref<8192xf32, #tpu.memory_space<vmem>>, vector<16xf32>,
    %add3A_1860 = arith.addf %get3A_1857, %get3A_1859 : vector<16xf32>
    %get3A_1861 = arith.constant 6816 : index
    %get3A_1862 = tpu.vector_load %arg11[%get3A_1861] {strides = array<i32>} : memref<8192xf32, #tpu.memory_space<vmem>>, vector<16xf32>,
    %add3A_1863 = arith.addf %add3A_1860, %get3A_1862 : vector<16xf32>
    %get3A_1864 = arith.constant 6880 : index
    %get3A_1865 = tpu.vector_load %arg11[%get3A_1864] {strides = array<i32>} : memref<8192xf32, #tpu.memory_space<vmem>>, vector<16xf32>,
    %add3A_1866 = arith.addf %add3A_1863, %get3A_1865 : vector<16xf32>
    %swap3A_1867 = arith.constant 13 : i32
    %swap3A_1868 = arith.index_cast %swap3A_1867 : i32 to index
    %swap3A_1869 = arith.constant 32 : index
    %swap3A_1870 = tpu.vector_load %arg12[%swap3A_1868, %swap3A_1869] {strides = array<i32>} : memref<16x64xf32, #tpu.memory_space<vmem>>, vector<16xf32>,
    tpu.vector_store %arg12[%swap3A_1868, %swap3A_1869], %add3A_1866 {strides = array<i32>} : memref<16x64xf32, #tpu.memory_space<vmem>>, vector<16xf32>,
    %get3A_1871 = arith.constant 6704 : index
    %get3A_1872 = tpu.vector_load %arg11[%get3A_1871] {strides = array<i32>} : memref<8192xf32, #tpu.memory_space<vmem>>, vector<16xf32>,
    %get3A_1873 = arith.constant 6768 : index
    %get3A_1874 = tpu.vector_load %arg11[%get3A_1873] {strides = array<i32>} : memref<8192xf32, #tpu.memory_space<vmem>>, vector<16xf32>,
    %add3A_1875 = arith.addf %get3A_1872, %get3A_1874 : vector<16xf32>
    %get3A_1876 = arith.constant 6832 : index
    %get3A_1877 = tpu.vector_load %arg11[%get3A_1876] {strides = array<i32>} : memref<8192xf32, #tpu.memory_space<vmem>>, vector<16xf32>,
    %add3A_1878 = arith.addf %add3A_1875, %get3A_1877 : vector<16xf32>
    %get3A_1879 = arith.constant 6896 : index
    %get3A_1880 = tpu.vector_load %arg11[%get3A_1879] {strides = array<i32>} : memref<8192xf32, #tpu.memory_space<vmem>>, vector<16xf32>,
    %add3A_1881 = arith.addf %add3A_1878, %get3A_1880 : vector<16xf32>
    %swap3A_1882 = arith.constant 13 : i32
    %swap3A_1883 = arith.index_cast %swap3A_1882 : i32 to index
    %swap3A_1884 = arith.constant 48 : index
    %swap3A_1885 = tpu.vector_load %arg12[%swap3A_1883, %swap3A_1884] {strides = array<i32>} : memref<16x64xf32, #tpu.memory_space<vmem>>, vector<16xf32>,
    tpu.vector_store %arg12[%swap3A_1883, %swap3A_1884], %add3A_1881 {strides = array<i32>} : memref<16x64xf32, #tpu.memory_space<vmem>>, vector<16xf32>,
    %get3A_1886 = arith.constant 7168 : index
    %get3A_1887 = tpu.vector_load %arg11[%get3A_1886] {strides = array<i32>} : memref<8192xf32, #tpu.memory_space<vmem>>, vector<16xf32>,
    %get3A_1888 = arith.constant 7232 : index
    %get3A_1889 = tpu.vector_load %arg11[%get3A_1888] {strides = array<i32>} : memref<8192xf32, #tpu.memory_space<vmem>>, vector<16xf32>,
    %add3A_1890 = arith.addf %get3A_1887, %get3A_1889 : vector<16xf32>
    %get3A_1891 = arith.constant 7296 : index
    %get3A_1892 = tpu.vector_load %arg11[%get3A_1891] {strides = array<i32>} : memref<8192xf32, #tpu.memory_space<vmem>>, vector<16xf32>,
    %add3A_1893 = arith.addf %add3A_1890, %get3A_1892 : vector<16xf32>
    %get3A_1894 = arith.constant 7360 : index
    %get3A_1895 = tpu.vector_load %arg11[%get3A_1894] {strides = array<i32>} : memref<8192xf32, #tpu.memory_space<vmem>>, vector<16xf32>,
    %add3A_1896 = arith.addf %add3A_1893, %get3A_1895 : vector<16xf32>
    %swap3A_1897 = arith.constant 14 : i32
    %swap3A_1898 = arith.index_cast %swap3A_1897 : i32 to index
    %swap3A_1899 = arith.constant 0 : index
    %swap3A_1900 = tpu.vector_load %arg12[%swap3A_1898, %swap3A_1899] {strides = array<i32>} : memref<16x64xf32, #tpu.memory_space<vmem>>, vector<16xf32>,
    tpu.vector_store %arg12[%swap3A_1898, %swap3A_1899], %add3A_1896 {strides = array<i32>} : memref<16x64xf32, #tpu.memory_space<vmem>>, vector<16xf32>,
    %get3A_1901 = arith.constant 7184 : index
    %get3A_1902 = tpu.vector_load %arg11[%get3A_1901] {strides = array<i32>} : memref<8192xf32, #tpu.memory_space<vmem>>, vector<16xf32>,
    %get3A_1903 = arith.constant 7248 : index
    %get3A_1904 = tpu.vector_load %arg11[%get3A_1903] {strides = array<i32>} : memref<8192xf32, #tpu.memory_space<vmem>>, vector<16xf32>,
    %add3A_1905 = arith.addf %get3A_1902, %get3A_1904 : vector<16xf32>
    %get3A_1906 = arith.constant 7312 : index
    %get3A_1907 = tpu.vector_load %arg11[%get3A_1906] {strides = array<i32>} : memref<8192xf32, #tpu.memory_space<vmem>>, vector<16xf32>,
    %add3A_1908 = arith.addf %add3A_1905, %get3A_1907 : vector<16xf32>
    %get3A_1909 = arith.constant 7376 : index
    %get3A_1910 = tpu.vector_load %arg11[%get3A_1909] {strides = array<i32>} : memref<8192xf32, #tpu.memory_space<vmem>>, vector<16xf32>,
    %add3A_1911 = arith.addf %add3A_1908, %get3A_1910 : vector<16xf32>
    %swap3A_1912 = arith.constant 14 : i32
    %swap3A_1913 = arith.index_cast %swap3A_1912 : i32 to index
    %swap3A_1914 = arith.constant 16 : index
    %swap3A_1915 = tpu.vector_load %arg12[%swap3A_1913, %swap3A_1914] {strides = array<i32>} : memref<16x64xf32, #tpu.memory_space<vmem>>, vector<16xf32>,
    tpu.vector_store %arg12[%swap3A_1913, %swap3A_1914], %add3A_1911 {strides = array<i32>} : memref<16x64xf32, #tpu.memory_space<vmem>>, vector<16xf32>,
    %get3A_1916 = arith.constant 7200 : index
    %get3A_1917 = tpu.vector_load %arg11[%get3A_1916] {strides = array<i32>} : memref<8192xf32, #tpu.memory_space<vmem>>, vector<16xf32>,
    %get3A_1918 = arith.constant 7264 : index
    %get3A_1919 = tpu.vector_load %arg11[%get3A_1918] {strides = array<i32>} : memref<8192xf32, #tpu.memory_space<vmem>>, vector<16xf32>,
    %add3A_1920 = arith.addf %get3A_1917, %get3A_1919 : vector<16xf32>
    %get3A_1921 = arith.constant 7328 : index
    %get3A_1922 = tpu.vector_load %arg11[%get3A_1921] {strides = array<i32>} : memref<8192xf32, #tpu.memory_space<vmem>>, vector<16xf32>,
    %add3A_1923 = arith.addf %add3A_1920, %get3A_1922 : vector<16xf32>
    %get3A_1924 = arith.constant 7392 : index
    %get3A_1925 = tpu.vector_load %arg11[%get3A_1924] {strides = array<i32>} : memref<8192xf32, #tpu.memory_space<vmem>>, vector<16xf32>,
    %add3A_1926 = arith.addf %add3A_1923, %get3A_1925 : vector<16xf32>
    %swap3A_1927 = arith.constant 14 : i32
    %swap3A_1928 = arith.index_cast %swap3A_1927 : i32 to index
    %swap3A_1929 = arith.constant 32 : index
    %swap3A_1930 = tpu.vector_load %arg12[%swap3A_1928, %swap3A_1929] {strides = array<i32>} : memref<16x64xf32, #tpu.memory_space<vmem>>, vector<16xf32>,
    tpu.vector_store %arg12[%swap3A_1928, %swap3A_1929], %add3A_1926 {strides = array<i32>} : memref<16x64xf32, #tpu.memory_space<vmem>>, vector<16xf32>,
    %get3A_1931 = arith.constant 7216 : index
    %get3A_1932 = tpu.vector_load %arg11[%get3A_1931] {strides = array<i32>} : memref<8192xf32, #tpu.memory_space<vmem>>, vector<16xf32>,
    %get3A_1933 = arith.constant 7280 : index
    %get3A_1934 = tpu.vector_load %arg11[%get3A_1933] {strides = array<i32>} : memref<8192xf32, #tpu.memory_space<vmem>>, vector<16xf32>,
    %add3A_1935 = arith.addf %get3A_1932, %get3A_1934 : vector<16xf32>
    %get3A_1936 = arith.constant 7344 : index
    %get3A_1937 = tpu.vector_load %arg11[%get3A_1936] {strides = array<i32>} : memref<8192xf32, #tpu.memory_space<vmem>>, vector<16xf32>,
    %add3A_1938 = arith.addf %add3A_1935, %get3A_1937 : vector<16xf32>
    %get3A_1939 = arith.constant 7408 : index
    %get3A_1940 = tpu.vector_load %arg11[%get3A_1939] {strides = array<i32>} : memref<8192xf32, #tpu.memory_space<vmem>>, vector<16xf32>,
    %add3A_1941 = arith.addf %add3A_1938, %get3A_1940 : vector<16xf32>
    %swap3A_1942 = arith.constant 14 : i32
    %swap3A_1943 = arith.index_cast %swap3A_1942 : i32 to index
    %swap3A_1944 = arith.constant 48 : index
    %swap3A_1945 = tpu.vector_load %arg12[%swap3A_1943, %swap3A_1944] {strides = array<i32>} : memref<16x64xf32, #tpu.memory_space<vmem>>, vector<16xf32>,
    tpu.vector_store %arg12[%swap3A_1943, %swap3A_1944], %add3A_1941 {strides = array<i32>} : memref<16x64xf32, #tpu.memory_space<vmem>>, vector<16xf32>,
    %get3A_1946 = arith.constant 7680 : index
    %get3A_1947 = tpu.vector_load %arg11[%get3A_1946] {strides = array<i32>} : memref<8192xf32, #tpu.memory_space<vmem>>, vector<16xf32>,
    %get3A_1948 = arith.constant 7744 : index
    %get3A_1949 = tpu.vector_load %arg11[%get3A_1948] {strides = array<i32>} : memref<8192xf32, #tpu.memory_space<vmem>>, vector<16xf32>,
    %add3A_1950 = arith.addf %get3A_1947, %get3A_1949 : vector<16xf32>
    %get3A_1951 = arith.constant 7808 : index
    %get3A_1952 = tpu.vector_load %arg11[%get3A_1951] {strides = array<i32>} : memref<8192xf32, #tpu.memory_space<vmem>>, vector<16xf32>,
    %add3A_1953 = arith.addf %add3A_1950, %get3A_1952 : vector<16xf32>
    %get3A_1954 = arith.constant 7872 : index
    %get3A_1955 = tpu.vector_load %arg11[%get3A_1954] {strides = array<i32>} : memref<8192xf32, #tpu.memory_space<vmem>>, vector<16xf32>,
    %add3A_1956 = arith.addf %add3A_1953, %get3A_1955 : vector<16xf32>
    %swap3A_1957 = arith.constant 15 : i32
    %swap3A_1958 = arith.index_cast %swap3A_1957 : i32 to index
    %swap3A_1959 = arith.constant 0 : index
    %swap3A_1960 = tpu.vector_load %arg12[%swap3A_1958, %swap3A_1959] {strides = array<i32>} : memref<16x64xf32, #tpu.memory_space<vmem>>, vector<16xf32>,
    tpu.vector_store %arg12[%swap3A_1958, %swap3A_1959], %add3A_1956 {strides = array<i32>} : memref<16x64xf32, #tpu.memory_space<vmem>>, vector<16xf32>,
    %get3A_1961 = arith.constant 7696 : index
    %get3A_1962 = tpu.vector_load %arg11[%get3A_1961] {strides = array<i32>} : memref<8192xf32, #tpu.memory_space<vmem>>, vector<16xf32>,
    %get3A_1963 = arith.constant 7760 : index
    %get3A_1964 = tpu.vector_load %arg11[%get3A_1963] {strides = array<i32>} : memref<8192xf32, #tpu.memory_space<vmem>>, vector<16xf32>,
    %add3A_1965 = arith.addf %get3A_1962, %get3A_1964 : vector<16xf32>
    %get3A_1966 = arith.constant 7824 : index
    %get3A_1967 = tpu.vector_load %arg11[%get3A_1966] {strides = array<i32>} : memref<8192xf32, #tpu.memory_space<vmem>>, vector<16xf32>,
    %add3A_1968 = arith.addf %add3A_1965, %get3A_1967 : vector<16xf32>
    %get3A_1969 = arith.constant 7888 : index
    %get3A_1970 = tpu.vector_load %arg11[%get3A_1969] {strides = array<i32>} : memref<8192xf32, #tpu.memory_space<vmem>>, vector<16xf32>,
    %add3A_1971 = arith.addf %add3A_1968, %get3A_1970 : vector<16xf32>
    %swap3A_1972 = arith.constant 15 : i32
    %swap3A_1973 = arith.index_cast %swap3A_1972 : i32 to index
    %swap3A_1974 = arith.constant 16 : index
    %swap3A_1975 = tpu.vector_load %arg12[%swap3A_1973, %swap3A_1974] {strides = array<i32>} : memref<16x64xf32, #tpu.memory_space<vmem>>, vector<16xf32>,
    tpu.vector_store %arg12[%swap3A_1973, %swap3A_1974], %add3A_1971 {strides = array<i32>} : memref<16x64xf32, #tpu.memory_space<vmem>>, vector<16xf32>,
    %get3A_1976 = arith.constant 7712 : index
    %get3A_1977 = tpu.vector_load %arg11[%get3A_1976] {strides = array<i32>} : memref<8192xf32, #tpu.memory_space<vmem>>, vector<16xf32>,
    %get3A_1978 = arith.constant 7776 : index
    %get3A_1979 = tpu.vector_load %arg11[%get3A_1978] {strides = array<i32>} : memref<8192xf32, #tpu.memory_space<vmem>>, vector<16xf32>,
    %add3A_1980 = arith.addf %get3A_1977, %get3A_1979 : vector<16xf32>
    %get3A_1981 = arith.constant 7840 : index
    %get3A_1982 = tpu.vector_load %arg11[%get3A_1981] {strides = array<i32>} : memref<8192xf32, #tpu.memory_space<vmem>>, vector<16xf32>,
    %add3A_1983 = arith.addf %add3A_1980, %get3A_1982 : vector<16xf32>
    %get3A_1984 = arith.constant 7904 : index
    %get3A_1985 = tpu.vector_load %arg11[%get3A_1984] {strides = array<i32>} : memref<8192xf32, #tpu.memory_space<vmem>>, vector<16xf32>,
    %add3A_1986 = arith.addf %add3A_1983, %get3A_1985 : vector<16xf32>
    %swap3A_1987 = arith.constant 15 : i32
    %swap3A_1988 = arith.index_cast %swap3A_1987 : i32 to index
    %swap3A_1989 = arith.constant 32 : index
    %swap3A_1990 = tpu.vector_load %arg12[%swap3A_1988, %swap3A_1989] {strides = array<i32>} : memref<16x64xf32, #tpu.memory_space<vmem>>, vector<16xf32>,
    tpu.vector_store %arg12[%swap3A_1988, %swap3A_1989], %add3A_1986 {strides = array<i32>} : memref<16x64xf32, #tpu.memory_space<vmem>>, vector<16xf32>,
    %get3A_1991 = arith.constant 7728 : index
    %get3A_1992 = tpu.vector_load %arg11[%get3A_1991] {strides = array<i32>} : memref<8192xf32, #tpu.memory_space<vmem>>, vector<16xf32>,
    %get3A_1993 = arith.constant 7792 : index
    %get3A_1994 = tpu.vector_load %arg11[%get3A_1993] {strides = array<i32>} : memref<8192xf32, #tpu.memory_space<vmem>>, vector<16xf32>,
    %add3A_1995 = arith.addf %get3A_1992, %get3A_1994 : vector<16xf32>
    %get3A_1996 = arith.constant 7856 : index
    %get3A_1997 = tpu.vector_load %arg11[%get3A_1996] {strides = array<i32>} : memref<8192xf32, #tpu.memory_space<vmem>>, vector<16xf32>,
    %add3A_1998 = arith.addf %add3A_1995, %get3A_1997 : vector<16xf32>
    %get3A_1999 = arith.constant 7920 : index
    %get3A_2000 = tpu.vector_load %arg11[%get3A_1999] {strides = array<i32>} : memref<8192xf32, #tpu.memory_space<vmem>>, vector<16xf32>,
    %add3A_2001 = arith.addf %add3A_1998, %get3A_2000 : vector<16xf32>
    %swap3A_2002 = arith.constant 15 : i32
    %swap3A_2003 = arith.index_cast %swap3A_2002 : i32 to index
    %swap3A_2004 = arith.constant 48 : index
    %swap3A_2005 = tpu.vector_load %arg12[%swap3A_2003, %swap3A_2004] {strides = array<i32>} : memref<16x64xf32, #tpu.memory_space<vmem>>, vector<16xf32>,
    tpu.vector_store %arg12[%swap3A_2003, %swap3A_2004], %add3A_2001 {strides = array<i32>} : memref<16x64xf32, #tpu.memory_space<vmem>>, vector<16xf32>,
    "tpu.region"() ({
      %run_scoped3A = tpu.sem_alloc : memref<!tpu.dma_semaphore, #tpu.memory_space<semaphore_mem>>
      %dma_start3A_2006 = arith.constant 0 : i32
      %dma_start3A_2007 = arith.constant 0 : i32
      %dma_start3A_2008 = tpu.memref_slice %arg5[%add3A, %dma_start3A_2006, %dma_start3A_2007] : memref<32x16x64xf32, #tpu.memory_space<hbm>> -> memref<1x16x64xf32, #tpu.memory_space<hbm>>
      %dma_start3A_2009 = tpu.memref_squeeze %dma_start3A_2008 : memref<1x16x64xf32, #tpu.memory_space<hbm>> -> memref<16x64xf32, #tpu.memory_space<hbm>>
      %dma_start3A_2010 = arith.constant 0 : i32
      %dma_start3A_2011 = arith.constant 0 : i32
      %dma_start3A_2012 = tpu.memref_slice %arg5[%add3A, %dma_start3A_2010, %dma_start3A_2011] : memref<32x16x64xf32, #tpu.memory_space<hbm>> -> memref<1x16x64xf32, #tpu.memory_space<hbm>>
      %dma_start3A_2013 = tpu.memref_squeeze %dma_start3A_2012 : memref<1x16x64xf32, #tpu.memory_space<hbm>> -> memref<16x64xf32, #tpu.memory_space<hbm>>
      tpu.enqueue_dma source(%arg12 : memref<16x64xf32, #tpu.memory_space<vmem>>) target(%dma_start3A_2013 : memref<16x64xf32, #tpu.memory_space<hbm>>) target_semaphore(%run_scoped3A : memref<!tpu.dma_semaphore, #tpu.memory_space<semaphore_mem>>)
      %dma_wait3A = arith.constant 0 : i32
      %dma_wait3A_2014 = arith.constant 0 : i32
      %dma_wait3A_2015 = tpu.memref_slice %arg5[%add3A, %dma_wait3A, %dma_wait3A_2014] : memref<32x16x64xf32, #tpu.memory_space<hbm>> -> memref<1x16x64xf32, #tpu.memory_space<hbm>>
      %dma_wait3A_2016 = tpu.memref_squeeze %dma_wait3A_2015 : memref<1x16x64xf32, #tpu.memory_space<hbm>> -> memref<16x64xf32, #tpu.memory_space<hbm>>
      %dma_wait3A_2017 = arith.constant 0 : i32
      %dma_wait3A_2018 = arith.constant 0 : i32
      %dma_wait3A_2019 = tpu.memref_slice %arg5[%add3A, %dma_wait3A_2017, %dma_wait3A_2018] : memref<32x16x64xf32, #tpu.memory_space<hbm>> -> memref<1x16x64xf32, #tpu.memory_space<hbm>>
      %dma_wait3A_2020 = tpu.memref_squeeze %dma_wait3A_2019 : memref<1x16x64xf32, #tpu.memory_space<hbm>> -> memref<16x64xf32, #tpu.memory_space<hbm>>
      tpu.wait_dma2 semaphore(%run_scoped3A : memref<!tpu.dma_semaphore, #tpu.memory_space<semaphore_mem>>) src(%arg12 : memref<16x64xf32, #tpu.memory_space<vmem>>) dst(%dma_wait3A_2020 : memref<16x64xf32, #tpu.memory_space<hbm>>)
      tpu.yield
    }) : () -> ()
    return
  }
}

module attributes {stable_mosaic.version = 14 : i64} {
  func.func @_epi_body(%arg0: memref<32x16x64xf32, #tpu.memory_space<vmem>>, %arg1: memref<16x1xf32, #tpu.memory_space<vmem>>, %arg2: memref<1x1xf32, #tpu.memory_space<vmem>>) attributes {dimension_semantics = [], scalar_prefetch = 0 : i64, scratch_operands = 0 : i64, tpu.core_type = #tpu.core_type<tc>} {
    %get3A = arith.constant 0 : index
    %get3A_0 = arith.constant 0 : index
    %get3A_1 = arith.constant 0 : index
    %get3A_2 = vector.load %arg0[%get3A, %get3A_0, %get3A_1] : memref<32x16x64xf32, #tpu.memory_space<vmem>>, vector<32x16x64xf32>
    %reduce_sum3A = arith.constant dense<0.000000e+00> : vector<16x64xf32>
    %reduce_sum3A_3 = vector.multi_reduction <add>, %get3A_2, %reduce_sum3A [0] : vector<32x16x64xf32> to vector<16x64xf32>
    %slice3A = vector.extract_strided_slice %reduce_sum3A_3 {offsets = [0, 0], sizes = [16, 16], strides = [1, 1]} : vector<16x64xf32> to vector<16x16xf32>
    %reduce_sum3A_4 = arith.constant dense<0.000000e+00> : vector<16xf32>
    %reduce_sum3A_5 = vector.multi_reduction <add>, %slice3A, %reduce_sum3A_4 [1] : vector<16x16xf32> to vector<16xf32>
    %broadcast_in_dim3A = vector.shape_cast %reduce_sum3A_5 : vector<16xf32> to vector<16x1xf32>
    %slice3A_6 = vector.extract_strided_slice %reduce_sum3A_3 {offsets = [0, 16], sizes = [16, 16], strides = [1, 1]} : vector<16x64xf32> to vector<16x16xf32>
    %reduce_sum3A_7 = arith.constant dense<0.000000e+00> : vector<16xf32>
    %reduce_sum3A_8 = vector.multi_reduction <add>, %slice3A_6, %reduce_sum3A_7 [1] : vector<16x16xf32> to vector<16xf32>
    %broadcast_in_dim3A_9 = vector.shape_cast %reduce_sum3A_8 : vector<16xf32> to vector<16x1xf32>
    %slice3A_10 = vector.extract_strided_slice %reduce_sum3A_3 {offsets = [0, 32], sizes = [16, 16], strides = [1, 1]} : vector<16x64xf32> to vector<16x16xf32>
    %reduce_sum3A_11 = arith.constant dense<0.000000e+00> : vector<16xf32>
    %reduce_sum3A_12 = vector.multi_reduction <add>, %slice3A_10, %reduce_sum3A_11 [1] : vector<16x16xf32> to vector<16xf32>
    %broadcast_in_dim3A_13 = vector.shape_cast %reduce_sum3A_12 : vector<16xf32> to vector<16x1xf32>
    %slice3A_14 = vector.extract_strided_slice %reduce_sum3A_3 {offsets = [0, 48], sizes = [16, 16], strides = [1, 1]} : vector<16x64xf32> to vector<16x16xf32>
    %reduce_sum3A_15 = arith.constant dense<0.000000e+00> : vector<16xf32>
    %reduce_sum3A_16 = vector.multi_reduction <add>, %slice3A_14, %reduce_sum3A_15 [1] : vector<16x16xf32> to vector<16xf32>
    %broadcast_in_dim3A_17 = vector.shape_cast %reduce_sum3A_16 : vector<16xf32> to vector<16x1xf32>
    %get3A_18 = arith.constant 0 : index
    %get3A_19 = arith.constant 0 : index
    %get3A_20 = vector.load %arg1[%get3A_18, %get3A_19] : memref<16x1xf32, #tpu.memory_space<vmem>>, vector<16x1xf32>
    %mul3A = arith.constant 9.53674316E-7 : f32
    %mul3A_21 = vector.broadcast %mul3A : f32 to vector<16x1xf32>
    %mul3A_22 = arith.mulf %broadcast_in_dim3A_17, %mul3A_21 : vector<16x1xf32>
    %lt3A = arith.constant 0.000000e+00 : f32
    %lt3A_23 = vector.broadcast %lt3A : f32 to vector<16x1xf32>
    %lt3A_24 = arith.cmpf olt, %mul3A_22, %lt3A_23 : vector<16x1xf32>
    %ceil3A = math.ceil %mul3A_22 : vector<16x1xf32>
    %floor3A = math.floor %mul3A_22 : vector<16x1xf32>
    %select_n3A = arith.select %lt3A_24, %ceil3A, %floor3A : vector<16x1xi1>, vector<16x1xf32>
    %mul3A_25 = arith.constant 0x49800000 : f32
    %mul3A_26 = vector.broadcast %mul3A_25 : f32 to vector<16x1xf32>
    %mul3A_27 = arith.mulf %select_n3A, %mul3A_26 : vector<16x1xf32>
    %sub3A = arith.subf %broadcast_in_dim3A_17, %mul3A_27 : vector<16x1xf32>
    %add3A = arith.addf %broadcast_in_dim3A, %select_n3A : vector<16x1xf32>
    %mul3A_28 = arith.mulf %select_n3A, %get3A_20 : vector<16x1xf32>
    %add3A_29 = arith.addf %broadcast_in_dim3A_9, %mul3A_28 : vector<16x1xf32>
    %add3A_30 = arith.addf %broadcast_in_dim3A_13, %sub3A : vector<16x1xf32>
    %gt3A = arith.constant 0.000000e+00 : f32
    %gt3A_31 = vector.broadcast %gt3A : f32 to vector<16x1xf32>
    %gt3A_32 = arith.cmpf ogt, %add3A, %gt3A_31 : vector<16x1xf32>
    %jit3A = arith.constant 1.000000e+00 : f32
    %broadcast_in_dim3A_33 = vector.broadcast %jit3A : f32 to vector<16x1xf32>
    %select_n3A_34 = arith.select %gt3A_32, %add3A, %broadcast_in_dim3A_33 : vector<16x1xi1>, vector<16x1xf32>
    %div3A = arith.divf %add3A_29, %select_n3A_34 : vector<16x1xf32>
    %div3A_35 = arith.divf %add3A_30, %select_n3A_34 : vector<16x1xf32>
    %sub3A_36 = arith.subf %div3A, %div3A_35 : vector<16x1xf32>
    %abs3A = math.absf %sub3A_36 : vector<16x1xf32>
    %div3A_37 = arith.constant 0x4B000000 : f32
    %div3A_38 = vector.broadcast %div3A_37 : f32 to vector<16x1xf32>
    %div3A_39 = arith.divf %add3A, %div3A_38 : vector<16x1xf32>
    %mul3A_40 = arith.mulf %abs3A, %div3A_39 : vector<16x1xf32>
    %iota3A = tpu.iota {dimensions = array<i32: 0>} : vector<16x1xi32>
    %gt3A_41 = arith.constant 4.000000e+01 : f32
    %gt3A_42 = vector.broadcast %gt3A_41 : f32 to vector<16x1xf32>
    %gt3A_43 = arith.cmpf ogt, %add3A, %gt3A_42 : vector<16x1xf32>
    %lt3A_44 = arith.constant 15 : i32
    %lt3A_45 = vector.broadcast %lt3A_44 : i32 to vector<16x1xi32>
    %lt3A_46 = arith.cmpi slt, %iota3A, %lt3A_45 : vector<16x1xi32>
    %and3A = arith.andi %gt3A_43, %lt3A_46 : vector<16x1xi1>
    %jit3A_47 = arith.constant 0.000000e+00 : f32
    %broadcast_in_dim3A_48 = vector.broadcast %jit3A_47 : f32 to vector<16x1xf32>
    %select_n3A_49 = arith.select %and3A, %mul3A_40, %broadcast_in_dim3A_48 : vector<16x1xi1>, vector<16x1xf32>
    %reduce_sum3A_50 = vector.shape_cast %select_n3A_49 : vector<16x1xf32> to vector<1x16x1xf32>
    %reduce_sum3A_51 = arith.constant dense<0.000000e+00> : vector<1xf32>
    %reduce_sum3A_52 = vector.multi_reduction <add>, %reduce_sum3A_50, %reduce_sum3A_51 [1, 2] : vector<1x16x1xf32> to vector<1xf32>
    %reduce_sum3A_53 = vector.shape_cast %reduce_sum3A_52 : vector<1xf32> to vector<1x1x1xf32>
    %reduce_sum3A_54 = vector.extract %reduce_sum3A_53[0, 0, 0] : f32 from vector<1x1x1xf32>
    %reshape3A = vector.broadcast %reduce_sum3A_54 : f32 to vector<1x1xf32>
    %swap3A = arith.constant 0 : index
    %swap3A_55 = arith.constant 0 : index
    %swap3A_56 = vector.load %arg2[%swap3A, %swap3A_55] : memref<1x1xf32, #tpu.memory_space<vmem>>, vector<1x1xf32>
    tpu.vector_store %arg2[%swap3A, %swap3A_55], %reshape3A {strides = array<i32>} : memref<1x1xf32, #tpu.memory_space<vmem>>, vector<1x1xf32>,
    return
  }
}

</mosaic_0001>

<sc_bundles>
// kernel: _rbece.4.cloned.1.call-start
scs
__scs_entry_jumppad:
0x0: {  	(pc) =	sbr.rel $0x88, $3  }
0x1: {  	(tag) =	ssettag $0x0;
	lr =	simm.s32 $0x1  }
0x2: {  	[smem:$0x3F9F] =	sst lr;
	_ =	strace $0xD0000000  }
0x3: {  	_ = 	snop  }
0x4: {  	_ = 	snop  }
0x5: {  	_ = 	snop  }
0x6: {  	_ = 	snop  }
0x7: {  	_ = 	snop  }
__scs_overlays_trampoline_lowered:
0x8: {  	[smem:$0x3FAE] =	sst s0  }
0x9: {  	[smem:$0x3FAF] =	sst s1  }
0xa: {  	[smem:$0x3FB0] =	sst s2  }
0xb: {  	[smem:$0x3FB1] =	sst s3  }
0xc: {  	[smem:$0x3FB2] =	sst s4  }
0xd: {  	[smem:$0x3FB3] =	sst s5  }
0xe: {  	[smem:$0x3FB4] =	sst s6  }
0xf: {  	[smem:$0x3FB5] =	sst s7  }
0x10: {  	[smem:$0x3FB6] =	sst s8  }
0x11: {  	[smem:$0x3FB7] =	sst s9;
	s0 =	simm.s32 @!p0 $0x0  }
0x12: {  	s1 =	sld [smem:$0x3F9D];
	s0 =	simm.s32 @p0 $0x1  }
0x13: {  	[smem:$0x3FB8] =	sst s0;
	s0 =	simm.s32 @!p1 $0x0  }
0x14: {  	s2 =	sld [smem:$0x3F9C];
	s0 =	simm.s32 @p1 $0x1  }
0x15: {  	[smem:$0x3FB9] =	sst s0;
	s0 =	simm.s32 @!p2 $0x0  }
0x16: {  	s3 =	sld [smem:$0x3FDB];
	s0 =	simm.s32 @p2 $0x1  }
0x17: {  	s4 =	simm.s32 $0x1BF5;
	[smem:$0x3FBB] =	sst s0  }
0x18: {  	s0 =	sld [smem:$0x3F9E];
	_ =	swait.ge [sflag:s4], $0x0  }
0x19: {  	s7 =	sld [smem:$0x3F9F]  }
0x1a: {  	s8 =	sadd.s32 $0xFFFFE003, lr  }
0x1b: {  	s9 =	sadd.s32 $0xFFFFFEF7, lr;
	s5 =	simm.s32 $0xFFFFFFFF;
	p2 =	slt.u32 s8, $0xFFFFF086  }
0x1c: {  	p1 =	slt.u32 s9, $0xF7A;
	s5 =	simm.s32 @!p2 $0x0  }
0x1d: {  	s5 =	simm.s32 @p1 $0x1;
	p0 =	seq.s32 s7, s2  }
0x1e: {  	s7 =	smul.u32 @!p0 $0xF7A, s2;
	p2 =	seq.s32 @!p0 s5, $0x0  }
0x1f: {  	s9 =	smul.u32 $0xF7A, s1;
	s8 =	simm.s32 @!p0 $0x1BF5;
	p2 =	por !p2, p0  }
0x20: {  	[sflag:s8] =	ssyncset.s32 @!p0 $0xFFFFF086;
	s6 =	sadd.s32 @!p0 s3, s7;
	s7 =	simm.s32 @!p0 $0x108  }
0x21: {  	s3 =	sadd.s32 s3, s9;
	s6 =	sadd.s32 @!p0 $0x88, s6;
	s7 =	simm.s32 @p2 $0x1082  }
0x22: {  	[simem:s7], [sflag:s8] =	dma.local @!p0 [hbm:s6], $0xF7A  }
0x23: {  	s9 =	sor.u32 $0xD0000000, s2;
	s6 =	simm.s32 $0x108;
	_ =	swait.ge @!p0 [sflag:s8], $0x0  }
0x24: {  	s3 =	sadd.s32 $0x88, s3;
	s6 =	simm.s32 @!p1 $0x1082;
	[sflag:s4] =	ssyncset.s32 $0xFFFFF086  }
0x25: {  	[simem:s6], [sflag:s4] =	dma.local [hbm:s3], $0xF7A  }
0x26: {  	[smem:$0x3F9F] =	sst s1;
	(tag) =	ssettag s2;
	_ =	strace s9  }
0x27: {  	s1 =	sld [smem:$0x3FAF]  }
0x28: {  	s2 =	sld [smem:$0x3FB0]  }
0x29: {  	s4 =	sld [smem:$0x3FB2]  }
0x2a: {  	p0 =	seq.s32 s5, $0x0;
	s5 =	sld [smem:$0x3FB3]  }
0x2b: {  	s6 =	sld [smem:$0x3FB4]  }
0x2c: {  	s7 =	sld [smem:$0x3FB5]  }
0x2d: {  	s3 =	simm.s32 $0x108;
	s8 =	sld [smem:$0x3FB6]  }
0x2e: {  	s3 =	simm.s32 @!p0 $0x1082;
	s9 =	sld [smem:$0x3FB7]  }
0x2f: {  	lr =	sadd.s32 s0, s3;
	s0 =	sld [smem:$0x3FAE]  }
0x30: {  	s3 =	sld [smem:$0x3FB1]  }
0x31: {  	[smem:$0x3FBA] =	sst s10  }
0x32: {  	s10 =	sld [smem:$0x3FB8];
	_ =	sdelay $0x3  }
0x33: {  	p0 =	seq.s32 s10, $0x1;
	s10 =	sld [smem:$0x3FBA];
	_ =	sdelay $0x3  }
0x34: {  	[smem:$0x3FBA] =	sst s10  }
0x35: {  	s10 =	sld [smem:$0x3FB9];
	_ =	sdelay $0x3  }
0x36: {  	p1 =	seq.s32 s10, $0x1;
	s10 =	sld [smem:$0x3FBA];
	_ =	sdelay $0x3  }
0x37: {  	[smem:$0x3FBA] =	sst s10  }
0x38: {  	s10 =	sld [smem:$0x3FBB]  }
0x39: {  	_ = 	snop;
	(pc) =	sbr.ind lr, $3  }
0x3a: {  	_ = 	snop  }
0x3b: {  	_ = 	snop  }
0x3c: {  	p2 =	seq.s32 s10, $0x1;
	s10 =	sld [smem:$0x3FBA]  }
0x3d: {  	_ =	shalt  }
0x3e: {  	_ =	shalt  }
0x3f: {  	_ =	shalt  }
0x40: {  	_ =	shalt  }
0x41: {  	_ =	shalt  }
0x42: {  	_ =	shalt  }
0x43: {  	_ =	shalt  }
0x44: {  	_ =	shalt  }
0x45: {  	_ =	shalt  }
0x46: {  	_ =	shalt  }
0x47: {  	_ =	shalt  }
0x48: {  	_ =	shalt  }
0x49: {  	_ =	shalt  }
0x4a: {  	_ =	shalt  }
0x4b: {  	_ =	shalt  }
0x4c: {  	_ =	shalt  }
0x4d: {  	_ =	shalt  }
0x4e: {  	_ =	shalt  }
0x4f: {  	_ =	shalt  }
0x50: {  	_ =	shalt  }
0x51: {  	_ =	shalt  }
0x52: {  	_ =	shalt  }
0x53: {  	_ =	shalt  }
0x54: {  	_ =	shalt  }
0x55: {  	_ =	shalt  }
0x56: {  	_ =	shalt  }
0x57: {  	_ =	shalt  }
0x58: {  	_ =	shalt  }
0x59: {  	_ =	shalt  }
0x5a: {  	_ =	shalt  }
0x5b: {  	_ =	shalt  }
0x5c: {  	_ =	shalt  }
0x5d: {  	_ =	shalt  }
0x5e: {  	_ =	shalt  }
0x5f: {  	_ =	shalt  }
0x60: {  	_ =	shalt  }
0x61: {  	_ =	shalt  }
0x62: {  	_ =	shalt  }
0x63: {  	_ =	shalt  }
0x64: {  	_ =	shalt  }
0x65: {  	_ =	shalt  }
0x66: {  	_ =	shalt  }
0x67: {  	_ =	shalt  }
0x68: {  	_ =	shalt  }
0x69: {  	_ =	shalt  }
0x6a: {  	_ =	shalt  }
0x6b: {  	_ =	shalt  }
0x6c: {  	_ =	shalt  }
0x6d: {  	_ =	shalt  }
0x6e: {  	_ =	shalt  }
0x6f: {  	_ =	shalt  }
0x70: {  	_ =	shalt  }
0x71: {  	_ =	shalt  }
0x72: {  	_ =	shalt  }
0x73: {  	_ =	shalt  }
0x74: {  	_ =	shalt  }
0x75: {  	_ =	shalt  }
0x76: {  	_ =	shalt  }
0x77: {  	_ =	shalt  }
0x78: {  	_ =	shalt  }
0x79: {  	_ =	shalt  }
0x7a: {  	_ =	shalt  }
0x7b: {  	_ =	shalt  }
0x7c: {  	_ =	shalt  }
0x7d: {  	_ =	shalt  }
0x7e: {  	_ =	shalt  }
0x7f: {  	_ =	shalt  }
0x80: {  	_ =	shalt  }
0x81: {  	_ =	shalt  }
0x82: {  	_ =	shalt  }
0x83: {  	_ =	shalt  }
0x84: {  	_ =	shalt  }
0x85: {  	_ =	shalt  }
0x86: {  	_ =	shalt  }
0x87: {  	_ =	shalt  }
.Lfunc_end0:
.L_simem_size_0:
called_computation_lowered:
.L_overlay_start_0:
0x88: {  	s2 =	sld [smem:$0x3FD9]  }
0x89: {  	s3 =	sld [smem:$0x3FFE];
	_ =	sdelay $0x1  }
0x8a: {  	s1 =	srdreg.scid  }
0x8b: {  	s0 =	sand.u32 $0x1, s1  }
0x8c: {  	s17 =	sshll.u32 s0, $0xA;
	s2 =	sadd.s32 s3, s2  }
0x8d: {  	s2 =	sadd.s32 s2, s17  }
0x8e: {  	[smem:$0x3FC6] =	sst s2  }
0x8f: {  	_ = 	snop  }
0x90: {  	s2 =	sld [smem:$0x3FC9]  }
0x91: {  	s18 =	sld [smem:$0x3FC8]  }
0x92: {  	s4 =	sld [smem:$0x3FD0];
	(tm) =	ssettm $0x1  }
0x93: {  	s5 =	sld [smem:$0x3FFB];
	_ =	sdelay $0x3  }
0x94: {  	_ =	strace s5  }
0x95: {  	s5 =	sld [smem:$0x3FFC];
	_ =	sdelay $0x3  }
0x96: {  	_ =	strace s5  }
0x97: {  	s5 =	sld [smem:$0x3FFD];
	_ =	sdelay $0x3  }
0x98: {  	_ =	strace s5  }
0x99: {  	_ =	strace $0x8FFFFFFF  }
0x9a: {  	s19 =	sld [smem:$0x3FDB];
	_ =	sdelay $0x1  }
0x9b: {  	s6 =	simm.s32 $_scs_section_size  }
0x9c: {  	s7 =	simm.s32 $_size__tile_overlayer_lowered;
	s8 =	simm.s32 $_tile_overlayer_lowered  }
0x9d: {  	s22 =	simm.s32 $0x1BFF;
	s21 =	sshll.u32 s8, $0x1;
	s5 =	sadd.s32 s6, s19  }
0x9e: {  	s9 =	simm.s32 $0x0;
	s20 =	sshll.u32 s7, $0x1;
	s7 =	sadd.s32 s21, s5  }
0x9f: {  	[timem:s9], [sflag:s22] =	dma.local [hbm:s7], s20  }
0xa0: {  	_ =	swait.ge [sflag:s22], s20  }
0xa1: {  	s6 =	ssub.s32 $0x0, s20;
	[sflag:s22] =	ssyncset.done $0x0  }
0xa2: {  	[sflag:s22] =	ssyncadd.s32 s6;
	_ =	sdelay $0x1  }
0xa3: {  	s23 =	simm.s32 $0x1B8B  }
0xa4: {  	_ =	swait.ge [sflag:s23], $0x1  }
0xa5: {  	[sflag:s23] =	ssyncset.done $0x0  }
0xa6: {  	s25 =	simm.s32 $0x1B8E;
	s24 =	sld [smem:$0x3FFE];
	[sflag:s23] =	ssyncadd.s32 $0xFFFFFFFF  }
0xa7: {  	s26 =	simm.s32 $execute0_lowered;
	[smem:$0x3FD2] =	sst s25  }
0xa8: {  	s7 =	sshll.u32 s26, $0x1;
	_ =	strace $0x80000046;
	[dreg:$0x1] =	wrdreg $0xFFFFFFFF  }
0xa9: {  	s28 =	simm.s32 $_size_execute0_lowered;
	s5 =	sadd.s32 s5, s7;
	[dreg:$0x0] =	wrdreg $0x0  }
0xaa: {  	s7 =	sshll.u32 s28, $0x1;
	[dreg:$0x2] =	wrdreg s5  }
0xab: {  	[dreg:$0x3] =	wrdreg s7  }
0xac: {  	[dreg:$0x4] =	wrdreg $0xC0  }
0xad: {  	_ =	task [dreg:s9], $0x5FFFF  }
0xae: {  	[dreg:$0x1] =	wrdreg $0xFFFFFFFF  }
0xaf: {  	[dreg:$0x0] =	wrdreg $0x60  }
0xb0: {  	[dreg:$0x2] =	wrdreg s2  }
0xb1: {  	[dreg:$0x3] =	wrdreg s18  }
0xb2: {  	[dreg:$0x4] =	wrdreg s4  }
0xb3: {  	[dreg:$0x5] =	wrdreg s24  }
0xb4: {  	[dreg:$0x6] =	wrdreg $0x9  }
0xb5: {  	_ =	task.clear_ibuf [dreg:s9], $0x7FFFF;
	_ =	strace $0x90000046  }
0xb6: {  	s29 =	simm.s32 $0x9;
	_ =	strace $0x80000048  }
0xb7: {  	_ =	swait.ge [sflag:s29], $0x1  }
0xb8: {  	[sflag:s29] =	ssyncadd.s32 $0xFFFFFFFF  }
0xb9: {  	_ =	strace $0x90000048  }
0xba: {  	_ =	sfence  }
0xbb: {  	s30 =	sld [smem:$0x0];
	_ =	sdelay $0x2  }
0xbc: {  	s31 =	sshll.u32 s1, $0xD;
	s1 =	sshrl.u32 s1, $0x2  }
0xbd: {  	s3 =	sand.u32 $0x4000, s31;
	s1 =	sadd.s32 s1, s30  }
0xbe: {  	s0 =	sor.u32 s3, s0;
	s1 =	sshll.u32 s1, $0x11  }
0xbf: {  	s0 =	sor.u32 s1, s0  }
0xc0: {  	s0 =	sadd.s32 $0x8F2B, s0  }
0xc1: {  	[sflag:s0] =	ssyncadd.remote.s32 $0x1  }
0xc2: {  	_ =	sfence.sel $0xFFFF  }
0xc3: {  	[dreg:$0x0] =	wrdreg $0xFFFFFFFF;
	(pc) =	sbr.abs _section_cstart, $3  }
0xc4: {  	[dreg:$0x1] =	wrdreg $0xFFFFFFFF  }
0xc5: {  	_ =	task.clear_ibuf [dreg:s9], $0x2FFFF;
	_ =	strace $0x9FFFFFFF  }
0xc6: {  	(tm) =	ssettm $0x7FFFFFFF  }
0xc7: {  	_ =	shalt  }
tec
execute0_lowered:
.L_overlay_start_1:
0x0: {  	(tag) =	ssettag $0x1  }
0x1: {  	s1 =	rddreg [dreg:$0x0]  }
0x2: {  	s2 =	rddreg [dreg:$0x1]  }
0x3: {  	s0 =	srdreg.scid;
	s4 =	stileid.u32  }
0x4: {  	s3 =	rddreg [dreg:$0x3];
	s5 =	simm.s32 $0x0;
	s14 =	simm.s32 $0x10000  }
0x5: {  	s15 =	simm.s32 $0x5;
	s16 =	simm.s32 $0x8000;
	s17 =	simm.s32 $0x4000  }
0x6: {  	s18 =	simm.s32 $0xC000;
	s19 =	simm.s32 $0x1;
	s20 =	simm.s32 $0x2  }
0x7: {  	s21 =	simm.s32 $0x10080;
	s22 =	simm.s32 $0x3;
	s23 =	simm.s32 $0x4  }
0x8: {  	s24 =	simm.s32 $0x12080;
	s0 =	sand.u32 $0x1, s0;
	s4 =	sshll.u32 s4, $0x1  }
0x9: {  	v0 =	vimm.f32 $0.0e+00;
	s25 =	simm.s32 $0x0;
	[smem:$0x7FF] =	sst s5;
	s4 =	sor.u32 s0, s4  }
0xa: {  	v1 =	vimm.s32 $0x0;
	v2 =	vlaneseq.u32;
	v3 =	vimm.f32 $1.000000000e+00;
	s0 =	ssub.s32 $0x2, s0;
	_ =	strace $0x80000047;
	s6 =	sshll.u32 s4, $0x8  }
.Ltmp0:
0xb: {  	v4 =	vor.u32 $0x10, v2;
	v5 =	vor.u32 $0x20, v2;
	v6 =	vor.u32 $0x30, v2;
	s31 =	sshrl.u32 s0, $0x1;
	s11 =	sshll.u32 s4, $0x12;
	(pc) =	sbr.rel .LBB2_1-.Ltmp0, $4  }
0xc: {  	v7 =	vor.u32 $0x40, v2;
	v8 =	vor.u32 $0x50, v2;
	v9 =	vor.u32 $0x60, v2;
	s4 =	sshll.u32 s4, $0xF;
	s3 =	sadd.s32 s6, s3;
	s0 =	ssub.s32 s0, s31  }
0xd: {  	v10 =	vor.u32 $0x70, v2;
	v11 =	vor.u32 $0x80, v2;
	v12 =	vor.u32 $0xB0, v2;
	s6 =	sadd.s32 s1, s4;
	s7 =	sadd.s32 s2, s4;
	s4 =	sor.u32 $0x800, s4  }
0xe: {  	v13 =	vor.u32 $0xF0, v2;
	v14 =	vor.u32 $0x90, v2;
	v15 =	vor.u32 $0xA0, v2;
	s10 =	sor.u32 $0x8000, s11;
	s11 =	sor.u32 $0xC000, s11;
	s8 =	sadd.s32 s1, s4  }
0xf: {  	v16 =	vor.u32 $0xC0, v2;
	v17 =	vor.u32 $0xD0, v2;
	v18 =	vor.u32 $0xE0, v2;
	s9 =	sadd.s32 s2, s4;
	s12 =	sadd.s32 $0x800, s3;
	s13 =	smax.u32 s0, $0x1  }
.LBB2_8:
0x10: {  	v37 =	vld [tilespmem:$0x10080]  }
0x11: {  	v31 =	vld [tilespmem:$0x100C0]  }
0x12: {  	v49 =	vld [tilespmem:$0x10100]  }
0x13: {  	v19 =	vld [tilespmem:$0x10140]  }
0x14: {  	v25 =	vld [tilespmem:$0x10090]  }
0x15: {  	v22 =	vld [tilespmem:$0x100D0]  }
0x16: {  	v43 =	vld [tilespmem:$0x10110]  }
0x17: {  	v23 =	vld [tilespmem:$0x100A0]  }
0x18: {  	v63 =	vld [tilespmem:$0x10700]  }
0x19: {  	v21 =	vld [tilespmem:$0x100E0]  }
0x1a: {  	v38 =	vld [tilespmem:$0x10120]  }
0x1b: {  	v20 =	vld [tilespmem:$0x100B0]  }
0x1c: {  	v32 =	vld [tilespmem:$0x10130]  }
0x1d: {  	[tilespmem:$0x1F740] =	vst v63;
	v63 =	vld [tilespmem:$0x10880]  }
0x1e: {  	v61 =	vld [tilespmem:$0x10170]  }
0x1f: {  	v39 =	vld [tilespmem:$0x10280]  }
0x20: {  	v33 =	vld [tilespmem:$0x102C0]  }
0x21: {  	v62 =	vld [tilespmem:$0x10300]  }
0x22: {  	[tilespmem:$0x1F7B0] =	vst v63;
	v63 =	vld [tilespmem:$0x10940]  }
0x23: {  	v24 =	vld [tilespmem:$0x10340]  }
0x24: {  	v34 =	vld [tilespmem:$0x10290]  }
0x25: {  	v28 =	vld [tilespmem:$0x102D0]  }
0x26: {  	v55 =	vld [tilespmem:$0x10310]  }
0x27: {  	[tilespmem:$0x1F830] =	vst v63;
	v63 =	vld [tilespmem:$0x10910]  }
0x28: {  	v51 =	vld [tilespmem:$0x10350]  }
0x29: {  	v29 =	vld [tilespmem:$0x102A0]  }
0x2a: {  	v26 =	vld [tilespmem:$0x102E0]  }
0x2b: {  	v50 =	vld [tilespmem:$0x10320]  }
0x2c: {  	[tilespmem:$0x1F820] =	vst v63;
	v63 =	vld [tilespmem:$0x10920]  }
0x2d: {  	v52 =	vld [tilespmem:$0x10360]  }
0x2e: {  	v27 =	vld [tilespmem:$0x102B0]  }
0x2f: {  	v44 =	vld [tilespmem:$0x10330]  }
0x30: {  	v30 =	vld [tilespmem:$0x10370]  }
0x31: {  	[tilespmem:$0x1F840] =	vst v63;
	v63 =	vld [tilespmem:$0x10930]  }
0x32: {  	v45 =	vld [tilespmem:$0x104C0]  }
0x33: {  	v53 =	vld [tilespmem:$0x10500]  }
0x34: {  	v54 =	vld [tilespmem:$0x10540]  }
0x35: {  	v46 =	vld [tilespmem:$0x10490]  }
0x36: {  	[tilespmem:$0x1F860] =	vst v63;
	v63 =	vld [tilespmem:$0x10970]  }
0x37: {  	v40 =	vld [tilespmem:$0x104D0]  }
0x38: {  	v56 =	vld [tilespmem:$0x10510]  }
0x39: {  	v57 =	vld [tilespmem:$0x10550]  }
0x3a: {  	v41 =	vld [tilespmem:$0x104A0]  }
0x3b: {  	[tilespmem:$0x1F8A0] =	vst v63;
	v63 =	vld [tilespmem:$0x10A80]  }
0x3c: {  	v35 =	vld [tilespmem:$0x104E0]  }
0x3d: {  	v58 =	vld [tilespmem:$0x10520]  }
0x3e: {  	v59 =	vld [tilespmem:$0x10560]  }
0x3f: {  	v36 =	vld [tilespmem:$0x104B0]  }
0x40: {  	[tilespmem:$0x1F880] =	vst v63;
	v63 =	vld [tilespmem:$0x10AC0]  }
0x41: {  	v42 =	vld [tilespmem:$0x10570]  }
0x42: {  	v60 =	vld [tilespmem:$0x10680]  }
0x43: {  	v47 =	vld [tilespmem:$0x10740]  }
0x44: {  	v48 =	vld [tilespmem:$0x10710];
	[tilespmem:$0x1F650] =	vst v19  }
0x45: {  	[tilespmem:$0x1F890] =	vst v63;
	v63 =	vld [tilespmem:$0x10B00]  }
0x46: {  	v19 =	vld [tilespmem:$0x10150];
	[tilespmem:$0x1F680] =	vst v24  }
0x47: {  	[tilespmem:$0x1F690] =	vst v51;
	v24 =	vld [tilespmem:$0x102F0]  }
0x48: {  	[tilespmem:$0x1F6A0] =	vst v52;
	v51 =	vld [tilespmem:$0x10480]  }
0x49: {  	[tilespmem:$0x1F6B0] =	vst v30;
	v30 =	vld [tilespmem:$0x104F0]  }
0x4a: {  	[tilespmem:$0x1F8D0] =	vst v63;
	v63 =	vld [tilespmem:$0x10B40]  }
0x4b: {  	[tilespmem:$0x1F6D0] =	vst v56;
	v56 =	vld [tilespmem:$0x10530]  }
0x4c: {  	[tilespmem:$0x1F700] =	vst v57;
	v57 =	vld [tilespmem:$0x106C0]  }
0x4d: {  	[tilespmem:$0x1F6F0] =	vst v58;
	v58 =	vld [tilespmem:$0x10690]  }
0x4e: {  	[tilespmem:$0x1F720] =	vst v60;
	v60 =	vld [tilespmem:$0x10770]  }
0x4f: {  	[tilespmem:$0x1F930] =	vst v63;
	v63 =	vld [tilespmem:$0x10A90]  }
0x50: {  	[tilespmem:$0x1F6C0] =	vst v53;
	v52 =	vld [tilespmem:$0x106D0]  }
0x51: {  	[tilespmem:$0x1F6E0] =	vst v54;
	v53 =	vld [tilespmem:$0x10750]  }
0x52: {  	[tilespmem:$0x1F710] =	vst v59;
	v59 =	vld [tilespmem:$0x10760]  }
0x53: {  	[tilespmem:$0x1F7D0] =	vst v60;
	v60 =	vld [tilespmem:$0x10900]  }
0x54: {  	[tilespmem:$0x1F8B0] =	vst v63;
	v63 =	vld [tilespmem:$0x10AD0]  }
0x55: {  	[tilespmem:$0x1F760] =	vst v47;
	v47 =	vld [tilespmem:$0x106E0]  }
0x56: {  	[tilespmem:$0x1F730] =	vst v42;
	v54 =	vld [tilespmem:$0x10720]  }
0x57: {  	[tilespmem:$0x1F7A0] =	vst v59;
	v59 =	vld [tilespmem:$0x108C0]  }
0x58: {  	[tilespmem:$0x1F800] =	vst v60;
	v60 =	vld [tilespmem:$0x108D0]  }
0x59: {  	[tilespmem:$0x1F8C0] =	vst v63;
	v63 =	vld [tilespmem:$0x10B10]  }
0x5a: {  	[tilespmem:$0x1F750] =	vst v48;
	v48 =	vld [tilespmem:$0x106B0]  }
0x5b: {  	v42 =	vld [tilespmem:$0x106F0];
	[tilespmem:$0x1F660] =	vst v19  }
0x5c: {  	[tilespmem:$0x1F7C0] =	vst v59;
	v59 =	vld [tilespmem:$0x10890]  }
0x5d: {  	[tilespmem:$0x1F7F0] =	vst v60;
	v60 =	vld [tilespmem:$0x108A0]  }
0x5e: {  	[tilespmem:$0x1F900] =	vst v63;
	v63 =	vld [tilespmem:$0x10B50]  }
0x5f: {  	v19 =	vld [tilespmem:$0x10160];
	[tilespmem:$0x1F780] =	vst v53  }
0x60: {  	[tilespmem:$0x1F770] =	vst v54;
	v54 =	vld [tilespmem:$0x10730]  }
0x61: {  	[tilespmem:$0x1F7E0] =	vst v59;
	v59 =	vld [tilespmem:$0x10950]  }
0x62: {  	[tilespmem:$0x1F810] =	vst v60;
	v60 =	vld [tilespmem:$0x10960]  }
0x63: {  	[tilespmem:$0x1F950] =	vst v63;
	v63 =	vld [tilespmem:$0x10AA0]  }
0x64: {  	v53 =	vld [tilespmem:$0x106A0];
	[tilespmem:$0x1F670] =	vst v19  }
0x65: {  	v19 =	vld [tilespmem:$0x100F0];
	[tilespmem:$0x1F790] =	vst v54  }
0x66: {  	v54 =	vld [tilespmem:$0x108F0];
	[tilespmem:$0x1F850] =	vst v59  }
0x67: {  	v59 =	vld [tilespmem:$0x108E0];
	[tilespmem:$0x1F870] =	vst v60  }
0x68: {  	v60 =	vld [tilespmem:$0x108B0];
	[tilespmem:$0x1F8E0] =	vst v63  }
0x69: {  	v63 =	vld [tilespmem:$0x10AE0];
	_ =	sdelay $0x4  }
0x6a: {  	[tilespmem:$0x1F8F0] =	vst v63;
	v63 =	vld [tilespmem:$0x10B20];
	_ =	sdelay $0x4  }
0x6b: {  	[tilespmem:$0x1F940] =	vst v63;
	v63 =	vld [tilespmem:$0x10B60];
	_ =	sdelay $0x4  }
0x6c: {  	[tilespmem:$0x1F970] =	vst v63;
	v63 =	vld [tilespmem:$0x10AB0];
	_ =	sdelay $0x4  }
0x6d: {  	[tilespmem:$0x1F910] =	vst v63;
	v63 =	vld [tilespmem:$0x10AF0];
	_ =	sdelay $0x4  }
0x6e: {  	[tilespmem:$0x1F920] =	vst v63;
	v63 =	vld [tilespmem:$0x10B30];
	_ =	sdelay $0x4  }
0x6f: {  	[tilespmem:$0x1F960] =	vst v63;
	v63 =	vld [tilespmem:$0x10B70];
	_ =	sdelay $0x4  }
0x70: {  	[tilespmem:$0x1F9A0] =	vst v63;
	v63 =	vld [tilespmem:$0x10C80];
	_ =	sdelay $0x4  }
0x71: {  	[tilespmem:$0x1F980] =	vst v63;
	v63 =	vld [tilespmem:$0x10CC0];
	_ =	sdelay $0x4  }
0x72: {  	[tilespmem:$0x1F990] =	vst v63;
	v63 =	vld [tilespmem:$0x10D00];
	_ =	sdelay $0x4  }
0x73: {  	[tilespmem:$0x1F9D0] =	vst v63;
	v63 =	vld [tilespmem:$0x10D40];
	_ =	sdelay $0x4  }
0x74: {  	[tilespmem:$0x1FA30] =	vst v63;
	v63 =	vld [tilespmem:$0x10C90];
	_ =	sdelay $0x4  }
0x75: {  	[tilespmem:$0x1F9B0] =	vst v63;
	v63 =	vld [tilespmem:$0x10CD0];
	_ =	sdelay $0x4  }
0x76: {  	[tilespmem:$0x1F9C0] =	vst v63;
	v63 =	vld [tilespmem:$0x10D10];
	_ =	sdelay $0x4  }
0x77: {  	[tilespmem:$0x1FA00] =	vst v63;
	v63 =	vld [tilespmem:$0x10D50];
	_ =	sdelay $0x4  }
0x78: {  	[tilespmem:$0x1FA50] =	vst v63;
	v63 =	vld [tilespmem:$0x10CA0];
	_ =	sdelay $0x4  }
0x79: {  	[tilespmem:$0x1F9E0] =	vst v63;
	v63 =	vld [tilespmem:$0x10CE0];
	_ =	sdelay $0x4  }
0x7a: {  	[tilespmem:$0x1F9F0] =	vst v63;
	v63 =	vld [tilespmem:$0x10D20];
	_ =	sdelay $0x4  }
0x7b: {  	[tilespmem:$0x1FA40] =	vst v63;
	v63 =	vld [tilespmem:$0x10D60];
	_ =	sdelay $0x4  }
0x7c: {  	[tilespmem:$0x1FA70] =	vst v63;
	v63 =	vld [tilespmem:$0x10CB0];
	_ =	sdelay $0x4  }
0x7d: {  	[tilespmem:$0x1FA10] =	vst v63;
	v63 =	vld [tilespmem:$0x10CF0];
	_ =	sdelay $0x4  }
0x7e: {  	[tilespmem:$0x1FA20] =	vst v63;
	v63 =	vld [tilespmem:$0x10D30];
	_ =	sdelay $0x4  }
0x7f: {  	[tilespmem:$0x1FA60] =	vst v63;
	v63 =	vld [tilespmem:$0x10D70];
	_ =	sdelay $0x4  }
0x80: {  	[tilespmem:$0x1FAA0] =	vst v63;
	v63 =	vld [tilespmem:$0x10E80];
	_ =	sdelay $0x4  }
0x81: {  	[tilespmem:$0x1FA80] =	vst v63;
	v63 =	vld [tilespmem:$0x10EC0];
	_ =	sdelay $0x4  }
0x82: {  	[tilespmem:$0x1FA90] =	vst v63;
	v63 =	vld [tilespmem:$0x10F00];
	_ =	sdelay $0x4  }
0x83: {  	[tilespmem:$0x1FAD0] =	vst v63;
	v63 =	vld [tilespmem:$0x10F40];
	_ =	sdelay $0x4  }
0x84: {  	[tilespmem:$0x1FB30] =	vst v63;
	v63 =	vld [tilespmem:$0x10E90];
	_ =	sdelay $0x4  }
0x85: {  	[tilespmem:$0x1FAB0] =	vst v63;
	v63 =	vld [tilespmem:$0x10ED0];
	_ =	sdelay $0x4  }
0x86: {  	[tilespmem:$0x1FAC0] =	vst v63;
	v63 =	vld [tilespmem:$0x10F10];
	_ =	sdelay $0x4  }
0x87: {  	[tilespmem:$0x1FB00] =	vst v63;
	v63 =	vld [tilespmem:$0x10F50];
	_ =	sdelay $0x4  }
0x88: {  	[tilespmem:$0x1FB50] =	vst v63;
	v63 =	vld [tilespmem:$0x10EA0];
	_ =	sdelay $0x4  }
0x89: {  	[tilespmem:$0x1FAE0] =	vst v63;
	v63 =	vld [tilespmem:$0x10EE0];
	_ =	sdelay $0x4  }
0x8a: {  	[tilespmem:$0x1FAF0] =	vst v63;
	v63 =	vld [tilespmem:$0x10F20];
	_ =	sdelay $0x4  }
0x8b: {  	[tilespmem:$0x1FB40] =	vst v63;
	v63 =	vld [tilespmem:$0x10F60];
	_ =	sdelay $0x4  }
0x8c: {  	[tilespmem:$0x1FB70] =	vst v63;
	v63 =	vld [tilespmem:$0x10EB0];
	_ =	sdelay $0x4  }
0x8d: {  	[tilespmem:$0x1FB10] =	vst v63;
	v63 =	vld [tilespmem:$0x10EF0];
	_ =	sdelay $0x4  }
0x8e: {  	[tilespmem:$0x1FB20] =	vst v63;
	v63 =	vld [tilespmem:$0x10F30];
	_ =	sdelay $0x4  }
0x8f: {  	[tilespmem:$0x1FB60] =	vst v63;
	v63 =	vld [tilespmem:$0x10F70];
	_ =	sdelay $0x4  }
0x90: {  	[tilespmem:$0x1FBA0] =	vst v63;
	v63 =	vld [tilespmem:$0x11080];
	_ =	sdelay $0x4  }
0x91: {  	[tilespmem:$0x1FB80] =	vst v63;
	v63 =	vld [tilespmem:$0x110C0];
	_ =	sdelay $0x4  }
0x92: {  	[tilespmem:$0x1FB90] =	vst v63;
	v63 =	vld [tilespmem:$0x11100];
	_ =	sdelay $0x4  }
0x93: {  	[tilespmem:$0x1FBD0] =	vst v63;
	v63 =	vld [tilespmem:$0x11140];
	_ =	sdelay $0x4  }
0x94: {  	[tilespmem:$0x1FC30] =	vst v63;
	v63 =	vld [tilespmem:$0x11090];
	_ =	sdelay $0x4  }
0x95: {  	[tilespmem:$0x1FBB0] =	vst v63;
	v63 =	vld [tilespmem:$0x110D0];
	_ =	sdelay $0x4  }
0x96: {  	[tilespmem:$0x1FBC0] =	vst v63;
	v63 =	vld [tilespmem:$0x11110];
	_ =	sdelay $0x4  }
0x97: {  	[tilespmem:$0x1FC00] =	vst v63;
	v63 =	vld [tilespmem:$0x11150];
	_ =	sdelay $0x4  }
0x98: {  	[tilespmem:$0x1FC50] =	vst v63;
	v63 =	vld [tilespmem:$0x110A0];
	_ =	sdelay $0x4  }
0x99: {  	[tilespmem:$0x1FBE0] =	vst v63;
	v63 =	vld [tilespmem:$0x110E0];
	_ =	sdelay $0x4  }
0x9a: {  	[tilespmem:$0x1FBF0] =	vst v63;
	v63 =	vld [tilespmem:$0x11120];
	_ =	sdelay $0x4  }
0x9b: {  	[tilespmem:$0x1FC40] =	vst v63;
	v63 =	vld [tilespmem:$0x11160];
	_ =	sdelay $0x4  }
0x9c: {  	[tilespmem:$0x1FC70] =	vst v63;
	v63 =	vld [tilespmem:$0x110B0];
	_ =	sdelay $0x4  }
0x9d: {  	[tilespmem:$0x1FC10] =	vst v63;
	v63 =	vld [tilespmem:$0x110F0];
	_ =	sdelay $0x4  }
0x9e: {  	[tilespmem:$0x1FC20] =	vst v63;
	v63 =	vld [tilespmem:$0x11130];
	_ =	sdelay $0x4  }
0x9f: {  	[tilespmem:$0x1FC60] =	vst v63;
	v63 =	vld [tilespmem:$0x11170];
	_ =	sdelay $0x4  }
0xa0: {  	[tilespmem:$0x1FCA0] =	vst v63;
	v63 =	vld [tilespmem:$0x11280];
	_ =	sdelay $0x4  }
0xa1: {  	[tilespmem:$0x1FC80] =	vst v63;
	v63 =	vld [tilespmem:$0x112C0];
	_ =	sdelay $0x4  }
0xa2: {  	[tilespmem:$0x1FC90] =	vst v63;
	v63 =	vld [tilespmem:$0x11300];
	_ =	sdelay $0x4  }
0xa3: {  	[tilespmem:$0x1FCD0] =	vst v63;
	v63 =	vld [tilespmem:$0x11340];
	_ =	sdelay $0x4  }
0xa4: {  	[tilespmem:$0x1FD30] =	vst v63;
	v63 =	vld [tilespmem:$0x11290];
	_ =	sdelay $0x4  }
0xa5: {  	[tilespmem:$0x1FCB0] =	vst v63;
	v63 =	vld [tilespmem:$0x112D0];
	_ =	sdelay $0x4  }
0xa6: {  	[tilespmem:$0x1FCC0] =	vst v63;
	v63 =	vld [tilespmem:$0x11310];
	_ =	sdelay $0x4  }
0xa7: {  	[tilespmem:$0x1FD00] =	vst v63;
	v63 =	vld [tilespmem:$0x11350];
	_ =	sdelay $0x4  }
0xa8: {  	[tilespmem:$0x1FD50] =	vst v63;
	v63 =	vld [tilespmem:$0x112A0];
	_ =	sdelay $0x4  }
0xa9: {  	[tilespmem:$0x1FCE0] =	vst v63;
	v63 =	vld [tilespmem:$0x112E0];
	_ =	sdelay $0x4  }
0xaa: {  	[tilespmem:$0x1FCF0] =	vst v63;
	v63 =	vld [tilespmem:$0x11320];
	_ =	sdelay $0x4  }
0xab: {  	[tilespmem:$0x1FD40] =	vst v63;
	v63 =	vld [tilespmem:$0x11360];
	_ =	sdelay $0x4  }
0xac: {  	[tilespmem:$0x1FD70] =	vst v63;
	v63 =	vld [tilespmem:$0x112B0];
	_ =	sdelay $0x4  }
0xad: {  	[tilespmem:$0x1FD10] =	vst v63;
	v63 =	vld [tilespmem:$0x112F0];
	_ =	sdelay $0x4  }
0xae: {  	[tilespmem:$0x1FD20] =	vst v63;
	v63 =	vld [tilespmem:$0x11330];
	_ =	sdelay $0x4  }
0xaf: {  	[tilespmem:$0x1FD60] =	vst v63;
	v63 =	vld [tilespmem:$0x11370];
	_ =	sdelay $0x4  }
0xb0: {  	[tilespmem:$0x1FDA0] =	vst v63;
	v63 =	vld [tilespmem:$0x11480];
	_ =	sdelay $0x4  }
0xb1: {  	[tilespmem:$0x1FD80] =	vst v63;
	v63 =	vld [tilespmem:$0x114C0];
	_ =	sdelay $0x1  }
0xb2: {  	v19 =	vadd.f32 v19, v20;
	v20 =	vld [tilespmem:$0x11510];
	_ =	sdelay $0x1  }
0xb3: {  	v31 =	vadd.f32 v31, v37;
	v37 =	vld [tilespmem:$0x11490]  }
0xb4: {  	[tilespmem:$0x1FD90] =	vst v63;
	v63 =	vld [tilespmem:$0x11500];
	_ =	sdelay $0x1  }
0xb5: {  	[tilespmem:$0x1FDE0] =	vst v20;
	v20 =	vld [tilespmem:$0x1F650];
	_ =	sdelay $0x1  }
0xb6: {  	v22 =	vadd.f32 v22, v25;
	[tilespmem:$0x1FDB0] =	vst v37;
	v37 =	vld [tilespmem:$0x1F670]  }
0xb7: {  	v21 =	vadd.f32 v21, v23;
	v49 =	vadd.f32 v49, v31;
	[tilespmem:$0x1FDC0] =	vst v63;
	v63 =	vld [tilespmem:$0x11540]  }
0xb8: {  	v22 =	vadd.f32 v43, v22  }
0xb9: {  	v43 =	vadd.f32 v20, v49;
	v20 =	vadd.f32 v38, v21;
	_ =	sdelay $0x1  }
0xba: {  	v19 =	vadd.f32 v32, v19;
	v49 =	vadd.f32 v37, v20;
	v37 =	vld [tilespmem:$0x1F680]  }
0xbb: {  	v20 =	vadd.f32 v33, v39;
	[tilespmem:$0x1FE10] =	vst v63;
	v63 =	vld [tilespmem:$0x1F660]  }
0xbc: {  	v61 =	vadd.f32 v61, v19;
	v19 =	vadd.f32 v28, v34  }
0xbd: {  	v26 =	vadd.f32 v26, v29;
	v39 =	vld [tilespmem:$0x114E0];
	v20 =	vadd.f32 v62, v20  }
0xbe: {  	v19 =	vadd.f32 v55, v19  }
0xbf: {  	v55 =	vadd.f32 v37, v20;
	v20 =	vadd.f32 v50, v26;
	v50 =	vld [tilespmem:$0x1F690]  }
0xc0: {  	v38 =	vadd.f32 v63, v22;
	v63 =	vld [tilespmem:$0x11520]  }
0xc1: {  	v62 =	vld [tilespmem:$0x1F6A0]  }
0xc2: {  	[tilespmem:$0x1FDD0] =	vst v39;
	v39 =	vld [tilespmem:$0x114F0];
	_ =	sdelay $0x1  }
0xc3: {  	v33 =	vadd.f32 v24, v27;
	v26 =	vld [tilespmem:$0x1F6C0]  }
0xc4: {  	v50 =	vadd.f32 v50, v19;
	[tilespmem:$0x1FE20] =	vst v63;
	v63 =	vld [tilespmem:$0x1F6B0]  }
0xc5: {  	v19 =	vadd.f32 v44, v33;
	v33 =	vadd.f32 v35, v41;
	v35 =	vld [tilespmem:$0x1F6D0]  }
0xc6: {  	[tilespmem:$0x1FE00] =	vst v39;
	v44 =	vadd.f32 v62, v20;
	v20 =	vadd.f32 v45, v51;
	v39 =	vld [tilespmem:$0x1F6E0];
	_ =	sdelay $0x1  }
0xc7: {  	v41 =	vld [tilespmem:$0x1F700];
	v20 =	vadd.f32 v26, v20  }
0xc8: {  	v45 =	vadd.f32 v63, v19;
	v19 =	vadd.f32 v40, v46  }
0xc9: {  	v36 =	vadd.f32 v30, v36  }
0xca: {  	v51 =	vadd.f32 v39, v20;
	v20 =	vld [tilespmem:$0x1F6F0];
	v19 =	vadd.f32 v35, v19;
	_ =	sdelay $0x1  }
0xcb: {  	v62 =	vadd.f32 v41, v19;
	v19 =	vadd.f32 v56, v36;
	v56 =	vld [tilespmem:$0x1F710];
	_ =	sdelay $0x2  }
0xcc: {  	v20 =	vadd.f32 v20, v33;
	_ =	sdelay $0x1  }
0xcd: {  	v56 =	vadd.f32 v56, v20;
	v20 =	vld [tilespmem:$0x1F720];
	_ =	sdelay $0x1  }
0xce: {  	v30 =	vld [tilespmem:$0x1F740];
	_ =	sdelay $0x2  }
0xcf: {  	v24 =	vld [tilespmem:$0x11680];
	v20 =	vadd.f32 v57, v20;
	_ =	sdelay $0x1  }
0xd0: {  	v21 =	vadd.f32 v30, v20;
	v20 =	vld [tilespmem:$0x11750];
	_ =	sdelay $0x2  }
0xd1: {  	[tilespmem:$0x1FE30] =	vst v24;
	v24 =	vld [tilespmem:$0x1F730];
	_ =	sdelay $0x1  }
0xd2: {  	[tilespmem:$0x1FEF0] =	vst v20;
	v20 =	vld [tilespmem:$0x1F750];
	_ =	sdelay $0x2  }
0xd3: {  	v57 =	vadd.f32 v24, v19;
	v19 =	vadd.f32 v52, v58;
	_ =	sdelay $0x1  }
0xd4: {  	v19 =	vadd.f32 v20, v19;
	v20 =	vld [tilespmem:$0x116A0];
	_ =	sdelay $0x4  }
0xd5: {  	[tilespmem:$0x1FE80] =	vst v20;
	v20 =	vld [tilespmem:$0x1F760];
	_ =	sdelay $0x4  }
0xd6: {  	v52 =	vadd.f32 v20, v21;
	v20 =	vld [tilespmem:$0x1F770];
	_ =	sdelay $0x2  }
0xd7: {  	v33 =	vadd.f32 v47, v53;
	_ =	sdelay $0x1  }
0xd8: {  	v35 =	vadd.f32 v20, v33;
	v20 =	vld [tilespmem:$0x116E0];
	_ =	sdelay $0x2  }
0xd9: {  	v34 =	vld [tilespmem:$0x114B0];
	_ =	sdelay $0x1  }
0xda: {  	[tilespmem:$0x1FE90] =	vst v20;
	v20 =	vld [tilespmem:$0x1F780];
	_ =	sdelay $0x2  }
0xdb: {  	[tilespmem:$0x1FDF0] =	vst v34;
	v34 =	vld [tilespmem:$0x116C0];
	_ =	sdelay $0x1  }
0xdc: {  	v53 =	vadd.f32 v20, v19;
	v19 =	vld [tilespmem:$0x1F790];
	_ =	sdelay $0x2  }
0xdd: {  	[tilespmem:$0x1FE40] =	vst v34;
	v34 =	vadd.f32 v42, v48;
	_ =	sdelay $0x1  }
0xde: {  	v36 =	vadd.f32 v19, v34;
	v19 =	vld [tilespmem:$0x11720];
	_ =	sdelay $0x4  }
0xdf: {  	[tilespmem:$0x1FEE0] =	vst v19;
	v19 =	vld [tilespmem:$0x1F7A0];
	_ =	sdelay $0x2  }
0xe0: {  	v37 =	vld [tilespmem:$0x11700]  }
0xe1: {  	v20 =	vld [tilespmem:$0x1F7C0]  }
0xe2: {  	v58 =	vadd.f32 v19, v35;
	v19 =	vld [tilespmem:$0x1F7B0];
	_ =	sdelay $0x4  }
0xe3: {  	[tilespmem:$0x1FE70] =	vst v37;
	v37 =	vadd.f32 v20, v19;
	v19 =	vld [tilespmem:$0x11760];
	_ =	sdelay $0x3  }
0xe4: {  	v63 =	vld [tilespmem:$0x116D0]  }
0xe5: {  	[tilespmem:$0x1FF10] =	vst v19;
	v19 =	vld [tilespmem:$0x1F7D0];
	_ =	sdelay $0x3  }
0xe6: {  	v20 =	vld [tilespmem:$0x1F7F0]  }
0xe7: {  	[tilespmem:$0x1FE60] =	vst v63;
	v63 =	vadd.f32 v19, v36;
	v19 =	vld [tilespmem:$0x1F7E0];
	_ =	sdelay $0x4  }
0xe8: {  	v39 =	vadd.f32 v20, v19;
	v19 =	vld [tilespmem:$0x116B0];
	_ =	sdelay $0x4  }
0xe9: {  	[tilespmem:$0x1FEB0] =	vst v19;
	v19 =	vld [tilespmem:$0x1F800];
	_ =	sdelay $0x3  }
0xea: {  	v40 =	vld [tilespmem:$0x11740]  }
0xeb: {  	v21 =	vadd.f32 v19, v37;
	v19 =	vld [tilespmem:$0x1F810];
	_ =	sdelay $0x4  }
0xec: {  	[tilespmem:$0x1FED0] =	vst v40;
	v40 =	vadd.f32 v59, v19;
	v19 =	vld [tilespmem:$0x116F0];
	_ =	sdelay $0x4  }
0xed: {  	[tilespmem:$0x1FEC0] =	vst v19;
	v19 =	vld [tilespmem:$0x1F820];
	_ =	sdelay $0x4  }
0xee: {  	v22 =	vadd.f32 v19, v39;
	v19 =	vld [tilespmem:$0x11730];
	_ =	sdelay $0x4  }
0xef: {  	[tilespmem:$0x1FF00] =	vst v19;
	v19 =	vld [tilespmem:$0x1F830];
	_ =	sdelay $0x4  }
0xf0: {  	v41 =	vadd.f32 v54, v60;
	v54 =	vadd.f32 v19, v21;
	v19 =	vld [tilespmem:$0x1F840];
	_ =	sdelay $0x4  }
0xf1: {  	v23 =	vadd.f32 v19, v40;
	v19 =	vld [tilespmem:$0x11770];
	_ =	sdelay $0x4  }
0xf2: {  	[tilespmem:$0x1FF40] =	vst v19;
	v19 =	vld [tilespmem:$0x1F850];
	_ =	sdelay $0x4  }
0xf3: {  	v59 =	vadd.f32 v19, v22;
	v19 =	vld [tilespmem:$0x1F860];
	_ =	sdelay $0x4  }
0xf4: {  	v42 =	vadd.f32 v19, v41;
	v19 =	vld [tilespmem:$0x11880];
	_ =	sdelay $0x4  }
0xf5: {  	[tilespmem:$0x1FF20] =	vst v19;
	v19 =	vld [tilespmem:$0x1F870];
	_ =	sdelay $0x2  }
0xf6: {  	v46 =	vld [tilespmem:$0x11690]  }
0xf7: {  	v20 =	vld [tilespmem:$0x1F890]  }
0xf8: {  	v60 =	vadd.f32 v19, v23;
	v19 =	vld [tilespmem:$0x1F880];
	_ =	sdelay $0x4  }
0xf9: {  	[tilespmem:$0x1FE50] =	vst v46;
	v46 =	vadd.f32 v20, v19;
	v19 =	vld [tilespmem:$0x118C0];
	_ =	sdelay $0x4  }
0xfa: {  	[tilespmem:$0x1FF30] =	vst v19;
	v19 =	vld [tilespmem:$0x1F8A0];
	_ =	sdelay $0x3  }
0xfb: {  	v20 =	vld [tilespmem:$0x1F8C0]  }
0xfc: {  	v23 =	vadd.f32 v19, v42;
	v19 =	vld [tilespmem:$0x1F8B0];
	_ =	sdelay $0x4  }
0xfd: {  	v47 =	vadd.f32 v20, v19;
	v19 =	vld [tilespmem:$0x11900];
	_ =	sdelay $0x4  }
0xfe: {  	[tilespmem:$0x1FF70] =	vst v19;
	v19 =	vld [tilespmem:$0x1F8D0];
	_ =	sdelay $0x3  }
0xff: {  	v20 =	vld [tilespmem:$0x1F8F0]  }
0x100: {  	v34 =	vadd.f32 v19, v46;
	v19 =	vld [tilespmem:$0x1F8E0];
	_ =	sdelay $0x4  }
0x101: {  	v48 =	vadd.f32 v20, v19;
	v19 =	vld [tilespmem:$0x11940];
	_ =	sdelay $0x4  }
0x102: {  	[tilespmem:$0x1FFC0] =	vst v19;
	v19 =	vld [tilespmem:$0x1F900];
	_ =	sdelay $0x3  }
0x103: {  	v20 =	vld [tilespmem:$0x1F920]  }
0x104: {  	v35 =	vadd.f32 v19, v47;
	v19 =	vld [tilespmem:$0x1F910];
	_ =	sdelay $0x4  }
0x105: {  	v24 =	vadd.f32 v20, v19;
	v19 =	vld [tilespmem:$0x11890];
	_ =	sdelay $0x4  }
0x106: {  	[tilespmem:$0x1FF50] =	vst v19;
	v19 =	vld [tilespmem:$0x1F930];
	_ =	sdelay $0x3  }
0x107: {  	v26 =	vld [tilespmem:$0x11710]  }
0x108: {  	v40 =	vadd.f32 v19, v34;
	v19 =	vld [tilespmem:$0x1F940];
	_ =	sdelay $0x4  }
0x109: {  	[tilespmem:$0x1FEA0] =	vst v26;
	v26 =	vadd.f32 v19, v48;
	v19 =	vld [tilespmem:$0x118D0];
	_ =	sdelay $0x4  }
0x10a: {  	[tilespmem:$0x1FF60] =	vst v19;
	v19 =	vld [tilespmem:$0x1F950];
	_ =	sdelay $0x4  }
0x10b: {  	v42 =	vadd.f32 v19, v35;
	v19 =	vld [tilespmem:$0x1F960];
	_ =	sdelay $0x4  }
0x10c: {  	v39 =	vadd.f32 v19, v24;
	v19 =	vld [tilespmem:$0x11910];
	_ =	sdelay $0x4  }
0x10d: {  	[tilespmem:$0x1FFA0] =	vst v19;
	v19 =	vld [tilespmem:$0x1F970];
	_ =	sdelay $0x3  }
0x10e: {  	v20 =	vld [tilespmem:$0x1F990]  }
0x10f: {  	[tilespmem:$0x12080] =	vst v43;
	v43 =	vadd.f32 v19, v26;
	v19 =	vld [tilespmem:$0x1F980];
	_ =	sdelay $0x4  }
0x110: {  	v30 =	vadd.f32 v20, v19;
	v19 =	vld [tilespmem:$0x11950];
	_ =	sdelay $0x4  }
0x111: {  	[tilespmem:$0x1FFE0] =	vst v19;
	v19 =	vld [tilespmem:$0x1F9A0];
	_ =	sdelay $0x3  }
0x112: {  	v20 =	vld [tilespmem:$0x1F9C0]  }
0x113: {  	[tilespmem:$0x12090] =	vst v38;
	v38 =	vadd.f32 v19, v39;
	v19 =	vld [tilespmem:$0x1F9B0];
	_ =	sdelay $0x4  }
0x114: {  	v33 =	vadd.f32 v20, v19;
	v19 =	vld [tilespmem:$0x118A0];
	_ =	sdelay $0x4  }
0x115: {  	[tilespmem:$0x1FF80] =	vst v19;
	v19 =	vld [tilespmem:$0x1F9D0];
	_ =	sdelay $0x3  }
0x116: {  	v20 =	vld [tilespmem:$0x1F9F0]  }
0x117: {  	v34 =	vadd.f32 v19, v30;
	v19 =	vld [tilespmem:$0x1F9E0];
	_ =	sdelay $0x4  }
0x118: {  	v35 =	vadd.f32 v20, v19;
	v19 =	vld [tilespmem:$0x118E0];
	_ =	sdelay $0x4  }
0x119: {  	[tilespmem:$0x1FF90] =	vst v19;
	v19 =	vld [tilespmem:$0x1FA00];
	_ =	sdelay $0x3  }
0x11a: {  	v20 =	vld [tilespmem:$0x1FA20]  }
0x11b: {  	v46 =	vadd.f32 v19, v33;
	v19 =	vld [tilespmem:$0x1FA10];
	_ =	sdelay $0x4  }
0x11c: {  	v19 =	vadd.f32 v20, v19;
	v20 =	vld [tilespmem:$0x11920];
	_ =	sdelay $0x4  }
0x11d: {  	[tilespmem:$0x1FFD0] =	vst v20;
	v20 =	vld [tilespmem:$0x1FA30];
	_ =	sdelay $0x4  }
0x11e: {  	[tilespmem:$0x12100] =	vst v55;
	v55 =	vadd.f32 v20, v34;
	v20 =	vld [tilespmem:$0x1FA40];
	_ =	sdelay $0x4  }
0x11f: {  	v36 =	vadd.f32 v20, v35;
	v20 =	vld [tilespmem:$0x11960];
	_ =	sdelay $0x4  }
0x120: {  	[tilespmem:$0x1FFF0] =	vst v20;
	v20 =	vld [tilespmem:$0x1FA50];
	_ =	sdelay $0x4  }
0x121: {  	[tilespmem:$0x12110] =	vst v50;
	v50 =	vadd.f32 v20, v46;
	v20 =	vld [tilespmem:$0x1FA60];
	_ =	sdelay $0x4  }
0x122: {  	v37 =	vadd.f32 v20, v19;
	v19 =	vld [tilespmem:$0x118B0];
	_ =	sdelay $0x4  }
0x123: {  	[tilespmem:$0x1FFB0] =	vst v19;
	v19 =	vld [tilespmem:$0x1FA70];
	_ =	sdelay $0x1  }
0x124: {  	v31 =	vld [tilespmem:$0x114D0]  }
0x125: {  	v25 =	vld [tilespmem:$0x11550]  }
0x126: {  	v20 =	vld [tilespmem:$0x1FA90]  }
0x127: {  	v22 =	vadd.f32 v19, v36;
	v19 =	vld [tilespmem:$0x1FA80]  }
0x128: {  	v32 =	vld [tilespmem:$0x114A0]  }
0x129: {  	v28 =	vld [tilespmem:$0x11560]  }
0x12a: {  	v29 =	vld [tilespmem:$0x11530]  }
0x12b: {  	[tilespmem:$0x120B0] =	vst v61;
	v61 =	vld [tilespmem:$0x11930]  }
0x12c: {  	v39 =	vadd.f32 v20, v19;
	v19 =	vld [tilespmem:$0x1FAA0]  }
0x12d: {  	v27 =	vld [tilespmem:$0x11570]  }
0x12e: {  	[tilespmem:$0x120A0] =	vst v49;
	v49 =	vld [tilespmem:$0x118F0]  }
0x12f: {  	[tilespmem:$0x12180] =	vst v51;
	v51 =	vld [tilespmem:$0x11970]  }
0x130: {  	v20 =	vld [tilespmem:$0x1FAC0]  }
0x131: {  	[tilespmem:$0x12130] =	vst v45;
	v45 =	vadd.f32 v19, v37;
	v19 =	vld [tilespmem:$0x1FAB0]  }
0x132: {  	[tilespmem:$0x12120] =	vst v44;
	v44 =	vld [tilespmem:$0x1FB20]  }
0x133: {  	[tilespmem:$0x12190] =	vst v62;
	v62 =	vld [tilespmem:$0x11A80]  }
0x134: {  	[tilespmem:$0x121A0] =	vst v56;
	v56 =	vld [tilespmem:$0x1FB40]  }
0x135: {  	[tilespmem:$0x12200] =	vst v52;
	v52 =	vld [tilespmem:$0x11B40]  }
0x136: {  	v41 =	vadd.f32 v20, v19;
	v19 =	vld [tilespmem:$0x1FAD0]  }
0x137: {  	[tilespmem:$0x12220] =	vst v58;
	v58 =	vld [tilespmem:$0x1FBE0]  }
0x138: {  	[tilespmem:$0x12230] =	vst v63;
	v63 =	vld [tilespmem:$0x11AA0]  }
0x139: {  	[tilespmem:$0x12280] =	vst v54;
	v54 =	vld [tilespmem:$0x1FC40]  }
0x13a: {  	v20 =	vld [tilespmem:$0x1FAF0]  }
0x13b: {  	v47 =	vadd.f32 v19, v39;
	v19 =	vld [tilespmem:$0x1FAE0]  }
0x13c: {  	[tilespmem:$0x12290] =	vst v59;
	v59 =	vld [tilespmem:$0x1FD20]  }
0x13d: {  	[tilespmem:$0x122A0] =	vst v60;
	v60 =	vld [tilespmem:$0x1FC90]  }
0x13e: {  	[tilespmem:$0x12300] =	vst v40;
	v40 =	vld [tilespmem:$0x1FCD0]  }
0x13f: {  	v24 =	vld [tilespmem:$0x1FB50]  }
0x140: {  	v19 =	vadd.f32 v20, v19;
	v20 =	vld [tilespmem:$0x1FB00]  }
0x141: {  	v26 =	vld [tilespmem:$0x1FB60]  }
0x142: {  	[tilespmem:$0x12330] =	vst v38;
	v38 =	vld [tilespmem:$0x1FD50]  }
0x143: {  	v30 =	vld [tilespmem:$0x1FB70]  }
0x144: {  	v35 =	vld [tilespmem:$0x1FBB0]  }
0x145: {  	v48 =	vadd.f32 v20, v41;
	v20 =	vld [tilespmem:$0x1FB10]  }
0x146: {  	v36 =	vld [tilespmem:$0x1FBC0]  }
0x147: {  	v33 =	vld [tilespmem:$0x1FB90]  }
0x148: {  	v34 =	vld [tilespmem:$0x1FBA0]  }
0x149: {  	v46 =	vld [tilespmem:$0x1FB30]  }
0x14a: {  	[tilespmem:$0x12390] =	vst v50;
	v50 =	vld [tilespmem:$0x1FDA0];
	v20 =	vadd.f32 v44, v20  }
0x14b: {  	v37 =	vadd.f32 v36, v35;
	v35 =	vld [tilespmem:$0x1FC10]  }
0x14c: {  	v36 =	vld [tilespmem:$0x1FC20];
	v20 =	vadd.f32 v26, v20  }
0x14d: {  	v39 =	vld [tilespmem:$0x1FC30];
	v19 =	vadd.f32 v56, v19  }
0x14e: {  	v20 =	vadd.f32 v34, v20;
	v34 =	vld [tilespmem:$0x1FC00]  }
0x14f: {  	v21 =	vadd.f32 v30, v19;
	v19 =	vld [tilespmem:$0x1FB80]  }
0x150: {  	v47 =	vadd.f32 v46, v47;
	v30 =	vld [tilespmem:$0x1FBF0]  }
0x151: {  	v46 =	vld [tilespmem:$0x11A90]  }
0x152: {  	[tilespmem:$0x12400] =	vst v47;
	v47 =	vld [tilespmem:$0x1FE20]  }
0x153: {  	[tilespmem:$0x12210] =	vst v53;
	v53 =	vadd.f32 v34, v37;
	v34 =	vld [tilespmem:$0x1FC60]  }
0x154: {  	v56 =	vld [tilespmem:$0x11AC0]  }
0x155: {  	v41 =	vld [tilespmem:$0x11AD0];
	v19 =	vadd.f32 v33, v19;
	v33 =	vadd.f32 v30, v58  }
0x156: {  	[tilespmem:$0x121B0] =	vst v57;
	v57 =	vadd.f32 v24, v48;
	v48 =	vld [tilespmem:$0x11B00];
	v37 =	vadd.f32 v36, v35  }
0x157: {  	v30 =	vadd.f32 v54, v33;
	v33 =	vld [tilespmem:$0x1FC50]  }
0x158: {  	v35 =	vadd.f32 v34, v37;
	v37 =	vld [tilespmem:$0x1FC70]  }
0x159: {  	v24 =	vld [tilespmem:$0x1FEB0]  }
0x15a: {  	v44 =	vld [tilespmem:$0x1FBD0]  }
0x15b: {  	v62 =	vadd.f32 v56, v62;
	v56 =	vld [tilespmem:$0x11EC0]  }
0x15c: {  	v53 =	vadd.f32 v33, v53;
	v33 =	vld [tilespmem:$0x1FCB0]  }
0x15d: {  	v54 =	vadd.f32 v37, v30;
	v30 =	vld [tilespmem:$0x1FCA0]  }
0x15e: {  	v34 =	vld [tilespmem:$0x1FCC0]  }
0x15f: {  	v58 =	vld [tilespmem:$0x11B50];
	v19 =	vadd.f32 v44, v19  }
0x160: {  	[tilespmem:$0x12410] =	vst v57;
	v57 =	vld [tilespmem:$0x11C90]  }
0x161: {  	v19 =	vadd.f32 v39, v19;
	v39 =	vld [tilespmem:$0x1FC80]  }
0x162: {  	[tilespmem:$0x122B0] =	vst v23;
	v23 =	vadd.f32 v30, v35;
	v30 =	vld [tilespmem:$0x1FCE0]  }
0x163: {  	v35 =	vadd.f32 v34, v33;
	v33 =	vld [tilespmem:$0x1FCF0]  }
0x164: {  	v44 =	vld [tilespmem:$0x11B10]  }
0x165: {  	v34 =	vld [tilespmem:$0x1FD00]  }
0x166: {  	v36 =	vld [tilespmem:$0x11AE0];
	v60 =	vadd.f32 v60, v39  }
0x167: {  	[tilespmem:$0x12480] =	vst v19;
	v19 =	vld [tilespmem:$0x1FE70]  }
0x168: {  	v40 =	vadd.f32 v40, v60;
	v60 =	vadd.f32 v33, v30;
	v30 =	vld [tilespmem:$0x1FD30]  }
0x169: {  	v39 =	vld [tilespmem:$0x11B60]  }
0x16a: {  	[tilespmem:$0x12310] =	vst v42;
	v42 =	vadd.f32 v34, v35;
	v35 =	vld [tilespmem:$0x1FD10]  }
0x16b: {  	v33 =	vld [tilespmem:$0x1FD40]  }
0x16c: {  	[tilespmem:$0x12490] =	vst v53;
	v53 =	vld [tilespmem:$0x1FEA0]  }
0x16d: {  	v40 =	vadd.f32 v30, v40;
	v30 =	vld [tilespmem:$0x1FD70]  }
0x16e: {  	v36 =	vadd.f32 v36, v63;
	v63 =	vld [tilespmem:$0x11F10]  }
0x16f: {  	v37 =	vld [tilespmem:$0x11B20];
	v38 =	vadd.f32 v38, v42  }
0x170: {  	v42 =	vld [tilespmem:$0x1FD60];
	v59 =	vadd.f32 v59, v35;
	v35 =	vadd.f32 v33, v60  }
0x171: {  	[tilespmem:$0x124A0] =	vst v54;
	v54 =	vld [tilespmem:$0x1FED0]  }
0x172: {  	[tilespmem:$0x12320] =	vst v43;
	v43 =	vadd.f32 v30, v35;
	v30 =	vld [tilespmem:$0x1FDB0]  }
0x173: {  	v34 =	vld [tilespmem:$0x11AB0]  }
0x174: {  	v33 =	vld [tilespmem:$0x1FD80]  }
0x175: {  	v42 =	vadd.f32 v42, v59;
	v35 =	vld [tilespmem:$0x1FD90]  }
0x176: {  	[tilespmem:$0x12510] =	vst v38;
	v38 =	vld [tilespmem:$0x1FF40]  }
0x177: {  	v42 =	vadd.f32 v50, v42;
	v50 =	vadd.f32 v31, v30;
	v31 =	vld [tilespmem:$0x1FDC0]  }
0x178: {  	v60 =	vld [tilespmem:$0x11AF0]  }
0x179: {  	v59 =	vld [tilespmem:$0x11B30]  }
0x17a: {  	[tilespmem:$0x12380] =	vst v55;
	v55 =	vadd.f32 v35, v33;
	v30 =	vld [tilespmem:$0x1FDE0]  }
0x17b: {  	[tilespmem:$0x12500] =	vst v40;
	v40 =	vld [tilespmem:$0x1FF10]  }
0x17c: {  	[tilespmem:$0x123A0] =	vst v22;
	v22 =	vadd.f32 v31, v55;
	v55 =	vld [tilespmem:$0x1FDD0]  }
0x17d: {  	[tilespmem:$0x12530] =	vst v42;
	v42 =	vld [tilespmem:$0x1FFA0]  }
0x17e: {  	[tilespmem:$0x12520] =	vst v43;
	v43 =	vld [tilespmem:$0x1FF70]  }
0x17f: {  	[tilespmem:$0x123B0] =	vst v45;
	v45 =	vadd.f32 v30, v50;
	v30 =	vld [tilespmem:$0x1FE10]  }
0x180: {  	v50 =	vld [tilespmem:$0x1FE00]  }
0x181: {  	v55 =	vadd.f32 v55, v32;
	v32 =	vld [tilespmem:$0x1FDF0]  }
0x182: {  	v35 =	vld [tilespmem:$0x11B70]  }
0x183: {  	v33 =	vld [tilespmem:$0x11C80]  }
0x184: {  	v22 =	vadd.f32 v30, v22;
	v30 =	vld [tilespmem:$0x1FE30]  }
0x185: {  	v26 =	vadd.f32 v47, v55;
	v47 =	vld [tilespmem:$0x1FE40]  }
0x186: {  	v31 =	vld [tilespmem:$0x11CC0];
	v45 =	vadd.f32 v25, v45;
	v50 =	vadd.f32 v50, v32  }
0x187: {  	v25 =	vld [tilespmem:$0x11CB0]  }
0x188: {  	[tilespmem:$0x12590] =	vst v45;
	v45 =	vld [tilespmem:$0x1FFE0];
	v50 =	vadd.f32 v29, v50  }
0x189: {  	v29 =	vld [tilespmem:$0x1FE60]  }
0x18a: {  	[tilespmem:$0x12430] =	vst v20;
	v47 =	vadd.f32 v47, v30;
	v20 =	vadd.f32 v27, v50;
	v50 =	vld [tilespmem:$0x1FE50]  }
0x18b: {  	v30 =	vld [tilespmem:$0x1FE80]  }
0x18c: {  	v19 =	vadd.f32 v19, v47;
	v47 =	vld [tilespmem:$0x1FE90]  }
0x18d: {  	v27 =	vld [tilespmem:$0x1FEF0]  }
0x18e: {  	v19 =	vadd.f32 v54, v19;
	v54 =	vld [tilespmem:$0x1FEE0]  }
0x18f: {  	v55 =	vld [tilespmem:$0x11D40];
	v50 =	vadd.f32 v29, v50  }
0x190: {  	[tilespmem:$0x12580] =	vst v22;
	v22 =	vld [tilespmem:$0x1FFC0]  }
0x191: {  	v47 =	vadd.f32 v47, v30;
	v50 =	vadd.f32 v53, v50;
	v53 =	vld [tilespmem:$0x1FEC0]  }
0x192: {  	[tilespmem:$0x12420] =	vst v21;
	v21 =	vadd.f32 v28, v26;
	v28 =	vld [tilespmem:$0x11CD0]  }
0x193: {  	[tilespmem:$0x124B0] =	vst v23;
	v47 =	vadd.f32 v54, v47;
	v23 =	vadd.f32 v27, v50;
	v50 =	vld [tilespmem:$0x1FF00]  }
0x194: {  	v26 =	vld [tilespmem:$0x11CA0]  }
0x195: {  	v40 =	vadd.f32 v40, v47;
	v47 =	vld [tilespmem:$0x1FF30]  }
0x196: {  	v53 =	vadd.f32 v53, v24;
	v24 =	vld [tilespmem:$0x1FF20]  }
0x197: {  	v32 =	vld [tilespmem:$0x11D00]  }
0x198: {  	v28 =	vadd.f32 v28, v57;
	v57 =	vld [tilespmem:$0x11F30];
	v50 =	vadd.f32 v50, v53  }
0x199: {  	[tilespmem:$0x12600] =	vst v19;
	v19 =	vadd.f32 v48, v62;
	v62 =	vld [tilespmem:$0x11ED0]  }
0x19a: {  	v38 =	vadd.f32 v38, v50;
	v50 =	vld [tilespmem:$0x1FF60]  }
0x19b: {  	v47 =	vadd.f32 v47, v24;
	v24 =	vld [tilespmem:$0x1FF50]  }
0x19c: {  	v48 =	vld [tilespmem:$0x11EE0]  }
0x19d: {  	v29 =	vld [tilespmem:$0x11D10]  }
0x19e: {  	v30 =	vld [tilespmem:$0x11D50]  }
0x19f: {  	v41 =	vadd.f32 v41, v46;
	v31 =	vadd.f32 v31, v33;
	v54 =	vld [tilespmem:$0x11CE0]  }
0x1a0: {  	v34 =	vadd.f32 v60, v34;
	v53 =	vld [tilespmem:$0x11D20];
	v50 =	vadd.f32 v50, v24  }
0x1a1: {  	v46 =	vadd.f32 v32, v31;
	v43 =	vadd.f32 v43, v47;
	v47 =	vld [tilespmem:$0x1FF90]  }
0x1a2: {  	v19 =	vadd.f32 v52, v19;
	v42 =	vadd.f32 v42, v50;
	v50 =	vld [tilespmem:$0x1FFB0]  }
0x1a3: {  	v36 =	vadd.f32 v37, v36;
	v24 =	vld [tilespmem:$0x1FF80]  }
0x1a4: {  	v34 =	vadd.f32 v59, v34;
	[tilespmem:$0x12700] =	vst v19;
	v19 =	vadd.f32 v55, v46;
	v55 =	vld [tilespmem:$0x11F20]  }
0x1a5: {  	v39 =	vadd.f32 v39, v36;
	v27 =	vld [tilespmem:$0x11D60];
	v26 =	vadd.f32 v54, v26  }
0x1a6: {  	v34 =	vadd.f32 v35, v34;
	v22 =	vadd.f32 v22, v43;
	v43 =	vld [tilespmem:$0x1FFD0]  }
0x1a7: {  	v52 =	vadd.f32 v53, v26;
	v53 =	vld [tilespmem:$0x11EF0];
	v49 =	vadd.f32 v49, v50  }
0x1a8: {  	[tilespmem:$0x12720] =	vst v39;
	v47 =	vadd.f32 v47, v24;
	v24 =	vld [tilespmem:$0x11CF0]  }
0x1a9: {  	[tilespmem:$0x12730] =	vst v34;
	v42 =	vadd.f32 v45, v42;
	v45 =	vadd.f32 v61, v49;
	v61 =	vld [tilespmem:$0x1FFF0]  }
0x1aa: {  	[tilespmem:$0x125A0] =	vst v21;
	v50 =	vld [tilespmem:$0x11D30]  }
0x1ab: {  	[tilespmem:$0x125B0] =	vst v20;
	v43 =	vadd.f32 v43, v47;
	v47 =	vld [tilespmem:$0x11D70]  }
0x1ac: {  	[tilespmem:$0x12780] =	vst v19;
	v49 =	vld [tilespmem:$0x11E80]  }
0x1ad: {  	[tilespmem:$0x12610] =	vst v23;
	v24 =	vadd.f32 v24, v25;
	v20 =	vadd.f32 v51, v45;
	v45 =	vld [tilespmem:$0x11F00]  }
0x1ae: {  	[tilespmem:$0x12620] =	vst v40;
	v51 =	vadd.f32 v44, v41;
	v21 =	vadd.f32 v61, v43;
	v61 =	vld [tilespmem:$0x11E90]  }
0x1af: {  	[tilespmem:$0x12630] =	vst v38;
	v44 =	vld [tilespmem:$0x11EA0];
	v54 =	vadd.f32 v50, v24  }
0x1b0: {  	v23 =	vadd.f32 v58, v51;
	[tilespmem:$0x126B0] =	vst v20;
	v20 =	vadd.f32 v29, v28;
	v51 =	vld [tilespmem:$0x11EB0]  }
0x1b1: {  	[tilespmem:$0x12680] =	vst v22;
	v43 =	vld [tilespmem:$0x11F40];
	v56 =	vadd.f32 v56, v49  }
0x1b2: {  	v40 =	vld [tilespmem:$0x11F50];
	[tilespmem:$0x12710] =	vst v23;
	v20 =	vadd.f32 v30, v20;
	v23 =	vadd.f32 v47, v54  }
0x1b3: {  	v59 =	vld [tilespmem:$0x11F60];
	[tilespmem:$0x126A0] =	vst v21;
	v21 =	vadd.f32 v27, v52;
	v58 =	vadd.f32 v62, v61  }
0x1b4: {  	[tilespmem:$0x12690] =	vst v42;
	v19 =	vadd.f32 v45, v56;
	v60 =	vadd.f32 v48, v44;
	v61 =	vld [tilespmem:$0x11F70]  }
0x1b5: {  	[tilespmem:$0x12790] =	vst v20;
	v25 =	vadd.f32 v53, v51;
	v20 =	vadd.f32 v63, v58  }
0x1b6: {  	[tilespmem:$0x127B0] =	vst v23;
	v19 =	vadd.f32 v43, v19;
	v62 =	vadd.f32 v55, v60  }
0x1b7: {  	[tilespmem:$0x127A0] =	vst v21;
	v63 =	vadd.f32 v57, v25;
	v20 =	vadd.f32 v40, v20  }
0x1b8: {  	[tilespmem:$0x12800] =	vst v19;
	v19 =	vadd.f32 v59, v62  }
0x1b9: {  	s25 =	sadd.s32 $0x1, s25;
	[tilespmem:$0x12810] =	vst v20;
	v20 =	vadd.f32 v61, v63  }
0x1ba: {  	p0 =	sne.s32 s25, s13;
	[tilespmem:$0x12820] =	vst v19  }
.Ltmp1:
0x1bb: {  	[tilespmem:$0x12830] =	vst v20;
	(pc) =	sbr.rel @!p0 .LBB2_9-.Ltmp1, $4  }
0x1bc: {  	[hbm4b:s12+s5] =	stream.linear.scatter [tilespmem:s24], [sflag:$0x5], $0x800, $0x38;
	[tilespmem:$0x12880] =	vst v63  }
0x1bd: {  	_ =	swait.ge [sflag:s15], $0x800  }
0x1be: {  	[sflag:s15] =	ssyncset.done $0x0  }
0x1bf: {  	[sflag:s15] =	ssyncadd.s32 $0xFFFFF800  }
.LBB2_1:
0x1c0: {  	s0 =	rddreg [dreg:$0x2]  }
0x1c1: {  	[tilespmem:s14], [sflag:$0x5] =	stream.linear.gather [hbm4b:s0+s5], $0x80, $0x38;
	[tilespmem:$0x12880] =	vst v63  }
0x1c2: {  	_ =	swait.ge [sflag:s15], $0x80  }
0x1c3: {  	[sflag:s15] =	ssyncset.done $0x0  }
0x1c4: {  	[sflag:s15] =	ssyncadd.s32 $0xFFFFFF80  }
0x1c5: {  	[tilespmem:$0x10080] =	vst v0  }
0x1c6: {  	[tilespmem:$0x10090] =	vst v0  }
0x1c7: {  	[tilespmem:$0x100A0] =	vst v0  }
0x1c8: {  	[tilespmem:$0x100B0] =	vst v0  }
0x1c9: {  	[tilespmem:$0x100C0] =	vst v0  }
0x1ca: {  	[tilespmem:$0x100D0] =	vst v0  }
0x1cb: {  	[tilespmem:$0x100E0] =	vst v0  }
0x1cc: {  	[tilespmem:$0x100F0] =	vst v0  }
0x1cd: {  	[tilespmem:$0x10100] =	vst v0  }
0x1ce: {  	[tilespmem:$0x10110] =	vst v0  }
0x1cf: {  	[tilespmem:$0x10120] =	vst v0  }
0x1d0: {  	[tilespmem:$0x10130] =	vst v0  }
0x1d1: {  	[tilespmem:$0x10140] =	vst v0  }
0x1d2: {  	[tilespmem:$0x10150] =	vst v0  }
0x1d3: {  	[tilespmem:$0x10160] =	vst v0  }
0x1d4: {  	[tilespmem:$0x10170] =	vst v0  }
0x1d5: {  	[tilespmem:$0x10180] =	vst v0  }
0x1d6: {  	[tilespmem:$0x10190] =	vst v0  }
0x1d7: {  	[tilespmem:$0x101A0] =	vst v0  }
0x1d8: {  	[tilespmem:$0x101B0] =	vst v0  }
0x1d9: {  	[tilespmem:$0x101C0] =	vst v0  }
0x1da: {  	[tilespmem:$0x101D0] =	vst v0  }
0x1db: {  	[tilespmem:$0x101E0] =	vst v0  }
0x1dc: {  	[tilespmem:$0x101F0] =	vst v0  }
0x1dd: {  	[tilespmem:$0x10200] =	vst v0  }
0x1de: {  	[tilespmem:$0x10210] =	vst v0  }
0x1df: {  	[tilespmem:$0x10220] =	vst v0  }
0x1e0: {  	[tilespmem:$0x10230] =	vst v0  }
0x1e1: {  	[tilespmem:$0x10240] =	vst v0  }
0x1e2: {  	[tilespmem:$0x10250] =	vst v0  }
0x1e3: {  	[tilespmem:$0x10260] =	vst v0  }
0x1e4: {  	[tilespmem:$0x10270] =	vst v0  }
0x1e5: {  	[tilespmem:$0x10280] =	vst v0  }
0x1e6: {  	[tilespmem:$0x10290] =	vst v0  }
0x1e7: {  	[tilespmem:$0x102A0] =	vst v0  }
0x1e8: {  	[tilespmem:$0x102B0] =	vst v0  }
0x1e9: {  	[tilespmem:$0x102C0] =	vst v0  }
0x1ea: {  	[tilespmem:$0x102D0] =	vst v0  }
0x1eb: {  	[tilespmem:$0x102E0] =	vst v0  }
0x1ec: {  	[tilespmem:$0x102F0] =	vst v0  }
0x1ed: {  	[tilespmem:$0x10300] =	vst v0  }
0x1ee: {  	[tilespmem:$0x10310] =	vst v0  }
0x1ef: {  	[tilespmem:$0x10320] =	vst v0  }
0x1f0: {  	[tilespmem:$0x10330] =	vst v0  }
0x1f1: {  	[tilespmem:$0x10340] =	vst v0  }
0x1f2: {  	[tilespmem:$0x10350] =	vst v0  }
0x1f3: {  	[tilespmem:$0x10360] =	vst v0  }
0x1f4: {  	[tilespmem:$0x10370] =	vst v0  }
0x1f5: {  	[tilespmem:$0x10380] =	vst v0  }
0x1f6: {  	[tilespmem:$0x10390] =	vst v0  }
0x1f7: {  	[tilespmem:$0x103A0] =	vst v0  }
0x1f8: {  	[tilespmem:$0x103B0] =	vst v0  }
0x1f9: {  	[tilespmem:$0x103C0] =	vst v0  }
0x1fa: {  	[tilespmem:$0x103D0] =	vst v0  }
0x1fb: {  	[tilespmem:$0x103E0] =	vst v0  }
0x1fc: {  	[tilespmem:$0x103F0] =	vst v0  }
0x1fd: {  	[tilespmem:$0x10400] =	vst v0  }
0x1fe: {  	[tilespmem:$0x10410] =	vst v0  }
0x1ff: {  	[tilespmem:$0x10420] =	vst v0  }
0x200: {  	[tilespmem:$0x10430] =	vst v0  }
0x201: {  	[tilespmem:$0x10440] =	vst v0  }
0x202: {  	[tilespmem:$0x10450] =	vst v0  }
0x203: {  	[tilespmem:$0x10460] =	vst v0  }
0x204: {  	[tilespmem:$0x10470] =	vst v0  }
0x205: {  	[tilespmem:$0x10480] =	vst v0  }
0x206: {  	[tilespmem:$0x10490] =	vst v0  }
0x207: {  	[tilespmem:$0x104A0] =	vst v0  }
0x208: {  	[tilespmem:$0x104B0] =	vst v0  }
0x209: {  	[tilespmem:$0x104C0] =	vst v0  }
0x20a: {  	[tilespmem:$0x104D0] =	vst v0  }
0x20b: {  	[tilespmem:$0x104E0] =	vst v0  }
0x20c: {  	[tilespmem:$0x104F0] =	vst v0  }
0x20d: {  	[tilespmem:$0x10500] =	vst v0  }
0x20e: {  	[tilespmem:$0x10510] =	vst v0  }
0x20f: {  	[tilespmem:$0x10520] =	vst v0  }
0x210: {  	[tilespmem:$0x10530] =	vst v0  }
0x211: {  	[tilespmem:$0x10540] =	vst v0  }
0x212: {  	[tilespmem:$0x10550] =	vst v0  }
0x213: {  	[tilespmem:$0x10560] =	vst v0  }
0x214: {  	[tilespmem:$0x10570] =	vst v0  }
0x215: {  	[tilespmem:$0x10580] =	vst v0  }
0x216: {  	[tilespmem:$0x10590] =	vst v0  }
0x217: {  	[tilespmem:$0x105A0] =	vst v0  }
0x218: {  	[tilespmem:$0x105B0] =	vst v0  }
0x219: {  	[tilespmem:$0x105C0] =	vst v0  }
0x21a: {  	[tilespmem:$0x105D0] =	vst v0  }
0x21b: {  	[tilespmem:$0x105E0] =	vst v0  }
0x21c: {  	[tilespmem:$0x105F0] =	vst v0  }
0x21d: {  	[tilespmem:$0x10600] =	vst v0  }
0x21e: {  	[tilespmem:$0x10610] =	vst v0  }
0x21f: {  	[tilespmem:$0x10620] =	vst v0  }
0x220: {  	[tilespmem:$0x10630] =	vst v0  }
0x221: {  	[tilespmem:$0x10640] =	vst v0  }
0x222: {  	[tilespmem:$0x10650] =	vst v0  }
0x223: {  	[tilespmem:$0x10660] =	vst v0  }
0x224: {  	[tilespmem:$0x10670] =	vst v0  }
0x225: {  	[tilespmem:$0x10680] =	vst v0  }
0x226: {  	[tilespmem:$0x10690] =	vst v0  }
0x227: {  	[tilespmem:$0x106A0] =	vst v0  }
0x228: {  	[tilespmem:$0x106B0] =	vst v0  }
0x229: {  	[tilespmem:$0x106C0] =	vst v0  }
0x22a: {  	[tilespmem:$0x106D0] =	vst v0  }
0x22b: {  	[tilespmem:$0x106E0] =	vst v0  }
0x22c: {  	[tilespmem:$0x106F0] =	vst v0  }
0x22d: {  	[tilespmem:$0x10700] =	vst v0  }
0x22e: {  	[tilespmem:$0x10710] =	vst v0  }
0x22f: {  	[tilespmem:$0x10720] =	vst v0  }
0x230: {  	[tilespmem:$0x10730] =	vst v0  }
0x231: {  	[tilespmem:$0x10740] =	vst v0  }
0x232: {  	[tilespmem:$0x10750] =	vst v0  }
0x233: {  	[tilespmem:$0x10760] =	vst v0  }
0x234: {  	[tilespmem:$0x10770] =	vst v0  }
0x235: {  	[tilespmem:$0x10780] =	vst v0  }
0x236: {  	[tilespmem:$0x10790] =	vst v0  }
0x237: {  	[tilespmem:$0x107A0] =	vst v0  }
0x238: {  	[tilespmem:$0x107B0] =	vst v0  }
0x239: {  	[tilespmem:$0x107C0] =	vst v0  }
0x23a: {  	[tilespmem:$0x107D0] =	vst v0  }
0x23b: {  	[tilespmem:$0x107E0] =	vst v0  }
0x23c: {  	[tilespmem:$0x107F0] =	vst v0  }
0x23d: {  	[tilespmem:$0x10800] =	vst v0  }
0x23e: {  	[tilespmem:$0x10810] =	vst v0  }
0x23f: {  	[tilespmem:$0x10820] =	vst v0  }
0x240: {  	[tilespmem:$0x10830] =	vst v0  }
0x241: {  	[tilespmem:$0x10840] =	vst v0  }
0x242: {  	[tilespmem:$0x10850] =	vst v0  }
0x243: {  	[tilespmem:$0x10860] =	vst v0  }
0x244: {  	[tilespmem:$0x10870] =	vst v0  }
0x245: {  	[tilespmem:$0x10880] =	vst v0  }
0x246: {  	[tilespmem:$0x10890] =	vst v0  }
0x247: {  	[tilespmem:$0x108A0] =	vst v0  }
0x248: {  	[tilespmem:$0x108B0] =	vst v0  }
0x249: {  	[tilespmem:$0x108C0] =	vst v0  }
0x24a: {  	[tilespmem:$0x108D0] =	vst v0  }
0x24b: {  	[tilespmem:$0x108E0] =	vst v0  }
0x24c: {  	[tilespmem:$0x108F0] =	vst v0  }
0x24d: {  	[tilespmem:$0x10900] =	vst v0  }
0x24e: {  	[tilespmem:$0x10910] =	vst v0  }
0x24f: {  	[tilespmem:$0x10920] =	vst v0  }
0x250: {  	[tilespmem:$0x10930] =	vst v0  }
0x251: {  	[tilespmem:$0x10940] =	vst v0  }
0x252: {  	[tilespmem:$0x10950] =	vst v0  }
0x253: {  	[tilespmem:$0x10960] =	vst v0  }
0x254: {  	[tilespmem:$0x10970] =	vst v0  }
0x255: {  	[tilespmem:$0x10980] =	vst v0  }
0x256: {  	[tilespmem:$0x10990] =	vst v0  }
0x257: {  	[tilespmem:$0x109A0] =	vst v0  }
0x258: {  	[tilespmem:$0x109B0] =	vst v0  }
0x259: {  	[tilespmem:$0x109C0] =	vst v0  }
0x25a: {  	[tilespmem:$0x109D0] =	vst v0  }
0x25b: {  	[tilespmem:$0x109E0] =	vst v0  }
0x25c: {  	[tilespmem:$0x109F0] =	vst v0  }
0x25d: {  	[tilespmem:$0x10A00] =	vst v0  }
0x25e: {  	[tilespmem:$0x10A10] =	vst v0  }
0x25f: {  	[tilespmem:$0x10A20] =	vst v0  }
0x260: {  	[tilespmem:$0x10A30] =	vst v0  }
0x261: {  	[tilespmem:$0x10A40] =	vst v0  }
0x262: {  	[tilespmem:$0x10A50] =	vst v0  }
0x263: {  	[tilespmem:$0x10A60] =	vst v0  }
0x264: {  	[tilespmem:$0x10A70] =	vst v0  }
0x265: {  	[tilespmem:$0x10A80] =	vst v0  }
0x266: {  	[tilespmem:$0x10A90] =	vst v0  }
0x267: {  	[tilespmem:$0x10AA0] =	vst v0  }
0x268: {  	[tilespmem:$0x10AB0] =	vst v0  }
0x269: {  	[tilespmem:$0x10AC0] =	vst v0  }
0x26a: {  	[tilespmem:$0x10AD0] =	vst v0  }
0x26b: {  	[tilespmem:$0x10AE0] =	vst v0  }
0x26c: {  	[tilespmem:$0x10AF0] =	vst v0  }
0x26d: {  	[tilespmem:$0x10B00] =	vst v0  }
0x26e: {  	[tilespmem:$0x10B10] =	vst v0  }
0x26f: {  	[tilespmem:$0x10B20] =	vst v0  }
0x270: {  	[tilespmem:$0x10B30] =	vst v0  }
0x271: {  	[tilespmem:$0x10B40] =	vst v0  }
0x272: {  	[tilespmem:$0x10B50] =	vst v0  }
0x273: {  	[tilespmem:$0x10B60] =	vst v0  }
0x274: {  	[tilespmem:$0x10B70] =	vst v0  }
0x275: {  	[tilespmem:$0x10B80] =	vst v0  }
0x276: {  	[tilespmem:$0x10B90] =	vst v0  }
0x277: {  	[tilespmem:$0x10BA0] =	vst v0  }
0x278: {  	[tilespmem:$0x10BB0] =	vst v0  }
0x279: {  	[tilespmem:$0x10BC0] =	vst v0  }
0x27a: {  	[tilespmem:$0x10BD0] =	vst v0  }
0x27b: {  	[tilespmem:$0x10BE0] =	vst v0  }
0x27c: {  	[tilespmem:$0x10BF0] =	vst v0  }
0x27d: {  	[tilespmem:$0x10C00] =	vst v0  }
0x27e: {  	[tilespmem:$0x10C10] =	vst v0  }
0x27f: {  	[tilespmem:$0x10C20] =	vst v0  }
0x280: {  	[tilespmem:$0x10C30] =	vst v0  }
0x281: {  	[tilespmem:$0x10C40] =	vst v0  }
0x282: {  	[tilespmem:$0x10C50] =	vst v0  }
0x283: {  	[tilespmem:$0x10C60] =	vst v0  }
0x284: {  	[tilespmem:$0x10C70] =	vst v0  }
0x285: {  	[tilespmem:$0x10C80] =	vst v0  }
0x286: {  	[tilespmem:$0x10C90] =	vst v0  }
0x287: {  	[tilespmem:$0x10CA0] =	vst v0  }
0x288: {  	[tilespmem:$0x10CB0] =	vst v0  }
0x289: {  	[tilespmem:$0x10CC0] =	vst v0  }
0x28a: {  	[tilespmem:$0x10CD0] =	vst v0  }
0x28b: {  	[tilespmem:$0x10CE0] =	vst v0  }
0x28c: {  	[tilespmem:$0x10CF0] =	vst v0  }
0x28d: {  	[tilespmem:$0x10D00] =	vst v0  }
0x28e: {  	[tilespmem:$0x10D10] =	vst v0  }
0x28f: {  	[tilespmem:$0x10D20] =	vst v0  }
0x290: {  	[tilespmem:$0x10D30] =	vst v0  }
0x291: {  	[tilespmem:$0x10D40] =	vst v0  }
0x292: {  	[tilespmem:$0x10D50] =	vst v0  }
0x293: {  	[tilespmem:$0x10D60] =	vst v0  }
0x294: {  	[tilespmem:$0x10D70] =	vst v0  }
0x295: {  	[tilespmem:$0x10D80] =	vst v0  }
0x296: {  	[tilespmem:$0x10D90] =	vst v0  }
0x297: {  	[tilespmem:$0x10DA0] =	vst v0  }
0x298: {  	[tilespmem:$0x10DB0] =	vst v0  }
0x299: {  	[tilespmem:$0x10DC0] =	vst v0  }
0x29a: {  	[tilespmem:$0x10DD0] =	vst v0  }
0x29b: {  	[tilespmem:$0x10DE0] =	vst v0  }
0x29c: {  	[tilespmem:$0x10DF0] =	vst v0  }
0x29d: {  	[tilespmem:$0x10E00] =	vst v0  }
0x29e: {  	[tilespmem:$0x10E10] =	vst v0  }
0x29f: {  	[tilespmem:$0x10E20] =	vst v0  }
0x2a0: {  	[tilespmem:$0x10E30] =	vst v0  }
0x2a1: {  	[tilespmem:$0x10E40] =	vst v0  }
0x2a2: {  	[tilespmem:$0x10E50] =	vst v0  }
0x2a3: {  	[tilespmem:$0x10E60] =	vst v0  }
0x2a4: {  	[tilespmem:$0x10E70] =	vst v0  }
0x2a5: {  	[tilespmem:$0x10E80] =	vst v0  }
0x2a6: {  	[tilespmem:$0x10E90] =	vst v0  }
0x2a7: {  	[tilespmem:$0x10EA0] =	vst v0  }
0x2a8: {  	[tilespmem:$0x10EB0] =	vst v0  }
0x2a9: {  	[tilespmem:$0x10EC0] =	vst v0  }
0x2aa: {  	[tilespmem:$0x10ED0] =	vst v0  }
0x2ab: {  	[tilespmem:$0x10EE0] =	vst v0  }
0x2ac: {  	[tilespmem:$0x10EF0] =	vst v0  }
0x2ad: {  	[tilespmem:$0x10F00] =	vst v0  }
0x2ae: {  	[tilespmem:$0x10F10] =	vst v0  }
0x2af: {  	[tilespmem:$0x10F20] =	vst v0  }
0x2b0: {  	[tilespmem:$0x10F30] =	vst v0  }
0x2b1: {  	[tilespmem:$0x10F40] =	vst v0  }
0x2b2: {  	[tilespmem:$0x10F50] =	vst v0  }
0x2b3: {  	[tilespmem:$0x10F60] =	vst v0  }
0x2b4: {  	[tilespmem:$0x10F70] =	vst v0  }
0x2b5: {  	[tilespmem:$0x10F80] =	vst v0  }
0x2b6: {  	[tilespmem:$0x10F90] =	vst v0  }
0x2b7: {  	[tilespmem:$0x10FA0] =	vst v0  }
0x2b8: {  	[tilespmem:$0x10FB0] =	vst v0  }
0x2b9: {  	[tilespmem:$0x10FC0] =	vst v0  }
0x2ba: {  	[tilespmem:$0x10FD0] =	vst v0  }
0x2bb: {  	[tilespmem:$0x10FE0] =	vst v0  }
0x2bc: {  	[tilespmem:$0x10FF0] =	vst v0  }
0x2bd: {  	[tilespmem:$0x11000] =	vst v0  }
0x2be: {  	[tilespmem:$0x11010] =	vst v0  }
0x2bf: {  	[tilespmem:$0x11020] =	vst v0  }
0x2c0: {  	[tilespmem:$0x11030] =	vst v0  }
0x2c1: {  	[tilespmem:$0x11040] =	vst v0  }
0x2c2: {  	[tilespmem:$0x11050] =	vst v0  }
0x2c3: {  	[tilespmem:$0x11060] =	vst v0  }
0x2c4: {  	[tilespmem:$0x11070] =	vst v0  }
0x2c5: {  	[tilespmem:$0x11080] =	vst v0  }
0x2c6: {  	[tilespmem:$0x11090] =	vst v0  }
0x2c7: {  	[tilespmem:$0x110A0] =	vst v0  }
0x2c8: {  	[tilespmem:$0x110B0] =	vst v0  }
0x2c9: {  	[tilespmem:$0x110C0] =	vst v0  }
0x2ca: {  	[tilespmem:$0x110D0] =	vst v0  }
0x2cb: {  	[tilespmem:$0x110E0] =	vst v0  }
0x2cc: {  	[tilespmem:$0x110F0] =	vst v0  }
0x2cd: {  	[tilespmem:$0x11100] =	vst v0  }
0x2ce: {  	[tilespmem:$0x11110] =	vst v0  }
0x2cf: {  	[tilespmem:$0x11120] =	vst v0  }
0x2d0: {  	[tilespmem:$0x11130] =	vst v0  }
0x2d1: {  	[tilespmem:$0x11140] =	vst v0  }
0x2d2: {  	[tilespmem:$0x11150] =	vst v0  }
0x2d3: {  	[tilespmem:$0x11160] =	vst v0  }
0x2d4: {  	[tilespmem:$0x11170] =	vst v0  }
0x2d5: {  	[tilespmem:$0x11180] =	vst v0  }
0x2d6: {  	[tilespmem:$0x111A0] =	vst v0  }
0x2d7: {  	[tilespmem:$0x111B0] =	vst v0  }
0x2d8: {  	[tilespmem:$0x111C0] =	vst v0  }
0x2d9: {  	[tilespmem:$0x111D0] =	vst v0  }
0x2da: {  	[tilespmem:$0x111E0] =	vst v0  }
0x2db: {  	[tilespmem:$0x111F0] =	vst v0  }
0x2dc: {  	[tilespmem:$0x11200] =	vst v0  }
0x2dd: {  	[tilespmem:$0x11210] =	vst v0  }
0x2de: {  	[tilespmem:$0x11220] =	vst v0  }
0x2df: {  	[tilespmem:$0x11230] =	vst v0  }
0x2e0: {  	[tilespmem:$0x11240] =	vst v0  }
0x2e1: {  	[tilespmem:$0x11250] =	vst v0  }
0x2e2: {  	[tilespmem:$0x11260] =	vst v0  }
0x2e3: {  	[tilespmem:$0x11270] =	vst v0  }
0x2e4: {  	[tilespmem:$0x11280] =	vst v0  }
0x2e5: {  	[tilespmem:$0x11290] =	vst v0  }
0x2e6: {  	[tilespmem:$0x112A0] =	vst v0  }
0x2e7: {  	[tilespmem:$0x112B0] =	vst v0  }
0x2e8: {  	[tilespmem:$0x112C0] =	vst v0  }
0x2e9: {  	[tilespmem:$0x112D0] =	vst v0  }
0x2ea: {  	[tilespmem:$0x112E0] =	vst v0  }
0x2eb: {  	[tilespmem:$0x112F0] =	vst v0  }
0x2ec: {  	[tilespmem:$0x11300] =	vst v0  }
0x2ed: {  	[tilespmem:$0x11310] =	vst v0  }
0x2ee: {  	[tilespmem:$0x11320] =	vst v0  }
0x2ef: {  	[tilespmem:$0x11330] =	vst v0  }
0x2f0: {  	[tilespmem:$0x11340] =	vst v0  }
0x2f1: {  	[tilespmem:$0x11350] =	vst v0  }
0x2f2: {  	[tilespmem:$0x11360] =	vst v0  }
0x2f3: {  	[tilespmem:$0x11370] =	vst v0  }
0x2f4: {  	[tilespmem:$0x11380] =	vst v0  }
0x2f5: {  	[tilespmem:$0x11390] =	vst v0  }
0x2f6: {  	[tilespmem:$0x113A0] =	vst v0  }
0x2f7: {  	[tilespmem:$0x113B0] =	vst v0  }
0x2f8: {  	[tilespmem:$0x113C0] =	vst v0  }
0x2f9: {  	[tilespmem:$0x113D0] =	vst v0  }
0x2fa: {  	[tilespmem:$0x113E0] =	vst v0  }
0x2fb: {  	[tilespmem:$0x113F0] =	vst v0  }
0x2fc: {  	[tilespmem:$0x11400] =	vst v0  }
0x2fd: {  	[tilespmem:$0x11410] =	vst v0  }
0x2fe: {  	[tilespmem:$0x11420] =	vst v0  }
0x2ff: {  	[tilespmem:$0x11430] =	vst v0  }
0x300: {  	[tilespmem:$0x11440] =	vst v0  }
0x301: {  	[tilespmem:$0x11450] =	vst v0  }
0x302: {  	[tilespmem:$0x11460] =	vst v0  }
0x303: {  	[tilespmem:$0x11470] =	vst v0  }
0x304: {  	[tilespmem:$0x11480] =	vst v0  }
0x305: {  	[tilespmem:$0x11490] =	vst v0  }
0x306: {  	[tilespmem:$0x114A0] =	vst v0  }
0x307: {  	[tilespmem:$0x114B0] =	vst v0  }
0x308: {  	[tilespmem:$0x114C0] =	vst v0  }
0x309: {  	[tilespmem:$0x114D0] =	vst v0  }
0x30a: {  	[tilespmem:$0x114E0] =	vst v0  }
0x30b: {  	[tilespmem:$0x114F0] =	vst v0  }
0x30c: {  	[tilespmem:$0x11500] =	vst v0  }
0x30d: {  	[tilespmem:$0x11510] =	vst v0  }
0x30e: {  	[tilespmem:$0x11520] =	vst v0  }
0x30f: {  	[tilespmem:$0x11530] =	vst v0  }
0x310: {  	[tilespmem:$0x11540] =	vst v0  }
0x311: {  	[tilespmem:$0x11550] =	vst v0  }
0x312: {  	[tilespmem:$0x11560] =	vst v0  }
0x313: {  	[tilespmem:$0x11570] =	vst v0  }
0x314: {  	[tilespmem:$0x11580] =	vst v0  }
0x315: {  	[tilespmem:$0x11590] =	vst v0  }
0x316: {  	[tilespmem:$0x115A0] =	vst v0  }
0x317: {  	[tilespmem:$0x115B0] =	vst v0  }
0x318: {  	[tilespmem:$0x115C0] =	vst v0  }
0x319: {  	[tilespmem:$0x115D0] =	vst v0  }
0x31a: {  	[tilespmem:$0x115E0] =	vst v0  }
0x31b: {  	[tilespmem:$0x115F0] =	vst v0  }
0x31c: {  	[tilespmem:$0x11600] =	vst v0  }
0x31d: {  	[tilespmem:$0x11610] =	vst v0  }
0x31e: {  	[tilespmem:$0x11620] =	vst v0  }
0x31f: {  	[tilespmem:$0x11630] =	vst v0  }
0x320: {  	[tilespmem:$0x11640] =	vst v0  }
0x321: {  	[tilespmem:$0x11650] =	vst v0  }
0x322: {  	[tilespmem:$0x11660] =	vst v0  }
0x323: {  	[tilespmem:$0x11670] =	vst v0  }
0x324: {  	[tilespmem:$0x11680] =	vst v0  }
0x325: {  	[tilespmem:$0x11690] =	vst v0  }
0x326: {  	[tilespmem:$0x116A0] =	vst v0  }
0x327: {  	[tilespmem:$0x116B0] =	vst v0  }
0x328: {  	[tilespmem:$0x116C0] =	vst v0  }
0x329: {  	[tilespmem:$0x116D0] =	vst v0  }
0x32a: {  	[tilespmem:$0x116E0] =	vst v0  }
0x32b: {  	[tilespmem:$0x116F0] =	vst v0  }
0x32c: {  	[tilespmem:$0x11700] =	vst v0  }
0x32d: {  	[tilespmem:$0x11710] =	vst v0  }
0x32e: {  	[tilespmem:$0x11720] =	vst v0  }
0x32f: {  	[tilespmem:$0x11730] =	vst v0  }
0x330: {  	[tilespmem:$0x11740] =	vst v0  }
0x331: {  	[tilespmem:$0x11750] =	vst v0  }
0x332: {  	[tilespmem:$0x11760] =	vst v0  }
0x333: {  	[tilespmem:$0x11770] =	vst v0  }
0x334: {  	[tilespmem:$0x11780] =	vst v0  }
0x335: {  	[tilespmem:$0x11790] =	vst v0  }
0x336: {  	[tilespmem:$0x117A0] =	vst v0  }
0x337: {  	[tilespmem:$0x117B0] =	vst v0  }
0x338: {  	[tilespmem:$0x117C0] =	vst v0  }
0x339: {  	[tilespmem:$0x117D0] =	vst v0  }
0x33a: {  	[tilespmem:$0x117E0] =	vst v0  }
0x33b: {  	[tilespmem:$0x117F0] =	vst v0  }
0x33c: {  	[tilespmem:$0x11800] =	vst v0  }
0x33d: {  	[tilespmem:$0x11810] =	vst v0  }
0x33e: {  	[tilespmem:$0x11820] =	vst v0  }
0x33f: {  	[tilespmem:$0x11830] =	vst v0  }
0x340: {  	[tilespmem:$0x11840] =	vst v0  }
0x341: {  	[tilespmem:$0x11850] =	vst v0  }
0x342: {  	[tilespmem:$0x11860] =	vst v0  }
0x343: {  	[tilespmem:$0x11870] =	vst v0  }
0x344: {  	[tilespmem:$0x11880] =	vst v0  }
0x345: {  	[tilespmem:$0x11890] =	vst v0  }
0x346: {  	[tilespmem:$0x118A0] =	vst v0  }
0x347: {  	[tilespmem:$0x118B0] =	vst v0  }
0x348: {  	[tilespmem:$0x118C0] =	vst v0  }
0x349: {  	[tilespmem:$0x118D0] =	vst v0  }
0x34a: {  	[tilespmem:$0x118E0] =	vst v0  }
0x34b: {  	[tilespmem:$0x118F0] =	vst v0  }
0x34c: {  	[tilespmem:$0x11900] =	vst v0  }
0x34d: {  	[tilespmem:$0x11910] =	vst v0  }
0x34e: {  	[tilespmem:$0x11920] =	vst v0  }
0x34f: {  	[tilespmem:$0x11930] =	vst v0  }
0x350: {  	[tilespmem:$0x11940] =	vst v0  }
0x351: {  	[tilespmem:$0x11950] =	vst v0  }
0x352: {  	[tilespmem:$0x11960] =	vst v0  }
0x353: {  	[tilespmem:$0x11970] =	vst v0  }
0x354: {  	[tilespmem:$0x11980] =	vst v0  }
0x355: {  	[tilespmem:$0x11990] =	vst v0  }
0x356: {  	[tilespmem:$0x119A0] =	vst v0  }
0x357: {  	[tilespmem:$0x119B0] =	vst v0  }
0x358: {  	[tilespmem:$0x119C0] =	vst v0  }
0x359: {  	[tilespmem:$0x119D0] =	vst v0  }
0x35a: {  	[tilespmem:$0x119E0] =	vst v0  }
0x35b: {  	[tilespmem:$0x119F0] =	vst v0  }
0x35c: {  	[tilespmem:$0x11A00] =	vst v0  }
0x35d: {  	[tilespmem:$0x11A10] =	vst v0  }
0x35e: {  	[tilespmem:$0x11A20] =	vst v0  }
0x35f: {  	[tilespmem:$0x11A30] =	vst v0  }
0x360: {  	[tilespmem:$0x11A40] =	vst v0  }
0x361: {  	[tilespmem:$0x11A50] =	vst v0  }
0x362: {  	[tilespmem:$0x11A60] =	vst v0  }
0x363: {  	[tilespmem:$0x11A70] =	vst v0  }
0x364: {  	[tilespmem:$0x11A80] =	vst v0  }
0x365: {  	[tilespmem:$0x11A90] =	vst v0  }
0x366: {  	[tilespmem:$0x11AA0] =	vst v0  }
0x367: {  	[tilespmem:$0x11AB0] =	vst v0  }
0x368: {  	[tilespmem:$0x11AC0] =	vst v0  }
0x369: {  	[tilespmem:$0x11AD0] =	vst v0  }
0x36a: {  	[tilespmem:$0x11AE0] =	vst v0  }
0x36b: {  	[tilespmem:$0x11AF0] =	vst v0  }
0x36c: {  	[tilespmem:$0x11B00] =	vst v0  }
0x36d: {  	[tilespmem:$0x11B10] =	vst v0  }
0x36e: {  	[tilespmem:$0x11B20] =	vst v0  }
0x36f: {  	[tilespmem:$0x11B30] =	vst v0  }
0x370: {  	[tilespmem:$0x11B40] =	vst v0  }
0x371: {  	[tilespmem:$0x11B50] =	vst v0  }
0x372: {  	[tilespmem:$0x11B60] =	vst v0  }
0x373: {  	[tilespmem:$0x11B70] =	vst v0  }
0x374: {  	[tilespmem:$0x11B80] =	vst v0  }
0x375: {  	[tilespmem:$0x11B90] =	vst v0  }
0x376: {  	[tilespmem:$0x11BA0] =	vst v0  }
0x377: {  	[tilespmem:$0x11BB0] =	vst v0  }
0x378: {  	[tilespmem:$0x11BC0] =	vst v0  }
0x379: {  	[tilespmem:$0x11BD0] =	vst v0  }
0x37a: {  	[tilespmem:$0x11BE0] =	vst v0  }
0x37b: {  	[tilespmem:$0x11BF0] =	vst v0  }
0x37c: {  	[tilespmem:$0x11C00] =	vst v0  }
0x37d: {  	[tilespmem:$0x11C10] =	vst v0  }
0x37e: {  	[tilespmem:$0x11C20] =	vst v0  }
0x37f: {  	[tilespmem:$0x11C30] =	vst v0  }
0x380: {  	[tilespmem:$0x11C40] =	vst v0  }
0x381: {  	[tilespmem:$0x11C50] =	vst v0  }
0x382: {  	[tilespmem:$0x11C60] =	vst v0  }
0x383: {  	[tilespmem:$0x11C70] =	vst v0  }
0x384: {  	[tilespmem:$0x11C80] =	vst v0  }
0x385: {  	[tilespmem:$0x11C90] =	vst v0  }
0x386: {  	[tilespmem:$0x11CA0] =	vst v0  }
0x387: {  	[tilespmem:$0x11CB0] =	vst v0  }
0x388: {  	[tilespmem:$0x11CC0] =	vst v0  }
0x389: {  	[tilespmem:$0x11CD0] =	vst v0  }
0x38a: {  	[tilespmem:$0x11CE0] =	vst v0  }
0x38b: {  	[tilespmem:$0x11CF0] =	vst v0  }
0x38c: {  	[tilespmem:$0x11D00] =	vst v0  }
0x38d: {  	[tilespmem:$0x11D10] =	vst v0  }
0x38e: {  	[tilespmem:$0x11D20] =	vst v0  }
0x38f: {  	[tilespmem:$0x11D30] =	vst v0  }
0x390: {  	[tilespmem:$0x11D40] =	vst v0  }
0x391: {  	[tilespmem:$0x11D50] =	vst v0  }
0x392: {  	[tilespmem:$0x11D60] =	vst v0  }
0x393: {  	[tilespmem:$0x11D70] =	vst v0  }
0x394: {  	[tilespmem:$0x11D80] =	vst v0  }
0x395: {  	[tilespmem:$0x11D90] =	vst v0  }
0x396: {  	[tilespmem:$0x11DA0] =	vst v0  }
0x397: {  	[tilespmem:$0x11DB0] =	vst v0  }
0x398: {  	[tilespmem:$0x11DC0] =	vst v0  }
0x399: {  	[tilespmem:$0x11DD0] =	vst v0  }
0x39a: {  	[tilespmem:$0x11DE0] =	vst v0  }
0x39b: {  	[tilespmem:$0x11DF0] =	vst v0  }
0x39c: {  	[tilespmem:$0x11E00] =	vst v0  }
0x39d: {  	[tilespmem:$0x11E10] =	vst v0  }
0x39e: {  	[tilespmem:$0x11E20] =	vst v0  }
0x39f: {  	[tilespmem:$0x11E30] =	vst v0  }
0x3a0: {  	[tilespmem:$0x11E40] =	vst v0  }
0x3a1: {  	[tilespmem:$0x11E50] =	vst v0  }
0x3a2: {  	[tilespmem:$0x11E60] =	vst v0  }
0x3a3: {  	[tilespmem:$0x11E70] =	vst v0  }
0x3a4: {  	[tilespmem:$0x11E80] =	vst v0  }
0x3a5: {  	[tilespmem:$0x11E90] =	vst v0  }
0x3a6: {  	[tilespmem:$0x11EA0] =	vst v0  }
0x3a7: {  	[tilespmem:$0x11EB0] =	vst v0  }
0x3a8: {  	[tilespmem:$0x11EC0] =	vst v0  }
0x3a9: {  	[tilespmem:$0x11ED0] =	vst v0  }
0x3aa: {  	[tilespmem:$0x11EE0] =	vst v0  }
0x3ab: {  	[tilespmem:$0x11EF0] =	vst v0  }
0x3ac: {  	[tilespmem:$0x11F00] =	vst v0  }
0x3ad: {  	[tilespmem:$0x11F10] =	vst v0  }
0x3ae: {  	[tilespmem:$0x11F20] =	vst v0  }
0x3af: {  	[tilespmem:$0x11F30] =	vst v0  }
0x3b0: {  	[tilespmem:$0x11F40] =	vst v0  }
0x3b1: {  	[tilespmem:$0x11F50] =	vst v0  }
0x3b2: {  	[tilespmem:$0x11F60] =	vst v0  }
0x3b3: {  	[tilespmem:$0x11F70] =	vst v0  }
0x3b4: {  	[tilespmem:$0x11F80] =	vst v0  }
0x3b5: {  	[tilespmem:$0x11F90] =	vst v0  }
0x3b6: {  	[tilespmem:$0x11FA0] =	vst v0  }
0x3b7: {  	[tilespmem:$0x11FB0] =	vst v0  }
0x3b8: {  	[tilespmem:$0x11FC0] =	vst v0  }
0x3b9: {  	[tilespmem:$0x11FD0] =	vst v0  }
0x3ba: {  	[tilespmem:$0x11FE0] =	vst v0  }
0x3bb: {  	[tilespmem:$0x11FF0] =	vst v0  }
0x3bc: {  	[tilespmem:$0x12000] =	vst v0  }
0x3bd: {  	[tilespmem:$0x12010] =	vst v0  }
0x3be: {  	[tilespmem:$0x12020] =	vst v0  }
0x3bf: {  	[tilespmem:$0x12030] =	vst v0  }
0x3c0: {  	[tilespmem:$0x12040] =	vst v0  }
0x3c1: {  	[tilespmem:$0x12050] =	vst v0  }
0x3c2: {  	[tilespmem:$0x12060] =	vst v0  }
0x3c3: {  	[tilespmem:$0x12070] =	vst v0  }
0x3c4: {  	[tilespmem:$0x11190] =	vst v0  }
0x3c5: {  	v19 =	vld [tilespmem:$0x10000];
	[tilespmem:s5], [sflag:$0x1] =	stream.linear.gather [hbm4b:s6+s5], $0x4000, $0x38  }
0x3c6: {  	_ = 	snop  }
0x3c7: {  	[tilespmem:s16], [sflag:$0x2] =	stream.linear.gather [hbm4b:s7+s5], $0x4000, $0x38;
	[tilespmem:$0x12880] =	vst v63  }
0x3c8: {  	_ = 	snop  }
0x3c9: {  	[tilespmem:s17], [sflag:$0x3] =	stream.linear.gather [hbm4b:s8+s5], $0x4000, $0x38;
	[tilespmem:$0x12880] =	vst v63  }
0x3ca: {  	s26 =	simm.s32 $0x0  }
0x3cb: {  	[tilespmem:s18], [sflag:$0x4] =	stream.linear.gather [hbm4b:s9+s5], $0x4000, $0x38;
	[tilespmem:$0x12880] =	vst v63  }
.LBB2_2:
0x3cc: {  	_ =	swait.ge [sflag:s19], $0x4000  }
0x3cd: {  	[sflag:s19] =	ssyncset.done $0x0  }
0x3ce: {  	[sflag:s19] =	ssyncadd.s32 $0xFFFFC000  }
0x3cf: {  	_ =	swait.ge [sflag:s20], $0x4000  }
0x3d0: {  	[sflag:s20] =	ssyncset.done $0x0  }
0x3d1: {  	s3 =	simm.s32 $0x40;
	[sflag:s20] =	ssyncadd.s32 $0xFFFFC000  }
0x3d2: {  	v20 =	vld [tilespmem:s3+$0x0];
	_ =	sdelay $0x2  }
0x3d3: {  	v22 =	vld [tilespmem:s3+$0xFFFFFFC0];
	_ =	sdelay $0x1  }
0x3d4: {  	v21 =	vmul.f32 $1.499998570e+01, v20;
	_ =	sdelay $0x1  }
0x3d5: {  	v21 =	vtrunc.f32 v21  }
0x3d6: {  	v24 =	vmul.f32 $1.499998570e+01, v22;
	v21 =	vcvt.f32.s32 v21;
	_ =	sdelay $0x1  }
0x3d7: {  	v24 =	vtrunc.f32 v24;
	v23 =	vperm.xlane v19, v21  }
0x3d8: {  	v24 =	vcvt.f32.s32 v24  }
0x3d9: {  	vm0 =	vge.f32 v20, v23  }
0x3da: {  	v21 =	vshll.u32 v21, $0x9;
	v26 =	vperm.xlane v19, v24;
	v25 =	vsel vm0, $0x200, v1  }
0x3db: {  	v24 =	vshll.u32 v24, $0x9;
	v25 =	vadd.s32 v21, v25  }
0x3dc: {  	vm1 =	vge.f32 v22, v26;
	vm0 =	veq.f32 v20, v23;
	v27 =	vor.u32 v2, v25  }
0x3dd: {  	s31 =	simm.s32 $0x8040;
	v28 =	vor.u32 v4, v25;
	v23 =	vor.u32 v5, v25;
	v25 =	vsel vm1, $0x200, v1  }
0x3de: {  	v29 =	vld [tilespmem:s31+$0x0];
	v25 =	vadd.s32 v24, v25  }
0x3df: {  	v31 =	vor.u32 v2, v25  }
0x3e0: {  	v30 =	vld [tilespmem:s31+$0xFFFFFFC0];
	v21 =	vor.u32 v6, v21  }
0x3e1: {  	[tilespmem:v27+s21+$0x0] =	vst.idx.add.f32.msk $0xffff, v3  }
0x3e2: {  	v27 =	vor.u32 v4, v25;
	[tilespmem:v28+s21+$0x0] =	vst.idx.add.f32.msk $0xffff, v20  }
0x3e3: {  	vm1 =	veq.f32 v22, v26;
	v25 =	vor.u32 v5, v25;
	v20 =	vadd.f32 $1.048576000e+06, v29;
	[tilespmem:v23+s21+$0x0] =	vst.idx.add.f32.msk $0xffff, v29  }
0x3e4: {  	v23 =	vor.u32 v6, v24;
	[tilespmem:v31+s21+$0x0] =	vst.idx.add.f32.msk $0xffff, v3  }
0x3e5: {  	[tilespmem:v21+s21+$0x0] =	vst.idx.add.f32.msk vm0, v20  }
0x3e6: {  	v20 =	vld [tilespmem:s3+$0x10]  }
0x3e7: {  	v21 =	vadd.f32 $1.048576000e+06, v30;
	[tilespmem:v27+s21+$0x0] =	vst.idx.add.f32.msk $0xffff, v22  }
0x3e8: {  	[tilespmem:v25+s21+$0x0] =	vst.idx.add.f32.msk $0xffff, v30  }
0x3e9: {  	[tilespmem:v23+s21+$0x0] =	vst.idx.add.f32.msk vm1, v21  }
0x3ea: {  	v21 =	vld [tilespmem:s3+$0xFFFFFFD0];
	_ =	sdelay $0x2  }
0x3eb: {  	v22 =	vmul.f32 $1.499998570e+01, v20;
	_ =	sdelay $0x1  }
0x3ec: {  	v22 =	vtrunc.f32 v22;
	v23 =	vmul.f32 $1.499998570e+01, v21  }
0x3ed: {  	v22 =	vcvt.f32.s32 v22  }
0x3ee: {  	v23 =	vtrunc.f32 v23  }
0x3ef: {  	v24 =	vperm.xlane v19, v22;
	v23 =	vcvt.f32.s32 v23  }
0x3f0: {  	s29 =	simm.s32 $0xC0  }
0x3f1: {  	v25 =	vld [tilespmem:s29+$0x0];
	vm0 =	vge.f32 v20, v24;
	v26 =	vperm.xlane v19, v23  }
0x3f2: {  	v22 =	vshll.u32 v22, $0x9;
	v27 =	vsel vm0, $0x200, v1  }
0x3f3: {  	v27 =	vadd.s32 v22, v27;
	vm0 =	vge.f32 v21, v26  }
0x3f4: {  	v23 =	vshll.u32 v23, $0x9;
	v28 =	vor.u32 v7, v27;
	v29 =	vsel vm0, $0x200, v1  }
0x3f5: {  	v29 =	vadd.s32 v23, v29  }
0x3f6: {  	v30 =	vmul.f32 $1.499998570e+01, v25;
	v31 =	vor.u32 v7, v29  }
0x3f7: {  	v32 =	vld [tilespmem:s31+$0xFFFFFFD0];
	v33 =	vor.u32 v8, v29  }
0x3f8: {  	v34 =	vld [tilespmem:s31+$0x10];
	vm0 =	veq.f32 v21, v26;
	v26 =	vtrunc.f32 v30;
	v29 =	vor.u32 v9, v29  }
0x3f9: {  	v26 =	vcvt.f32.s32 v26;
	v23 =	vor.u32 v10, v23;
	[tilespmem:v28+s21+$0x0] =	vst.idx.add.f32.msk $0xffff, v3  }
0x3fa: {  	v28 =	vld [tilespmem:s29+$0xFFFFFFC0]  }
0x3fb: {  	v30 =	vor.u32 v8, v27;
	v35 =	vperm.xlane v19, v26;
	[tilespmem:v31+s21+$0x0] =	vst.idx.add.f32.msk $0xffff, v3  }
0x3fc: {  	vm1 =	veq.f32 v20, v24;
	[tilespmem:v33+s21+$0x0] =	vst.idx.add.f32.msk $0xffff, v21;
	v21 =	vadd.f32 $1.048576000e+06, v32  }
0x3fd: {  	v24 =	vor.u32 v9, v27;
	vm2 =	vge.f32 v25, v35;
	[tilespmem:v29+s21+$0x0] =	vst.idx.add.f32.msk $0xffff, v32  }
0x3fe: {  	v22 =	vor.u32 v10, v22;
	v26 =	vshll.u32 v26, $0x9;
	v27 =	vsel vm2, $0x200, v1;
	[tilespmem:v23+s21+$0x0] =	vst.idx.add.f32.msk vm0, v21  }
0x3ff: {  	v21 =	vmul.f32 $1.499998570e+01, v28;
	v23 =	vadd.s32 v26, v27;
	v27 =	vld [tilespmem:s3+$0xFFFFFFE0]  }
0x400: {  	s28 =	simm.s32 $0x80C0;
	[tilespmem:v30+s21+$0x0] =	vst.idx.add.f32.msk $0xffff, v20;
	v20 =	vor.u32 v2, v23  }
0x401: {  	v31 =	vld [tilespmem:s28+$0x0];
	v29 =	vadd.f32 $1.048576000e+06, v34;
	v30 =	vor.u32 v4, v23;
	v21 =	vtrunc.f32 v21  }
0x402: {  	[tilespmem:v24+s21+$0x0] =	vst.idx.add.f32.msk $0xffff, v34;
	vm0 =	veq.f32 v25, v35;
	v23 =	vor.u32 v5, v23;
	v21 =	vcvt.f32.s32 v21  }
0x403: {  	[tilespmem:v22+s21+$0x0] =	vst.idx.add.f32.msk vm1, v29;
	v22 =	vor.u32 v6, v26  }
0x404: {  	v26 =	vld [tilespmem:s3+$0x20];
	v24 =	vperm.xlane v19, v21;
	v29 =	vmul.f32 $1.499998570e+01, v27  }
0x405: {  	[tilespmem:v20+s21+$0x0] =	vst.idx.add.f32.msk $0xffff, v3  }
0x406: {  	vm1 =	vge.f32 v28, v24;
	[tilespmem:v30+s21+$0x0] =	vst.idx.add.f32.msk $0xffff, v25;
	v25 =	vadd.f32 $1.048576000e+06, v31;
	v20 =	vtrunc.f32 v29  }
0x407: {  	v29 =	vshll.u32 v21, $0x9;
	v21 =	vsel vm1, $0x200, v1;
	[tilespmem:v23+s21+$0x0] =	vst.idx.add.f32.msk $0xffff, v31;
	v20 =	vcvt.f32.s32 v20  }
0x408: {  	v30 =	vadd.s32 v29, v21;
	[tilespmem:v22+s21+$0x0] =	vst.idx.add.f32.msk vm0, v25  }
0x409: {  	v21 =	vmul.f32 $1.499998570e+01, v26;
	v22 =	vor.u32 v2, v30;
	v31 =	vld [tilespmem:s29+$0x10];
	v25 =	vperm.xlane v19, v20  }
0x40a: {  	vm0 =	veq.f32 v28, v24  }
0x40b: {  	v52 =	vld [tilespmem:s28+$0xFFFFFFC0];
	v53 =	vor.u32 v4, v30;
	v24 =	vtrunc.f32 v21;
	vm1 =	vge.f32 v27, v25  }
0x40c: {  	v37 =	vld [tilespmem:s31+$0xFFFFFFE0];
	v20 =	vshll.u32 v20, $0x9;
	v24 =	vcvt.f32.s32 v24;
	v54 =	vsel vm1, $0x200, v1  }
0x40d: {  	v23 =	vld [tilespmem:s31+$0x20];
	v29 =	vor.u32 v6, v29;
	v30 =	vor.u32 v5, v30;
	v34 =	vadd.s32 v20, v54  }
0x40e: {  	v36 =	vperm.xlane v19, v24;
	[tilespmem:v22+s21+$0x0] =	vst.idx.add.f32.msk $0xffff, v3;
	v55 =	vmul.f32 $1.499998570e+01, v31;
	v22 =	vor.u32 v2, v34  }
0x40f: {  	s30 =	simm.s32 $0x140;
	v56 =	vld [tilespmem:s28+$0x10];
	vm1 =	veq.f32 v27, v25;
	v58 =	vshll.u32 v24, $0x9;
	v25 =	vand.u32 $0xFFFFFE00, v22  }
0x410: {  	v21 =	vld [tilespmem:s30+$0x0];
	vm2 =	vge.f32 v26, v36;
	v34 =	vtrunc.f32 v55;
	v38 =	vor.u32 v11, v25  }
0x411: {  	[tilespmem:v53+s21+$0x0] =	vst.idx.add.f32.msk $0xffff, v28;
	v57 =	vor.u32 $0x90, v22;
	v25 =	vadd.f32 $1.048576000e+06, v52;
	v28 =	vcvt.f32.s32 v34  }
0x412: {  	v20 =	vor.u32 v12, v20;
	[tilespmem:v30+s21+$0x0] =	vst.idx.add.f32.msk $0xffff, v52;
	v22 =	vor.u32 $0xA0, v22;
	v24 =	vsel vm2, $0x200, v1  }
0x413: {  	v30 =	vadd.s32 v58, v24;
	[tilespmem:v29+s21+$0x0] =	vst.idx.add.f32.msk vm0, v25;
	v29 =	vperm.xlane v19, v28  }
0x414: {  	v59 =	vor.u32 v11, v30;
	v25 =	vld [tilespmem:s29+$0xFFFFFFD0]  }
0x415: {  	v61 =	vor.u32 v14, v30;
	vm0 =	vge.f32 v31, v29;
	[tilespmem:v38+s21+$0x0] =	vst.idx.add.f32.msk $0xffff, v3  }
0x416: {  	v28 =	vshll.u32 v28, $0x9;
	v24 =	vsel vm0, $0x200, v1;
	[tilespmem:v57+s21+$0x0] =	vst.idx.add.f32.msk $0xffff, v27;
	v27 =	vadd.f32 $1.048576000e+06, v37  }
0x417: {  	v63 =	vor.u32 v15, v30;
	v60 =	vadd.s32 v28, v24;
	[tilespmem:v22+s21+$0x0] =	vst.idx.add.f32.msk $0xffff, v37  }
0x418: {  	v62 =	vor.u32 v7, v60;
	[tilespmem:v20+s21+$0x0] =	vst.idx.add.f32.msk vm1, v27  }
0x419: {  	v20 =	vmul.f32 $1.499998570e+01, v25;
	v27 =	vor.u32 v8, v60;
	v24 =	vld [tilespmem:s3+$0xFFFFFFF0]  }
0x41a: {  	vm2 =	veq.f32 v31, v29;
	[tilespmem:v59+s21+$0x0] =	vst.idx.add.f32.msk $0xffff, v3;
	v29 =	vor.u32 v9, v60  }
0x41b: {  	[tilespmem:v61+s21+$0x0] =	vst.idx.add.f32.msk $0xffff, v26;
	v20 =	vtrunc.f32 v20  }
0x41c: {  	v28 =	vor.u32 v10, v28;
	[tilespmem:v63+s21+$0x0] =	vst.idx.add.f32.msk $0xffff, v23;
	v20 =	vcvt.f32.s32 v20  }
0x41d: {  	[tilespmem:v62+s21+$0x0] =	vst.idx.add.f32.msk $0xffff, v3  }
0x41e: {  	vm0 =	veq.f32 v26, v36;
	v30 =	vperm.xlane v19, v20;
	[tilespmem:v27+s21+$0x0] =	vst.idx.add.f32.msk $0xffff, v31;
	v26 =	vmul.f32 $1.499998570e+01, v24  }
0x41f: {  	v27 =	vadd.f32 $1.048576000e+06, v56;
	[tilespmem:v29+s21+$0x0] =	vst.idx.add.f32.msk $0xffff, v56;
	v29 =	vor.u32 v12, v58  }
0x420: {  	v22 =	vld [tilespmem:s31+$0xFFFFFFF0];
	vm1 =	veq.f32 v25, v30;
	vm3 =	vge.f32 v25, v30;
	v26 =	vtrunc.f32 v26  }
0x421: {  	[tilespmem:v28+s21+$0x0] =	vst.idx.add.f32.msk vm2, v27;
	v27 =	vshll.u32 v20, $0x9;
	v30 =	vsel vm3, $0x200, v1;
	v28 =	vcvt.f32.s32 v26  }
0x422: {  	s0 =	simm.s32 $0x4;
	v31 =	vmul.f32 $1.499998570e+01, v21;
	v20 =	vld [tilespmem:s29+$0x20];
	v30 =	vadd.s32 v27, v30  }
.LBB2_3:
0x423: {  	s0 =	sadd.s32 $0x2, s0;
	v26 =	vld [tilespmem:s30+$0xFFFFFFC0];
	v32 =	vor.u32 v7, v30;
	v33 =	vperm.xlane v19, v28  }
0x424: {  	v35 =	vor.u32 v8, v30;
	v23 =	vadd.f32 $1.048576000e+06, v23;
	p0 =	slt.u32 s0, $0xFE;
	v31 =	vtrunc.f32 v31;
	v34 =	vld [tilespmem:s28+$0xFFFFFFD0]  }
0x425: {  	v30 =	vor.u32 v9, v30;
	v31 =	vcvt.f32.s32 v31;
	vm2 =	vge.f32 v24, v33  }
0x426: {  	v27 =	vor.u32 v10, v27;
	v28 =	vshll.u32 v28, $0x9;
	v36 =	vsel vm2, $0x200, v1;
	[tilespmem:v29+s21+$0x0] =	vst.idx.add.f32.msk vm0, v23  }
0x427: {  	vm0 =	veq.f32 v24, v33;
	v23 =	vperm.xlane v19, v31;
	v29 =	vadd.s32 v28, v36;
	v33 =	vld [tilespmem:s3+$0x30];
	s3 =	smov.u32 s29;
	s29 =	smov.u32 s30  }
0x428: {  	v36 =	vmul.f32 $1.499998570e+01, v26;
	[tilespmem:v32+s21+$0x0] =	vst.idx.add.f32.msk $0xffff, v3;
	v29 =	vor.u32 v2, v29  }
0x429: {  	v31 =	vshll.u32 v31, $0x9;
	vm2 =	vge.f32 v21, v23;
	[tilespmem:v35+s21+$0x0] =	vst.idx.add.f32.msk $0xffff, v25;
	v25 =	vadd.f32 $1.048576000e+06, v34  }
0x42a: {  	v32 =	vtrunc.f32 v36;
	v35 =	vsel vm2, $0x200, v1;
	[tilespmem:v30+s21+$0x0] =	vst.idx.add.f32.msk $0xffff, v34;
	v30 =	vadd.f32 $1.048576000e+06, v22  }
0x42b: {  	v32 =	vcvt.f32.s32 v32;
	v34 =	vadd.s32 v31, v35;
	[tilespmem:v27+s21+$0x0] =	vst.idx.add.f32.msk vm1, v25;
	v25 =	vor.u32 v13, v28  }
0x42c: {  	vm2 =	veq.f32 v21, v23;
	v28 =	vor.u32 $0xE0, v29;
	v27 =	vld [tilespmem:s3+$0xFFFFFFE0];
	v23 =	vmul.f32 $1.499998570e+01, v33  }
0x42d: {  	v37 =	vor.u32 $0xC0, v29;
	v36 =	vor.u32 v2, v34;
	v35 =	vperm.xlane v19, v32;
	v38 =	vld [tilespmem:s31+$0x30];
	s31 =	smov.u32 s28;
	s28 =	sadd.s32 $0x80, s28  }
0x42e: {  	v29 =	vor.u32 $0xD0, v29;
	v40 =	vor.u32 v4, v34;
	v39 =	vld [tilespmem:s28+$0xFFFFFFC0];
	v23 =	vtrunc.f32 v23  }
0x42f: {  	v34 =	vor.u32 v5, v34;
	vm1 =	vge.f32 v26, v35;
	v41 =	vld [tilespmem:s28+$0x0];
	v42 =	vcvt.f32.s32 v23  }
0x430: {  	v44 =	vmul.f32 $1.499998570e+01, v20;
	s30 =	sadd.s32 $0x80, s30;
	v32 =	vshll.u32 v32, $0x9;
	v43 =	vsel vm1, $0x200, v1;
	v23 =	vld [tilespmem:s31+$0x20]  }
0x431: {  	vm1 =	veq.f32 v26, v35;
	v45 =	vld [tilespmem:s30+$0x0];
	v35 =	vadd.s32 v32, v43;
	v43 =	vperm.xlane v19, v42  }
0x432: {  	v44 =	vtrunc.f32 v44;
	v47 =	vmul.f32 $1.499998570e+01, v27;
	v46 =	vor.u32 v2, v35;
	[tilespmem:v37+s21+$0x0] =	vst.idx.add.f32.msk $0xffff, v3  }
0x433: {  	v37 =	vor.u32 v4, v35;
	[tilespmem:v29+s21+$0x0] =	vst.idx.add.f32.msk $0xffff, v24;
	v24 =	vshll.u32 v42, $0x9;
	vm3 =	vge.f32 v33, v43  }
0x434: {  	v31 =	vor.u32 v6, v31;
	v29 =	vor.u32 v5, v35;
	v35 =	vtrunc.f32 v47;
	[tilespmem:v28+s21+$0x0] =	vst.idx.add.f32.msk $0xffff, v22  }
0x435: {  	v22 =	vor.u32 v6, v32;
	v28 =	vcvt.f32.s32 v35;
	[tilespmem:v25+s21+$0x0] =	vst.idx.add.f32.msk vm0, v30;
	v25 =	vsel vm3, $0x200, v1  }
0x436: {  	v30 =	vcvt.f32.s32 v44;
	vm3 =	veq.f32 v33, v43;
	[tilespmem:v36+s21+$0x0] =	vst.idx.add.f32.msk $0xffff, v3;
	v25 =	vadd.s32 v24, v25  }
0x437: {  	v32 =	vadd.f32 $1.048576000e+06, v41;
	v35 =	vperm.xlane v19, v28;
	[tilespmem:v40+s21+$0x0] =	vst.idx.add.f32.msk $0xffff, v21;
	v36 =	vor.u32 v16, v25  }
0x438: {  	v21 =	vmov v45;
	[tilespmem:v34+s21+$0x0] =	vst.idx.add.f32.msk $0xffff, v41;
	v34 =	vor.u32 v17, v25;
	v25 =	vor.u32 v18, v25  }
0x439: {  	vm0 =	vge.f32 v27, v35;
	[tilespmem:v31+s21+$0x0] =	vst.idx.add.f32.msk vm2, v32;
	vm2 =	veq.f32 v27, v35  }
0x43a: {  	v28 =	vshll.u32 v28, $0x9;
	v32 =	vsel vm0, $0x200, v1;
	v35 =	vperm.xlane v19, v30;
	v31 =	vld [tilespmem:s29+$0x10]  }
0x43b: {  	v24 =	vor.u32 v13, v24;
	v32 =	vadd.s32 v28, v32;
	[tilespmem:v46+s21+$0x0] =	vst.idx.add.f32.msk $0xffff, v3  }
0x43c: {  	v32 =	vor.u32 v2, v32;
	vm0 =	vge.f32 v20, v35;
	[tilespmem:v36+s21+$0x0] =	vst.idx.add.f32.msk $0xffff, v3  }
0x43d: {  	v30 =	vshll.u32 v30, $0x9;
	v36 =	vand.u32 $0xFFFFFE00, v32;
	v40 =	vsel vm0, $0x200, v1;
	[tilespmem:v34+s21+$0x0] =	vst.idx.add.f32.msk $0xffff, v33  }
0x43e: {  	vm0 =	veq.f32 v20, v35;
	v33 =	vadd.s32 v30, v40;
	[tilespmem:v25+s21+$0x0] =	vst.idx.add.f32.msk $0xffff, v38;
	v25 =	vadd.f32 $1.048576000e+06, v38  }
0x43f: {  	v34 =	vld [tilespmem:s28+$0x10];
	v35 =	vmul.f32 $1.499998570e+01, v31  }
0x440: {  	v38 =	vld [tilespmem:s31+$0xFFFFFFE0]  }
0x441: {  	v36 =	vor.u32 v11, v36;
	v35 =	vtrunc.f32 v35;
	[tilespmem:v24+s21+$0x0] =	vst.idx.add.f32.msk vm3, v25  }
0x442: {  	v24 =	vadd.f32 $1.048576000e+06, v39;
	[tilespmem:v37+s21+$0x0] =	vst.idx.add.f32.msk $0xffff, v26;
	v26 =	vcvt.f32.s32 v35;
	v35 =	vor.u32 $0x90, v32  }
0x443: {  	[tilespmem:v29+s21+$0x0] =	vst.idx.add.f32.msk $0xffff, v39;
	v29 =	vor.u32 $0xA0, v32  }
0x444: {  	[tilespmem:v22+s21+$0x0] =	vst.idx.add.f32.msk vm1, v24;
	v22 =	vperm.xlane v19, v26;
	v24 =	vor.u32 v12, v28  }
0x445: {  	v28 =	vor.u32 v11, v33;
	v25 =	vld [tilespmem:s29+$0xFFFFFFD0]  }
0x446: {  	vm3 =	veq.f32 v31, v22;
	vm1 =	vge.f32 v31, v22;
	[tilespmem:v36+s21+$0x0] =	vst.idx.add.f32.msk $0xffff, v3  }
0x447: {  	v26 =	vshll.u32 v26, $0x9;
	v22 =	vsel vm1, $0x200, v1;
	[tilespmem:v35+s21+$0x0] =	vst.idx.add.f32.msk $0xffff, v27;
	v27 =	vadd.f32 $1.048576000e+06, v38  }
0x448: {  	v22 =	vadd.s32 v26, v22;
	[tilespmem:v29+s21+$0x0] =	vst.idx.add.f32.msk $0xffff, v38;
	v29 =	vor.u32 v14, v33  }
0x449: {  	v32 =	vor.u32 v7, v22;
	[tilespmem:v24+s21+$0x0] =	vst.idx.add.f32.msk vm2, v27  }
0x44a: {  	v35 =	vor.u32 v8, v22;
	v27 =	vmul.f32 $1.499998570e+01, v25;
	v24 =	vld [tilespmem:s3+$0xFFFFFFF0]  }
0x44b: {  	v36 =	vor.u32 v9, v22;
	v22 =	vld [tilespmem:s31+$0xFFFFFFF0]  }
0x44c: {  	v26 =	vor.u32 v10, v26;
	v27 =	vtrunc.f32 v27;
	[tilespmem:v28+s21+$0x0] =	vst.idx.add.f32.msk $0xffff, v3  }
0x44d: {  	v27 =	vcvt.f32.s32 v27;
	[tilespmem:v29+s21+$0x0] =	vst.idx.add.f32.msk $0xffff, v20  }
0x44e: {  	[tilespmem:v32+s21+$0x0] =	vst.idx.add.f32.msk $0xffff, v3;
	v32 =	vor.u32 v15, v33  }
.Ltmp2:
0x44f: {  	v28 =	vadd.f32 $1.048576000e+06, v34;
	v20 =	vperm.xlane v19, v27;
	[tilespmem:v35+s21+$0x0] =	vst.idx.add.f32.msk $0xffff, v31;
	v31 =	vmul.f32 $1.499998570e+01, v24;
	(pc) =	sbr.rel @p0 .LBB2_3-.Ltmp2, $4  }
0x450: {  	v29 =	vor.u32 v12, v30;
	[tilespmem:v36+s21+$0x0] =	vst.idx.add.f32.msk $0xffff, v34  }
0x451: {  	vm1 =	veq.f32 v25, v20;
	vm2 =	vge.f32 v25, v20;
	[tilespmem:v26+s21+$0x0] =	vst.idx.add.f32.msk vm3, v28;
	v26 =	vtrunc.f32 v31  }
0x452: {  	v27 =	vshll.u32 v27, $0x9;
	v30 =	vsel vm2, $0x200, v1;
	v20 =	vld [tilespmem:s29+$0x20];
	v28 =	vcvt.f32.s32 v26  }
0x453: {  	v31 =	vmul.f32 $1.499998570e+01, v21;
	v30 =	vadd.s32 v27, v30;
	[tilespmem:v32+s21+$0x0] =	vst.idx.add.f32.msk $0xffff, v23  }
0x454: {  	v26 =	vld [tilespmem:s30+$0xFFFFFFC0];
	_ =	sdelay $0x4  }
0x455: {  	v32 =	vmul.f32 $1.499998570e+01, v26;
	_ =	sdelay $0x1  }
0x456: {  	v32 =	vtrunc.f32 v32  }
0x457: {  	v32 =	vcvt.f32.s32 v32;
	_ =	sdelay $0x1  }
0x458: {  	v33 =	vperm.xlane v19, v32  }
0x459: {  	v23 =	vadd.f32 $1.048576000e+06, v23;
	v60 =	vor.u32 v7, v30  }
0x45a: {  	s0 =	sadd.s32 $0x80, s28;
	v38 =	vld [tilespmem:s28+$0xFFFFFFD0];
	v43 =	vor.u32 v8, v30;
	v30 =	vor.u32 v9, v30;
	vm2 =	vge.f32 v26, v33  }
0x45b: {  	v31 =	vtrunc.f32 v31;
	v36 =	vld [tilespmem:s0+$0xFFFFFFC0];
	v32 =	vshll.u32 v32, $0x9;
	v34 =	vsel vm2, $0x200, v1  }
0x45c: {  	v27 =	vor.u32 v10, v27;
	v31 =	vcvt.f32.s32 v31;
	[tilespmem:v29+s21+$0x0] =	vst.idx.add.f32.msk vm0, v23;
	v34 =	vadd.s32 v32, v34  }
0x45d: {  	v29 =	vld [tilespmem:s0+$0x0];
	v35 =	vor.u32 v2, v34  }
0x45e: {  	v39 =	vperm.xlane v19, v31;
	[tilespmem:v60+s21+$0x0] =	vst.idx.add.f32.msk $0xffff, v3;
	v37 =	vor.u32 v4, v34  }
0x45f: {  	[tilespmem:v43+s21+$0x0] =	vst.idx.add.f32.msk $0xffff, v25;
	v25 =	vadd.f32 $1.048576000e+06, v38;
	vm2 =	veq.f32 v26, v33;
	v58 =	vor.u32 v5, v34  }
0x460: {  	vm0 =	vge.f32 v21, v39;
	[tilespmem:v30+s21+$0x0] =	vst.idx.add.f32.msk $0xffff, v38;
	v23 =	vor.u32 v6, v32  }
0x461: {  	v31 =	vshll.u32 v31, $0x9;
	v59 =	vsel vm0, $0x200, v1;
	[tilespmem:v27+s21+$0x0] =	vst.idx.add.f32.msk vm1, v25  }
0x462: {  	v32 =	vadd.s32 v31, v59;
	[tilespmem:v35+s21+$0x0] =	vst.idx.add.f32.msk $0xffff, v3  }
0x463: {  	v61 =	vor.u32 v2, v32;
	[tilespmem:v37+s21+$0x0] =	vst.idx.add.f32.msk $0xffff, v26;
	v26 =	vadd.f32 $1.048576000e+06, v36  }
0x464: {  	v62 =	vor.u32 v4, v32;
	[tilespmem:v58+s21+$0x0] =	vst.idx.add.f32.msk $0xffff, v36  }
0x465: {  	[tilespmem:v23+s21+$0x0] =	vst.idx.add.f32.msk vm2, v26  }
0x466: {  	vm0 =	veq.f32 v21, v39;
	v26 =	vor.u32 v5, v32;
	v63 =	vld [tilespmem:s30+$0xFFFFFFD0]  }
0x467: {  	v30 =	vld [tilespmem:s29+$0xFFFFFFE0];
	v31 =	vor.u32 v6, v31  }
0x468: {  	[tilespmem:v61+s21+$0x0] =	vst.idx.add.f32.msk $0xffff, v3  }
0x469: {  	[tilespmem:v62+s21+$0x0] =	vst.idx.add.f32.msk $0xffff, v21  }
0x46a: {  	v44 =	vperm.xlane v19, v28;
	v21 =	vadd.f32 $1.048576000e+06, v29;
	v23 =	vld [tilespmem:s3+$0x30]  }
0x46b: {  	[tilespmem:v26+s21+$0x0] =	vst.idx.add.f32.msk $0xffff, v29;
	v26 =	vmul.f32 $1.499998570e+01, v63  }
0x46c: {  	vm2 =	vge.f32 v24, v44;
	[tilespmem:v31+s21+$0x0] =	vst.idx.add.f32.msk vm0, v21  }
0x46d: {  	v21 =	vshll.u32 v28, $0x9;
	v28 =	vsel vm2, $0x200, v1;
	v29 =	vld [tilespmem:s30+$0x10];
	v26 =	vtrunc.f32 v26  }
0x46e: {  	v49 =	vmul.f32 $1.499998570e+01, v30;
	v28 =	vadd.s32 v21, v28;
	v26 =	vcvt.f32.s32 v26  }
0x46f: {  	v28 =	vor.u32 v2, v28  }
0x470: {  	v53 =	vtrunc.f32 v49;
	v25 =	vor.u32 $0xC0, v28;
	v27 =	vperm.xlane v19, v26  }
0x471: {  	v34 =	vcvt.f32.s32 v53  }
0x472: {  	v31 =	vmul.f32 $1.499998570e+01, v23;
	v45 =	vmul.f32 $1.499998570e+01, v29;
	vm1 =	vge.f32 v63, v27  }
0x473: {  	v46 =	vor.u32 $0xD0, v28;
	v26 =	vshll.u32 v26, $0x9;
	v47 =	vsel vm1, $0x200, v1  }
0x474: {  	v50 =	vld [tilespmem:s0+$0xFFFFFFD0];
	v28 =	vor.u32 $0xE0, v28;
	v33 =	vtrunc.f32 v45;
	v35 =	vadd.s32 v26, v47  }
0x475: {  	v52 =	vmul.f32 $1.499998570e+01, v20;
	[tilespmem:v25+s21+$0x0] =	vst.idx.add.f32.msk $0xffff, v3;
	v25 =	vcvt.f32.s32 v33;
	v48 =	vor.u32 v7, v35  }
0x476: {  	v40 =	vld [tilespmem:s28+$0x20];
	v57 =	vperm.xlane v19, v34;
	v31 =	vtrunc.f32 v31;
	v51 =	vor.u32 v8, v35  }
0x477: {  	v54 =	vld [tilespmem:s0+$0x10];
	vm1 =	veq.f32 v63, v27;
	v27 =	vor.u32 v9, v35;
	v41 =	vperm.xlane v19, v25  }
0x478: {  	vm0 =	veq.f32 v24, v44;
	v31 =	vcvt.f32.s32 v31;
	[tilespmem:v46+s21+$0x0] =	vst.idx.add.f32.msk $0xffff, v24;
	v24 =	vor.u32 v10, v26  }
0x479: {  	v56 =	vadd.f32 $1.048576000e+06, v50;
	v36 =	vor.u32 v13, v21;
	[tilespmem:v28+s21+$0x0] =	vst.idx.add.f32.msk $0xffff, v22;
	vm2 =	vge.f32 v29, v41  }
0x47a: {  	v26 =	vperm.xlane v19, v31;
	v25 =	vshll.u32 v25, $0x9;
	v42 =	vsel vm2, $0x200, v1;
	[tilespmem:v48+s21+$0x0] =	vst.idx.add.f32.msk $0xffff, v3  }
0x47b: {  	v35 =	vtrunc.f32 v52;
	v28 =	vshll.u32 v34, $0x9;
	v55 =	vadd.s32 v25, v42;
	[tilespmem:v51+s21+$0x0] =	vst.idx.add.f32.msk $0xffff, v63  }
0x47c: {  	v22 =	vadd.f32 $1.048576000e+06, v22;
	vm2 =	vge.f32 v23, v26;
	v42 =	vor.u32 v7, v55;
	[tilespmem:v27+s21+$0x0] =	vst.idx.add.f32.msk $0xffff, v50  }
0x47d: {  	v58 =	vor.u32 v8, v55;
	v27 =	vshll.u32 v31, $0x9;
	v31 =	vsel vm2, $0x200, v1;
	[tilespmem:v24+s21+$0x0] =	vst.idx.add.f32.msk vm1, v56  }
0x47e: {  	vm2 =	veq.f32 v29, v41;
	vm1 =	vge.f32 v30, v57;
	v24 =	vor.u32 v9, v55;
	v32 =	vld [tilespmem:s30+$0xFFFFFFE0]  }
0x47f: {  	v61 =	vld [tilespmem:s28+$0xFFFFFFE0];
	v60 =	vcvt.f32.s32 v35;
	v25 =	vor.u32 v10, v25;
	v59 =	vsel vm1, $0x200, v1  }
0x480: {  	[tilespmem:v36+s21+$0x0] =	vst.idx.add.f32.msk vm0, v22;
	v33 =	vadd.s32 v28, v59  }
0x481: {  	v63 =	vperm.xlane v19, v60;
	v33 =	vor.u32 v2, v33;
	[tilespmem:v42+s21+$0x0] =	vst.idx.add.f32.msk $0xffff, v3  }
0x482: {  	v43 =	vand.u32 $0xFFFFFE00, v33;
	[tilespmem:v58+s21+$0x0] =	vst.idx.add.f32.msk $0xffff, v29;
	v29 =	vadd.f32 $1.048576000e+06, v54  }
0x483: {  	vm3 =	vge.f32 v20, v63;
	v45 =	vor.u32 v11, v43;
	[tilespmem:v24+s21+$0x0] =	vst.idx.add.f32.msk $0xffff, v54;
	v24 =	vmul.f32 $1.499998570e+01, v32  }
0x484: {  	vm1 =	veq.f32 v30, v57;
	v22 =	vsel vm3, $0x200, v1;
	v46 =	vor.u32 $0x90, v33;
	[tilespmem:v25+s21+$0x0] =	vst.idx.add.f32.msk vm2, v29  }
0x485: {  	v25 =	vshll.u32 v60, $0x9;
	v29 =	vor.u32 $0xA0, v33;
	v47 =	vld [tilespmem:s30+$0x20];
	v24 =	vtrunc.f32 v24  }
0x486: {  	v21 =	vld [tilespmem:s31+$0x30];
	v28 =	vor.u32 v12, v28;
	v22 =	vadd.s32 v25, v22;
	v24 =	vcvt.f32.s32 v24  }
0x487: {  	v52 =	vld [tilespmem:s0+$0xFFFFFFE0];
	v48 =	vor.u32 v11, v22  }
0x488: {  	v31 =	vadd.s32 v27, v31;
	[tilespmem:v45+s21+$0x0] =	vst.idx.add.f32.msk $0xffff, v3;
	v49 =	vperm.xlane v19, v24  }
0x489: {  	v62 =	vor.u32 v16, v31;
	v50 =	vor.u32 v14, v22;
	[tilespmem:v46+s21+$0x0] =	vst.idx.add.f32.msk $0xffff, v30;
	v30 =	vadd.f32 $1.048576000e+06, v61  }
0x48a: {  	v22 =	vor.u32 v15, v22;
	[tilespmem:v29+s21+$0x0] =	vst.idx.add.f32.msk $0xffff, v61;
	v29 =	vmul.f32 $1.499998570e+01, v47;
	vm0 =	vge.f32 v32, v49  }
0x48b: {  	vm2 =	veq.f32 v20, v63;
	v24 =	vshll.u32 v24, $0x9;
	[tilespmem:v28+s21+$0x0] =	vst.idx.add.f32.msk vm1, v30;
	v28 =	vsel vm0, $0x200, v1  }
0x48c: {  	v25 =	vor.u32 v12, v25;
	[tilespmem:v48+s21+$0x0] =	vst.idx.add.f32.msk $0xffff, v3;
	v29 =	vtrunc.f32 v29;
	v28 =	vadd.s32 v24, v28  }
0x48d: {  	v30 =	vld [tilespmem:s29+$0xFFFFFFF0];
	v29 =	vcvt.f32.s32 v29;
	v28 =	vor.u32 v2, v28  }
0x48e: {  	[tilespmem:v50+s21+$0x0] =	vst.idx.add.f32.msk $0xffff, v20;
	v20 =	vand.u32 $0xFFFFFE00, v28  }
0x48f: {  	[tilespmem:v22+s21+$0x0] =	vst.idx.add.f32.msk $0xffff, v40;
	v22 =	vadd.f32 $1.048576000e+06, v40;
	v51 =	vperm.xlane v19, v29;
	v20 =	vor.u32 v11, v20  }
0x490: {  	[tilespmem:v62+s21+$0x0] =	vst.idx.add.f32.msk $0xffff, v3;
	v53 =	vor.u32 $0x90, v28  }
0x491: {  	vm0 =	veq.f32 v32, v49;
	[tilespmem:v25+s21+$0x0] =	vst.idx.add.f32.msk vm2, v22;
	v22 =	vor.u32 $0xA0, v28;
	vm1 =	vge.f32 v47, v51  }
0x492: {  	v55 =	vld [tilespmem:s0+$0x20];
	v24 =	vor.u32 v12, v24;
	v28 =	vshll.u32 v29, $0x9;
	v29 =	vsel vm1, $0x200, v1  }
0x493: {  	v25 =	vld [tilespmem:s29+$0x30];
	v54 =	vmul.f32 $1.499998570e+01, v30;
	v29 =	vadd.s32 v28, v29  }
0x494: {  	v56 =	vor.u32 v11, v29;
	[tilespmem:v20+s21+$0x0] =	vst.idx.add.f32.msk $0xffff, v3  }
0x495: {  	v57 =	vadd.f32 $1.048576000e+06, v52;
	v58 =	vor.u32 v14, v29;
	v20 =	vtrunc.f32 v54;
	[tilespmem:v53+s21+$0x0] =	vst.idx.add.f32.msk $0xffff, v32  }
0x496: {  	vm1 =	veq.f32 v47, v51;
	v20 =	vcvt.f32.s32 v20;
	[tilespmem:v22+s21+$0x0] =	vst.idx.add.f32.msk $0xffff, v52;
	v22 =	vor.u32 v15, v29  }
0x497: {  	[tilespmem:v24+s21+$0x0] =	vst.idx.add.f32.msk vm0, v57;
	v24 =	vor.u32 v12, v28  }
0x498: {  	vm0 =	veq.f32 v23, v26;
	v26 =	vperm.xlane v19, v20;
	v28 =	vmul.f32 $1.499998570e+01, v25;
	v29 =	vld [tilespmem:s30+$0xFFFFFFF0]  }
0x499: {  	v59 =	vor.u32 v17, v31;
	v31 =	vor.u32 v18, v31;
	[tilespmem:v56+s21+$0x0] =	vst.idx.add.f32.msk $0xffff, v3  }
0x49a: {  	v60 =	vadd.f32 $1.048576000e+06, v55;
	vm2 =	vge.f32 v30, v26;
	v28 =	vtrunc.f32 v28;
	[tilespmem:v58+s21+$0x0] =	vst.idx.add.f32.msk $0xffff, v47  }
0x49b: {  	v20 =	vshll.u32 v20, $0x9;
	v61 =	vsel vm2, $0x200, v1;
	v28 =	vcvt.f32.s32 v28;
	[tilespmem:v22+s21+$0x0] =	vst.idx.add.f32.msk $0xffff, v55  }
0x49c: {  	v22 =	vor.u32 v13, v27;
	v27 =	vadd.f32 $1.048576000e+06, v21;
	v34 =	vadd.s32 v20, v61;
	[tilespmem:v24+s21+$0x0] =	vst.idx.add.f32.msk vm1, v60  }
0x49d: {  	v24 =	vor.u32 v2, v34;
	v62 =	vperm.xlane v19, v28;
	v63 =	vmul.f32 $1.499998570e+01, v29;
	v40 =	vld [tilespmem:s30+$0x30]  }
0x49e: {  	v41 =	vld [tilespmem:s28+$0xFFFFFFF0];
	vm1 =	veq.f32 v30, v26;
	v26 =	vor.u32 $0xE0, v24;
	v42 =	vor.u32 $0xC0, v24  }
0x49f: {  	[tilespmem:v59+s21+$0x0] =	vst.idx.add.f32.msk $0xffff, v23;
	v23 =	vor.u32 $0xD0, v24;
	vm2 =	vge.f32 v25, v62;
	v24 =	vtrunc.f32 v63  }
0x4a0: {  	[tilespmem:v31+s21+$0x0] =	vst.idx.add.f32.msk $0xffff, v21;
	v21 =	vshll.u32 v28, $0x9;
	v28 =	vsel vm2, $0x200, v1;
	v24 =	vcvt.f32.s32 v24  }
0x4a1: {  	v20 =	vor.u32 v13, v20;
	[tilespmem:v22+s21+$0x0] =	vst.idx.add.f32.msk vm0, v27;
	v22 =	vadd.s32 v21, v28  }
0x4a2: {  	v27 =	vld [tilespmem:s28+$0x30];
	vm0 =	veq.f32 v25, v62;
	v31 =	vperm.xlane v19, v24;
	v43 =	vmul.f32 $1.499998570e+01, v40  }
0x4a3: {  	v44 =	vadd.f32 $1.048576000e+06, v41;
	v28 =	vor.u32 v16, v22;
	v45 =	vor.u32 v17, v22;
	[tilespmem:v42+s21+$0x0] =	vst.idx.add.f32.msk $0xffff, v3  }
0x4a4: {  	v22 =	vor.u32 v18, v22;
	[tilespmem:v23+s21+$0x0] =	vst.idx.add.f32.msk $0xffff, v30;
	vm2 =	vge.f32 v29, v31;
	v23 =	vtrunc.f32 v43  }
0x4a5: {  	v24 =	vshll.u32 v24, $0x9;
	[tilespmem:v26+s21+$0x0] =	vst.idx.add.f32.msk $0xffff, v41;
	v26 =	vsel vm2, $0x200, v1;
	v23 =	vcvt.f32.s32 v23  }
0x4a6: {  	[tilespmem:v20+s21+$0x0] =	vst.idx.add.f32.msk vm1, v44;
	v20 =	vor.u32 v13, v21;
	v21 =	vadd.s32 v24, v26  }
0x4a7: {  	v30 =	vld [tilespmem:s0+$0xFFFFFFF0];
	v21 =	vor.u32 v2, v21;
	v26 =	vperm.xlane v19, v23  }
0x4a8: {  	vm1 =	veq.f32 v29, v31;
	[tilespmem:v28+s21+$0x0] =	vst.idx.add.f32.msk $0xffff, v3;
	v28 =	vor.u32 $0xC0, v21  }
0x4a9: {  	[tilespmem:v45+s21+$0x0] =	vst.idx.add.f32.msk $0xffff, v25;
	v25 =	vadd.f32 $1.048576000e+06, v27;
	v31 =	vor.u32 $0xD0, v21;
	vm2 =	vge.f32 v40, v26  }
0x4aa: {  	[tilespmem:v22+s21+$0x0] =	vst.idx.add.f32.msk $0xffff, v27;
	v21 =	vor.u32 $0xE0, v21;
	v22 =	vshll.u32 v23, $0x9;
	v23 =	vsel vm2, $0x200, v1  }
0x4ab: {  	[tilespmem:v20+s21+$0x0] =	vst.idx.add.f32.msk vm0, v25;
	v20 =	vor.u32 v13, v24;
	v23 =	vadd.s32 v22, v23  }
0x4ac: {  	v24 =	vld [tilespmem:s0+$0x30];
	v25 =	vor.u32 v16, v23  }
0x4ad: {  	v27 =	vor.u32 v17, v23;
	[tilespmem:v28+s21+$0x0] =	vst.idx.add.f32.msk $0xffff, v3  }
0x4ae: {  	vm0 =	veq.f32 v40, v26;
	v23 =	vor.u32 v18, v23;
	v28 =	vadd.f32 $1.048576000e+06, v30;
	[tilespmem:v31+s21+$0x0] =	vst.idx.add.f32.msk $0xffff, v29  }
0x4af: {  	[tilespmem:v21+s21+$0x0] =	vst.idx.add.f32.msk $0xffff, v30;
	v21 =	vor.u32 v13, v22  }
0x4b0: {  	[tilespmem:v20+s21+$0x0] =	vst.idx.add.f32.msk vm1, v28  }
0x4b1: {  	p0 =	seq.s32 s26, $0x7;
	s28 =	sshll.u32 s26, $0xF;
	[tilespmem:v25+s21+$0x0] =	vst.idx.add.f32.msk $0xffff, v3  }
0x4b2: {  	s0 =	sadd.s32 @!p0 s28, s10;
	v20 =	vadd.f32 $1.048576000e+06, v24;
	[tilespmem:v27+s21+$0x0] =	vst.idx.add.f32.msk $0xffff, v40  }
0x4b3: {  	s0 =	sshrl.u32 @!p0 s0, $0x3;
	[tilespmem:v23+s21+$0x0] =	vst.idx.add.f32.msk $0xffff, v24  }
0x4b4: {  	s4 =	simm.s32 @!p0 $0x0;
	s3 =	sadd.s32 @!p0 s1, s0;
	[tilespmem:v21+s21+$0x0] =	vst.idx.add.f32.msk vm0, v20  }
0x4b5: {  	[tilespmem:s4], [sflag:$0x1] =	stream.linear.gather @!p0 [hbm4b:s3+s4], $0x4000, $0x38;
	[tilespmem:$0x12880] =	vst v63  }
0x4b6: {  	s0 =	sadd.s32 @!p0 s2, s0;
	s3 =	simm.s32 @!p0 $0x8000  }
0x4b7: {  	[tilespmem:s3], [sflag:$0x2] =	stream.linear.gather @!p0 [hbm4b:s0+s4], $0x4000, $0x38;
	[tilespmem:$0x12880] =	vst v63  }
0x4b8: {  	_ =	swait.ge [sflag:s22], $0x4000  }
0x4b9: {  	[sflag:s22] =	ssyncset.done $0x0  }
0x4ba: {  	[sflag:s22] =	ssyncadd.s32 $0xFFFFC000  }
0x4bb: {  	_ =	swait.ge [sflag:s23], $0x4000  }
0x4bc: {  	[sflag:s23] =	ssyncset.done $0x0  }
0x4bd: {  	s0 =	simm.s32 $0x4040;
	[sflag:s23] =	ssyncadd.s32 $0xFFFFC000  }
0x4be: {  	v20 =	vld [tilespmem:s0+$0x0];
	_ =	sdelay $0x2  }
0x4bf: {  	v22 =	vld [tilespmem:s0+$0xFFFFFFC0];
	_ =	sdelay $0x1  }
0x4c0: {  	v21 =	vmul.f32 $1.499998570e+01, v20;
	_ =	sdelay $0x1  }
0x4c1: {  	v21 =	vtrunc.f32 v21  }
0x4c2: {  	v24 =	vmul.f32 $1.499998570e+01, v22;
	v21 =	vcvt.f32.s32 v21;
	_ =	sdelay $0x1  }
0x4c3: {  	v24 =	vtrunc.f32 v24;
	v23 =	vperm.xlane v19, v21  }
0x4c4: {  	v24 =	vcvt.f32.s32 v24  }
0x4c5: {  	vm0 =	vge.f32 v20, v23  }
0x4c6: {  	v21 =	vshll.u32 v21, $0x9;
	v26 =	vperm.xlane v19, v24;
	v25 =	vsel vm0, $0x200, v1  }
0x4c7: {  	v24 =	vshll.u32 v24, $0x9;
	v25 =	vadd.s32 v21, v25  }
0x4c8: {  	vm1 =	vge.f32 v22, v26;
	vm0 =	veq.f32 v20, v23;
	v27 =	vor.u32 v2, v25  }
0x4c9: {  	s3 =	simm.s32 $0xC040;
	v28 =	vor.u32 v4, v25;
	v23 =	vor.u32 v5, v25;
	v25 =	vsel vm1, $0x200, v1  }
0x4ca: {  	v29 =	vld [tilespmem:s3+$0x0];
	v25 =	vadd.s32 v24, v25  }
0x4cb: {  	v31 =	vor.u32 v2, v25  }
0x4cc: {  	v30 =	vld [tilespmem:s3+$0xFFFFFFC0];
	v21 =	vor.u32 v6, v21  }
0x4cd: {  	[tilespmem:v27+s21+$0x0] =	vst.idx.add.f32.msk $0xffff, v3  }
0x4ce: {  	v27 =	vor.u32 v4, v25;
	[tilespmem:v28+s21+$0x0] =	vst.idx.add.f32.msk $0xffff, v20  }
0x4cf: {  	vm1 =	veq.f32 v22, v26;
	v25 =	vor.u32 v5, v25;
	v20 =	vadd.f32 $1.048576000e+06, v29;
	[tilespmem:v23+s21+$0x0] =	vst.idx.add.f32.msk $0xffff, v29  }
0x4d0: {  	v23 =	vor.u32 v6, v24;
	[tilespmem:v31+s21+$0x0] =	vst.idx.add.f32.msk $0xffff, v3  }
0x4d1: {  	[tilespmem:v21+s21+$0x0] =	vst.idx.add.f32.msk vm0, v20  }
0x4d2: {  	v20 =	vld [tilespmem:s0+$0x10]  }
0x4d3: {  	v21 =	vadd.f32 $1.048576000e+06, v30;
	[tilespmem:v27+s21+$0x0] =	vst.idx.add.f32.msk $0xffff, v22  }
0x4d4: {  	[tilespmem:v25+s21+$0x0] =	vst.idx.add.f32.msk $0xffff, v30  }
0x4d5: {  	[tilespmem:v23+s21+$0x0] =	vst.idx.add.f32.msk vm1, v21  }
0x4d6: {  	v21 =	vld [tilespmem:s0+$0xFFFFFFD0];
	_ =	sdelay $0x2  }
0x4d7: {  	v22 =	vmul.f32 $1.499998570e+01, v20;
	_ =	sdelay $0x1  }
0x4d8: {  	v22 =	vtrunc.f32 v22;
	v23 =	vmul.f32 $1.499998570e+01, v21  }
0x4d9: {  	v22 =	vcvt.f32.s32 v22  }
0x4da: {  	v23 =	vtrunc.f32 v23  }
0x4db: {  	v24 =	vperm.xlane v19, v22;
	v23 =	vcvt.f32.s32 v23  }
0x4dc: {  	s30 =	simm.s32 $0x40C0  }
0x4dd: {  	v25 =	vld [tilespmem:s30+$0x0];
	vm0 =	vge.f32 v20, v24;
	v26 =	vperm.xlane v19, v23  }
0x4de: {  	v22 =	vshll.u32 v22, $0x9;
	v27 =	vsel vm0, $0x200, v1  }
0x4df: {  	v27 =	vadd.s32 v22, v27;
	vm0 =	vge.f32 v21, v26  }
0x4e0: {  	v23 =	vshll.u32 v23, $0x9;
	v28 =	vor.u32 v7, v27;
	v29 =	vsel vm0, $0x200, v1  }
0x4e1: {  	v29 =	vadd.s32 v23, v29  }
0x4e2: {  	v30 =	vmul.f32 $1.499998570e+01, v25;
	v31 =	vor.u32 v7, v29  }
0x4e3: {  	v46 =	vld [tilespmem:s3+$0xFFFFFFD0];
	v47 =	vor.u32 v8, v29  }
0x4e4: {  	v48 =	vld [tilespmem:s3+$0x10];
	vm0 =	veq.f32 v21, v26;
	v26 =	vtrunc.f32 v30;
	v29 =	vor.u32 v9, v29  }
0x4e5: {  	v26 =	vcvt.f32.s32 v26;
	v23 =	vor.u32 v10, v23;
	[tilespmem:v28+s21+$0x0] =	vst.idx.add.f32.msk $0xffff, v3  }
0x4e6: {  	v28 =	vld [tilespmem:s30+$0xFFFFFFC0]  }
0x4e7: {  	v30 =	vor.u32 v8, v27;
	v49 =	vperm.xlane v19, v26;
	[tilespmem:v31+s21+$0x0] =	vst.idx.add.f32.msk $0xffff, v3  }
0x4e8: {  	vm1 =	veq.f32 v20, v24;
	[tilespmem:v47+s21+$0x0] =	vst.idx.add.f32.msk $0xffff, v21;
	v21 =	vadd.f32 $1.048576000e+06, v46  }
0x4e9: {  	v24 =	vor.u32 v9, v27;
	vm2 =	vge.f32 v25, v49;
	[tilespmem:v29+s21+$0x0] =	vst.idx.add.f32.msk $0xffff, v46  }
0x4ea: {  	v22 =	vor.u32 v10, v22;
	v26 =	vshll.u32 v26, $0x9;
	v27 =	vsel vm2, $0x200, v1;
	[tilespmem:v23+s21+$0x0] =	vst.idx.add.f32.msk vm0, v21  }
0x4eb: {  	v21 =	vmul.f32 $1.499998570e+01, v28;
	v23 =	vadd.s32 v26, v27;
	v27 =	vld [tilespmem:s0+$0xFFFFFFE0]  }
0x4ec: {  	s29 =	simm.s32 $0xC0C0;
	[tilespmem:v30+s21+$0x0] =	vst.idx.add.f32.msk $0xffff, v20;
	v20 =	vor.u32 v2, v23  }
0x4ed: {  	v31 =	vld [tilespmem:s29+$0x0];
	v29 =	vadd.f32 $1.048576000e+06, v48;
	v30 =	vor.u32 v4, v23;
	v21 =	vtrunc.f32 v21  }
0x4ee: {  	[tilespmem:v24+s21+$0x0] =	vst.idx.add.f32.msk $0xffff, v48;
	v21 =	vcvt.f32.s32 v21  }
0x4ef: {  	vm0 =	veq.f32 v25, v49;
	v23 =	vor.u32 v5, v23;
	[tilespmem:v22+s21+$0x0] =	vst.idx.add.f32.msk vm1, v29  }
0x4f0: {  	v22 =	vor.u32 v6, v26;
	v26 =	vld [tilespmem:s0+$0x20];
	v24 =	vperm.xlane v19, v21;
	v29 =	vmul.f32 $1.499998570e+01, v27  }
0x4f1: {  	[tilespmem:v20+s21+$0x0] =	vst.idx.add.f32.msk $0xffff, v3  }
0x4f2: {  	vm1 =	vge.f32 v28, v24;
	[tilespmem:v30+s21+$0x0] =	vst.idx.add.f32.msk $0xffff, v25;
	v25 =	vadd.f32 $1.048576000e+06, v31;
	v20 =	vtrunc.f32 v29  }
0x4f3: {  	v29 =	vshll.u32 v21, $0x9;
	v21 =	vsel vm1, $0x200, v1;
	v20 =	vcvt.f32.s32 v20  }
0x4f4: {  	[tilespmem:v23+s21+$0x0] =	vst.idx.add.f32.msk $0xffff, v31;
	v23 =	vadd.s32 v29, v21  }
0x4f5: {  	[tilespmem:v22+s21+$0x0] =	vst.idx.add.f32.msk vm0, v25;
	v22 =	vor.u32 v2, v23;
	v25 =	vperm.xlane v19, v20  }
0x4f6: {  	v30 =	vld [tilespmem:s30+$0x10]  }
0x4f7: {  	v56 =	vld [tilespmem:s3+$0xFFFFFFE0];
	v21 =	vmul.f32 $1.499998570e+01, v26;
	vm0 =	veq.f32 v28, v24;
	vm1 =	vge.f32 v27, v25  }
0x4f8: {  	v31 =	vld [tilespmem:s29+$0xFFFFFFC0];
	v51 =	vor.u32 v4, v23;
	v20 =	vshll.u32 v20, $0x9;
	v52 =	vsel vm1, $0x200, v1  }
0x4f9: {  	v24 =	vld [tilespmem:s3+$0x20];
	v23 =	vor.u32 v5, v23;
	v50 =	vtrunc.f32 v21;
	v34 =	vadd.s32 v20, v52  }
0x4fa: {  	v29 =	vor.u32 v6, v29;
	v32 =	vcvt.f32.s32 v50;
	[tilespmem:v22+s21+$0x0] =	vst.idx.add.f32.msk $0xffff, v3;
	v22 =	vor.u32 v2, v34  }
0x4fb: {  	s31 =	simm.s32 $0x4140;
	v54 =	vld [tilespmem:s29+$0x10];
	vm1 =	veq.f32 v27, v25;
	v53 =	vmul.f32 $1.499998570e+01, v30;
	v25 =	vand.u32 $0xFFFFFE00, v22  }
0x4fc: {  	v21 =	vld [tilespmem:s31+$0x0];
	v55 =	vperm.xlane v19, v32;
	v57 =	vor.u32 v11, v25  }
0x4fd: {  	[tilespmem:v51+s21+$0x0] =	vst.idx.add.f32.msk $0xffff, v28;
	v34 =	vtrunc.f32 v53;
	v58 =	vor.u32 $0x90, v22;
	v25 =	vadd.f32 $1.048576000e+06, v31  }
0x4fe: {  	vm2 =	vge.f32 v26, v55;
	[tilespmem:v23+s21+$0x0] =	vst.idx.add.f32.msk $0xffff, v31;
	v22 =	vor.u32 $0xA0, v22;
	v28 =	vcvt.f32.s32 v34  }
0x4ff: {  	v32 =	vshll.u32 v32, $0x9;
	v20 =	vor.u32 v12, v20;
	v23 =	vsel vm2, $0x200, v1;
	[tilespmem:v29+s21+$0x0] =	vst.idx.add.f32.msk vm0, v25  }
0x500: {  	v31 =	vadd.s32 v32, v23;
	v29 =	vperm.xlane v19, v28;
	v25 =	vld [tilespmem:s30+$0xFFFFFFD0]  }
0x501: {  	v59 =	vor.u32 v11, v31;
	[tilespmem:v57+s21+$0x0] =	vst.idx.add.f32.msk $0xffff, v3  }
0x502: {  	v61 =	vor.u32 v14, v31;
	vm0 =	vge.f32 v30, v29;
	[tilespmem:v58+s21+$0x0] =	vst.idx.add.f32.msk $0xffff, v27;
	v27 =	vadd.f32 $1.048576000e+06, v56  }
0x503: {  	v63 =	vor.u32 v15, v31;
	v28 =	vshll.u32 v28, $0x9;
	v23 =	vsel vm0, $0x200, v1;
	[tilespmem:v22+s21+$0x0] =	vst.idx.add.f32.msk $0xffff, v56  }
0x504: {  	v60 =	vadd.s32 v28, v23;
	[tilespmem:v20+s21+$0x0] =	vst.idx.add.f32.msk vm1, v27  }
0x505: {  	v62 =	vor.u32 v7, v60;
	v20 =	vmul.f32 $1.499998570e+01, v25;
	v23 =	vld [tilespmem:s0+$0xFFFFFFF0]  }
0x506: {  	[tilespmem:v59+s21+$0x0] =	vst.idx.add.f32.msk $0xffff, v3;
	v27 =	vor.u32 v8, v60  }
0x507: {  	vm2 =	veq.f32 v30, v29;
	v29 =	vor.u32 v9, v60;
	[tilespmem:v61+s21+$0x0] =	vst.idx.add.f32.msk $0xffff, v26;
	v20 =	vtrunc.f32 v20  }
0x508: {  	v28 =	vor.u32 v10, v28;
	[tilespmem:v63+s21+$0x0] =	vst.idx.add.f32.msk $0xffff, v24;
	v20 =	vcvt.f32.s32 v20  }
0x509: {  	v22 =	vld [tilespmem:s3+$0xFFFFFFF0]  }
0x50a: {  	vm1 =	veq.f32 v26, v55;
	[tilespmem:v62+s21+$0x0] =	vst.idx.add.f32.msk $0xffff, v3;
	v31 =	vperm.xlane v19, v20;
	v26 =	vmul.f32 $1.499998570e+01, v23  }
0x50b: {  	[tilespmem:v27+s21+$0x0] =	vst.idx.add.f32.msk $0xffff, v30;
	v27 =	vadd.f32 $1.048576000e+06, v54  }
0x50c: {  	v30 =	vor.u32 v12, v32;
	[tilespmem:v29+s21+$0x0] =	vst.idx.add.f32.msk $0xffff, v54;
	vm3 =	vge.f32 v25, v31;
	v26 =	vtrunc.f32 v26  }
0x50d: {  	[tilespmem:v28+s21+$0x0] =	vst.idx.add.f32.msk vm2, v27;
	v27 =	vshll.u32 v20, $0x9;
	v29 =	vsel vm3, $0x200, v1;
	v28 =	vcvt.f32.s32 v26  }
0x50e: {  	s4 =	simm.s32 $0x4;
	vm0 =	veq.f32 v25, v31;
	v31 =	vmul.f32 $1.499998570e+01, v21;
	v20 =	vld [tilespmem:s30+$0x20];
	v29 =	vadd.s32 v27, v29  }
.LBB2_5:
0x50f: {  	s4 =	sadd.s32 $0x2, s4;
	v26 =	vld [tilespmem:s31+$0xFFFFFFC0];
	v32 =	vor.u32 v7, v29;
	v33 =	vperm.xlane v19, v28  }
0x510: {  	v35 =	vor.u32 v8, v29;
	v24 =	vadd.f32 $1.048576000e+06, v24;
	p1 =	slt.u32 s4, $0xFE;
	v31 =	vtrunc.f32 v31;
	v34 =	vld [tilespmem:s29+$0xFFFFFFD0]  }
0x511: {  	v29 =	vor.u32 v9, v29;
	v31 =	vcvt.f32.s32 v31;
	vm2 =	vge.f32 v23, v33  }
0x512: {  	v27 =	vor.u32 v10, v27;
	v28 =	vshll.u32 v28, $0x9;
	v36 =	vsel vm2, $0x200, v1;
	[tilespmem:v30+s21+$0x0] =	vst.idx.add.f32.msk vm1, v24  }
0x513: {  	vm1 =	veq.f32 v23, v33;
	v24 =	vperm.xlane v19, v31;
	v30 =	vadd.s32 v28, v36;
	v33 =	vld [tilespmem:s0+$0x30];
	s0 =	smov.u32 s30;
	s30 =	smov.u32 s31  }
0x514: {  	v36 =	vmul.f32 $1.499998570e+01, v26;
	[tilespmem:v32+s21+$0x0] =	vst.idx.add.f32.msk $0xffff, v3;
	v30 =	vor.u32 v2, v30  }
0x515: {  	v31 =	vshll.u32 v31, $0x9;
	vm2 =	vge.f32 v21, v24;
	[tilespmem:v35+s21+$0x0] =	vst.idx.add.f32.msk $0xffff, v25;
	v25 =	vadd.f32 $1.048576000e+06, v34  }
0x516: {  	v32 =	vtrunc.f32 v36;
	v35 =	vsel vm2, $0x200, v1;
	[tilespmem:v29+s21+$0x0] =	vst.idx.add.f32.msk $0xffff, v34;
	v29 =	vadd.f32 $1.048576000e+06, v22  }
0x517: {  	v32 =	vcvt.f32.s32 v32;
	v34 =	vadd.s32 v31, v35;
	[tilespmem:v27+s21+$0x0] =	vst.idx.add.f32.msk vm0, v25;
	v25 =	vor.u32 v13, v28  }
0x518: {  	vm2 =	veq.f32 v21, v24;
	v28 =	vor.u32 $0xE0, v30;
	v27 =	vld [tilespmem:s0+$0xFFFFFFE0];
	v24 =	vmul.f32 $1.499998570e+01, v33  }
0x519: {  	v37 =	vor.u32 $0xC0, v30;
	v36 =	vor.u32 v2, v34;
	v35 =	vperm.xlane v19, v32;
	v38 =	vld [tilespmem:s3+$0x30];
	s3 =	smov.u32 s29;
	s29 =	sadd.s32 $0x80, s29  }
0x51a: {  	v30 =	vor.u32 $0xD0, v30;
	v40 =	vor.u32 v4, v34;
	v39 =	vld [tilespmem:s29+$0xFFFFFFC0];
	v24 =	vtrunc.f32 v24  }
0x51b: {  	v34 =	vor.u32 v5, v34;
	vm0 =	vge.f32 v26, v35;
	v41 =	vld [tilespmem:s29+$0x0];
	v42 =	vcvt.f32.s32 v24  }
0x51c: {  	v44 =	vmul.f32 $1.499998570e+01, v20;
	s31 =	sadd.s32 $0x80, s31;
	v32 =	vshll.u32 v32, $0x9;
	v43 =	vsel vm0, $0x200, v1;
	v24 =	vld [tilespmem:s3+$0x20]  }
0x51d: {  	vm0 =	veq.f32 v26, v35;
	v45 =	vld [tilespmem:s31+$0x0];
	v35 =	vadd.s32 v32, v43;
	v43 =	vperm.xlane v19, v42  }
0x51e: {  	v44 =	vtrunc.f32 v44;
	v47 =	vmul.f32 $1.499998570e+01, v27;
	v46 =	vor.u32 v2, v35;
	[tilespmem:v37+s21+$0x0] =	vst.idx.add.f32.msk $0xffff, v3  }
0x51f: {  	v37 =	vor.u32 v4, v35;
	[tilespmem:v30+s21+$0x0] =	vst.idx.add.f32.msk $0xffff, v23;
	v23 =	vshll.u32 v42, $0x9;
	vm3 =	vge.f32 v33, v43  }
0x520: {  	v31 =	vor.u32 v6, v31;
	v30 =	vor.u32 v5, v35;
	v35 =	vtrunc.f32 v47;
	[tilespmem:v28+s21+$0x0] =	vst.idx.add.f32.msk $0xffff, v22  }
0x521: {  	v22 =	vor.u32 v6, v32;
	v28 =	vcvt.f32.s32 v35;
	[tilespmem:v25+s21+$0x0] =	vst.idx.add.f32.msk vm1, v29;
	v25 =	vsel vm3, $0x200, v1  }
0x522: {  	v29 =	vcvt.f32.s32 v44;
	vm3 =	veq.f32 v33, v43;
	[tilespmem:v36+s21+$0x0] =	vst.idx.add.f32.msk $0xffff, v3;
	v25 =	vadd.s32 v23, v25  }
0x523: {  	v32 =	vadd.f32 $1.048576000e+06, v41;
	v35 =	vperm.xlane v19, v28;
	[tilespmem:v40+s21+$0x0] =	vst.idx.add.f32.msk $0xffff, v21;
	v36 =	vor.u32 v16, v25  }
0x524: {  	v21 =	vmov v45;
	[tilespmem:v34+s21+$0x0] =	vst.idx.add.f32.msk $0xffff, v41;
	v34 =	vor.u32 v17, v25;
	v25 =	vor.u32 v18, v25  }
0x525: {  	vm1 =	vge.f32 v27, v35;
	[tilespmem:v31+s21+$0x0] =	vst.idx.add.f32.msk vm2, v32;
	vm2 =	veq.f32 v27, v35  }
0x526: {  	v28 =	vshll.u32 v28, $0x9;
	v32 =	vsel vm1, $0x200, v1;
	v35 =	vperm.xlane v19, v29;
	v31 =	vld [tilespmem:s30+$0x10]  }
0x527: {  	v23 =	vor.u32 v13, v23;
	v32 =	vadd.s32 v28, v32;
	[tilespmem:v46+s21+$0x0] =	vst.idx.add.f32.msk $0xffff, v3  }
0x528: {  	v32 =	vor.u32 v2, v32;
	vm1 =	vge.f32 v20, v35;
	[tilespmem:v36+s21+$0x0] =	vst.idx.add.f32.msk $0xffff, v3  }
0x529: {  	v29 =	vshll.u32 v29, $0x9;
	v36 =	vand.u32 $0xFFFFFE00, v32;
	v40 =	vsel vm1, $0x200, v1;
	[tilespmem:v34+s21+$0x0] =	vst.idx.add.f32.msk $0xffff, v33  }
0x52a: {  	vm1 =	veq.f32 v20, v35;
	v33 =	vadd.s32 v29, v40;
	[tilespmem:v25+s21+$0x0] =	vst.idx.add.f32.msk $0xffff, v38;
	v25 =	vadd.f32 $1.048576000e+06, v38  }
0x52b: {  	v34 =	vld [tilespmem:s29+$0x10];
	v35 =	vmul.f32 $1.499998570e+01, v31  }
0x52c: {  	v38 =	vld [tilespmem:s3+$0xFFFFFFE0]  }
0x52d: {  	v36 =	vor.u32 v11, v36;
	v35 =	vtrunc.f32 v35;
	[tilespmem:v23+s21+$0x0] =	vst.idx.add.f32.msk vm3, v25  }
0x52e: {  	v23 =	vadd.f32 $1.048576000e+06, v39;
	[tilespmem:v37+s21+$0x0] =	vst.idx.add.f32.msk $0xffff, v26;
	v26 =	vcvt.f32.s32 v35;
	v35 =	vor.u32 $0x90, v32  }
0x52f: {  	[tilespmem:v30+s21+$0x0] =	vst.idx.add.f32.msk $0xffff, v39;
	v30 =	vor.u32 $0xA0, v32  }
0x530: {  	[tilespmem:v22+s21+$0x0] =	vst.idx.add.f32.msk vm0, v23;
	v22 =	vperm.xlane v19, v26;
	v23 =	vor.u32 v12, v28  }
0x531: {  	v28 =	vor.u32 v11, v33;
	v25 =	vld [tilespmem:s30+$0xFFFFFFD0]  }
0x532: {  	vm3 =	veq.f32 v31, v22;
	vm0 =	vge.f32 v31, v22;
	[tilespmem:v36+s21+$0x0] =	vst.idx.add.f32.msk $0xffff, v3  }
0x533: {  	v26 =	vshll.u32 v26, $0x9;
	v22 =	vsel vm0, $0x200, v1;
	[tilespmem:v35+s21+$0x0] =	vst.idx.add.f32.msk $0xffff, v27;
	v27 =	vadd.f32 $1.048576000e+06, v38  }
0x534: {  	v22 =	vadd.s32 v26, v22;
	[tilespmem:v30+s21+$0x0] =	vst.idx.add.f32.msk $0xffff, v38;
	v30 =	vor.u32 v14, v33  }
0x535: {  	v32 =	vor.u32 v7, v22;
	[tilespmem:v23+s21+$0x0] =	vst.idx.add.f32.msk vm2, v27  }
0x536: {  	v35 =	vor.u32 v8, v22;
	v27 =	vmul.f32 $1.499998570e+01, v25;
	v23 =	vld [tilespmem:s0+$0xFFFFFFF0]  }
0x537: {  	v36 =	vor.u32 v9, v22;
	v22 =	vld [tilespmem:s3+$0xFFFFFFF0]  }
0x538: {  	v26 =	vor.u32 v10, v26;
	v27 =	vtrunc.f32 v27;
	[tilespmem:v28+s21+$0x0] =	vst.idx.add.f32.msk $0xffff, v3  }
0x539: {  	v27 =	vcvt.f32.s32 v27;
	[tilespmem:v30+s21+$0x0] =	vst.idx.add.f32.msk $0xffff, v20  }
0x53a: {  	[tilespmem:v32+s21+$0x0] =	vst.idx.add.f32.msk $0xffff, v3;
	v32 =	vor.u32 v15, v33  }
.Ltmp3:
0x53b: {  	v28 =	vadd.f32 $1.048576000e+06, v34;
	v20 =	vperm.xlane v19, v27;
	[tilespmem:v35+s21+$0x0] =	vst.idx.add.f32.msk $0xffff, v31;
	v31 =	vmul.f32 $1.499998570e+01, v23;
	(pc) =	sbr.rel @p1 .LBB2_5-.Ltmp3, $4  }
0x53c: {  	v30 =	vor.u32 v12, v29;
	[tilespmem:v36+s21+$0x0] =	vst.idx.add.f32.msk $0xffff, v34  }
0x53d: {  	vm0 =	veq.f32 v25, v20;
	vm2 =	vge.f32 v25, v20;
	[tilespmem:v26+s21+$0x0] =	vst.idx.add.f32.msk vm3, v28;
	v26 =	vtrunc.f32 v31  }
0x53e: {  	v27 =	vshll.u32 v27, $0x9;
	v29 =	vsel vm2, $0x200, v1;
	v20 =	vld [tilespmem:s30+$0x20];
	v28 =	vcvt.f32.s32 v26  }
0x53f: {  	v31 =	vmul.f32 $1.499998570e+01, v21;
	v29 =	vadd.s32 v27, v29;
	[tilespmem:v32+s21+$0x0] =	vst.idx.add.f32.msk $0xffff, v24  }
0x540: {  	v26 =	vld [tilespmem:s31+$0xFFFFFFC0];
	_ =	sdelay $0x1  }
0x541: {  	v31 =	vtrunc.f32 v31  }
0x542: {  	v31 =	vcvt.f32.s32 v31;
	_ =	sdelay $0x1  }
0x543: {  	v37 =	vperm.xlane v19, v31;
	v32 =	vmul.f32 $1.499998570e+01, v26;
	_ =	sdelay $0x1  }
0x544: {  	vm15 =	vge.f32 v21, v37;
	v32 =	vtrunc.f32 v32  }
0x545: {  	v31 =	vshll.u32 v31, $0x9;
	v38 =	vsel vm15, $0x200, v1;
	v32 =	vcvt.f32.s32 v32  }
0x546: {  	v38 =	vadd.s32 v31, v38  }
0x547: {  	s4 =	sadd.s32 $0x80, s29;
	v44 =	vor.u32 v2, v38;
	v33 =	vperm.xlane v19, v32  }
0x548: {  	v41 =	vld [tilespmem:s4+$0x0];
	v45 =	vor.u32 v4, v38  }
0x549: {  	vm4 =	veq.f32 v21, v37;
	v46 =	vor.u32 v5, v38;
	vm2 =	vge.f32 v26, v33  }
0x54a: {  	v47 =	vld [tilespmem:s29+$0xFFFFFFD0];
	v31 =	vor.u32 v6, v31;
	v32 =	vshll.u32 v32, $0x9;
	v34 =	vsel vm2, $0x200, v1  }
0x54b: {  	v35 =	vld [tilespmem:s4+$0xFFFFFFC0];
	v34 =	vadd.s32 v32, v34  }
0x54c: {  	[tilespmem:v44+s21+$0x0] =	vst.idx.add.f32.msk $0xffff, v3;
	v63 =	vor.u32 v2, v34  }
0x54d: {  	v51 =	vadd.f32 $1.048576000e+06, v41;
	v36 =	vor.u32 v4, v34;
	[tilespmem:v45+s21+$0x0] =	vst.idx.add.f32.msk $0xffff, v21  }
0x54e: {  	vm14 =	veq.f32 v26, v33;
	v40 =	vor.u32 v5, v34;
	[tilespmem:v46+s21+$0x0] =	vst.idx.add.f32.msk $0xffff, v41  }
0x54f: {  	v32 =	vor.u32 v6, v32;
	[tilespmem:v31+s21+$0x0] =	vst.idx.add.f32.msk vm4, v51  }
0x550: {  	v31 =	vld [tilespmem:s31+$0x10]  }
0x551: {  	[tilespmem:v63+s21+$0x0] =	vst.idx.add.f32.msk $0xffff, v3  }
0x552: {  	v42 =	vor.u32 v7, v29;
	v43 =	vadd.f32 $1.048576000e+06, v35;
	[tilespmem:v36+s21+$0x0] =	vst.idx.add.f32.msk $0xffff, v26  }
0x553: {  	v48 =	vor.u32 v8, v29;
	[tilespmem:v40+s21+$0x0] =	vst.idx.add.f32.msk $0xffff, v35  }
0x554: {  	v50 =	vor.u32 v9, v29;
	[tilespmem:v32+s21+$0x0] =	vst.idx.add.f32.msk vm14, v43  }
0x555: {  	v49 =	vperm.xlane v19, v28;
	v27 =	vor.u32 v10, v27;
	v32 =	vld [tilespmem:s31+$0xFFFFFFD0]  }
0x556: {  	v59 =	vmul.f32 $1.499998570e+01, v31  }
0x557: {  	v53 =	vshll.u32 v28, $0x9;
	vm5 =	vge.f32 v23, v49;
	[tilespmem:v42+s21+$0x0] =	vst.idx.add.f32.msk $0xffff, v3  }
0x558: {  	v54 =	vsel vm5, $0x200, v1;
	v55 =	vadd.f32 $1.048576000e+06, v47;
	[tilespmem:v48+s21+$0x0] =	vst.idx.add.f32.msk $0xffff, v25;
	v33 =	vtrunc.f32 v59  }
0x559: {  	v28 =	vadd.s32 v53, v54;
	[tilespmem:v50+s21+$0x0] =	vst.idx.add.f32.msk $0xffff, v47;
	v62 =	vcvt.f32.s32 v33  }
0x55a: {  	v28 =	vor.u32 v2, v28;
	[tilespmem:v27+s21+$0x0] =	vst.idx.add.f32.msk vm0, v55;
	v52 =	vmul.f32 $1.499998570e+01, v32  }
0x55b: {  	v56 =	vor.u32 $0xC0, v28;
	v29 =	vld [tilespmem:s30+$0xFFFFFFE0];
	v41 =	vperm.xlane v19, v62  }
0x55c: {  	v24 =	vadd.f32 $1.048576000e+06, v24;
	v26 =	vtrunc.f32 v52  }
0x55d: {  	vm9 =	vge.f32 v31, v41;
	v26 =	vcvt.f32.s32 v26  }
0x55e: {  	[tilespmem:v30+s21+$0x0] =	vst.idx.add.f32.msk vm1, v24;
	v25 =	vshll.u32 v62, $0x9;
	v42 =	vsel vm9, $0x200, v1  }
0x55f: {  	v24 =	vld [tilespmem:s0+$0x30];
	v52 =	vadd.s32 v25, v42;
	v57 =	vperm.xlane v19, v26  }
0x560: {  	[tilespmem:v56+s21+$0x0] =	vst.idx.add.f32.msk $0xffff, v3;
	v45 =	vmul.f32 $1.499998570e+01, v29;
	vm12 =	veq.f32 v31, v41;
	v42 =	vor.u32 v7, v52  }
0x561: {  	v51 =	vld [tilespmem:s4+$0x10];
	v56 =	vor.u32 v8, v52;
	v26 =	vshll.u32 v26, $0x9;
	vm7 =	vge.f32 v32, v57  }
0x562: {  	vm8 =	veq.f32 v32, v57;
	v57 =	vor.u32 v9, v52;
	v61 =	vsel vm7, $0x200, v1  }
0x563: {  	v25 =	vor.u32 v10, v25;
	v35 =	vadd.s32 v26, v61  }
0x564: {  	v50 =	vtrunc.f32 v45;
	v46 =	vld [tilespmem:s4+$0xFFFFFFD0];
	v63 =	vor.u32 v7, v35  }
0x565: {  	vm6 =	veq.f32 v23, v49;
	v34 =	vcvt.f32.s32 v50;
	[tilespmem:v42+s21+$0x0] =	vst.idx.add.f32.msk $0xffff, v3;
	v39 =	vor.u32 v8, v35  }
0x566: {  	v58 =	vmul.f32 $1.499998570e+01, v24;
	v45 =	vadd.f32 $1.048576000e+06, v51;
	v47 =	vor.u32 v9, v35;
	[tilespmem:v56+s21+$0x0] =	vst.idx.add.f32.msk $0xffff, v31  }
0x567: {  	v54 =	vperm.xlane v19, v34;
	v49 =	vor.u32 v10, v26;
	[tilespmem:v57+s21+$0x0] =	vst.idx.add.f32.msk $0xffff, v51  }
0x568: {  	v60 =	vor.u32 $0xD0, v28;
	v30 =	vtrunc.f32 v58;
	[tilespmem:v25+s21+$0x0] =	vst.idx.add.f32.msk vm12, v45  }
0x569: {  	v30 =	vcvt.f32.s32 v30;
	v58 =	vshll.u32 v34, $0x9;
	vm11 =	vge.f32 v29, v54;
	[tilespmem:v63+s21+$0x0] =	vst.idx.add.f32.msk $0xffff, v3  }
0x56a: {  	v36 =	vor.u32 v13, v53;
	v59 =	vsel vm11, $0x200, v1;
	v53 =	vadd.f32 $1.048576000e+06, v46;
	[tilespmem:v39+s21+$0x0] =	vst.idx.add.f32.msk $0xffff, v32  }
0x56b: {  	v28 =	vor.u32 $0xE0, v28;
	v48 =	vmul.f32 $1.499998570e+01, v20;
	v33 =	vadd.s32 v58, v59;
	[tilespmem:v47+s21+$0x0] =	vst.idx.add.f32.msk $0xffff, v46  }
0x56c: {  	v33 =	vor.u32 v2, v33;
	v26 =	vperm.xlane v19, v30;
	[tilespmem:v49+s21+$0x0] =	vst.idx.add.f32.msk vm8, v53  }
0x56d: {  	v43 =	vand.u32 $0xFFFFFE00, v33;
	v35 =	vtrunc.f32 v48;
	v32 =	vld [tilespmem:s31+$0xFFFFFFE0]  }
0x56e: {  	vm10 =	vge.f32 v24, v26;
	v51 =	vor.u32 $0xA0, v33;
	v49 =	vor.u32 $0x90, v33;
	v33 =	vld [tilespmem:s31+$0x20]  }
0x56f: {  	[tilespmem:v60+s21+$0x0] =	vst.idx.add.f32.msk $0xffff, v23;
	v27 =	vshll.u32 v30, $0x9;
	v60 =	vcvt.f32.s32 v35;
	v55 =	vsel vm10, $0x200, v1  }
0x570: {  	[tilespmem:v28+s21+$0x0] =	vst.idx.add.f32.msk $0xffff, v22;
	v30 =	vadd.s32 v27, v55  }
0x571: {  	v21 =	vld [tilespmem:s3+$0x30];
	v28 =	vor.u32 v12, v58;
	v62 =	vor.u32 v16, v30;
	v63 =	vperm.xlane v19, v60  }
0x572: {  	v40 =	vld [tilespmem:s29+$0x20];
	vm13 =	veq.f32 v29, v54;
	v47 =	vor.u32 v11, v43;
	v48 =	vmul.f32 $1.499998570e+01, v32  }
0x573: {  	v61 =	vld [tilespmem:s29+$0xFFFFFFE0];
	v46 =	vadd.f32 $1.048576000e+06, v22;
	vm3 =	vge.f32 v20, v63;
	v57 =	vmul.f32 $1.499998570e+01, v33  }
0x574: {  	v50 =	vshll.u32 v60, $0x9;
	v45 =	vld [tilespmem:s4+$0x20];
	v52 =	vsel vm3, $0x200, v1;
	v23 =	vtrunc.f32 v48  }
0x575: {  	[tilespmem:v36+s21+$0x0] =	vst.idx.add.f32.msk vm6, v46;
	v22 =	vadd.s32 v50, v52;
	v31 =	vtrunc.f32 v57;
	v23 =	vcvt.f32.s32 v23  }
0x576: {  	v25 =	vor.u32 v12, v50;
	[tilespmem:v62+s21+$0x0] =	vst.idx.add.f32.msk $0xffff, v3;
	v53 =	vor.u32 v11, v22;
	v31 =	vcvt.f32.s32 v31  }
0x577: {  	vm15 =	veq.f32 v20, v63;
	[tilespmem:v47+s21+$0x0] =	vst.idx.add.f32.msk $0xffff, v3;
	v54 =	vperm.xlane v19, v23  }
0x578: {  	v55 =	vadd.f32 $1.048576000e+06, v61;
	v56 =	vor.u32 v14, v22;
	[tilespmem:v49+s21+$0x0] =	vst.idx.add.f32.msk $0xffff, v29;
	v60 =	vperm.xlane v19, v31  }
0x579: {  	v22 =	vor.u32 v15, v22;
	[tilespmem:v51+s21+$0x0] =	vst.idx.add.f32.msk $0xffff, v61;
	vm14 =	vge.f32 v32, v54  }
0x57a: {  	[tilespmem:v28+s21+$0x0] =	vst.idx.add.f32.msk vm13, v55;
	v23 =	vshll.u32 v23, $0x9;
	vm5 =	vge.f32 v33, v60;
	v58 =	vsel vm14, $0x200, v1  }
0x57b: {  	[tilespmem:v53+s21+$0x0] =	vst.idx.add.f32.msk $0xffff, v3;
	v42 =	vshll.u32 v31, $0x9;
	v43 =	vsel vm5, $0x200, v1;
	v28 =	vadd.s32 v23, v58  }
0x57c: {  	v29 =	vld [tilespmem:s30+$0xFFFFFFF0];
	v31 =	vadd.s32 v42, v43;
	v28 =	vor.u32 v2, v28  }
0x57d: {  	[tilespmem:v56+s21+$0x0] =	vst.idx.add.f32.msk $0xffff, v20;
	v46 =	vor.u32 v11, v31;
	v20 =	vand.u32 $0xFFFFFE00, v28  }
0x57e: {  	v59 =	vadd.f32 $1.048576000e+06, v40;
	v61 =	vld [tilespmem:s4+$0xFFFFFFE0];
	v20 =	vor.u32 v11, v20  }
0x57f: {  	[tilespmem:v22+s21+$0x0] =	vst.idx.add.f32.msk $0xffff, v40;
	v62 =	vor.u32 $0x90, v28  }
0x580: {  	[tilespmem:v25+s21+$0x0] =	vst.idx.add.f32.msk vm15, v59;
	vm4 =	veq.f32 v32, v54;
	v63 =	vor.u32 $0xA0, v28  }
0x581: {  	v25 =	vld [tilespmem:s30+$0x30];
	v23 =	vor.u32 v12, v23  }
0x582: {  	v44 =	vmul.f32 $1.499998570e+01, v29;
	[tilespmem:v46+s21+$0x0] =	vst.idx.add.f32.msk $0xffff, v3  }
0x583: {  	v47 =	vadd.f32 $1.048576000e+06, v61;
	v48 =	vor.u32 v14, v31;
	[tilespmem:v20+s21+$0x0] =	vst.idx.add.f32.msk $0xffff, v3  }
0x584: {  	vm6 =	veq.f32 v33, v60;
	v49 =	vor.u32 v15, v31;
	v20 =	vtrunc.f32 v44;
	[tilespmem:v62+s21+$0x0] =	vst.idx.add.f32.msk $0xffff, v32  }
0x585: {  	v50 =	vor.u32 v12, v42;
	v20 =	vcvt.f32.s32 v20;
	[tilespmem:v63+s21+$0x0] =	vst.idx.add.f32.msk $0xffff, v61  }
0x586: {  	[tilespmem:v23+s21+$0x0] =	vst.idx.add.f32.msk vm4, v47  }
0x587: {  	v52 =	vmul.f32 $1.499998570e+01, v25;
	v51 =	vperm.xlane v19, v20;
	v31 =	vld [tilespmem:s31+$0xFFFFFFF0]  }
0x588: {  	vm7 =	veq.f32 v24, v26;
	v53 =	vor.u32 v17, v30;
	v54 =	vadd.f32 $1.048576000e+06, v45;
	[tilespmem:v48+s21+$0x0] =	vst.idx.add.f32.msk $0xffff, v33  }
0x589: {  	v30 =	vor.u32 v18, v30;
	v28 =	vtrunc.f32 v52;
	[tilespmem:v49+s21+$0x0] =	vst.idx.add.f32.msk $0xffff, v45;
	vm8 =	vge.f32 v29, v51  }
0x58a: {  	v28 =	vcvt.f32.s32 v28;
	[tilespmem:v50+s21+$0x0] =	vst.idx.add.f32.msk vm6, v54;
	v20 =	vshll.u32 v20, $0x9;
	v55 =	vsel vm8, $0x200, v1  }
0x58b: {  	v56 =	vor.u32 v13, v27;
	v35 =	vld [tilespmem:s31+$0x30];
	v34 =	vadd.s32 v20, v55  }
0x58c: {  	v59 =	vperm.xlane v19, v28;
	v58 =	vor.u32 v2, v34;
	v60 =	vmul.f32 $1.499998570e+01, v31  }
0x58d: {  	v57 =	vadd.f32 $1.048576000e+06, v21;
	[tilespmem:v53+s21+$0x0] =	vst.idx.add.f32.msk $0xffff, v24;
	v41 =	vshll.u32 v28, $0x9;
	v63 =	vor.u32 $0xC0, v58  }
0x58e: {  	[tilespmem:v30+s21+$0x0] =	vst.idx.add.f32.msk $0xffff, v21;
	vm10 =	vge.f32 v25, v59;
	v23 =	vor.u32 $0xD0, v58;
	v40 =	vtrunc.f32 v60  }
0x58f: {  	vm11 =	veq.f32 v25, v59;
	v42 =	vsel vm10, $0x200, v1;
	v61 =	vld [tilespmem:s29+$0xFFFFFFF0];
	v24 =	vcvt.f32.s32 v40  }
0x590: {  	[tilespmem:v56+s21+$0x0] =	vst.idx.add.f32.msk vm7, v57;
	vm9 =	veq.f32 v29, v51;
	v46 =	vmul.f32 $1.499998570e+01, v35;
	v62 =	vor.u32 $0xE0, v58  }
0x591: {  	v44 =	vld [tilespmem:s29+$0x30];
	v43 =	vadd.s32 v41, v42;
	v20 =	vor.u32 v13, v20;
	v45 =	vperm.xlane v19, v24  }
0x592: {  	v28 =	vor.u32 v16, v43;
	v48 =	vor.u32 v17, v43;
	v49 =	vtrunc.f32 v46;
	[tilespmem:v63+s21+$0x0] =	vst.idx.add.f32.msk $0xffff, v3  }
0x593: {  	v22 =	vor.u32 v18, v43;
	[tilespmem:v23+s21+$0x0] =	vst.idx.add.f32.msk $0xffff, v29;
	v23 =	vcvt.f32.s32 v49;
	vm12 =	vge.f32 v31, v45  }
0x594: {  	v59 =	vld [tilespmem:s4+$0x30];
	v47 =	vadd.f32 $1.048576000e+06, v61;
	v24 =	vshll.u32 v24, $0x9;
	v50 =	vsel vm12, $0x200, v1  }
0x595: {  	[tilespmem:v62+s21+$0x0] =	vst.idx.add.f32.msk $0xffff, v61;
	v52 =	vperm.xlane v19, v23;
	v51 =	vadd.s32 v24, v50  }
0x596: {  	[tilespmem:v20+s21+$0x0] =	vst.idx.add.f32.msk vm9, v47;
	v20 =	vor.u32 v13, v41;
	v21 =	vor.u32 v2, v51  }
0x597: {  	v55 =	vld [tilespmem:s4+$0xFFFFFFF0];
	vm14 =	vge.f32 v35, v52;
	v54 =	vor.u32 $0xC0, v21  }
0x598: {  	[tilespmem:v28+s21+$0x0] =	vst.idx.add.f32.msk $0xffff, v3;
	v57 =	vshll.u32 v23, $0x9;
	v56 =	vor.u32 $0xD0, v21;
	v58 =	vsel vm14, $0x200, v1  }
0x599: {  	v53 =	vadd.f32 $1.048576000e+06, v44;
	[tilespmem:v48+s21+$0x0] =	vst.idx.add.f32.msk $0xffff, v25;
	v21 =	vor.u32 $0xE0, v21;
	v23 =	vadd.s32 v57, v58  }
0x59a: {  	[tilespmem:v22+s21+$0x0] =	vst.idx.add.f32.msk $0xffff, v44;
	vm13 =	veq.f32 v31, v45;
	v60 =	vor.u32 v16, v23  }
0x59b: {  	[tilespmem:v20+s21+$0x0] =	vst.idx.add.f32.msk vm11, v53;
	v20 =	vor.u32 v13, v24  }
0x59c: {  	v61 =	vor.u32 v17, v23;
	[tilespmem:v54+s21+$0x0] =	vst.idx.add.f32.msk $0xffff, v3  }
0x59d: {  	vm15 =	veq.f32 v35, v52;
	v23 =	vor.u32 v18, v23;
	[tilespmem:v56+s21+$0x0] =	vst.idx.add.f32.msk $0xffff, v31  }
0x59e: {  	v62 =	vadd.f32 $1.048576000e+06, v55;
	v63 =	vor.u32 v13, v57;
	[tilespmem:v21+s21+$0x0] =	vst.idx.add.f32.msk $0xffff, v55  }
.Ltmp4:
0x59f: {  	[tilespmem:v60+s21+$0x0] =	vst.idx.add.f32.msk $0xffff, v3;
	(pc) =	sbr.rel @p0 .LBB2_8-.Ltmp4, $4  }
0x5a0: {  	[tilespmem:v20+s21+$0x0] =	vst.idx.add.f32.msk vm13, v62  }
0x5a1: {  	[tilespmem:v61+s21+$0x0] =	vst.idx.add.f32.msk $0xffff, v35;
	v20 =	vadd.f32 $1.048576000e+06, v59  }
0x5a2: {  	[tilespmem:v23+s21+$0x0] =	vst.idx.add.f32.msk $0xffff, v59  }
0x5a3: {  	[tilespmem:v63+s21+$0x0] =	vst.idx.add.f32.msk vm15, v20  }
0x5a4: {  	s0 =	sadd.s32 s28, s11  }
.Ltmp5:
0x5a5: {  	s0 =	sshrl.u32 s0, $0x3;
	(pc) =	sbr.rel .LBB2_2-.Ltmp5, $4  }
0x5a6: {  	s3 =	sadd.s32 s1, s0  }
0x5a7: {  	[tilespmem:s17], [sflag:$0x3] =	stream.linear.gather [hbm4b:s3+s5], $0x4000, $0x38;
	[tilespmem:$0x12880] =	vst v63  }
0x5a8: {  	s26 =	sadd.s32 $0x1, s26;
	s0 =	sadd.s32 s2, s0  }
0x5a9: {  	[tilespmem:s18], [sflag:$0x4] =	stream.linear.gather [hbm4b:s0+s5], $0x4000, $0x38;
	[tilespmem:$0x12880] =	vst v63  }
.LBB2_9:
0x5aa: {  	_ =	sfence.sel $0x180000  }
0x5ab: {  	[bflag:$0x0] =	sbarrier.arrive $0xFFFF  }
0x5ac: {  	_ =	strace $0x90000047  }
0x5ad: {  	s0 =	stileid.u32;
	[bflag:$0x2] =	sbarrier.arrive $0xFFFF  }
0x5ae: {  	p0 =	sne.s32 s0, $0x0;
	s0 =	rddreg [dreg:$0x4]  }
0x5af: {  	s0 =	sadd.s32 @!p0 $0x100000, s0  }
0x5b0: {  	[sflag:s0] =	ssyncadd.tile.s32 @!p0 $0x1;
	_ =	shalt  }
.Lfunc_end2:
_tile_overlayer_lowered:
.L_overlay_start_2:
0x5b1: {  	(tag) =	ssettag $0x2  }
0x5b2: {  	s0 =	rddreg [dreg:$0x0];
	s2 =	stileid.u32  }
0x5b3: {  	s1 =	rddreg [dreg:$0x1];
	p0 =	sne.s32 s2, $0x0  }
0x5b4: {  	s3 =	rddreg [dreg:$0x2];
	[bflag:$0x3] =	sbarrier.arrive $0xFFFF;
	s2 =	simm.s32 @!p0 $0x1C05  }
0x5b5: {  	[timem:s3], [sflag:s2] =	dma.local @!p0 [hbm:s0], s1  }
0x5b6: {  	s0 =	simm.s32 @!p0 $0x5  }
0x5b7: {  	_ =	swait.ge @!p0 [sflag:s0], s1  }
0x5b8: {  	s1 =	ssub.s32 @!p0 $0x0, s1;
	[sflag:s0] =	ssyncset.done @!p0 $0x0  }
0x5b9: {  	[sflag:s0] =	ssyncadd.s32 @!p0 s1  }
0x5ba: {  	[bflag:$0x3] =	sbarrier.arrive $0xFFFF  }
0x5bb: {  	_ =	shalt  }

</sc_bundles>
